<compile_context>
chip_gen: v7x
topology: tpu7x:2x2x1
jax: 0.10.2.dev20260603
libtpu: 0.0.44.dev20260713+nightly
codegen_flags: <defaults>
</compile_context>

<pallas_src>
import jax
import jax.numpy as jnp
from jax import lax
from jax.experimental import pallas as pl
from jax.experimental.pallas import tpu as pltpu
from jax.experimental.pallas import tpu_sc as plsc

N = 10000
D = 128
DP = D // 2
E = 320000
REG_PARAM = 0.01

NC, NS = 2, 16
NW = NC * NS
EPW = E // NW
CH = 80
NCHUNK = EPW // CH
NPAIR = (NCHUNK - 1) // 2


def _sc_scores_body(uwc_hbm, uwb_hbm, i_hbm, srcc_hbm, dstc_hbm,
                    srcb_hbm, dstb_hbm, outc_hbm, outb_hbm,
                    idxs, idxd, urowsA, irowsA, urowsB, irowsB,
                    urowsC, irowsC, urowsD, irowsD, urowsE, irowsE,
                    scores, semA, semB, semC, semD, semE):
    wid = lax.axis_index("s") * NC + lax.axis_index("c")
    base = wid * EPW
    lane = lax.iota(jnp.int32, 16)
    zbf = jnp.zeros(32, jnp.bfloat16)

    def run_etype(uw_hbm, src_hbm, dst_hbm, out_hbm):
        pltpu.sync_copy(src_hbm.at[pl.ds(base, EPW)], idxs)
        pltpu.sync_copy(dst_hbm.at[pl.ds(base, EPW)], idxd)

        def start(c, ubuf, ibuf, sem):
            pltpu.async_copy(uw_hbm.at[idxs.at[pl.ds(c * CH, CH)]], ubuf, sem)
            pltpu.async_copy(i_hbm.at[idxd.at[pl.ds(c * CH, CH)]], ibuf, sem)

        def drain(ubuf, ibuf, sem):
            pltpu.make_async_copy(uw_hbm.at[idxs.at[pl.ds(0, CH)]], ubuf, sem).wait()
            pltpu.make_async_copy(i_hbm.at[idxd.at[pl.ds(0, CH)]], ibuf, sem).wait()

        def compute(c, ubuf, ibuf):
            def group_body(g, gcarry):
                row = g * 16 + lane

                def d_body(d, carry):
                    acc, col = carry
                    up = plsc.load_gather(ubuf, [row, col])
                    ip = plsc.load_gather(ibuf, [row, col])
                    acc = acc + (plsc.bitcast(up, jnp.bfloat16)
                                 * plsc.bitcast(ip, jnp.bfloat16))
                    return (acc, (col + 1) & (DP - 1))

                acc, _ = lax.fori_loop(0, DP, d_body, (zbf, lane), unroll=8)
                hi, lo = plsc.unpack(acc, format=plsc.PackFormat.INTERLEAVED)
                scores[pl.ds(c * CH + g * 16, 16)] = hi + lo
                return gcarry

            lax.fori_loop(0, CH // 16, group_body, 0)

        bufs = [(urowsA, irowsA, semA), (urowsB, irowsB, semB),
                (urowsC, irowsC, semC), (urowsD, irowsD, semD),
                (urowsE, irowsE, semE)]
        for k in range(4):
            start(k, *bufs[k])

        def pent_body(t, carry):
            c = 5 * t
            for k in range(5):
                u, i, s = bufs[(k + 4) % 5]
                start(c + k + 4, u, i, s)
                u, i, s = bufs[k]
                drain(u, i, s)
                compute(c + k, u, i)
            return carry

        lax.fori_loop(0, 24, pent_body, 0)
        start(124, *bufs[4])
        for k in range(5):
            u, i, s = bufs[k]
            drain(u, i, s)
            compute(120 + k, u, i)
        pltpu.sync_copy(scores, out_hbm.at[pl.ds(base, EPW)])

    run_etype(uwc_hbm, srcc_hbm, dstc_hbm, outc_hbm)
    run_etype(uwb_hbm, srcb_hbm, dstb_hbm, outb_hbm)


_sc_scores = pl.kernel(
    _sc_scores_body,
    out_type=(jax.ShapeDtypeStruct((E,), jnp.float32),
              jax.ShapeDtypeStruct((E,), jnp.float32)),
    mesh=plsc.VectorSubcoreMesh(core_axis_name="c", subcore_axis_name="s",
                                num_cores=NC, num_subcores=NS),
    scratch_types=[
        pltpu.VMEM((EPW,), jnp.int32),
        pltpu.VMEM((EPW,), jnp.int32),
        pltpu.VMEM((CH, DP), jnp.int32),
        pltpu.VMEM((CH, DP), jnp.int32),
        pltpu.VMEM((CH, DP), jnp.int32),
        pltpu.VMEM((CH, DP), jnp.int32),
        pltpu.VMEM((CH, DP), jnp.int32),
        pltpu.VMEM((CH, DP), jnp.int32),
        pltpu.VMEM((CH, DP), jnp.int32),
        pltpu.VMEM((CH, DP), jnp.int32),
        pltpu.VMEM((CH, DP), jnp.int32),
        pltpu.VMEM((CH, DP), jnp.int32),
        pltpu.VMEM((EPW,), jnp.float32),
        pltpu.SemaphoreType.DMA,
        pltpu.SemaphoreType.DMA,
        pltpu.SemaphoreType.DMA,
        pltpu.SemaphoreType.DMA,
        pltpu.SemaphoreType.DMA,
    ],
    compiler_params=pltpu.CompilerParams(needs_layout_passes=False,
                                         use_tc_tiling_on_sc=False),
)


def _tc_prescale_body(u_ref, i_ref, wc_ref, wb_ref, uwc_ref, uwb_ref, ib_ref):
    u = u_ref[...]
    uwc_ref[...] = (u * wc_ref[...]).astype(jnp.bfloat16)
    uwb_ref[...] = (u * wb_ref[...]).astype(jnp.bfloat16)
    ib_ref[...] = i_ref[...].astype(jnp.bfloat16)


_tc_prescale = pl.pallas_call(
    _tc_prescale_body,
    out_shape=(jax.ShapeDtypeStruct((N, D), jnp.bfloat16),
               jax.ShapeDtypeStruct((N, D), jnp.bfloat16),
               jax.ShapeDtypeStruct((N, D), jnp.bfloat16)),
)


def _tc_loss_body(sc_ref, sb_ref, lc_ref, lb_ref, u_ref, i_ref, wc_ref, wb_ref,
                  out_ref):
    def bce_sum(s, y):
        return jnp.sum(jnp.maximum(s, 0.0) - s * y
                       + jnp.log1p(jnp.exp(-jnp.abs(s))))

    predict = (bce_sum(sc_ref[...], lc_ref[...])
               + bce_sum(sb_ref[...], lb_ref[...])) / E
    reg = (jnp.mean(u_ref[...] ** 2) + jnp.mean(i_ref[...] ** 2)
           + jnp.mean(wc_ref[...] ** 2) + jnp.mean(wb_ref[...] ** 2))
    out_ref[...] = jnp.full((1, 1), predict + REG_PARAM * reg, jnp.float32)


_tc_loss = pl.pallas_call(
    _tc_loss_body,
    out_shape=jax.ShapeDtypeStruct((1, 1), jnp.float32),
)


def _pack(x_bf16):
    return jax.lax.bitcast_convert_type(x_bf16.reshape(N, DP, 2), jnp.int32)


def kernel(embed_user, embed_item, edges_click, edges_buy, labels_click,
           labels_buy, w_click, w_buy):
    srcc = edges_click[:, 0]
    dstc = edges_click[:, 1]
    srcb = edges_buy[:, 0]
    dstb = edges_buy[:, 1]
    uwc, uwb, ib = _tc_prescale(embed_user, embed_item,
                                w_click.reshape(1, D), w_buy.reshape(1, D))
    scores_c, scores_b = _sc_scores(_pack(uwc), _pack(uwb), _pack(ib),
                                    srcc, dstc, srcb, dstb)
    out = _tc_loss(scores_c.reshape(E // D, D), scores_b.reshape(E // D, D),
                   labels_click.reshape(E // D, D), labels_buy.reshape(E // D, D),
                   embed_user, embed_item,
                   w_click.reshape(1, D), w_buy.reshape(1, D))
    return out[0, 0]

# --- scband reference (transcript-rebuilt; emitter-appended) ---
"""Pipeline reference for scband-link-predictor-23545010716784 (READ-ONLY COPY).

The authoritative reference and input builder live on the scoring server;
editing this copy changes nothing except your own understanding.
"""

import jax, jax.numpy as jnp
import numpy as np

N = 10000
D = 128
E = 320000
REG_PARAM = 0.01


def setup_inputs(seed: int = 0) -> dict:
    key = jax.random.key(seed)
    ks = jax.random.split(key, 8)
    embed_user = jax.random.normal(ks[0], (N, D), dtype=jnp.float32)
    embed_item = jax.random.normal(ks[1], (N, D), dtype=jnp.float32)
    edges_click = jax.random.randint(ks[2], (E, 2), 0, N, dtype=jnp.int64 if jax.config.jax_enable_x64 else jnp.int32).astype(jnp.int32)
    edges_buy = jax.random.randint(ks[3], (E, 2), 0, N).astype(jnp.int32)
    labels_click = jax.random.uniform(ks[4], (E,), dtype=jnp.float32)
    labels_buy = jax.random.uniform(ks[5], (E,), dtype=jnp.float32)
    # xavier_uniform on (D, 1) with gain=calculate_gain('relu')=sqrt(2)
    gain = float(np.sqrt(2.0))
    bound = gain * float(np.sqrt(6.0 / (D + 1)))
    w_click = jax.random.uniform(ks[6], (D,), minval=-bound, maxval=bound, dtype=jnp.float32)
    w_buy = jax.random.uniform(ks[7], (D,), minval=-bound, maxval=bound, dtype=jnp.float32)
    return {
        'embed_user': embed_user,
        'embed_item': embed_item,
        'edges_click': edges_click,
        'edges_buy': edges_buy,
        'labels_click': labels_click,
        'labels_buy': labels_buy,
        'w_click': w_click,
        'w_buy': w_buy,
    }


def _bce_with_logits(s, y):
    # numerically stable mean-reduced BCE with logits (matches F.binary_cross_entropy_with_logits)
    return jnp.mean(jnp.maximum(s, 0.0) - s * y + jnp.log1p(jnp.exp(-jnp.abs(s))))


def _calc_score(emb_src, emb_dst, edges, w):
    s = jnp.take(emb_src, edges[:, 0], axis=0)
    o = jnp.take(emb_dst, edges[:, 1], axis=0)
    return jnp.sum(s * w * o, axis=1)


def reference(embed_user, embed_item, edges_click, edges_buy, labels_click, labels_buy, w_click, w_buy):
    # heterograph schema: etype 'click' = (user -> item), etype 'buy' = (user -> item)
    score_click = _calc_score(embed_user, embed_item, edges_click, w_click)
    score_buy = _calc_score(embed_user, embed_item, edges_buy, w_buy)
    predict_loss = _bce_with_logits(score_click, labels_click) + _bce_with_logits(score_buy, labels_buy)
    reg_loss = (jnp.mean(embed_user ** 2) + jnp.mean(embed_item ** 2)
                + jnp.mean(w_click ** 2) + jnp.mean(w_buy ** 2))
    return predict_loss + REG_PARAM * reg_loss

if __name__ == "__main__":
    import jax
    _d = setup_inputs()
    print(jax.jit(kernel)(*tuple(_d.values())))

</pallas_src>

<mosaic_0001>
#map = affine_map<(d0, d1) -> (0, 0)>
#map1 = affine_map<(d0, d1) -> (0)>
module attributes {stable_mosaic.version = 14 : i64} {
  func.func @_sc_scores_body(%arg0: i32, %arg1: i32, %arg2: memref<10000x64xi32, #tpu.memory_space<hbm>>, %arg3: memref<10000x64xi32, #tpu.memory_space<hbm>>, %arg4: memref<10000x64xi32, #tpu.memory_space<hbm>>, %arg5: memref<320000xi32, #tpu.memory_space<hbm>>, %arg6: memref<320000xi32, #tpu.memory_space<hbm>>, %arg7: memref<320000xi32, #tpu.memory_space<hbm>>, %arg8: memref<320000xi32, #tpu.memory_space<hbm>>, %arg9: memref<320000xf32, #tpu.memory_space<hbm>>, %arg10: memref<320000xf32, #tpu.memory_space<hbm>>, %arg11: memref<10000xi32, #tpu.memory_space<vmem>>, %arg12: memref<10000xi32, #tpu.memory_space<vmem>>, %arg13: memref<80x64xi32, #tpu.memory_space<vmem>>, %arg14: memref<80x64xi32, #tpu.memory_space<vmem>>, %arg15: memref<80x64xi32, #tpu.memory_space<vmem>>, %arg16: memref<80x64xi32, #tpu.memory_space<vmem>>, %arg17: memref<80x64xi32, #tpu.memory_space<vmem>>, %arg18: memref<80x64xi32, #tpu.memory_space<vmem>>, %arg19: memref<80x64xi32, #tpu.memory_space<vmem>>, %arg20: memref<80x64xi32, #tpu.memory_space<vmem>>, %arg21: memref<80x64xi32, #tpu.memory_space<vmem>>, %arg22: memref<80x64xi32, #tpu.memory_space<vmem>>, %arg23: memref<10000xf32, #tpu.memory_space<vmem>>, %arg24: memref<!tpu.dma_semaphore, #tpu.memory_space<semaphore_mem>>, %arg25: memref<!tpu.dma_semaphore, #tpu.memory_space<semaphore_mem>>, %arg26: memref<!tpu.dma_semaphore, #tpu.memory_space<semaphore_mem>>, %arg27: memref<!tpu.dma_semaphore, #tpu.memory_space<semaphore_mem>>, %arg28: memref<!tpu.dma_semaphore, #tpu.memory_space<semaphore_mem>>) attributes {dimension_semantics = [#tpu.dimension_semantics<core_parallel>, #tpu.dimension_semantics<subcore_parallel>], iteration_bounds = array<i64: 2, 16>, scalar_prefetch = 0 : i64, scratch_operands = 18 : i64, tpu.core_type = #tpu.core_type<sc_vector_subcore>, window_params = [{transform_indices = #map}, {transform_indices = #map}, {transform_indices = #map}, {transform_indices = #map1}, {transform_indices = #map1}, {transform_indices = #map1}, {transform_indices = #map1}, {transform_indices = #map1}, {transform_indices = #map1}]} {
    %mul3A = arith.constant 2 : i32
    %mul3A_0 = arith.muli %arg1, %mul3A : i32
    %add3A = arith.addi %mul3A_0, %arg0 : i32
    %mul3A_1 = arith.constant 10000 : i32
    %mul3A_2 = arith.muli %add3A, %mul3A_1 : i32
    %iota3A = tpu.iota {dimensions = array<i32: 0>} : vector<16xi32>
    %broadcast_in_dim3A = arith.constant 0.000000e+00 : bf16
    %broadcast_in_dim3A_3 = vector.broadcast %broadcast_in_dim3A : bf16 to vector<32xbf16>
    "tpu.region"() ({
      %run_scoped3A = tpu.sem_alloc : memref<!tpu.dma_semaphore, #tpu.memory_space<semaphore_mem>>
      %dma_start3A_273 = tpu.memref_slice %arg5[%mul3A_2] : memref<320000xi32, #tpu.memory_space<hbm>> -> memref<10000xi32, #tpu.memory_space<hbm>>
      %dma_start3A_274 = tpu.memref_slice %arg5[%mul3A_2] : memref<320000xi32, #tpu.memory_space<hbm>> -> memref<10000xi32, #tpu.memory_space<hbm>>
      tpu.enqueue_dma source(%dma_start3A_274 : memref<10000xi32, #tpu.memory_space<hbm>>) target(%arg11 : memref<10000xi32, #tpu.memory_space<vmem>>) target_semaphore(%run_scoped3A : memref<!tpu.dma_semaphore, #tpu.memory_space<semaphore_mem>>)
      %dma_wait3A_275 = tpu.memref_slice %arg5[%mul3A_2] : memref<320000xi32, #tpu.memory_space<hbm>> -> memref<10000xi32, #tpu.memory_space<hbm>>
      %dma_wait3A_276 = tpu.memref_slice %arg5[%mul3A_2] : memref<320000xi32, #tpu.memory_space<hbm>> -> memref<10000xi32, #tpu.memory_space<hbm>>
      tpu.wait_dma2 semaphore(%run_scoped3A : memref<!tpu.dma_semaphore, #tpu.memory_space<semaphore_mem>>) src(%dma_wait3A_276 : memref<10000xi32, #tpu.memory_space<hbm>>) dst(%arg11 : memref<10000xi32, #tpu.memory_space<vmem>>)
      tpu.yield
    }) : () -> ()
    "tpu.region"() ({
      %run_scoped3A = tpu.sem_alloc : memref<!tpu.dma_semaphore, #tpu.memory_space<semaphore_mem>>
      %dma_start3A_273 = tpu.memref_slice %arg6[%mul3A_2] : memref<320000xi32, #tpu.memory_space<hbm>> -> memref<10000xi32, #tpu.memory_space<hbm>>
      %dma_start3A_274 = tpu.memref_slice %arg6[%mul3A_2] : memref<320000xi32, #tpu.memory_space<hbm>> -> memref<10000xi32, #tpu.memory_space<hbm>>
      tpu.enqueue_dma source(%dma_start3A_274 : memref<10000xi32, #tpu.memory_space<hbm>>) target(%arg12 : memref<10000xi32, #tpu.memory_space<vmem>>) target_semaphore(%run_scoped3A : memref<!tpu.dma_semaphore, #tpu.memory_space<semaphore_mem>>)
      %dma_wait3A_275 = tpu.memref_slice %arg6[%mul3A_2] : memref<320000xi32, #tpu.memory_space<hbm>> -> memref<10000xi32, #tpu.memory_space<hbm>>
      %dma_wait3A_276 = tpu.memref_slice %arg6[%mul3A_2] : memref<320000xi32, #tpu.memory_space<hbm>> -> memref<10000xi32, #tpu.memory_space<hbm>>
      tpu.wait_dma2 semaphore(%run_scoped3A : memref<!tpu.dma_semaphore, #tpu.memory_space<semaphore_mem>>) src(%dma_wait3A_276 : memref<10000xi32, #tpu.memory_space<hbm>>) dst(%arg12 : memref<10000xi32, #tpu.memory_space<vmem>>)
      tpu.yield
    }) : () -> ()
    %dma_start3A = arith.constant 0 : i32
    %dma_start3A_4 = tpu.memref_slice %arg11[%dma_start3A] : memref<10000xi32, #tpu.memory_space<vmem>> -> memref<80xi32, #tpu.memory_space<vmem>>
    %dma_start3A_5 = arith.constant 0 : i32
    %dma_start3A_6 = arith.constant 0 : i32
    %dma_start3A_7 = tpu.memref_slice %arg2[%dma_start3A_5, %dma_start3A_6] : memref<10000x64xi32, #tpu.memory_space<hbm>> -> memref<10000x64xi32, #tpu.memory_space<hbm>>
    tpu.enqueue_indirect_dma source(%dma_start3A_7 : memref<10000x64xi32, #tpu.memory_space<hbm>>) target(%arg13 : memref<80x64xi32, #tpu.memory_space<vmem>>) offsets(%dma_start3A_4 : memref<80xi32, #tpu.memory_space<vmem>>) semaphore(%arg24 : memref<!tpu.dma_semaphore, #tpu.memory_space<semaphore_mem>>)
    %dma_start3A_8 = arith.constant 0 : i32
    %dma_start3A_9 = tpu.memref_slice %arg12[%dma_start3A_8] : memref<10000xi32, #tpu.memory_space<vmem>> -> memref<80xi32, #tpu.memory_space<vmem>>
    %dma_start3A_10 = arith.constant 0 : i32
    %dma_start3A_11 = arith.constant 0 : i32
    %dma_start3A_12 = tpu.memref_slice %arg4[%dma_start3A_10, %dma_start3A_11] : memref<10000x64xi32, #tpu.memory_space<hbm>> -> memref<10000x64xi32, #tpu.memory_space<hbm>>
    tpu.enqueue_indirect_dma source(%dma_start3A_12 : memref<10000x64xi32, #tpu.memory_space<hbm>>) target(%arg14 : memref<80x64xi32, #tpu.memory_space<vmem>>) offsets(%dma_start3A_9 : memref<80xi32, #tpu.memory_space<vmem>>) semaphore(%arg24 : memref<!tpu.dma_semaphore, #tpu.memory_space<semaphore_mem>>)
    %dma_start3A_13 = arith.constant 80 : i32
    %dma_start3A_14 = tpu.memref_slice %arg11[%dma_start3A_13] : memref<10000xi32, #tpu.memory_space<vmem>> -> memref<80xi32, #tpu.memory_space<vmem>>
    %dma_start3A_15 = arith.constant 0 : i32
    %dma_start3A_16 = arith.constant 0 : i32
    %dma_start3A_17 = tpu.memref_slice %arg2[%dma_start3A_15, %dma_start3A_16] : memref<10000x64xi32, #tpu.memory_space<hbm>> -> memref<10000x64xi32, #tpu.memory_space<hbm>>
    tpu.enqueue_indirect_dma source(%dma_start3A_17 : memref<10000x64xi32, #tpu.memory_space<hbm>>) target(%arg15 : memref<80x64xi32, #tpu.memory_space<vmem>>) offsets(%dma_start3A_14 : memref<80xi32, #tpu.memory_space<vmem>>) semaphore(%arg25 : memref<!tpu.dma_semaphore, #tpu.memory_space<semaphore_mem>>)
    %dma_start3A_18 = arith.constant 80 : i32
    %dma_start3A_19 = tpu.memref_slice %arg12[%dma_start3A_18] : memref<10000xi32, #tpu.memory_space<vmem>> -> memref<80xi32, #tpu.memory_space<vmem>>
    %dma_start3A_20 = arith.constant 0 : i32
    %dma_start3A_21 = arith.constant 0 : i32
    %dma_start3A_22 = tpu.memref_slice %arg4[%dma_start3A_20, %dma_start3A_21] : memref<10000x64xi32, #tpu.memory_space<hbm>> -> memref<10000x64xi32, #tpu.memory_space<hbm>>
    tpu.enqueue_indirect_dma source(%dma_start3A_22 : memref<10000x64xi32, #tpu.memory_space<hbm>>) target(%arg16 : memref<80x64xi32, #tpu.memory_space<vmem>>) offsets(%dma_start3A_19 : memref<80xi32, #tpu.memory_space<vmem>>) semaphore(%arg25 : memref<!tpu.dma_semaphore, #tpu.memory_space<semaphore_mem>>)
    %dma_start3A_23 = arith.constant 160 : i32
    %dma_start3A_24 = tpu.memref_slice %arg11[%dma_start3A_23] : memref<10000xi32, #tpu.memory_space<vmem>> -> memref<80xi32, #tpu.memory_space<vmem>>
    %dma_start3A_25 = arith.constant 0 : i32
    %dma_start3A_26 = arith.constant 0 : i32
    %dma_start3A_27 = tpu.memref_slice %arg2[%dma_start3A_25, %dma_start3A_26] : memref<10000x64xi32, #tpu.memory_space<hbm>> -> memref<10000x64xi32, #tpu.memory_space<hbm>>
    tpu.enqueue_indirect_dma source(%dma_start3A_27 : memref<10000x64xi32, #tpu.memory_space<hbm>>) target(%arg17 : memref<80x64xi32, #tpu.memory_space<vmem>>) offsets(%dma_start3A_24 : memref<80xi32, #tpu.memory_space<vmem>>) semaphore(%arg26 : memref<!tpu.dma_semaphore, #tpu.memory_space<semaphore_mem>>)
    %dma_start3A_28 = arith.constant 160 : i32
    %dma_start3A_29 = tpu.memref_slice %arg12[%dma_start3A_28] : memref<10000xi32, #tpu.memory_space<vmem>> -> memref<80xi32, #tpu.memory_space<vmem>>
    %dma_start3A_30 = arith.constant 0 : i32
    %dma_start3A_31 = arith.constant 0 : i32
    %dma_start3A_32 = tpu.memref_slice %arg4[%dma_start3A_30, %dma_start3A_31] : memref<10000x64xi32, #tpu.memory_space<hbm>> -> memref<10000x64xi32, #tpu.memory_space<hbm>>
    tpu.enqueue_indirect_dma source(%dma_start3A_32 : memref<10000x64xi32, #tpu.memory_space<hbm>>) target(%arg18 : memref<80x64xi32, #tpu.memory_space<vmem>>) offsets(%dma_start3A_29 : memref<80xi32, #tpu.memory_space<vmem>>) semaphore(%arg26 : memref<!tpu.dma_semaphore, #tpu.memory_space<semaphore_mem>>)
    %dma_start3A_33 = arith.constant 240 : i32
    %dma_start3A_34 = tpu.memref_slice %arg11[%dma_start3A_33] : memref<10000xi32, #tpu.memory_space<vmem>> -> memref<80xi32, #tpu.memory_space<vmem>>
    %dma_start3A_35 = arith.constant 0 : i32
    %dma_start3A_36 = arith.constant 0 : i32
    %dma_start3A_37 = tpu.memref_slice %arg2[%dma_start3A_35, %dma_start3A_36] : memref<10000x64xi32, #tpu.memory_space<hbm>> -> memref<10000x64xi32, #tpu.memory_space<hbm>>
    tpu.enqueue_indirect_dma source(%dma_start3A_37 : memref<10000x64xi32, #tpu.memory_space<hbm>>) target(%arg19 : memref<80x64xi32, #tpu.memory_space<vmem>>) offsets(%dma_start3A_34 : memref<80xi32, #tpu.memory_space<vmem>>) semaphore(%arg27 : memref<!tpu.dma_semaphore, #tpu.memory_space<semaphore_mem>>)
    %dma_start3A_38 = arith.constant 240 : i32
    %dma_start3A_39 = tpu.memref_slice %arg12[%dma_start3A_38] : memref<10000xi32, #tpu.memory_space<vmem>> -> memref<80xi32, #tpu.memory_space<vmem>>
    %dma_start3A_40 = arith.constant 0 : i32
    %dma_start3A_41 = arith.constant 0 : i32
    %dma_start3A_42 = tpu.memref_slice %arg4[%dma_start3A_40, %dma_start3A_41] : memref<10000x64xi32, #tpu.memory_space<hbm>> -> memref<10000x64xi32, #tpu.memory_space<hbm>>
    tpu.enqueue_indirect_dma source(%dma_start3A_42 : memref<10000x64xi32, #tpu.memory_space<hbm>>) target(%arg20 : memref<80x64xi32, #tpu.memory_space<vmem>>) offsets(%dma_start3A_39 : memref<80xi32, #tpu.memory_space<vmem>>) semaphore(%arg27 : memref<!tpu.dma_semaphore, #tpu.memory_space<semaphore_mem>>)
    %scan3A = arith.constant 0 : i32
    %scan3A_43 = arith.constant 0 : i32
    %scan3A_44 = arith.constant 24 : i32
    %scan3A_45 = arith.addi %scan3A_43, %scan3A_44 : i32
    %scan3A_46 = arith.constant 1 : i32
    scf.for %scan3A_273 = %scan3A_43 to %scan3A_45 step %scan3A_46  : i32 {
      %mul3A_274 = arith.constant 5 : i32
      %mul3A_275 = arith.muli %mul3A_274, %scan3A_273 : i32
      %add3A_276 = arith.constant 0 : i32
      %add3A_277 = arith.addi %mul3A_275, %add3A_276 : i32
      %add3A_278 = arith.constant 4 : i32
      %add3A_279 = arith.addi %add3A_277, %add3A_278 : i32
      %mul3A_280 = arith.constant 80 : i32
      %mul3A_281 = arith.muli %add3A_279, %mul3A_280 : i32
      %dma_start3A_282 = tpu.memref_slice %arg11[%mul3A_281] : memref<10000xi32, #tpu.memory_space<vmem>> -> memref<80xi32, #tpu.memory_space<vmem>>
      %dma_start3A_283 = arith.constant 0 : i32
      %dma_start3A_284 = arith.constant 0 : i32
      %dma_start3A_285 = tpu.memref_slice %arg2[%dma_start3A_283, %dma_start3A_284] : memref<10000x64xi32, #tpu.memory_space<hbm>> -> memref<10000x64xi32, #tpu.memory_space<hbm>>
      tpu.enqueue_indirect_dma source(%dma_start3A_285 : memref<10000x64xi32, #tpu.memory_space<hbm>>) target(%arg21 : memref<80x64xi32, #tpu.memory_space<vmem>>) offsets(%dma_start3A_282 : memref<80xi32, #tpu.memory_space<vmem>>) semaphore(%arg28 : memref<!tpu.dma_semaphore, #tpu.memory_space<semaphore_mem>>)
      %mul3A_286 = arith.constant 80 : i32
      %mul3A_287 = arith.muli %add3A_279, %mul3A_286 : i32
      %dma_start3A_288 = tpu.memref_slice %arg12[%mul3A_287] : memref<10000xi32, #tpu.memory_space<vmem>> -> memref<80xi32, #tpu.memory_space<vmem>>
      %dma_start3A_289 = arith.constant 0 : i32
      %dma_start3A_290 = arith.constant 0 : i32
      %dma_start3A_291 = tpu.memref_slice %arg4[%dma_start3A_289, %dma_start3A_290] : memref<10000x64xi32, #tpu.memory_space<hbm>> -> memref<10000x64xi32, #tpu.memory_space<hbm>>
      tpu.enqueue_indirect_dma source(%dma_start3A_291 : memref<10000x64xi32, #tpu.memory_space<hbm>>) target(%arg22 : memref<80x64xi32, #tpu.memory_space<vmem>>) offsets(%dma_start3A_288 : memref<80xi32, #tpu.memory_space<vmem>>) semaphore(%arg28 : memref<!tpu.dma_semaphore, #tpu.memory_space<semaphore_mem>>)
      %dma_wait3A_292 = arith.constant 0 : i32
      %dma_wait3A_293 = tpu.memref_slice %arg11[%dma_wait3A_292] : memref<10000xi32, #tpu.memory_space<vmem>> -> memref<80xi32, #tpu.memory_space<vmem>>
      %dma_wait3A_294 = arith.constant 0 : i32
      %dma_wait3A_295 = arith.constant 0 : i32
      %dma_wait3A_296 = tpu.memref_slice %arg2[%dma_wait3A_294, %dma_wait3A_295] : memref<10000x64xi32, #tpu.memory_space<hbm>> -> memref<10000x64xi32, #tpu.memory_space<hbm>>
      tpu.wait_indirect_dma semaphore(%arg24 : memref<!tpu.dma_semaphore, #tpu.memory_space<semaphore_mem>>) src(%dma_wait3A_296 : memref<10000x64xi32, #tpu.memory_space<hbm>>) dst(%arg13 : memref<80x64xi32, #tpu.memory_space<vmem>>)
      %dma_wait3A_297 = arith.constant 0 : i32
      %dma_wait3A_298 = tpu.memref_slice %arg12[%dma_wait3A_297] : memref<10000xi32, #tpu.memory_space<vmem>> -> memref<80xi32, #tpu.memory_space<vmem>>
      %dma_wait3A_299 = arith.constant 0 : i32
      %dma_wait3A_300 = arith.constant 0 : i32
      %dma_wait3A_301 = tpu.memref_slice %arg4[%dma_wait3A_299, %dma_wait3A_300] : memref<10000x64xi32, #tpu.memory_space<hbm>> -> memref<10000x64xi32, #tpu.memory_space<hbm>>
      tpu.wait_indirect_dma semaphore(%arg24 : memref<!tpu.dma_semaphore, #tpu.memory_space<semaphore_mem>>) src(%dma_wait3A_301 : memref<10000x64xi32, #tpu.memory_space<hbm>>) dst(%arg14 : memref<80x64xi32, #tpu.memory_space<vmem>>)
      %add3A_302 = arith.constant 0 : i32
      %add3A_303 = arith.addi %mul3A_275, %add3A_302 : i32
      %scan3A_304 = arith.constant 0 : i32
      %scan3A_305 = arith.constant 0 : i32
      %scan3A_306 = arith.constant 5 : i32
      %scan3A_307 = arith.addi %scan3A_305, %scan3A_306 : i32
      %scan3A_308 = arith.constant 1 : i32
      scf.for %scan3A_446 = %scan3A_305 to %scan3A_307 step %scan3A_308  : i32 {
        %mul3A_447 = arith.constant 16 : i32
        %mul3A_448 = arith.muli %scan3A_446, %mul3A_447 : i32
        %add3A_449 = vector.broadcast %mul3A_448 : i32 to vector<16xi32>
        %add3A_450 = arith.addi %add3A_449, %iota3A : vector<16xi32>
        %scan3A_451 = arith.constant 0 : i32
        %scan3A_452 = arith.constant 64 : i32
        %scan3A_453 = arith.addi %scan3A_451, %scan3A_452 : i32
        %scan3A_454 = arith.constant 8 : i32
        %scan3A_455:2 = scf.for %scan3A_465 = %scan3A_451 to %scan3A_453 step %scan3A_454 iter_args(%scan3A_466 = %broadcast_in_dim3A_3, %scan3A_467 = %iota3A) -> (vector<32xbf16>, vector<16xi32>)  : i32 {
          %gather3A = tpu.vector_load_idx %arg13[%add3A_450, %scan3A_467] : memref<80x64xi32, #tpu.memory_space<vmem>>[vector<16xi32>, vector<16xi32>], vector<16xi32>,
          %gather3A_468 = tpu.vector_load_idx %arg14[%add3A_450, %scan3A_467] : memref<80x64xi32, #tpu.memory_space<vmem>>[vector<16xi32>, vector<16xi32>], vector<16xi32>,
          %bitcast3A = vector.bitcast %gather3A : vector<16xi32> to vector<32xbf16>
          %bitcast3A_469 = vector.bitcast %gather3A_468 : vector<16xi32> to vector<32xbf16>
          %mul3A_470 = arith.mulf %bitcast3A, %bitcast3A_469 : vector<32xbf16>
          %add3A_471 = arith.addf %scan3A_466, %mul3A_470 : vector<32xbf16>
          %add3A_472 = arith.constant 1 : i32
          %add3A_473 = vector.broadcast %add3A_472 : i32 to vector<16xi32>
          %add3A_474 = arith.addi %scan3A_467, %add3A_473 : vector<16xi32>
          %and3A = arith.constant 63 : i32
          %and3A_475 = vector.broadcast %and3A : i32 to vector<16xi32>
          %and3A_476 = arith.andi %add3A_474, %and3A_475 : vector<16xi32>
          %scan3A_477 = arith.constant 1 : i32
          %scan3A_478 = arith.addi %scan3A_465, %scan3A_477 : i32
          %gather3A_479 = tpu.vector_load_idx %arg13[%add3A_450, %and3A_476] : memref<80x64xi32, #tpu.memory_space<vmem>>[vector<16xi32>, vector<16xi32>], vector<16xi32>,
          %gather3A_480 = tpu.vector_load_idx %arg14[%add3A_450, %and3A_476] : memref<80x64xi32, #tpu.memory_space<vmem>>[vector<16xi32>, vector<16xi32>], vector<16xi32>,
          %bitcast3A_481 = vector.bitcast %gather3A_479 : vector<16xi32> to vector<32xbf16>
          %bitcast3A_482 = vector.bitcast %gather3A_480 : vector<16xi32> to vector<32xbf16>
          %mul3A_483 = arith.mulf %bitcast3A_481, %bitcast3A_482 : vector<32xbf16>
          %add3A_484 = arith.addf %add3A_471, %mul3A_483 : vector<32xbf16>
          %add3A_485 = arith.constant 1 : i32
          %add3A_486 = vector.broadcast %add3A_485 : i32 to vector<16xi32>
          %add3A_487 = arith.addi %and3A_476, %add3A_486 : vector<16xi32>
          %and3A_488 = arith.constant 63 : i32
          %and3A_489 = vector.broadcast %and3A_488 : i32 to vector<16xi32>
          %and3A_490 = arith.andi %add3A_487, %and3A_489 : vector<16xi32>
          %scan3A_491 = arith.constant 2 : i32
          %scan3A_492 = arith.addi %scan3A_465, %scan3A_491 : i32
          %gather3A_493 = tpu.vector_load_idx %arg13[%add3A_450, %and3A_490] : memref<80x64xi32, #tpu.memory_space<vmem>>[vector<16xi32>, vector<16xi32>], vector<16xi32>,
          %gather3A_494 = tpu.vector_load_idx %arg14[%add3A_450, %and3A_490] : memref<80x64xi32, #tpu.memory_space<vmem>>[vector<16xi32>, vector<16xi32>], vector<16xi32>,
          %bitcast3A_495 = vector.bitcast %gather3A_493 : vector<16xi32> to vector<32xbf16>
          %bitcast3A_496 = vector.bitcast %gather3A_494 : vector<16xi32> to vector<32xbf16>
          %mul3A_497 = arith.mulf %bitcast3A_495, %bitcast3A_496 : vector<32xbf16>
          %add3A_498 = arith.addf %add3A_484, %mul3A_497 : vector<32xbf16>
          %add3A_499 = arith.constant 1 : i32
          %add3A_500 = vector.broadcast %add3A_499 : i32 to vector<16xi32>
          %add3A_501 = arith.addi %and3A_490, %add3A_500 : vector<16xi32>
          %and3A_502 = arith.constant 63 : i32
          %and3A_503 = vector.broadcast %and3A_502 : i32 to vector<16xi32>
          %and3A_504 = arith.andi %add3A_501, %and3A_503 : vector<16xi32>
          %scan3A_505 = arith.constant 3 : i32
          %scan3A_506 = arith.addi %scan3A_465, %scan3A_505 : i32
          %gather3A_507 = tpu.vector_load_idx %arg13[%add3A_450, %and3A_504] : memref<80x64xi32, #tpu.memory_space<vmem>>[vector<16xi32>, vector<16xi32>], vector<16xi32>,
          %gather3A_508 = tpu.vector_load_idx %arg14[%add3A_450, %and3A_504] : memref<80x64xi32, #tpu.memory_space<vmem>>[vector<16xi32>, vector<16xi32>], vector<16xi32>,
          %bitcast3A_509 = vector.bitcast %gather3A_507 : vector<16xi32> to vector<32xbf16>
          %bitcast3A_510 = vector.bitcast %gather3A_508 : vector<16xi32> to vector<32xbf16>
          %mul3A_511 = arith.mulf %bitcast3A_509, %bitcast3A_510 : vector<32xbf16>
          %add3A_512 = arith.addf %add3A_498, %mul3A_511 : vector<32xbf16>
          %add3A_513 = arith.constant 1 : i32
          %add3A_514 = vector.broadcast %add3A_513 : i32 to vector<16xi32>
          %add3A_515 = arith.addi %and3A_504, %add3A_514 : vector<16xi32>
          %and3A_516 = arith.constant 63 : i32
          %and3A_517 = vector.broadcast %and3A_516 : i32 to vector<16xi32>
          %and3A_518 = arith.andi %add3A_515, %and3A_517 : vector<16xi32>
          %scan3A_519 = arith.constant 4 : i32
          %scan3A_520 = arith.addi %scan3A_465, %scan3A_519 : i32
          %gather3A_521 = tpu.vector_load_idx %arg13[%add3A_450, %and3A_518] : memref<80x64xi32, #tpu.memory_space<vmem>>[vector<16xi32>, vector<16xi32>], vector<16xi32>,
          %gather3A_522 = tpu.vector_load_idx %arg14[%add3A_450, %and3A_518] : memref<80x64xi32, #tpu.memory_space<vmem>>[vector<16xi32>, vector<16xi32>], vector<16xi32>,
          %bitcast3A_523 = vector.bitcast %gather3A_521 : vector<16xi32> to vector<32xbf16>
          %bitcast3A_524 = vector.bitcast %gather3A_522 : vector<16xi32> to vector<32xbf16>
          %mul3A_525 = arith.mulf %bitcast3A_523, %bitcast3A_524 : vector<32xbf16>
          %add3A_526 = arith.addf %add3A_512, %mul3A_525 : vector<32xbf16>
          %add3A_527 = arith.constant 1 : i32
          %add3A_528 = vector.broadcast %add3A_527 : i32 to vector<16xi32>
          %add3A_529 = arith.addi %and3A_518, %add3A_528 : vector<16xi32>
          %and3A_530 = arith.constant 63 : i32
          %and3A_531 = vector.broadcast %and3A_530 : i32 to vector<16xi32>
          %and3A_532 = arith.andi %add3A_529, %and3A_531 : vector<16xi32>
          %scan3A_533 = arith.constant 5 : i32
          %scan3A_534 = arith.addi %scan3A_465, %scan3A_533 : i32
          %gather3A_535 = tpu.vector_load_idx %arg13[%add3A_450, %and3A_532] : memref<80x64xi32, #tpu.memory_space<vmem>>[vector<16xi32>, vector<16xi32>], vector<16xi32>,
          %gather3A_536 = tpu.vector_load_idx %arg14[%add3A_450, %and3A_532] : memref<80x64xi32, #tpu.memory_space<vmem>>[vector<16xi32>, vector<16xi32>], vector<16xi32>,
          %bitcast3A_537 = vector.bitcast %gather3A_535 : vector<16xi32> to vector<32xbf16>
          %bitcast3A_538 = vector.bitcast %gather3A_536 : vector<16xi32> to vector<32xbf16>
          %mul3A_539 = arith.mulf %bitcast3A_537, %bitcast3A_538 : vector<32xbf16>
          %add3A_540 = arith.addf %add3A_526, %mul3A_539 : vector<32xbf16>
          %add3A_541 = arith.constant 1 : i32
          %add3A_542 = vector.broadcast %add3A_541 : i32 to vector<16xi32>
          %add3A_543 = arith.addi %and3A_532, %add3A_542 : vector<16xi32>
          %and3A_544 = arith.constant 63 : i32
          %and3A_545 = vector.broadcast %and3A_544 : i32 to vector<16xi32>
          %and3A_546 = arith.andi %add3A_543, %and3A_545 : vector<16xi32>
          %scan3A_547 = arith.constant 6 : i32
          %scan3A_548 = arith.addi %scan3A_465, %scan3A_547 : i32
          %gather3A_549 = tpu.vector_load_idx %arg13[%add3A_450, %and3A_546] : memref<80x64xi32, #tpu.memory_space<vmem>>[vector<16xi32>, vector<16xi32>], vector<16xi32>,
          %gather3A_550 = tpu.vector_load_idx %arg14[%add3A_450, %and3A_546] : memref<80x64xi32, #tpu.memory_space<vmem>>[vector<16xi32>, vector<16xi32>], vector<16xi32>,
          %bitcast3A_551 = vector.bitcast %gather3A_549 : vector<16xi32> to vector<32xbf16>
          %bitcast3A_552 = vector.bitcast %gather3A_550 : vector<16xi32> to vector<32xbf16>
          %mul3A_553 = arith.mulf %bitcast3A_551, %bitcast3A_552 : vector<32xbf16>
          %add3A_554 = arith.addf %add3A_540, %mul3A_553 : vector<32xbf16>
          %add3A_555 = arith.constant 1 : i32
          %add3A_556 = vector.broadcast %add3A_555 : i32 to vector<16xi32>
          %add3A_557 = arith.addi %and3A_546, %add3A_556 : vector<16xi32>
          %and3A_558 = arith.constant 63 : i32
          %and3A_559 = vector.broadcast %and3A_558 : i32 to vector<16xi32>
          %and3A_560 = arith.andi %add3A_557, %and3A_559 : vector<16xi32>
          %scan3A_561 = arith.constant 7 : i32
          %scan3A_562 = arith.addi %scan3A_465, %scan3A_561 : i32
          %gather3A_563 = tpu.vector_load_idx %arg13[%add3A_450, %and3A_560] : memref<80x64xi32, #tpu.memory_space<vmem>>[vector<16xi32>, vector<16xi32>], vector<16xi32>,
          %gather3A_564 = tpu.vector_load_idx %arg14[%add3A_450, %and3A_560] : memref<80x64xi32, #tpu.memory_space<vmem>>[vector<16xi32>, vector<16xi32>], vector<16xi32>,
          %bitcast3A_565 = vector.bitcast %gather3A_563 : vector<16xi32> to vector<32xbf16>
          %bitcast3A_566 = vector.bitcast %gather3A_564 : vector<16xi32> to vector<32xbf16>
          %mul3A_567 = arith.mulf %bitcast3A_565, %bitcast3A_566 : vector<32xbf16>
          %add3A_568 = arith.addf %add3A_554, %mul3A_567 : vector<32xbf16>
          %add3A_569 = arith.constant 1 : i32
          %add3A_570 = vector.broadcast %add3A_569 : i32 to vector<16xi32>
          %add3A_571 = arith.addi %and3A_560, %add3A_570 : vector<16xi32>
          %and3A_572 = arith.constant 63 : i32
          %and3A_573 = vector.broadcast %and3A_572 : i32 to vector<16xi32>
          %and3A_574 = arith.andi %add3A_571, %and3A_573 : vector<16xi32>
          scf.yield %add3A_568, %and3A_574 : vector<32xbf16>, vector<16xi32>
        }
        %scan3A_456 = arith.constant 64 : i32
        %unpack3A = tpu.unpack_subelements %scan3A_455#0, 0 {pack_format = #tpu.pack_format<interleaved>} : vector<32xbf16> -> vector<16xf32>
        %unpack3A_457 = tpu.unpack_subelements %scan3A_455#0, 1 {pack_format = #tpu.pack_format<interleaved>} : vector<32xbf16> -> vector<16xf32>
        %add3A_458 = arith.addf %unpack3A, %unpack3A_457 : vector<16xf32>
        %mul3A_459 = arith.constant 80 : i32
        %mul3A_460 = arith.muli %add3A_303, %mul3A_459 : i32
        %mul3A_461 = arith.constant 16 : i32
        %mul3A_462 = arith.muli %scan3A_446, %mul3A_461 : i32
        %add3A_463 = arith.addi %mul3A_460, %mul3A_462 : i32
        %swap3A = arith.index_cast %add3A_463 : i32 to index
        %swap3A_464 = tpu.vector_load %arg23[%swap3A] {strides = array<i32>} : memref<10000xf32, #tpu.memory_space<vmem>>, vector<16xf32>,
        tpu.vector_store %arg23[%swap3A], %add3A_458 {strides = array<i32>} : memref<10000xf32, #tpu.memory_space<vmem>>, vector<16xf32>,
      }
      %scan3A_309 = arith.constant 5 : i32
      %add3A_310 = arith.constant 1 : i32
      %add3A_311 = arith.addi %mul3A_275, %add3A_310 : i32
      %add3A_312 = arith.constant 4 : i32
      %add3A_313 = arith.addi %add3A_311, %add3A_312 : i32
      %mul3A_314 = arith.constant 80 : i32
      %mul3A_315 = arith.muli %add3A_313, %mul3A_314 : i32
      %dma_start3A_316 = tpu.memref_slice %arg11[%mul3A_315] : memref<10000xi32, #tpu.memory_space<vmem>> -> memref<80xi32, #tpu.memory_space<vmem>>
      %dma_start3A_317 = arith.constant 0 : i32
      %dma_start3A_318 = arith.constant 0 : i32
      %dma_start3A_319 = tpu.memref_slice %arg2[%dma_start3A_317, %dma_start3A_318] : memref<10000x64xi32, #tpu.memory_space<hbm>> -> memref<10000x64xi32, #tpu.memory_space<hbm>>
      tpu.enqueue_indirect_dma source(%dma_start3A_319 : memref<10000x64xi32, #tpu.memory_space<hbm>>) target(%arg13 : memref<80x64xi32, #tpu.memory_space<vmem>>) offsets(%dma_start3A_316 : memref<80xi32, #tpu.memory_space<vmem>>) semaphore(%arg24 : memref<!tpu.dma_semaphore, #tpu.memory_space<semaphore_mem>>)
      %mul3A_320 = arith.constant 80 : i32
      %mul3A_321 = arith.muli %add3A_313, %mul3A_320 : i32
      %dma_start3A_322 = tpu.memref_slice %arg12[%mul3A_321] : memref<10000xi32, #tpu.memory_space<vmem>> -> memref<80xi32, #tpu.memory_space<vmem>>
      %dma_start3A_323 = arith.constant 0 : i32
      %dma_start3A_324 = arith.constant 0 : i32
      %dma_start3A_325 = tpu.memref_slice %arg4[%dma_start3A_323, %dma_start3A_324] : memref<10000x64xi32, #tpu.memory_space<hbm>> -> memref<10000x64xi32, #tpu.memory_space<hbm>>
      tpu.enqueue_indirect_dma source(%dma_start3A_325 : memref<10000x64xi32, #tpu.memory_space<hbm>>) target(%arg14 : memref<80x64xi32, #tpu.memory_space<vmem>>) offsets(%dma_start3A_322 : memref<80xi32, #tpu.memory_space<vmem>>) semaphore(%arg24 : memref<!tpu.dma_semaphore, #tpu.memory_space<semaphore_mem>>)
      %dma_wait3A_326 = arith.constant 0 : i32
      %dma_wait3A_327 = tpu.memref_slice %arg11[%dma_wait3A_326] : memref<10000xi32, #tpu.memory_space<vmem>> -> memref<80xi32, #tpu.memory_space<vmem>>
      %dma_wait3A_328 = arith.constant 0 : i32
      %dma_wait3A_329 = arith.constant 0 : i32
      %dma_wait3A_330 = tpu.memref_slice %arg2[%dma_wait3A_328, %dma_wait3A_329] : memref<10000x64xi32, #tpu.memory_space<hbm>> -> memref<10000x64xi32, #tpu.memory_space<hbm>>
      tpu.wait_indirect_dma semaphore(%arg25 : memref<!tpu.dma_semaphore, #tpu.memory_space<semaphore_mem>>) src(%dma_wait3A_330 : memref<10000x64xi32, #tpu.memory_space<hbm>>) dst(%arg15 : memref<80x64xi32, #tpu.memory_space<vmem>>)
      %dma_wait3A_331 = arith.constant 0 : i32
      %dma_wait3A_332 = tpu.memref_slice %arg12[%dma_wait3A_331] : memref<10000xi32, #tpu.memory_space<vmem>> -> memref<80xi32, #tpu.memory_space<vmem>>
      %dma_wait3A_333 = arith.constant 0 : i32
      %dma_wait3A_334 = arith.constant 0 : i32
      %dma_wait3A_335 = tpu.memref_slice %arg4[%dma_wait3A_333, %dma_wait3A_334] : memref<10000x64xi32, #tpu.memory_space<hbm>> -> memref<10000x64xi32, #tpu.memory_space<hbm>>
      tpu.wait_indirect_dma semaphore(%arg25 : memref<!tpu.dma_semaphore, #tpu.memory_space<semaphore_mem>>) src(%dma_wait3A_335 : memref<10000x64xi32, #tpu.memory_space<hbm>>) dst(%arg16 : memref<80x64xi32, #tpu.memory_space<vmem>>)
      %add3A_336 = arith.constant 1 : i32
      %add3A_337 = arith.addi %mul3A_275, %add3A_336 : i32
      %scan3A_338 = arith.constant 0 : i32
      %scan3A_339 = arith.constant 0 : i32
      %scan3A_340 = arith.constant 5 : i32
      %scan3A_341 = arith.addi %scan3A_339, %scan3A_340 : i32
      %scan3A_342 = arith.constant 1 : i32
      scf.for %scan3A_446 = %scan3A_339 to %scan3A_341 step %scan3A_342  : i32 {
        %mul3A_447 = arith.constant 16 : i32
        %mul3A_448 = arith.muli %scan3A_446, %mul3A_447 : i32
        %add3A_449 = vector.broadcast %mul3A_448 : i32 to vector<16xi32>
        %add3A_450 = arith.addi %add3A_449, %iota3A : vector<16xi32>
        %scan3A_451 = arith.constant 0 : i32
        %scan3A_452 = arith.constant 64 : i32
        %scan3A_453 = arith.addi %scan3A_451, %scan3A_452 : i32
        %scan3A_454 = arith.constant 8 : i32
        %scan3A_455:2 = scf.for %scan3A_465 = %scan3A_451 to %scan3A_453 step %scan3A_454 iter_args(%scan3A_466 = %broadcast_in_dim3A_3, %scan3A_467 = %iota3A) -> (vector<32xbf16>, vector<16xi32>)  : i32 {
          %gather3A = tpu.vector_load_idx %arg15[%add3A_450, %scan3A_467] : memref<80x64xi32, #tpu.memory_space<vmem>>[vector<16xi32>, vector<16xi32>], vector<16xi32>,
          %gather3A_468 = tpu.vector_load_idx %arg16[%add3A_450, %scan3A_467] : memref<80x64xi32, #tpu.memory_space<vmem>>[vector<16xi32>, vector<16xi32>], vector<16xi32>,
          %bitcast3A = vector.bitcast %gather3A : vector<16xi32> to vector<32xbf16>
          %bitcast3A_469 = vector.bitcast %gather3A_468 : vector<16xi32> to vector<32xbf16>
          %mul3A_470 = arith.mulf %bitcast3A, %bitcast3A_469 : vector<32xbf16>
          %add3A_471 = arith.addf %scan3A_466, %mul3A_470 : vector<32xbf16>
          %add3A_472 = arith.constant 1 : i32
          %add3A_473 = vector.broadcast %add3A_472 : i32 to vector<16xi32>
          %add3A_474 = arith.addi %scan3A_467, %add3A_473 : vector<16xi32>
          %and3A = arith.constant 63 : i32
          %and3A_475 = vector.broadcast %and3A : i32 to vector<16xi32>
          %and3A_476 = arith.andi %add3A_474, %and3A_475 : vector<16xi32>
          %scan3A_477 = arith.constant 1 : i32
          %scan3A_478 = arith.addi %scan3A_465, %scan3A_477 : i32
          %gather3A_479 = tpu.vector_load_idx %arg15[%add3A_450, %and3A_476] : memref<80x64xi32, #tpu.memory_space<vmem>>[vector<16xi32>, vector<16xi32>], vector<16xi32>,
          %gather3A_480 = tpu.vector_load_idx %arg16[%add3A_450, %and3A_476] : memref<80x64xi32, #tpu.memory_space<vmem>>[vector<16xi32>, vector<16xi32>], vector<16xi32>,
          %bitcast3A_481 = vector.bitcast %gather3A_479 : vector<16xi32> to vector<32xbf16>
          %bitcast3A_482 = vector.bitcast %gather3A_480 : vector<16xi32> to vector<32xbf16>
          %mul3A_483 = arith.mulf %bitcast3A_481, %bitcast3A_482 : vector<32xbf16>
          %add3A_484 = arith.addf %add3A_471, %mul3A_483 : vector<32xbf16>
          %add3A_485 = arith.constant 1 : i32
          %add3A_486 = vector.broadcast %add3A_485 : i32 to vector<16xi32>
          %add3A_487 = arith.addi %and3A_476, %add3A_486 : vector<16xi32>
          %and3A_488 = arith.constant 63 : i32
          %and3A_489 = vector.broadcast %and3A_488 : i32 to vector<16xi32>
          %and3A_490 = arith.andi %add3A_487, %and3A_489 : vector<16xi32>
          %scan3A_491 = arith.constant 2 : i32
          %scan3A_492 = arith.addi %scan3A_465, %scan3A_491 : i32
          %gather3A_493 = tpu.vector_load_idx %arg15[%add3A_450, %and3A_490] : memref<80x64xi32, #tpu.memory_space<vmem>>[vector<16xi32>, vector<16xi32>], vector<16xi32>,
          %gather3A_494 = tpu.vector_load_idx %arg16[%add3A_450, %and3A_490] : memref<80x64xi32, #tpu.memory_space<vmem>>[vector<16xi32>, vector<16xi32>], vector<16xi32>,
          %bitcast3A_495 = vector.bitcast %gather3A_493 : vector<16xi32> to vector<32xbf16>
          %bitcast3A_496 = vector.bitcast %gather3A_494 : vector<16xi32> to vector<32xbf16>
          %mul3A_497 = arith.mulf %bitcast3A_495, %bitcast3A_496 : vector<32xbf16>
          %add3A_498 = arith.addf %add3A_484, %mul3A_497 : vector<32xbf16>
          %add3A_499 = arith.constant 1 : i32
          %add3A_500 = vector.broadcast %add3A_499 : i32 to vector<16xi32>
          %add3A_501 = arith.addi %and3A_490, %add3A_500 : vector<16xi32>
          %and3A_502 = arith.constant 63 : i32
          %and3A_503 = vector.broadcast %and3A_502 : i32 to vector<16xi32>
          %and3A_504 = arith.andi %add3A_501, %and3A_503 : vector<16xi32>
          %scan3A_505 = arith.constant 3 : i32
          %scan3A_506 = arith.addi %scan3A_465, %scan3A_505 : i32
          %gather3A_507 = tpu.vector_load_idx %arg15[%add3A_450, %and3A_504] : memref<80x64xi32, #tpu.memory_space<vmem>>[vector<16xi32>, vector<16xi32>], vector<16xi32>,
          %gather3A_508 = tpu.vector_load_idx %arg16[%add3A_450, %and3A_504] : memref<80x64xi32, #tpu.memory_space<vmem>>[vector<16xi32>, vector<16xi32>], vector<16xi32>,
          %bitcast3A_509 = vector.bitcast %gather3A_507 : vector<16xi32> to vector<32xbf16>
          %bitcast3A_510 = vector.bitcast %gather3A_508 : vector<16xi32> to vector<32xbf16>
          %mul3A_511 = arith.mulf %bitcast3A_509, %bitcast3A_510 : vector<32xbf16>
          %add3A_512 = arith.addf %add3A_498, %mul3A_511 : vector<32xbf16>
          %add3A_513 = arith.constant 1 : i32
          %add3A_514 = vector.broadcast %add3A_513 : i32 to vector<16xi32>
          %add3A_515 = arith.addi %and3A_504, %add3A_514 : vector<16xi32>
          %and3A_516 = arith.constant 63 : i32
          %and3A_517 = vector.broadcast %and3A_516 : i32 to vector<16xi32>
          %and3A_518 = arith.andi %add3A_515, %and3A_517 : vector<16xi32>
          %scan3A_519 = arith.constant 4 : i32
          %scan3A_520 = arith.addi %scan3A_465, %scan3A_519 : i32
          %gather3A_521 = tpu.vector_load_idx %arg15[%add3A_450, %and3A_518] : memref<80x64xi32, #tpu.memory_space<vmem>>[vector<16xi32>, vector<16xi32>], vector<16xi32>,
          %gather3A_522 = tpu.vector_load_idx %arg16[%add3A_450, %and3A_518] : memref<80x64xi32, #tpu.memory_space<vmem>>[vector<16xi32>, vector<16xi32>], vector<16xi32>,
          %bitcast3A_523 = vector.bitcast %gather3A_521 : vector<16xi32> to vector<32xbf16>
          %bitcast3A_524 = vector.bitcast %gather3A_522 : vector<16xi32> to vector<32xbf16>
          %mul3A_525 = arith.mulf %bitcast3A_523, %bitcast3A_524 : vector<32xbf16>
          %add3A_526 = arith.addf %add3A_512, %mul3A_525 : vector<32xbf16>
          %add3A_527 = arith.constant 1 : i32
          %add3A_528 = vector.broadcast %add3A_527 : i32 to vector<16xi32>
          %add3A_529 = arith.addi %and3A_518, %add3A_528 : vector<16xi32>
          %and3A_530 = arith.constant 63 : i32
          %and3A_531 = vector.broadcast %and3A_530 : i32 to vector<16xi32>
          %and3A_532 = arith.andi %add3A_529, %and3A_531 : vector<16xi32>
          %scan3A_533 = arith.constant 5 : i32
          %scan3A_534 = arith.addi %scan3A_465, %scan3A_533 : i32
          %gather3A_535 = tpu.vector_load_idx %arg15[%add3A_450, %and3A_532] : memref<80x64xi32, #tpu.memory_space<vmem>>[vector<16xi32>, vector<16xi32>], vector<16xi32>,
          %gather3A_536 = tpu.vector_load_idx %arg16[%add3A_450, %and3A_532] : memref<80x64xi32, #tpu.memory_space<vmem>>[vector<16xi32>, vector<16xi32>], vector<16xi32>,
          %bitcast3A_537 = vector.bitcast %gather3A_535 : vector<16xi32> to vector<32xbf16>
          %bitcast3A_538 = vector.bitcast %gather3A_536 : vector<16xi32> to vector<32xbf16>
          %mul3A_539 = arith.mulf %bitcast3A_537, %bitcast3A_538 : vector<32xbf16>
          %add3A_540 = arith.addf %add3A_526, %mul3A_539 : vector<32xbf16>
          %add3A_541 = arith.constant 1 : i32
          %add3A_542 = vector.broadcast %add3A_541 : i32 to vector<16xi32>
          %add3A_543 = arith.addi %and3A_532, %add3A_542 : vector<16xi32>
          %and3A_544 = arith.constant 63 : i32
          %and3A_545 = vector.broadcast %and3A_544 : i32 to vector<16xi32>
          %and3A_546 = arith.andi %add3A_543, %and3A_545 : vector<16xi32>
          %scan3A_547 = arith.constant 6 : i32
          %scan3A_548 = arith.addi %scan3A_465, %scan3A_547 : i32
          %gather3A_549 = tpu.vector_load_idx %arg15[%add3A_450, %and3A_546] : memref<80x64xi32, #tpu.memory_space<vmem>>[vector<16xi32>, vector<16xi32>], vector<16xi32>,
          %gather3A_550 = tpu.vector_load_idx %arg16[%add3A_450, %and3A_546] : memref<80x64xi32, #tpu.memory_space<vmem>>[vector<16xi32>, vector<16xi32>], vector<16xi32>,
          %bitcast3A_551 = vector.bitcast %gather3A_549 : vector<16xi32> to vector<32xbf16>
          %bitcast3A_552 = vector.bitcast %gather3A_550 : vector<16xi32> to vector<32xbf16>
          %mul3A_553 = arith.mulf %bitcast3A_551, %bitcast3A_552 : vector<32xbf16>
          %add3A_554 = arith.addf %add3A_540, %mul3A_553 : vector<32xbf16>
          %add3A_555 = arith.constant 1 : i32
          %add3A_556 = vector.broadcast %add3A_555 : i32 to vector<16xi32>
          %add3A_557 = arith.addi %and3A_546, %add3A_556 : vector<16xi32>
          %and3A_558 = arith.constant 63 : i32
          %and3A_559 = vector.broadcast %and3A_558 : i32 to vector<16xi32>
          %and3A_560 = arith.andi %add3A_557, %and3A_559 : vector<16xi32>
          %scan3A_561 = arith.constant 7 : i32
          %scan3A_562 = arith.addi %scan3A_465, %scan3A_561 : i32
          %gather3A_563 = tpu.vector_load_idx %arg15[%add3A_450, %and3A_560] : memref<80x64xi32, #tpu.memory_space<vmem>>[vector<16xi32>, vector<16xi32>], vector<16xi32>,
          %gather3A_564 = tpu.vector_load_idx %arg16[%add3A_450, %and3A_560] : memref<80x64xi32, #tpu.memory_space<vmem>>[vector<16xi32>, vector<16xi32>], vector<16xi32>,
          %bitcast3A_565 = vector.bitcast %gather3A_563 : vector<16xi32> to vector<32xbf16>
          %bitcast3A_566 = vector.bitcast %gather3A_564 : vector<16xi32> to vector<32xbf16>
          %mul3A_567 = arith.mulf %bitcast3A_565, %bitcast3A_566 : vector<32xbf16>
          %add3A_568 = arith.addf %add3A_554, %mul3A_567 : vector<32xbf16>
          %add3A_569 = arith.constant 1 : i32
          %add3A_570 = vector.broadcast %add3A_569 : i32 to vector<16xi32>
          %add3A_571 = arith.addi %and3A_560, %add3A_570 : vector<16xi32>
          %and3A_572 = arith.constant 63 : i32
          %and3A_573 = vector.broadcast %and3A_572 : i32 to vector<16xi32>
          %and3A_574 = arith.andi %add3A_571, %and3A_573 : vector<16xi32>
          scf.yield %add3A_568, %and3A_574 : vector<32xbf16>, vector<16xi32>
        }
        %scan3A_456 = arith.constant 64 : i32
        %unpack3A = tpu.unpack_subelements %scan3A_455#0, 0 {pack_format = #tpu.pack_format<interleaved>} : vector<32xbf16> -> vector<16xf32>
        %unpack3A_457 = tpu.unpack_subelements %scan3A_455#0, 1 {pack_format = #tpu.pack_format<interleaved>} : vector<32xbf16> -> vector<16xf32>
        %add3A_458 = arith.addf %unpack3A, %unpack3A_457 : vector<16xf32>
        %mul3A_459 = arith.constant 80 : i32
        %mul3A_460 = arith.muli %add3A_337, %mul3A_459 : i32
        %mul3A_461 = arith.constant 16 : i32
        %mul3A_462 = arith.muli %scan3A_446, %mul3A_461 : i32
        %add3A_463 = arith.addi %mul3A_460, %mul3A_462 : i32
        %swap3A = arith.index_cast %add3A_463 : i32 to index
        %swap3A_464 = tpu.vector_load %arg23[%swap3A] {strides = array<i32>} : memref<10000xf32, #tpu.memory_space<vmem>>, vector<16xf32>,
        tpu.vector_store %arg23[%swap3A], %add3A_458 {strides = array<i32>} : memref<10000xf32, #tpu.memory_space<vmem>>, vector<16xf32>,
      }
      %scan3A_343 = arith.constant 5 : i32
      %add3A_344 = arith.constant 2 : i32
      %add3A_345 = arith.addi %mul3A_275, %add3A_344 : i32
      %add3A_346 = arith.constant 4 : i32
      %add3A_347 = arith.addi %add3A_345, %add3A_346 : i32
      %mul3A_348 = arith.constant 80 : i32
      %mul3A_349 = arith.muli %add3A_347, %mul3A_348 : i32
      %dma_start3A_350 = tpu.memref_slice %arg11[%mul3A_349] : memref<10000xi32, #tpu.memory_space<vmem>> -> memref<80xi32, #tpu.memory_space<vmem>>
      %dma_start3A_351 = arith.constant 0 : i32
      %dma_start3A_352 = arith.constant 0 : i32
      %dma_start3A_353 = tpu.memref_slice %arg2[%dma_start3A_351, %dma_start3A_352] : memref<10000x64xi32, #tpu.memory_space<hbm>> -> memref<10000x64xi32, #tpu.memory_space<hbm>>
      tpu.enqueue_indirect_dma source(%dma_start3A_353 : memref<10000x64xi32, #tpu.memory_space<hbm>>) target(%arg15 : memref<80x64xi32, #tpu.memory_space<vmem>>) offsets(%dma_start3A_350 : memref<80xi32, #tpu.memory_space<vmem>>) semaphore(%arg25 : memref<!tpu.dma_semaphore, #tpu.memory_space<semaphore_mem>>)
      %mul3A_354 = arith.constant 80 : i32
      %mul3A_355 = arith.muli %add3A_347, %mul3A_354 : i32
      %dma_start3A_356 = tpu.memref_slice %arg12[%mul3A_355] : memref<10000xi32, #tpu.memory_space<vmem>> -> memref<80xi32, #tpu.memory_space<vmem>>
      %dma_start3A_357 = arith.constant 0 : i32
      %dma_start3A_358 = arith.constant 0 : i32
      %dma_start3A_359 = tpu.memref_slice %arg4[%dma_start3A_357, %dma_start3A_358] : memref<10000x64xi32, #tpu.memory_space<hbm>> -> memref<10000x64xi32, #tpu.memory_space<hbm>>
      tpu.enqueue_indirect_dma source(%dma_start3A_359 : memref<10000x64xi32, #tpu.memory_space<hbm>>) target(%arg16 : memref<80x64xi32, #tpu.memory_space<vmem>>) offsets(%dma_start3A_356 : memref<80xi32, #tpu.memory_space<vmem>>) semaphore(%arg25 : memref<!tpu.dma_semaphore, #tpu.memory_space<semaphore_mem>>)
      %dma_wait3A_360 = arith.constant 0 : i32
      %dma_wait3A_361 = tpu.memref_slice %arg11[%dma_wait3A_360] : memref<10000xi32, #tpu.memory_space<vmem>> -> memref<80xi32, #tpu.memory_space<vmem>>
      %dma_wait3A_362 = arith.constant 0 : i32
      %dma_wait3A_363 = arith.constant 0 : i32
      %dma_wait3A_364 = tpu.memref_slice %arg2[%dma_wait3A_362, %dma_wait3A_363] : memref<10000x64xi32, #tpu.memory_space<hbm>> -> memref<10000x64xi32, #tpu.memory_space<hbm>>
      tpu.wait_indirect_dma semaphore(%arg26 : memref<!tpu.dma_semaphore, #tpu.memory_space<semaphore_mem>>) src(%dma_wait3A_364 : memref<10000x64xi32, #tpu.memory_space<hbm>>) dst(%arg17 : memref<80x64xi32, #tpu.memory_space<vmem>>)
      %dma_wait3A_365 = arith.constant 0 : i32
      %dma_wait3A_366 = tpu.memref_slice %arg12[%dma_wait3A_365] : memref<10000xi32, #tpu.memory_space<vmem>> -> memref<80xi32, #tpu.memory_space<vmem>>
      %dma_wait3A_367 = arith.constant 0 : i32
      %dma_wait3A_368 = arith.constant 0 : i32
      %dma_wait3A_369 = tpu.memref_slice %arg4[%dma_wait3A_367, %dma_wait3A_368] : memref<10000x64xi32, #tpu.memory_space<hbm>> -> memref<10000x64xi32, #tpu.memory_space<hbm>>
      tpu.wait_indirect_dma semaphore(%arg26 : memref<!tpu.dma_semaphore, #tpu.memory_space<semaphore_mem>>) src(%dma_wait3A_369 : memref<10000x64xi32, #tpu.memory_space<hbm>>) dst(%arg18 : memref<80x64xi32, #tpu.memory_space<vmem>>)
      %add3A_370 = arith.constant 2 : i32
      %add3A_371 = arith.addi %mul3A_275, %add3A_370 : i32
      %scan3A_372 = arith.constant 0 : i32
      %scan3A_373 = arith.constant 0 : i32
      %scan3A_374 = arith.constant 5 : i32
      %scan3A_375 = arith.addi %scan3A_373, %scan3A_374 : i32
      %scan3A_376 = arith.constant 1 : i32
      scf.for %scan3A_446 = %scan3A_373 to %scan3A_375 step %scan3A_376  : i32 {
        %mul3A_447 = arith.constant 16 : i32
        %mul3A_448 = arith.muli %scan3A_446, %mul3A_447 : i32
        %add3A_449 = vector.broadcast %mul3A_448 : i32 to vector<16xi32>
        %add3A_450 = arith.addi %add3A_449, %iota3A : vector<16xi32>
        %scan3A_451 = arith.constant 0 : i32
        %scan3A_452 = arith.constant 64 : i32
        %scan3A_453 = arith.addi %scan3A_451, %scan3A_452 : i32
        %scan3A_454 = arith.constant 8 : i32
        %scan3A_455:2 = scf.for %scan3A_465 = %scan3A_451 to %scan3A_453 step %scan3A_454 iter_args(%scan3A_466 = %broadcast_in_dim3A_3, %scan3A_467 = %iota3A) -> (vector<32xbf16>, vector<16xi32>)  : i32 {
          %gather3A = tpu.vector_load_idx %arg17[%add3A_450, %scan3A_467] : memref<80x64xi32, #tpu.memory_space<vmem>>[vector<16xi32>, vector<16xi32>], vector<16xi32>,
          %gather3A_468 = tpu.vector_load_idx %arg18[%add3A_450, %scan3A_467] : memref<80x64xi32, #tpu.memory_space<vmem>>[vector<16xi32>, vector<16xi32>], vector<16xi32>,
          %bitcast3A = vector.bitcast %gather3A : vector<16xi32> to vector<32xbf16>
          %bitcast3A_469 = vector.bitcast %gather3A_468 : vector<16xi32> to vector<32xbf16>
          %mul3A_470 = arith.mulf %bitcast3A, %bitcast3A_469 : vector<32xbf16>
          %add3A_471 = arith.addf %scan3A_466, %mul3A_470 : vector<32xbf16>
          %add3A_472 = arith.constant 1 : i32
          %add3A_473 = vector.broadcast %add3A_472 : i32 to vector<16xi32>
          %add3A_474 = arith.addi %scan3A_467, %add3A_473 : vector<16xi32>
          %and3A = arith.constant 63 : i32
          %and3A_475 = vector.broadcast %and3A : i32 to vector<16xi32>
          %and3A_476 = arith.andi %add3A_474, %and3A_475 : vector<16xi32>
          %scan3A_477 = arith.constant 1 : i32
          %scan3A_478 = arith.addi %scan3A_465, %scan3A_477 : i32
          %gather3A_479 = tpu.vector_load_idx %arg17[%add3A_450, %and3A_476] : memref<80x64xi32, #tpu.memory_space<vmem>>[vector<16xi32>, vector<16xi32>], vector<16xi32>,
          %gather3A_480 = tpu.vector_load_idx %arg18[%add3A_450, %and3A_476] : memref<80x64xi32, #tpu.memory_space<vmem>>[vector<16xi32>, vector<16xi32>], vector<16xi32>,
          %bitcast3A_481 = vector.bitcast %gather3A_479 : vector<16xi32> to vector<32xbf16>
          %bitcast3A_482 = vector.bitcast %gather3A_480 : vector<16xi32> to vector<32xbf16>
          %mul3A_483 = arith.mulf %bitcast3A_481, %bitcast3A_482 : vector<32xbf16>
          %add3A_484 = arith.addf %add3A_471, %mul3A_483 : vector<32xbf16>
          %add3A_485 = arith.constant 1 : i32
          %add3A_486 = vector.broadcast %add3A_485 : i32 to vector<16xi32>
          %add3A_487 = arith.addi %and3A_476, %add3A_486 : vector<16xi32>
          %and3A_488 = arith.constant 63 : i32
          %and3A_489 = vector.broadcast %and3A_488 : i32 to vector<16xi32>
          %and3A_490 = arith.andi %add3A_487, %and3A_489 : vector<16xi32>
          %scan3A_491 = arith.constant 2 : i32
          %scan3A_492 = arith.addi %scan3A_465, %scan3A_491 : i32
          %gather3A_493 = tpu.vector_load_idx %arg17[%add3A_450, %and3A_490] : memref<80x64xi32, #tpu.memory_space<vmem>>[vector<16xi32>, vector<16xi32>], vector<16xi32>,
          %gather3A_494 = tpu.vector_load_idx %arg18[%add3A_450, %and3A_490] : memref<80x64xi32, #tpu.memory_space<vmem>>[vector<16xi32>, vector<16xi32>], vector<16xi32>,
          %bitcast3A_495 = vector.bitcast %gather3A_493 : vector<16xi32> to vector<32xbf16>
          %bitcast3A_496 = vector.bitcast %gather3A_494 : vector<16xi32> to vector<32xbf16>
          %mul3A_497 = arith.mulf %bitcast3A_495, %bitcast3A_496 : vector<32xbf16>
          %add3A_498 = arith.addf %add3A_484, %mul3A_497 : vector<32xbf16>
          %add3A_499 = arith.constant 1 : i32
          %add3A_500 = vector.broadcast %add3A_499 : i32 to vector<16xi32>
          %add3A_501 = arith.addi %and3A_490, %add3A_500 : vector<16xi32>
          %and3A_502 = arith.constant 63 : i32
          %and3A_503 = vector.broadcast %and3A_502 : i32 to vector<16xi32>
          %and3A_504 = arith.andi %add3A_501, %and3A_503 : vector<16xi32>
          %scan3A_505 = arith.constant 3 : i32
          %scan3A_506 = arith.addi %scan3A_465, %scan3A_505 : i32
          %gather3A_507 = tpu.vector_load_idx %arg17[%add3A_450, %and3A_504] : memref<80x64xi32, #tpu.memory_space<vmem>>[vector<16xi32>, vector<16xi32>], vector<16xi32>,
          %gather3A_508 = tpu.vector_load_idx %arg18[%add3A_450, %and3A_504] : memref<80x64xi32, #tpu.memory_space<vmem>>[vector<16xi32>, vector<16xi32>], vector<16xi32>,
          %bitcast3A_509 = vector.bitcast %gather3A_507 : vector<16xi32> to vector<32xbf16>
          %bitcast3A_510 = vector.bitcast %gather3A_508 : vector<16xi32> to vector<32xbf16>
          %mul3A_511 = arith.mulf %bitcast3A_509, %bitcast3A_510 : vector<32xbf16>
          %add3A_512 = arith.addf %add3A_498, %mul3A_511 : vector<32xbf16>
          %add3A_513 = arith.constant 1 : i32
          %add3A_514 = vector.broadcast %add3A_513 : i32 to vector<16xi32>
          %add3A_515 = arith.addi %and3A_504, %add3A_514 : vector<16xi32>
          %and3A_516 = arith.constant 63 : i32
          %and3A_517 = vector.broadcast %and3A_516 : i32 to vector<16xi32>
          %and3A_518 = arith.andi %add3A_515, %and3A_517 : vector<16xi32>
          %scan3A_519 = arith.constant 4 : i32
          %scan3A_520 = arith.addi %scan3A_465, %scan3A_519 : i32
          %gather3A_521 = tpu.vector_load_idx %arg17[%add3A_450, %and3A_518] : memref<80x64xi32, #tpu.memory_space<vmem>>[vector<16xi32>, vector<16xi32>], vector<16xi32>,
          %gather3A_522 = tpu.vector_load_idx %arg18[%add3A_450, %and3A_518] : memref<80x64xi32, #tpu.memory_space<vmem>>[vector<16xi32>, vector<16xi32>], vector<16xi32>,
          %bitcast3A_523 = vector.bitcast %gather3A_521 : vector<16xi32> to vector<32xbf16>
          %bitcast3A_524 = vector.bitcast %gather3A_522 : vector<16xi32> to vector<32xbf16>
          %mul3A_525 = arith.mulf %bitcast3A_523, %bitcast3A_524 : vector<32xbf16>
          %add3A_526 = arith.addf %add3A_512, %mul3A_525 : vector<32xbf16>
          %add3A_527 = arith.constant 1 : i32
          %add3A_528 = vector.broadcast %add3A_527 : i32 to vector<16xi32>
          %add3A_529 = arith.addi %and3A_518, %add3A_528 : vector<16xi32>
          %and3A_530 = arith.constant 63 : i32
          %and3A_531 = vector.broadcast %and3A_530 : i32 to vector<16xi32>
          %and3A_532 = arith.andi %add3A_529, %and3A_531 : vector<16xi32>
          %scan3A_533 = arith.constant 5 : i32
          %scan3A_534 = arith.addi %scan3A_465, %scan3A_533 : i32
          %gather3A_535 = tpu.vector_load_idx %arg17[%add3A_450, %and3A_532] : memref<80x64xi32, #tpu.memory_space<vmem>>[vector<16xi32>, vector<16xi32>], vector<16xi32>,
          %gather3A_536 = tpu.vector_load_idx %arg18[%add3A_450, %and3A_532] : memref<80x64xi32, #tpu.memory_space<vmem>>[vector<16xi32>, vector<16xi32>], vector<16xi32>,
          %bitcast3A_537 = vector.bitcast %gather3A_535 : vector<16xi32> to vector<32xbf16>
          %bitcast3A_538 = vector.bitcast %gather3A_536 : vector<16xi32> to vector<32xbf16>
          %mul3A_539 = arith.mulf %bitcast3A_537, %bitcast3A_538 : vector<32xbf16>
          %add3A_540 = arith.addf %add3A_526, %mul3A_539 : vector<32xbf16>
          %add3A_541 = arith.constant 1 : i32
          %add3A_542 = vector.broadcast %add3A_541 : i32 to vector<16xi32>
          %add3A_543 = arith.addi %and3A_532, %add3A_542 : vector<16xi32>
          %and3A_544 = arith.constant 63 : i32
          %and3A_545 = vector.broadcast %and3A_544 : i32 to vector<16xi32>
          %and3A_546 = arith.andi %add3A_543, %and3A_545 : vector<16xi32>
          %scan3A_547 = arith.constant 6 : i32
          %scan3A_548 = arith.addi %scan3A_465, %scan3A_547 : i32
          %gather3A_549 = tpu.vector_load_idx %arg17[%add3A_450, %and3A_546] : memref<80x64xi32, #tpu.memory_space<vmem>>[vector<16xi32>, vector<16xi32>], vector<16xi32>,
          %gather3A_550 = tpu.vector_load_idx %arg18[%add3A_450, %and3A_546] : memref<80x64xi32, #tpu.memory_space<vmem>>[vector<16xi32>, vector<16xi32>], vector<16xi32>,
          %bitcast3A_551 = vector.bitcast %gather3A_549 : vector<16xi32> to vector<32xbf16>
          %bitcast3A_552 = vector.bitcast %gather3A_550 : vector<16xi32> to vector<32xbf16>
          %mul3A_553 = arith.mulf %bitcast3A_551, %bitcast3A_552 : vector<32xbf16>
          %add3A_554 = arith.addf %add3A_540, %mul3A_553 : vector<32xbf16>
          %add3A_555 = arith.constant 1 : i32
          %add3A_556 = vector.broadcast %add3A_555 : i32 to vector<16xi32>
          %add3A_557 = arith.addi %and3A_546, %add3A_556 : vector<16xi32>
          %and3A_558 = arith.constant 63 : i32
          %and3A_559 = vector.broadcast %and3A_558 : i32 to vector<16xi32>
          %and3A_560 = arith.andi %add3A_557, %and3A_559 : vector<16xi32>
          %scan3A_561 = arith.constant 7 : i32
          %scan3A_562 = arith.addi %scan3A_465, %scan3A_561 : i32
          %gather3A_563 = tpu.vector_load_idx %arg17[%add3A_450, %and3A_560] : memref<80x64xi32, #tpu.memory_space<vmem>>[vector<16xi32>, vector<16xi32>], vector<16xi32>,
          %gather3A_564 = tpu.vector_load_idx %arg18[%add3A_450, %and3A_560] : memref<80x64xi32, #tpu.memory_space<vmem>>[vector<16xi32>, vector<16xi32>], vector<16xi32>,
          %bitcast3A_565 = vector.bitcast %gather3A_563 : vector<16xi32> to vector<32xbf16>
          %bitcast3A_566 = vector.bitcast %gather3A_564 : vector<16xi32> to vector<32xbf16>
          %mul3A_567 = arith.mulf %bitcast3A_565, %bitcast3A_566 : vector<32xbf16>
          %add3A_568 = arith.addf %add3A_554, %mul3A_567 : vector<32xbf16>
          %add3A_569 = arith.constant 1 : i32
          %add3A_570 = vector.broadcast %add3A_569 : i32 to vector<16xi32>
          %add3A_571 = arith.addi %and3A_560, %add3A_570 : vector<16xi32>
          %and3A_572 = arith.constant 63 : i32
          %and3A_573 = vector.broadcast %and3A_572 : i32 to vector<16xi32>
          %and3A_574 = arith.andi %add3A_571, %and3A_573 : vector<16xi32>
          scf.yield %add3A_568, %and3A_574 : vector<32xbf16>, vector<16xi32>
        }
        %scan3A_456 = arith.constant 64 : i32
        %unpack3A = tpu.unpack_subelements %scan3A_455#0, 0 {pack_format = #tpu.pack_format<interleaved>} : vector<32xbf16> -> vector<16xf32>
        %unpack3A_457 = tpu.unpack_subelements %scan3A_455#0, 1 {pack_format = #tpu.pack_format<interleaved>} : vector<32xbf16> -> vector<16xf32>
        %add3A_458 = arith.addf %unpack3A, %unpack3A_457 : vector<16xf32>
        %mul3A_459 = arith.constant 80 : i32
        %mul3A_460 = arith.muli %add3A_371, %mul3A_459 : i32
        %mul3A_461 = arith.constant 16 : i32
        %mul3A_462 = arith.muli %scan3A_446, %mul3A_461 : i32
        %add3A_463 = arith.addi %mul3A_460, %mul3A_462 : i32
        %swap3A = arith.index_cast %add3A_463 : i32 to index
        %swap3A_464 = tpu.vector_load %arg23[%swap3A] {strides = array<i32>} : memref<10000xf32, #tpu.memory_space<vmem>>, vector<16xf32>,
        tpu.vector_store %arg23[%swap3A], %add3A_458 {strides = array<i32>} : memref<10000xf32, #tpu.memory_space<vmem>>, vector<16xf32>,
      }
      %scan3A_377 = arith.constant 5 : i32
      %add3A_378 = arith.constant 3 : i32
      %add3A_379 = arith.addi %mul3A_275, %add3A_378 : i32
      %add3A_380 = arith.constant 4 : i32
      %add3A_381 = arith.addi %add3A_379, %add3A_380 : i32
      %mul3A_382 = arith.constant 80 : i32
      %mul3A_383 = arith.muli %add3A_381, %mul3A_382 : i32
      %dma_start3A_384 = tpu.memref_slice %arg11[%mul3A_383] : memref<10000xi32, #tpu.memory_space<vmem>> -> memref<80xi32, #tpu.memory_space<vmem>>
      %dma_start3A_385 = arith.constant 0 : i32
      %dma_start3A_386 = arith.constant 0 : i32
      %dma_start3A_387 = tpu.memref_slice %arg2[%dma_start3A_385, %dma_start3A_386] : memref<10000x64xi32, #tpu.memory_space<hbm>> -> memref<10000x64xi32, #tpu.memory_space<hbm>>
      tpu.enqueue_indirect_dma source(%dma_start3A_387 : memref<10000x64xi32, #tpu.memory_space<hbm>>) target(%arg17 : memref<80x64xi32, #tpu.memory_space<vmem>>) offsets(%dma_start3A_384 : memref<80xi32, #tpu.memory_space<vmem>>) semaphore(%arg26 : memref<!tpu.dma_semaphore, #tpu.memory_space<semaphore_mem>>)
      %mul3A_388 = arith.constant 80 : i32
      %mul3A_389 = arith.muli %add3A_381, %mul3A_388 : i32
      %dma_start3A_390 = tpu.memref_slice %arg12[%mul3A_389] : memref<10000xi32, #tpu.memory_space<vmem>> -> memref<80xi32, #tpu.memory_space<vmem>>
      %dma_start3A_391 = arith.constant 0 : i32
      %dma_start3A_392 = arith.constant 0 : i32
      %dma_start3A_393 = tpu.memref_slice %arg4[%dma_start3A_391, %dma_start3A_392] : memref<10000x64xi32, #tpu.memory_space<hbm>> -> memref<10000x64xi32, #tpu.memory_space<hbm>>
      tpu.enqueue_indirect_dma source(%dma_start3A_393 : memref<10000x64xi32, #tpu.memory_space<hbm>>) target(%arg18 : memref<80x64xi32, #tpu.memory_space<vmem>>) offsets(%dma_start3A_390 : memref<80xi32, #tpu.memory_space<vmem>>) semaphore(%arg26 : memref<!tpu.dma_semaphore, #tpu.memory_space<semaphore_mem>>)
      %dma_wait3A_394 = arith.constant 0 : i32
      %dma_wait3A_395 = tpu.memref_slice %arg11[%dma_wait3A_394] : memref<10000xi32, #tpu.memory_space<vmem>> -> memref<80xi32, #tpu.memory_space<vmem>>
      %dma_wait3A_396 = arith.constant 0 : i32
      %dma_wait3A_397 = arith.constant 0 : i32
      %dma_wait3A_398 = tpu.memref_slice %arg2[%dma_wait3A_396, %dma_wait3A_397] : memref<10000x64xi32, #tpu.memory_space<hbm>> -> memref<10000x64xi32, #tpu.memory_space<hbm>>
      tpu.wait_indirect_dma semaphore(%arg27 : memref<!tpu.dma_semaphore, #tpu.memory_space<semaphore_mem>>) src(%dma_wait3A_398 : memref<10000x64xi32, #tpu.memory_space<hbm>>) dst(%arg19 : memref<80x64xi32, #tpu.memory_space<vmem>>)
      %dma_wait3A_399 = arith.constant 0 : i32
      %dma_wait3A_400 = tpu.memref_slice %arg12[%dma_wait3A_399] : memref<10000xi32, #tpu.memory_space<vmem>> -> memref<80xi32, #tpu.memory_space<vmem>>
      %dma_wait3A_401 = arith.constant 0 : i32
      %dma_wait3A_402 = arith.constant 0 : i32
      %dma_wait3A_403 = tpu.memref_slice %arg4[%dma_wait3A_401, %dma_wait3A_402] : memref<10000x64xi32, #tpu.memory_space<hbm>> -> memref<10000x64xi32, #tpu.memory_space<hbm>>
      tpu.wait_indirect_dma semaphore(%arg27 : memref<!tpu.dma_semaphore, #tpu.memory_space<semaphore_mem>>) src(%dma_wait3A_403 : memref<10000x64xi32, #tpu.memory_space<hbm>>) dst(%arg20 : memref<80x64xi32, #tpu.memory_space<vmem>>)
      %add3A_404 = arith.constant 3 : i32
      %add3A_405 = arith.addi %mul3A_275, %add3A_404 : i32
      %scan3A_406 = arith.constant 0 : i32
      %scan3A_407 = arith.constant 0 : i32
      %scan3A_408 = arith.constant 5 : i32
      %scan3A_409 = arith.addi %scan3A_407, %scan3A_408 : i32
      %scan3A_410 = arith.constant 1 : i32
      scf.for %scan3A_446 = %scan3A_407 to %scan3A_409 step %scan3A_410  : i32 {
        %mul3A_447 = arith.constant 16 : i32
        %mul3A_448 = arith.muli %scan3A_446, %mul3A_447 : i32
        %add3A_449 = vector.broadcast %mul3A_448 : i32 to vector<16xi32>
        %add3A_450 = arith.addi %add3A_449, %iota3A : vector<16xi32>
        %scan3A_451 = arith.constant 0 : i32
        %scan3A_452 = arith.constant 64 : i32
        %scan3A_453 = arith.addi %scan3A_451, %scan3A_452 : i32
        %scan3A_454 = arith.constant 8 : i32
        %scan3A_455:2 = scf.for %scan3A_465 = %scan3A_451 to %scan3A_453 step %scan3A_454 iter_args(%scan3A_466 = %broadcast_in_dim3A_3, %scan3A_467 = %iota3A) -> (vector<32xbf16>, vector<16xi32>)  : i32 {
          %gather3A = tpu.vector_load_idx %arg19[%add3A_450, %scan3A_467] : memref<80x64xi32, #tpu.memory_space<vmem>>[vector<16xi32>, vector<16xi32>], vector<16xi32>,
          %gather3A_468 = tpu.vector_load_idx %arg20[%add3A_450, %scan3A_467] : memref<80x64xi32, #tpu.memory_space<vmem>>[vector<16xi32>, vector<16xi32>], vector<16xi32>,
          %bitcast3A = vector.bitcast %gather3A : vector<16xi32> to vector<32xbf16>
          %bitcast3A_469 = vector.bitcast %gather3A_468 : vector<16xi32> to vector<32xbf16>
          %mul3A_470 = arith.mulf %bitcast3A, %bitcast3A_469 : vector<32xbf16>
          %add3A_471 = arith.addf %scan3A_466, %mul3A_470 : vector<32xbf16>
          %add3A_472 = arith.constant 1 : i32
          %add3A_473 = vector.broadcast %add3A_472 : i32 to vector<16xi32>
          %add3A_474 = arith.addi %scan3A_467, %add3A_473 : vector<16xi32>
          %and3A = arith.constant 63 : i32
          %and3A_475 = vector.broadcast %and3A : i32 to vector<16xi32>
          %and3A_476 = arith.andi %add3A_474, %and3A_475 : vector<16xi32>
          %scan3A_477 = arith.constant 1 : i32
          %scan3A_478 = arith.addi %scan3A_465, %scan3A_477 : i32
          %gather3A_479 = tpu.vector_load_idx %arg19[%add3A_450, %and3A_476] : memref<80x64xi32, #tpu.memory_space<vmem>>[vector<16xi32>, vector<16xi32>], vector<16xi32>,
          %gather3A_480 = tpu.vector_load_idx %arg20[%add3A_450, %and3A_476] : memref<80x64xi32, #tpu.memory_space<vmem>>[vector<16xi32>, vector<16xi32>], vector<16xi32>,
          %bitcast3A_481 = vector.bitcast %gather3A_479 : vector<16xi32> to vector<32xbf16>
          %bitcast3A_482 = vector.bitcast %gather3A_480 : vector<16xi32> to vector<32xbf16>
          %mul3A_483 = arith.mulf %bitcast3A_481, %bitcast3A_482 : vector<32xbf16>
          %add3A_484 = arith.addf %add3A_471, %mul3A_483 : vector<32xbf16>
          %add3A_485 = arith.constant 1 : i32
          %add3A_486 = vector.broadcast %add3A_485 : i32 to vector<16xi32>
          %add3A_487 = arith.addi %and3A_476, %add3A_486 : vector<16xi32>
          %and3A_488 = arith.constant 63 : i32
          %and3A_489 = vector.broadcast %and3A_488 : i32 to vector<16xi32>
          %and3A_490 = arith.andi %add3A_487, %and3A_489 : vector<16xi32>
          %scan3A_491 = arith.constant 2 : i32
          %scan3A_492 = arith.addi %scan3A_465, %scan3A_491 : i32
          %gather3A_493 = tpu.vector_load_idx %arg19[%add3A_450, %and3A_490] : memref<80x64xi32, #tpu.memory_space<vmem>>[vector<16xi32>, vector<16xi32>], vector<16xi32>,
          %gather3A_494 = tpu.vector_load_idx %arg20[%add3A_450, %and3A_490] : memref<80x64xi32, #tpu.memory_space<vmem>>[vector<16xi32>, vector<16xi32>], vector<16xi32>,
          %bitcast3A_495 = vector.bitcast %gather3A_493 : vector<16xi32> to vector<32xbf16>
          %bitcast3A_496 = vector.bitcast %gather3A_494 : vector<16xi32> to vector<32xbf16>
          %mul3A_497 = arith.mulf %bitcast3A_495, %bitcast3A_496 : vector<32xbf16>
          %add3A_498 = arith.addf %add3A_484, %mul3A_497 : vector<32xbf16>
          %add3A_499 = arith.constant 1 : i32
          %add3A_500 = vector.broadcast %add3A_499 : i32 to vector<16xi32>
          %add3A_501 = arith.addi %and3A_490, %add3A_500 : vector<16xi32>
          %and3A_502 = arith.constant 63 : i32
          %and3A_503 = vector.broadcast %and3A_502 : i32 to vector<16xi32>
          %and3A_504 = arith.andi %add3A_501, %and3A_503 : vector<16xi32>
          %scan3A_505 = arith.constant 3 : i32
          %scan3A_506 = arith.addi %scan3A_465, %scan3A_505 : i32
          %gather3A_507 = tpu.vector_load_idx %arg19[%add3A_450, %and3A_504] : memref<80x64xi32, #tpu.memory_space<vmem>>[vector<16xi32>, vector<16xi32>], vector<16xi32>,
          %gather3A_508 = tpu.vector_load_idx %arg20[%add3A_450, %and3A_504] : memref<80x64xi32, #tpu.memory_space<vmem>>[vector<16xi32>, vector<16xi32>], vector<16xi32>,
          %bitcast3A_509 = vector.bitcast %gather3A_507 : vector<16xi32> to vector<32xbf16>
          %bitcast3A_510 = vector.bitcast %gather3A_508 : vector<16xi32> to vector<32xbf16>
          %mul3A_511 = arith.mulf %bitcast3A_509, %bitcast3A_510 : vector<32xbf16>
          %add3A_512 = arith.addf %add3A_498, %mul3A_511 : vector<32xbf16>
          %add3A_513 = arith.constant 1 : i32
          %add3A_514 = vector.broadcast %add3A_513 : i32 to vector<16xi32>
          %add3A_515 = arith.addi %and3A_504, %add3A_514 : vector<16xi32>
          %and3A_516 = arith.constant 63 : i32
          %and3A_517 = vector.broadcast %and3A_516 : i32 to vector<16xi32>
          %and3A_518 = arith.andi %add3A_515, %and3A_517 : vector<16xi32>
          %scan3A_519 = arith.constant 4 : i32
          %scan3A_520 = arith.addi %scan3A_465, %scan3A_519 : i32
          %gather3A_521 = tpu.vector_load_idx %arg19[%add3A_450, %and3A_518] : memref<80x64xi32, #tpu.memory_space<vmem>>[vector<16xi32>, vector<16xi32>], vector<16xi32>,
          %gather3A_522 = tpu.vector_load_idx %arg20[%add3A_450, %and3A_518] : memref<80x64xi32, #tpu.memory_space<vmem>>[vector<16xi32>, vector<16xi32>], vector<16xi32>,
          %bitcast3A_523 = vector.bitcast %gather3A_521 : vector<16xi32> to vector<32xbf16>
          %bitcast3A_524 = vector.bitcast %gather3A_522 : vector<16xi32> to vector<32xbf16>
          %mul3A_525 = arith.mulf %bitcast3A_523, %bitcast3A_524 : vector<32xbf16>
          %add3A_526 = arith.addf %add3A_512, %mul3A_525 : vector<32xbf16>
          %add3A_527 = arith.constant 1 : i32
          %add3A_528 = vector.broadcast %add3A_527 : i32 to vector<16xi32>
          %add3A_529 = arith.addi %and3A_518, %add3A_528 : vector<16xi32>
          %and3A_530 = arith.constant 63 : i32
          %and3A_531 = vector.broadcast %and3A_530 : i32 to vector<16xi32>
          %and3A_532 = arith.andi %add3A_529, %and3A_531 : vector<16xi32>
          %scan3A_533 = arith.constant 5 : i32
          %scan3A_534 = arith.addi %scan3A_465, %scan3A_533 : i32
          %gather3A_535 = tpu.vector_load_idx %arg19[%add3A_450, %and3A_532] : memref<80x64xi32, #tpu.memory_space<vmem>>[vector<16xi32>, vector<16xi32>], vector<16xi32>,
          %gather3A_536 = tpu.vector_load_idx %arg20[%add3A_450, %and3A_532] : memref<80x64xi32, #tpu.memory_space<vmem>>[vector<16xi32>, vector<16xi32>], vector<16xi32>,
          %bitcast3A_537 = vector.bitcast %gather3A_535 : vector<16xi32> to vector<32xbf16>
          %bitcast3A_538 = vector.bitcast %gather3A_536 : vector<16xi32> to vector<32xbf16>
          %mul3A_539 = arith.mulf %bitcast3A_537, %bitcast3A_538 : vector<32xbf16>
          %add3A_540 = arith.addf %add3A_526, %mul3A_539 : vector<32xbf16>
          %add3A_541 = arith.constant 1 : i32
          %add3A_542 = vector.broadcast %add3A_541 : i32 to vector<16xi32>
          %add3A_543 = arith.addi %and3A_532, %add3A_542 : vector<16xi32>
          %and3A_544 = arith.constant 63 : i32
          %and3A_545 = vector.broadcast %and3A_544 : i32 to vector<16xi32>
          %and3A_546 = arith.andi %add3A_543, %and3A_545 : vector<16xi32>
          %scan3A_547 = arith.constant 6 : i32
          %scan3A_548 = arith.addi %scan3A_465, %scan3A_547 : i32
          %gather3A_549 = tpu.vector_load_idx %arg19[%add3A_450, %and3A_546] : memref<80x64xi32, #tpu.memory_space<vmem>>[vector<16xi32>, vector<16xi32>], vector<16xi32>,
          %gather3A_550 = tpu.vector_load_idx %arg20[%add3A_450, %and3A_546] : memref<80x64xi32, #tpu.memory_space<vmem>>[vector<16xi32>, vector<16xi32>], vector<16xi32>,
          %bitcast3A_551 = vector.bitcast %gather3A_549 : vector<16xi32> to vector<32xbf16>
          %bitcast3A_552 = vector.bitcast %gather3A_550 : vector<16xi32> to vector<32xbf16>
          %mul3A_553 = arith.mulf %bitcast3A_551, %bitcast3A_552 : vector<32xbf16>
          %add3A_554 = arith.addf %add3A_540, %mul3A_553 : vector<32xbf16>
          %add3A_555 = arith.constant 1 : i32
          %add3A_556 = vector.broadcast %add3A_555 : i32 to vector<16xi32>
          %add3A_557 = arith.addi %and3A_546, %add3A_556 : vector<16xi32>
          %and3A_558 = arith.constant 63 : i32
          %and3A_559 = vector.broadcast %and3A_558 : i32 to vector<16xi32>
          %and3A_560 = arith.andi %add3A_557, %and3A_559 : vector<16xi32>
          %scan3A_561 = arith.constant 7 : i32
          %scan3A_562 = arith.addi %scan3A_465, %scan3A_561 : i32
          %gather3A_563 = tpu.vector_load_idx %arg19[%add3A_450, %and3A_560] : memref<80x64xi32, #tpu.memory_space<vmem>>[vector<16xi32>, vector<16xi32>], vector<16xi32>,
          %gather3A_564 = tpu.vector_load_idx %arg20[%add3A_450, %and3A_560] : memref<80x64xi32, #tpu.memory_space<vmem>>[vector<16xi32>, vector<16xi32>], vector<16xi32>,
          %bitcast3A_565 = vector.bitcast %gather3A_563 : vector<16xi32> to vector<32xbf16>
          %bitcast3A_566 = vector.bitcast %gather3A_564 : vector<16xi32> to vector<32xbf16>
          %mul3A_567 = arith.mulf %bitcast3A_565, %bitcast3A_566 : vector<32xbf16>
          %add3A_568 = arith.addf %add3A_554, %mul3A_567 : vector<32xbf16>
          %add3A_569 = arith.constant 1 : i32
          %add3A_570 = vector.broadcast %add3A_569 : i32 to vector<16xi32>
          %add3A_571 = arith.addi %and3A_560, %add3A_570 : vector<16xi32>
          %and3A_572 = arith.constant 63 : i32
          %and3A_573 = vector.broadcast %and3A_572 : i32 to vector<16xi32>
          %and3A_574 = arith.andi %add3A_571, %and3A_573 : vector<16xi32>
          scf.yield %add3A_568, %and3A_574 : vector<32xbf16>, vector<16xi32>
        }
        %scan3A_456 = arith.constant 64 : i32
        %unpack3A = tpu.unpack_subelements %scan3A_455#0, 0 {pack_format = #tpu.pack_format<interleaved>} : vector<32xbf16> -> vector<16xf32>
        %unpack3A_457 = tpu.unpack_subelements %scan3A_455#0, 1 {pack_format = #tpu.pack_format<interleaved>} : vector<32xbf16> -> vector<16xf32>
        %add3A_458 = arith.addf %unpack3A, %unpack3A_457 : vector<16xf32>
        %mul3A_459 = arith.constant 80 : i32
        %mul3A_460 = arith.muli %add3A_405, %mul3A_459 : i32
        %mul3A_461 = arith.constant 16 : i32
        %mul3A_462 = arith.muli %scan3A_446, %mul3A_461 : i32
        %add3A_463 = arith.addi %mul3A_460, %mul3A_462 : i32
        %swap3A = arith.index_cast %add3A_463 : i32 to index
        %swap3A_464 = tpu.vector_load %arg23[%swap3A] {strides = array<i32>} : memref<10000xf32, #tpu.memory_space<vmem>>, vector<16xf32>,
        tpu.vector_store %arg23[%swap3A], %add3A_458 {strides = array<i32>} : memref<10000xf32, #tpu.memory_space<vmem>>, vector<16xf32>,
      }
      %scan3A_411 = arith.constant 5 : i32
      %add3A_412 = arith.constant 4 : i32
      %add3A_413 = arith.addi %mul3A_275, %add3A_412 : i32
      %add3A_414 = arith.constant 4 : i32
      %add3A_415 = arith.addi %add3A_413, %add3A_414 : i32
      %mul3A_416 = arith.constant 80 : i32
      %mul3A_417 = arith.muli %add3A_415, %mul3A_416 : i32
      %dma_start3A_418 = tpu.memref_slice %arg11[%mul3A_417] : memref<10000xi32, #tpu.memory_space<vmem>> -> memref<80xi32, #tpu.memory_space<vmem>>
      %dma_start3A_419 = arith.constant 0 : i32
      %dma_start3A_420 = arith.constant 0 : i32
      %dma_start3A_421 = tpu.memref_slice %arg2[%dma_start3A_419, %dma_start3A_420] : memref<10000x64xi32, #tpu.memory_space<hbm>> -> memref<10000x64xi32, #tpu.memory_space<hbm>>
      tpu.enqueue_indirect_dma source(%dma_start3A_421 : memref<10000x64xi32, #tpu.memory_space<hbm>>) target(%arg19 : memref<80x64xi32, #tpu.memory_space<vmem>>) offsets(%dma_start3A_418 : memref<80xi32, #tpu.memory_space<vmem>>) semaphore(%arg27 : memref<!tpu.dma_semaphore, #tpu.memory_space<semaphore_mem>>)
      %mul3A_422 = arith.constant 80 : i32
      %mul3A_423 = arith.muli %add3A_415, %mul3A_422 : i32
      %dma_start3A_424 = tpu.memref_slice %arg12[%mul3A_423] : memref<10000xi32, #tpu.memory_space<vmem>> -> memref<80xi32, #tpu.memory_space<vmem>>
      %dma_start3A_425 = arith.constant 0 : i32
      %dma_start3A_426 = arith.constant 0 : i32
      %dma_start3A_427 = tpu.memref_slice %arg4[%dma_start3A_425, %dma_start3A_426] : memref<10000x64xi32, #tpu.memory_space<hbm>> -> memref<10000x64xi32, #tpu.memory_space<hbm>>
      tpu.enqueue_indirect_dma source(%dma_start3A_427 : memref<10000x64xi32, #tpu.memory_space<hbm>>) target(%arg20 : memref<80x64xi32, #tpu.memory_space<vmem>>) offsets(%dma_start3A_424 : memref<80xi32, #tpu.memory_space<vmem>>) semaphore(%arg27 : memref<!tpu.dma_semaphore, #tpu.memory_space<semaphore_mem>>)
      %dma_wait3A_428 = arith.constant 0 : i32
      %dma_wait3A_429 = tpu.memref_slice %arg11[%dma_wait3A_428] : memref<10000xi32, #tpu.memory_space<vmem>> -> memref<80xi32, #tpu.memory_space<vmem>>
      %dma_wait3A_430 = arith.constant 0 : i32
      %dma_wait3A_431 = arith.constant 0 : i32
      %dma_wait3A_432 = tpu.memref_slice %arg2[%dma_wait3A_430, %dma_wait3A_431] : memref<10000x64xi32, #tpu.memory_space<hbm>> -> memref<10000x64xi32, #tpu.memory_space<hbm>>
      tpu.wait_indirect_dma semaphore(%arg28 : memref<!tpu.dma_semaphore, #tpu.memory_space<semaphore_mem>>) src(%dma_wait3A_432 : memref<10000x64xi32, #tpu.memory_space<hbm>>) dst(%arg21 : memref<80x64xi32, #tpu.memory_space<vmem>>)
      %dma_wait3A_433 = arith.constant 0 : i32
      %dma_wait3A_434 = tpu.memref_slice %arg12[%dma_wait3A_433] : memref<10000xi32, #tpu.memory_space<vmem>> -> memref<80xi32, #tpu.memory_space<vmem>>
      %dma_wait3A_435 = arith.constant 0 : i32
      %dma_wait3A_436 = arith.constant 0 : i32
      %dma_wait3A_437 = tpu.memref_slice %arg4[%dma_wait3A_435, %dma_wait3A_436] : memref<10000x64xi32, #tpu.memory_space<hbm>> -> memref<10000x64xi32, #tpu.memory_space<hbm>>
      tpu.wait_indirect_dma semaphore(%arg28 : memref<!tpu.dma_semaphore, #tpu.memory_space<semaphore_mem>>) src(%dma_wait3A_437 : memref<10000x64xi32, #tpu.memory_space<hbm>>) dst(%arg22 : memref<80x64xi32, #tpu.memory_space<vmem>>)
      %add3A_438 = arith.constant 4 : i32
      %add3A_439 = arith.addi %mul3A_275, %add3A_438 : i32
      %scan3A_440 = arith.constant 0 : i32
      %scan3A_441 = arith.constant 0 : i32
      %scan3A_442 = arith.constant 5 : i32
      %scan3A_443 = arith.addi %scan3A_441, %scan3A_442 : i32
      %scan3A_444 = arith.constant 1 : i32
      scf.for %scan3A_446 = %scan3A_441 to %scan3A_443 step %scan3A_444  : i32 {
        %mul3A_447 = arith.constant 16 : i32
        %mul3A_448 = arith.muli %scan3A_446, %mul3A_447 : i32
        %add3A_449 = vector.broadcast %mul3A_448 : i32 to vector<16xi32>
        %add3A_450 = arith.addi %add3A_449, %iota3A : vector<16xi32>
        %scan3A_451 = arith.constant 0 : i32
        %scan3A_452 = arith.constant 64 : i32
        %scan3A_453 = arith.addi %scan3A_451, %scan3A_452 : i32
        %scan3A_454 = arith.constant 8 : i32
        %scan3A_455:2 = scf.for %scan3A_465 = %scan3A_451 to %scan3A_453 step %scan3A_454 iter_args(%scan3A_466 = %broadcast_in_dim3A_3, %scan3A_467 = %iota3A) -> (vector<32xbf16>, vector<16xi32>)  : i32 {
          %gather3A = tpu.vector_load_idx %arg21[%add3A_450, %scan3A_467] : memref<80x64xi32, #tpu.memory_space<vmem>>[vector<16xi32>, vector<16xi32>], vector<16xi32>,
          %gather3A_468 = tpu.vector_load_idx %arg22[%add3A_450, %scan3A_467] : memref<80x64xi32, #tpu.memory_space<vmem>>[vector<16xi32>, vector<16xi32>], vector<16xi32>,
          %bitcast3A = vector.bitcast %gather3A : vector<16xi32> to vector<32xbf16>
          %bitcast3A_469 = vector.bitcast %gather3A_468 : vector<16xi32> to vector<32xbf16>
          %mul3A_470 = arith.mulf %bitcast3A, %bitcast3A_469 : vector<32xbf16>
          %add3A_471 = arith.addf %scan3A_466, %mul3A_470 : vector<32xbf16>
          %add3A_472 = arith.constant 1 : i32
          %add3A_473 = vector.broadcast %add3A_472 : i32 to vector<16xi32>
          %add3A_474 = arith.addi %scan3A_467, %add3A_473 : vector<16xi32>
          %and3A = arith.constant 63 : i32
          %and3A_475 = vector.broadcast %and3A : i32 to vector<16xi32>
          %and3A_476 = arith.andi %add3A_474, %and3A_475 : vector<16xi32>
          %scan3A_477 = arith.constant 1 : i32
          %scan3A_478 = arith.addi %scan3A_465, %scan3A_477 : i32
          %gather3A_479 = tpu.vector_load_idx %arg21[%add3A_450, %and3A_476] : memref<80x64xi32, #tpu.memory_space<vmem>>[vector<16xi32>, vector<16xi32>], vector<16xi32>,
          %gather3A_480 = tpu.vector_load_idx %arg22[%add3A_450, %and3A_476] : memref<80x64xi32, #tpu.memory_space<vmem>>[vector<16xi32>, vector<16xi32>], vector<16xi32>,
          %bitcast3A_481 = vector.bitcast %gather3A_479 : vector<16xi32> to vector<32xbf16>
          %bitcast3A_482 = vector.bitcast %gather3A_480 : vector<16xi32> to vector<32xbf16>
          %mul3A_483 = arith.mulf %bitcast3A_481, %bitcast3A_482 : vector<32xbf16>
          %add3A_484 = arith.addf %add3A_471, %mul3A_483 : vector<32xbf16>
          %add3A_485 = arith.constant 1 : i32
          %add3A_486 = vector.broadcast %add3A_485 : i32 to vector<16xi32>
          %add3A_487 = arith.addi %and3A_476, %add3A_486 : vector<16xi32>
          %and3A_488 = arith.constant 63 : i32
          %and3A_489 = vector.broadcast %and3A_488 : i32 to vector<16xi32>
          %and3A_490 = arith.andi %add3A_487, %and3A_489 : vector<16xi32>
          %scan3A_491 = arith.constant 2 : i32
          %scan3A_492 = arith.addi %scan3A_465, %scan3A_491 : i32
          %gather3A_493 = tpu.vector_load_idx %arg21[%add3A_450, %and3A_490] : memref<80x64xi32, #tpu.memory_space<vmem>>[vector<16xi32>, vector<16xi32>], vector<16xi32>,
          %gather3A_494 = tpu.vector_load_idx %arg22[%add3A_450, %and3A_490] : memref<80x64xi32, #tpu.memory_space<vmem>>[vector<16xi32>, vector<16xi32>], vector<16xi32>,
          %bitcast3A_495 = vector.bitcast %gather3A_493 : vector<16xi32> to vector<32xbf16>
          %bitcast3A_496 = vector.bitcast %gather3A_494 : vector<16xi32> to vector<32xbf16>
          %mul3A_497 = arith.mulf %bitcast3A_495, %bitcast3A_496 : vector<32xbf16>
          %add3A_498 = arith.addf %add3A_484, %mul3A_497 : vector<32xbf16>
          %add3A_499 = arith.constant 1 : i32
          %add3A_500 = vector.broadcast %add3A_499 : i32 to vector<16xi32>
          %add3A_501 = arith.addi %and3A_490, %add3A_500 : vector<16xi32>
          %and3A_502 = arith.constant 63 : i32
          %and3A_503 = vector.broadcast %and3A_502 : i32 to vector<16xi32>
          %and3A_504 = arith.andi %add3A_501, %and3A_503 : vector<16xi32>
          %scan3A_505 = arith.constant 3 : i32
          %scan3A_506 = arith.addi %scan3A_465, %scan3A_505 : i32
          %gather3A_507 = tpu.vector_load_idx %arg21[%add3A_450, %and3A_504] : memref<80x64xi32, #tpu.memory_space<vmem>>[vector<16xi32>, vector<16xi32>], vector<16xi32>,
          %gather3A_508 = tpu.vector_load_idx %arg22[%add3A_450, %and3A_504] : memref<80x64xi32, #tpu.memory_space<vmem>>[vector<16xi32>, vector<16xi32>], vector<16xi32>,
          %bitcast3A_509 = vector.bitcast %gather3A_507 : vector<16xi32> to vector<32xbf16>
          %bitcast3A_510 = vector.bitcast %gather3A_508 : vector<16xi32> to vector<32xbf16>
          %mul3A_511 = arith.mulf %bitcast3A_509, %bitcast3A_510 : vector<32xbf16>
          %add3A_512 = arith.addf %add3A_498, %mul3A_511 : vector<32xbf16>
          %add3A_513 = arith.constant 1 : i32
          %add3A_514 = vector.broadcast %add3A_513 : i32 to vector<16xi32>
          %add3A_515 = arith.addi %and3A_504, %add3A_514 : vector<16xi32>
          %and3A_516 = arith.constant 63 : i32
          %and3A_517 = vector.broadcast %and3A_516 : i32 to vector<16xi32>
          %and3A_518 = arith.andi %add3A_515, %and3A_517 : vector<16xi32>
          %scan3A_519 = arith.constant 4 : i32
          %scan3A_520 = arith.addi %scan3A_465, %scan3A_519 : i32
          %gather3A_521 = tpu.vector_load_idx %arg21[%add3A_450, %and3A_518] : memref<80x64xi32, #tpu.memory_space<vmem>>[vector<16xi32>, vector<16xi32>], vector<16xi32>,
          %gather3A_522 = tpu.vector_load_idx %arg22[%add3A_450, %and3A_518] : memref<80x64xi32, #tpu.memory_space<vmem>>[vector<16xi32>, vector<16xi32>], vector<16xi32>,
          %bitcast3A_523 = vector.bitcast %gather3A_521 : vector<16xi32> to vector<32xbf16>
          %bitcast3A_524 = vector.bitcast %gather3A_522 : vector<16xi32> to vector<32xbf16>
          %mul3A_525 = arith.mulf %bitcast3A_523, %bitcast3A_524 : vector<32xbf16>
          %add3A_526 = arith.addf %add3A_512, %mul3A_525 : vector<32xbf16>
          %add3A_527 = arith.constant 1 : i32
          %add3A_528 = vector.broadcast %add3A_527 : i32 to vector<16xi32>
          %add3A_529 = arith.addi %and3A_518, %add3A_528 : vector<16xi32>
          %and3A_530 = arith.constant 63 : i32
          %and3A_531 = vector.broadcast %and3A_530 : i32 to vector<16xi32>
          %and3A_532 = arith.andi %add3A_529, %and3A_531 : vector<16xi32>
          %scan3A_533 = arith.constant 5 : i32
          %scan3A_534 = arith.addi %scan3A_465, %scan3A_533 : i32
          %gather3A_535 = tpu.vector_load_idx %arg21[%add3A_450, %and3A_532] : memref<80x64xi32, #tpu.memory_space<vmem>>[vector<16xi32>, vector<16xi32>], vector<16xi32>,
          %gather3A_536 = tpu.vector_load_idx %arg22[%add3A_450, %and3A_532] : memref<80x64xi32, #tpu.memory_space<vmem>>[vector<16xi32>, vector<16xi32>], vector<16xi32>,
          %bitcast3A_537 = vector.bitcast %gather3A_535 : vector<16xi32> to vector<32xbf16>
          %bitcast3A_538 = vector.bitcast %gather3A_536 : vector<16xi32> to vector<32xbf16>
          %mul3A_539 = arith.mulf %bitcast3A_537, %bitcast3A_538 : vector<32xbf16>
          %add3A_540 = arith.addf %add3A_526, %mul3A_539 : vector<32xbf16>
          %add3A_541 = arith.constant 1 : i32
          %add3A_542 = vector.broadcast %add3A_541 : i32 to vector<16xi32>
          %add3A_543 = arith.addi %and3A_532, %add3A_542 : vector<16xi32>
          %and3A_544 = arith.constant 63 : i32
          %and3A_545 = vector.broadcast %and3A_544 : i32 to vector<16xi32>
          %and3A_546 = arith.andi %add3A_543, %and3A_545 : vector<16xi32>
          %scan3A_547 = arith.constant 6 : i32
          %scan3A_548 = arith.addi %scan3A_465, %scan3A_547 : i32
          %gather3A_549 = tpu.vector_load_idx %arg21[%add3A_450, %and3A_546] : memref<80x64xi32, #tpu.memory_space<vmem>>[vector<16xi32>, vector<16xi32>], vector<16xi32>,
          %gather3A_550 = tpu.vector_load_idx %arg22[%add3A_450, %and3A_546] : memref<80x64xi32, #tpu.memory_space<vmem>>[vector<16xi32>, vector<16xi32>], vector<16xi32>,
          %bitcast3A_551 = vector.bitcast %gather3A_549 : vector<16xi32> to vector<32xbf16>
          %bitcast3A_552 = vector.bitcast %gather3A_550 : vector<16xi32> to vector<32xbf16>
          %mul3A_553 = arith.mulf %bitcast3A_551, %bitcast3A_552 : vector<32xbf16>
          %add3A_554 = arith.addf %add3A_540, %mul3A_553 : vector<32xbf16>
          %add3A_555 = arith.constant 1 : i32
          %add3A_556 = vector.broadcast %add3A_555 : i32 to vector<16xi32>
          %add3A_557 = arith.addi %and3A_546, %add3A_556 : vector<16xi32>
          %and3A_558 = arith.constant 63 : i32
          %and3A_559 = vector.broadcast %and3A_558 : i32 to vector<16xi32>
          %and3A_560 = arith.andi %add3A_557, %and3A_559 : vector<16xi32>
          %scan3A_561 = arith.constant 7 : i32
          %scan3A_562 = arith.addi %scan3A_465, %scan3A_561 : i32
          %gather3A_563 = tpu.vector_load_idx %arg21[%add3A_450, %and3A_560] : memref<80x64xi32, #tpu.memory_space<vmem>>[vector<16xi32>, vector<16xi32>], vector<16xi32>,
          %gather3A_564 = tpu.vector_load_idx %arg22[%add3A_450, %and3A_560] : memref<80x64xi32, #tpu.memory_space<vmem>>[vector<16xi32>, vector<16xi32>], vector<16xi32>,
          %bitcast3A_565 = vector.bitcast %gather3A_563 : vector<16xi32> to vector<32xbf16>
          %bitcast3A_566 = vector.bitcast %gather3A_564 : vector<16xi32> to vector<32xbf16>
          %mul3A_567 = arith.mulf %bitcast3A_565, %bitcast3A_566 : vector<32xbf16>
          %add3A_568 = arith.addf %add3A_554, %mul3A_567 : vector<32xbf16>
          %add3A_569 = arith.constant 1 : i32
          %add3A_570 = vector.broadcast %add3A_569 : i32 to vector<16xi32>
          %add3A_571 = arith.addi %and3A_560, %add3A_570 : vector<16xi32>
          %and3A_572 = arith.constant 63 : i32
          %and3A_573 = vector.broadcast %and3A_572 : i32 to vector<16xi32>
          %and3A_574 = arith.andi %add3A_571, %and3A_573 : vector<16xi32>
          scf.yield %add3A_568, %and3A_574 : vector<32xbf16>, vector<16xi32>
        }
        %scan3A_456 = arith.constant 64 : i32
        %unpack3A = tpu.unpack_subelements %scan3A_455#0, 0 {pack_format = #tpu.pack_format<interleaved>} : vector<32xbf16> -> vector<16xf32>
        %unpack3A_457 = tpu.unpack_subelements %scan3A_455#0, 1 {pack_format = #tpu.pack_format<interleaved>} : vector<32xbf16> -> vector<16xf32>
        %add3A_458 = arith.addf %unpack3A, %unpack3A_457 : vector<16xf32>
        %mul3A_459 = arith.constant 80 : i32
        %mul3A_460 = arith.muli %add3A_439, %mul3A_459 : i32
        %mul3A_461 = arith.constant 16 : i32
        %mul3A_462 = arith.muli %scan3A_446, %mul3A_461 : i32
        %add3A_463 = arith.addi %mul3A_460, %mul3A_462 : i32
        %swap3A = arith.index_cast %add3A_463 : i32 to index
        %swap3A_464 = tpu.vector_load %arg23[%swap3A] {strides = array<i32>} : memref<10000xf32, #tpu.memory_space<vmem>>, vector<16xf32>,
        tpu.vector_store %arg23[%swap3A], %add3A_458 {strides = array<i32>} : memref<10000xf32, #tpu.memory_space<vmem>>, vector<16xf32>,
      }
      %scan3A_445 = arith.constant 5 : i32
    }
    %scan3A_47 = arith.constant 24 : i32
    %dma_start3A_48 = arith.constant 9920 : i32
    %dma_start3A_49 = tpu.memref_slice %arg11[%dma_start3A_48] : memref<10000xi32, #tpu.memory_space<vmem>> -> memref<80xi32, #tpu.memory_space<vmem>>
    %dma_start3A_50 = arith.constant 0 : i32
    %dma_start3A_51 = arith.constant 0 : i32
    %dma_start3A_52 = tpu.memref_slice %arg2[%dma_start3A_50, %dma_start3A_51] : memref<10000x64xi32, #tpu.memory_space<hbm>> -> memref<10000x64xi32, #tpu.memory_space<hbm>>
    tpu.enqueue_indirect_dma source(%dma_start3A_52 : memref<10000x64xi32, #tpu.memory_space<hbm>>) target(%arg21 : memref<80x64xi32, #tpu.memory_space<vmem>>) offsets(%dma_start3A_49 : memref<80xi32, #tpu.memory_space<vmem>>) semaphore(%arg28 : memref<!tpu.dma_semaphore, #tpu.memory_space<semaphore_mem>>)
    %dma_start3A_53 = arith.constant 9920 : i32
    %dma_start3A_54 = tpu.memref_slice %arg12[%dma_start3A_53] : memref<10000xi32, #tpu.memory_space<vmem>> -> memref<80xi32, #tpu.memory_space<vmem>>
    %dma_start3A_55 = arith.constant 0 : i32
    %dma_start3A_56 = arith.constant 0 : i32
    %dma_start3A_57 = tpu.memref_slice %arg4[%dma_start3A_55, %dma_start3A_56] : memref<10000x64xi32, #tpu.memory_space<hbm>> -> memref<10000x64xi32, #tpu.memory_space<hbm>>
    tpu.enqueue_indirect_dma source(%dma_start3A_57 : memref<10000x64xi32, #tpu.memory_space<hbm>>) target(%arg22 : memref<80x64xi32, #tpu.memory_space<vmem>>) offsets(%dma_start3A_54 : memref<80xi32, #tpu.memory_space<vmem>>) semaphore(%arg28 : memref<!tpu.dma_semaphore, #tpu.memory_space<semaphore_mem>>)
    %dma_wait3A = arith.constant 0 : i32
    %dma_wait3A_58 = tpu.memref_slice %arg11[%dma_wait3A] : memref<10000xi32, #tpu.memory_space<vmem>> -> memref<80xi32, #tpu.memory_space<vmem>>
    %dma_wait3A_59 = arith.constant 0 : i32
    %dma_wait3A_60 = arith.constant 0 : i32
    %dma_wait3A_61 = tpu.memref_slice %arg2[%dma_wait3A_59, %dma_wait3A_60] : memref<10000x64xi32, #tpu.memory_space<hbm>> -> memref<10000x64xi32, #tpu.memory_space<hbm>>
    tpu.wait_indirect_dma semaphore(%arg24 : memref<!tpu.dma_semaphore, #tpu.memory_space<semaphore_mem>>) src(%dma_wait3A_61 : memref<10000x64xi32, #tpu.memory_space<hbm>>) dst(%arg13 : memref<80x64xi32, #tpu.memory_space<vmem>>)
    %dma_wait3A_62 = arith.constant 0 : i32
    %dma_wait3A_63 = tpu.memref_slice %arg12[%dma_wait3A_62] : memref<10000xi32, #tpu.memory_space<vmem>> -> memref<80xi32, #tpu.memory_space<vmem>>
    %dma_wait3A_64 = arith.constant 0 : i32
    %dma_wait3A_65 = arith.constant 0 : i32
    %dma_wait3A_66 = tpu.memref_slice %arg4[%dma_wait3A_64, %dma_wait3A_65] : memref<10000x64xi32, #tpu.memory_space<hbm>> -> memref<10000x64xi32, #tpu.memory_space<hbm>>
    tpu.wait_indirect_dma semaphore(%arg24 : memref<!tpu.dma_semaphore, #tpu.memory_space<semaphore_mem>>) src(%dma_wait3A_66 : memref<10000x64xi32, #tpu.memory_space<hbm>>) dst(%arg14 : memref<80x64xi32, #tpu.memory_space<vmem>>)
    %scan3A_67 = arith.constant 0 : i32
    %scan3A_68 = arith.constant 0 : i32
    %scan3A_69 = arith.constant 5 : i32
    %scan3A_70 = arith.addi %scan3A_68, %scan3A_69 : i32
    %scan3A_71 = arith.constant 1 : i32
    scf.for %scan3A_273 = %scan3A_68 to %scan3A_70 step %scan3A_71  : i32 {
      %mul3A_274 = arith.constant 16 : i32
      %mul3A_275 = arith.muli %scan3A_273, %mul3A_274 : i32
      %add3A_276 = vector.broadcast %mul3A_275 : i32 to vector<16xi32>
      %add3A_277 = arith.addi %add3A_276, %iota3A : vector<16xi32>
      %scan3A_278 = arith.constant 0 : i32
      %scan3A_279 = arith.constant 64 : i32
      %scan3A_280 = arith.addi %scan3A_278, %scan3A_279 : i32
      %scan3A_281 = arith.constant 8 : i32
      %scan3A_282:2 = scf.for %scan3A_291 = %scan3A_278 to %scan3A_280 step %scan3A_281 iter_args(%scan3A_292 = %broadcast_in_dim3A_3, %scan3A_293 = %iota3A) -> (vector<32xbf16>, vector<16xi32>)  : i32 {
        %gather3A = tpu.vector_load_idx %arg13[%add3A_277, %scan3A_293] : memref<80x64xi32, #tpu.memory_space<vmem>>[vector<16xi32>, vector<16xi32>], vector<16xi32>,
        %gather3A_294 = tpu.vector_load_idx %arg14[%add3A_277, %scan3A_293] : memref<80x64xi32, #tpu.memory_space<vmem>>[vector<16xi32>, vector<16xi32>], vector<16xi32>,
        %bitcast3A = vector.bitcast %gather3A : vector<16xi32> to vector<32xbf16>
        %bitcast3A_295 = vector.bitcast %gather3A_294 : vector<16xi32> to vector<32xbf16>
        %mul3A_296 = arith.mulf %bitcast3A, %bitcast3A_295 : vector<32xbf16>
        %add3A_297 = arith.addf %scan3A_292, %mul3A_296 : vector<32xbf16>
        %add3A_298 = arith.constant 1 : i32
        %add3A_299 = vector.broadcast %add3A_298 : i32 to vector<16xi32>
        %add3A_300 = arith.addi %scan3A_293, %add3A_299 : vector<16xi32>
        %and3A = arith.constant 63 : i32
        %and3A_301 = vector.broadcast %and3A : i32 to vector<16xi32>
        %and3A_302 = arith.andi %add3A_300, %and3A_301 : vector<16xi32>
        %scan3A_303 = arith.constant 1 : i32
        %scan3A_304 = arith.addi %scan3A_291, %scan3A_303 : i32
        %gather3A_305 = tpu.vector_load_idx %arg13[%add3A_277, %and3A_302] : memref<80x64xi32, #tpu.memory_space<vmem>>[vector<16xi32>, vector<16xi32>], vector<16xi32>,
        %gather3A_306 = tpu.vector_load_idx %arg14[%add3A_277, %and3A_302] : memref<80x64xi32, #tpu.memory_space<vmem>>[vector<16xi32>, vector<16xi32>], vector<16xi32>,
        %bitcast3A_307 = vector.bitcast %gather3A_305 : vector<16xi32> to vector<32xbf16>
        %bitcast3A_308 = vector.bitcast %gather3A_306 : vector<16xi32> to vector<32xbf16>
        %mul3A_309 = arith.mulf %bitcast3A_307, %bitcast3A_308 : vector<32xbf16>
        %add3A_310 = arith.addf %add3A_297, %mul3A_309 : vector<32xbf16>
        %add3A_311 = arith.constant 1 : i32
        %add3A_312 = vector.broadcast %add3A_311 : i32 to vector<16xi32>
        %add3A_313 = arith.addi %and3A_302, %add3A_312 : vector<16xi32>
        %and3A_314 = arith.constant 63 : i32
        %and3A_315 = vector.broadcast %and3A_314 : i32 to vector<16xi32>
        %and3A_316 = arith.andi %add3A_313, %and3A_315 : vector<16xi32>
        %scan3A_317 = arith.constant 2 : i32
        %scan3A_318 = arith.addi %scan3A_291, %scan3A_317 : i32
        %gather3A_319 = tpu.vector_load_idx %arg13[%add3A_277, %and3A_316] : memref<80x64xi32, #tpu.memory_space<vmem>>[vector<16xi32>, vector<16xi32>], vector<16xi32>,
        %gather3A_320 = tpu.vector_load_idx %arg14[%add3A_277, %and3A_316] : memref<80x64xi32, #tpu.memory_space<vmem>>[vector<16xi32>, vector<16xi32>], vector<16xi32>,
        %bitcast3A_321 = vector.bitcast %gather3A_319 : vector<16xi32> to vector<32xbf16>
        %bitcast3A_322 = vector.bitcast %gather3A_320 : vector<16xi32> to vector<32xbf16>
        %mul3A_323 = arith.mulf %bitcast3A_321, %bitcast3A_322 : vector<32xbf16>
        %add3A_324 = arith.addf %add3A_310, %mul3A_323 : vector<32xbf16>
        %add3A_325 = arith.constant 1 : i32
        %add3A_326 = vector.broadcast %add3A_325 : i32 to vector<16xi32>
        %add3A_327 = arith.addi %and3A_316, %add3A_326 : vector<16xi32>
        %and3A_328 = arith.constant 63 : i32
        %and3A_329 = vector.broadcast %and3A_328 : i32 to vector<16xi32>
        %and3A_330 = arith.andi %add3A_327, %and3A_329 : vector<16xi32>
        %scan3A_331 = arith.constant 3 : i32
        %scan3A_332 = arith.addi %scan3A_291, %scan3A_331 : i32
        %gather3A_333 = tpu.vector_load_idx %arg13[%add3A_277, %and3A_330] : memref<80x64xi32, #tpu.memory_space<vmem>>[vector<16xi32>, vector<16xi32>], vector<16xi32>,
        %gather3A_334 = tpu.vector_load_idx %arg14[%add3A_277, %and3A_330] : memref<80x64xi32, #tpu.memory_space<vmem>>[vector<16xi32>, vector<16xi32>], vector<16xi32>,
        %bitcast3A_335 = vector.bitcast %gather3A_333 : vector<16xi32> to vector<32xbf16>
        %bitcast3A_336 = vector.bitcast %gather3A_334 : vector<16xi32> to vector<32xbf16>
        %mul3A_337 = arith.mulf %bitcast3A_335, %bitcast3A_336 : vector<32xbf16>
        %add3A_338 = arith.addf %add3A_324, %mul3A_337 : vector<32xbf16>
        %add3A_339 = arith.constant 1 : i32
        %add3A_340 = vector.broadcast %add3A_339 : i32 to vector<16xi32>
        %add3A_341 = arith.addi %and3A_330, %add3A_340 : vector<16xi32>
        %and3A_342 = arith.constant 63 : i32
        %and3A_343 = vector.broadcast %and3A_342 : i32 to vector<16xi32>
        %and3A_344 = arith.andi %add3A_341, %and3A_343 : vector<16xi32>
        %scan3A_345 = arith.constant 4 : i32
        %scan3A_346 = arith.addi %scan3A_291, %scan3A_345 : i32
        %gather3A_347 = tpu.vector_load_idx %arg13[%add3A_277, %and3A_344] : memref<80x64xi32, #tpu.memory_space<vmem>>[vector<16xi32>, vector<16xi32>], vector<16xi32>,
        %gather3A_348 = tpu.vector_load_idx %arg14[%add3A_277, %and3A_344] : memref<80x64xi32, #tpu.memory_space<vmem>>[vector<16xi32>, vector<16xi32>], vector<16xi32>,
        %bitcast3A_349 = vector.bitcast %gather3A_347 : vector<16xi32> to vector<32xbf16>
        %bitcast3A_350 = vector.bitcast %gather3A_348 : vector<16xi32> to vector<32xbf16>
        %mul3A_351 = arith.mulf %bitcast3A_349, %bitcast3A_350 : vector<32xbf16>
        %add3A_352 = arith.addf %add3A_338, %mul3A_351 : vector<32xbf16>
        %add3A_353 = arith.constant 1 : i32
        %add3A_354 = vector.broadcast %add3A_353 : i32 to vector<16xi32>
        %add3A_355 = arith.addi %and3A_344, %add3A_354 : vector<16xi32>
        %and3A_356 = arith.constant 63 : i32
        %and3A_357 = vector.broadcast %and3A_356 : i32 to vector<16xi32>
        %and3A_358 = arith.andi %add3A_355, %and3A_357 : vector<16xi32>
        %scan3A_359 = arith.constant 5 : i32
        %scan3A_360 = arith.addi %scan3A_291, %scan3A_359 : i32
        %gather3A_361 = tpu.vector_load_idx %arg13[%add3A_277, %and3A_358] : memref<80x64xi32, #tpu.memory_space<vmem>>[vector<16xi32>, vector<16xi32>], vector<16xi32>,
        %gather3A_362 = tpu.vector_load_idx %arg14[%add3A_277, %and3A_358] : memref<80x64xi32, #tpu.memory_space<vmem>>[vector<16xi32>, vector<16xi32>], vector<16xi32>,
        %bitcast3A_363 = vector.bitcast %gather3A_361 : vector<16xi32> to vector<32xbf16>
        %bitcast3A_364 = vector.bitcast %gather3A_362 : vector<16xi32> to vector<32xbf16>
        %mul3A_365 = arith.mulf %bitcast3A_363, %bitcast3A_364 : vector<32xbf16>
        %add3A_366 = arith.addf %add3A_352, %mul3A_365 : vector<32xbf16>
        %add3A_367 = arith.constant 1 : i32
        %add3A_368 = vector.broadcast %add3A_367 : i32 to vector<16xi32>
        %add3A_369 = arith.addi %and3A_358, %add3A_368 : vector<16xi32>
        %and3A_370 = arith.constant 63 : i32
        %and3A_371 = vector.broadcast %and3A_370 : i32 to vector<16xi32>
        %and3A_372 = arith.andi %add3A_369, %and3A_371 : vector<16xi32>
        %scan3A_373 = arith.constant 6 : i32
        %scan3A_374 = arith.addi %scan3A_291, %scan3A_373 : i32
        %gather3A_375 = tpu.vector_load_idx %arg13[%add3A_277, %and3A_372] : memref<80x64xi32, #tpu.memory_space<vmem>>[vector<16xi32>, vector<16xi32>], vector<16xi32>,
        %gather3A_376 = tpu.vector_load_idx %arg14[%add3A_277, %and3A_372] : memref<80x64xi32, #tpu.memory_space<vmem>>[vector<16xi32>, vector<16xi32>], vector<16xi32>,
        %bitcast3A_377 = vector.bitcast %gather3A_375 : vector<16xi32> to vector<32xbf16>
        %bitcast3A_378 = vector.bitcast %gather3A_376 : vector<16xi32> to vector<32xbf16>
        %mul3A_379 = arith.mulf %bitcast3A_377, %bitcast3A_378 : vector<32xbf16>
        %add3A_380 = arith.addf %add3A_366, %mul3A_379 : vector<32xbf16>
        %add3A_381 = arith.constant 1 : i32
        %add3A_382 = vector.broadcast %add3A_381 : i32 to vector<16xi32>
        %add3A_383 = arith.addi %and3A_372, %add3A_382 : vector<16xi32>
        %and3A_384 = arith.constant 63 : i32
        %and3A_385 = vector.broadcast %and3A_384 : i32 to vector<16xi32>
        %and3A_386 = arith.andi %add3A_383, %and3A_385 : vector<16xi32>
        %scan3A_387 = arith.constant 7 : i32
        %scan3A_388 = arith.addi %scan3A_291, %scan3A_387 : i32
        %gather3A_389 = tpu.vector_load_idx %arg13[%add3A_277, %and3A_386] : memref<80x64xi32, #tpu.memory_space<vmem>>[vector<16xi32>, vector<16xi32>], vector<16xi32>,
        %gather3A_390 = tpu.vector_load_idx %arg14[%add3A_277, %and3A_386] : memref<80x64xi32, #tpu.memory_space<vmem>>[vector<16xi32>, vector<16xi32>], vector<16xi32>,
        %bitcast3A_391 = vector.bitcast %gather3A_389 : vector<16xi32> to vector<32xbf16>
        %bitcast3A_392 = vector.bitcast %gather3A_390 : vector<16xi32> to vector<32xbf16>
        %mul3A_393 = arith.mulf %bitcast3A_391, %bitcast3A_392 : vector<32xbf16>
        %add3A_394 = arith.addf %add3A_380, %mul3A_393 : vector<32xbf16>
        %add3A_395 = arith.constant 1 : i32
        %add3A_396 = vector.broadcast %add3A_395 : i32 to vector<16xi32>
        %add3A_397 = arith.addi %and3A_386, %add3A_396 : vector<16xi32>
        %and3A_398 = arith.constant 63 : i32
        %and3A_399 = vector.broadcast %and3A_398 : i32 to vector<16xi32>
        %and3A_400 = arith.andi %add3A_397, %and3A_399 : vector<16xi32>
        scf.yield %add3A_394, %and3A_400 : vector<32xbf16>, vector<16xi32>
      }
      %scan3A_283 = arith.constant 64 : i32
      %unpack3A = tpu.unpack_subelements %scan3A_282#0, 0 {pack_format = #tpu.pack_format<interleaved>} : vector<32xbf16> -> vector<16xf32>
      %unpack3A_284 = tpu.unpack_subelements %scan3A_282#0, 1 {pack_format = #tpu.pack_format<interleaved>} : vector<32xbf16> -> vector<16xf32>
      %add3A_285 = arith.addf %unpack3A, %unpack3A_284 : vector<16xf32>
      %mul3A_286 = arith.constant 16 : i32
      %mul3A_287 = arith.muli %scan3A_273, %mul3A_286 : i32
      %add3A_288 = arith.constant 9600 : i32
      %add3A_289 = arith.addi %add3A_288, %mul3A_287 : i32
      %swap3A = arith.index_cast %add3A_289 : i32 to index
      %swap3A_290 = tpu.vector_load %arg23[%swap3A] {strides = array<i32>} : memref<10000xf32, #tpu.memory_space<vmem>>, vector<16xf32>,
      tpu.vector_store %arg23[%swap3A], %add3A_285 {strides = array<i32>} : memref<10000xf32, #tpu.memory_space<vmem>>, vector<16xf32>,
    }
    %scan3A_72 = arith.constant 5 : i32
    %dma_wait3A_73 = arith.constant 0 : i32
    %dma_wait3A_74 = tpu.memref_slice %arg11[%dma_wait3A_73] : memref<10000xi32, #tpu.memory_space<vmem>> -> memref<80xi32, #tpu.memory_space<vmem>>
    %dma_wait3A_75 = arith.constant 0 : i32
    %dma_wait3A_76 = arith.constant 0 : i32
    %dma_wait3A_77 = tpu.memref_slice %arg2[%dma_wait3A_75, %dma_wait3A_76] : memref<10000x64xi32, #tpu.memory_space<hbm>> -> memref<10000x64xi32, #tpu.memory_space<hbm>>
    tpu.wait_indirect_dma semaphore(%arg25 : memref<!tpu.dma_semaphore, #tpu.memory_space<semaphore_mem>>) src(%dma_wait3A_77 : memref<10000x64xi32, #tpu.memory_space<hbm>>) dst(%arg15 : memref<80x64xi32, #tpu.memory_space<vmem>>)
    %dma_wait3A_78 = arith.constant 0 : i32
    %dma_wait3A_79 = tpu.memref_slice %arg12[%dma_wait3A_78] : memref<10000xi32, #tpu.memory_space<vmem>> -> memref<80xi32, #tpu.memory_space<vmem>>
    %dma_wait3A_80 = arith.constant 0 : i32
    %dma_wait3A_81 = arith.constant 0 : i32
    %dma_wait3A_82 = tpu.memref_slice %arg4[%dma_wait3A_80, %dma_wait3A_81] : memref<10000x64xi32, #tpu.memory_space<hbm>> -> memref<10000x64xi32, #tpu.memory_space<hbm>>
    tpu.wait_indirect_dma semaphore(%arg25 : memref<!tpu.dma_semaphore, #tpu.memory_space<semaphore_mem>>) src(%dma_wait3A_82 : memref<10000x64xi32, #tpu.memory_space<hbm>>) dst(%arg16 : memref<80x64xi32, #tpu.memory_space<vmem>>)
    %scan3A_83 = arith.constant 0 : i32
    %scan3A_84 = arith.constant 0 : i32
    %scan3A_85 = arith.constant 5 : i32
    %scan3A_86 = arith.addi %scan3A_84, %scan3A_85 : i32
    %scan3A_87 = arith.constant 1 : i32
    scf.for %scan3A_273 = %scan3A_84 to %scan3A_86 step %scan3A_87  : i32 {
      %mul3A_274 = arith.constant 16 : i32
      %mul3A_275 = arith.muli %scan3A_273, %mul3A_274 : i32
      %add3A_276 = vector.broadcast %mul3A_275 : i32 to vector<16xi32>
      %add3A_277 = arith.addi %add3A_276, %iota3A : vector<16xi32>
      %scan3A_278 = arith.constant 0 : i32
      %scan3A_279 = arith.constant 64 : i32
      %scan3A_280 = arith.addi %scan3A_278, %scan3A_279 : i32
      %scan3A_281 = arith.constant 8 : i32
      %scan3A_282:2 = scf.for %scan3A_291 = %scan3A_278 to %scan3A_280 step %scan3A_281 iter_args(%scan3A_292 = %broadcast_in_dim3A_3, %scan3A_293 = %iota3A) -> (vector<32xbf16>, vector<16xi32>)  : i32 {
        %gather3A = tpu.vector_load_idx %arg15[%add3A_277, %scan3A_293] : memref<80x64xi32, #tpu.memory_space<vmem>>[vector<16xi32>, vector<16xi32>], vector<16xi32>,
        %gather3A_294 = tpu.vector_load_idx %arg16[%add3A_277, %scan3A_293] : memref<80x64xi32, #tpu.memory_space<vmem>>[vector<16xi32>, vector<16xi32>], vector<16xi32>,
        %bitcast3A = vector.bitcast %gather3A : vector<16xi32> to vector<32xbf16>
        %bitcast3A_295 = vector.bitcast %gather3A_294 : vector<16xi32> to vector<32xbf16>
        %mul3A_296 = arith.mulf %bitcast3A, %bitcast3A_295 : vector<32xbf16>
        %add3A_297 = arith.addf %scan3A_292, %mul3A_296 : vector<32xbf16>
        %add3A_298 = arith.constant 1 : i32
        %add3A_299 = vector.broadcast %add3A_298 : i32 to vector<16xi32>
        %add3A_300 = arith.addi %scan3A_293, %add3A_299 : vector<16xi32>
        %and3A = arith.constant 63 : i32
        %and3A_301 = vector.broadcast %and3A : i32 to vector<16xi32>
        %and3A_302 = arith.andi %add3A_300, %and3A_301 : vector<16xi32>
        %scan3A_303 = arith.constant 1 : i32
        %scan3A_304 = arith.addi %scan3A_291, %scan3A_303 : i32
        %gather3A_305 = tpu.vector_load_idx %arg15[%add3A_277, %and3A_302] : memref<80x64xi32, #tpu.memory_space<vmem>>[vector<16xi32>, vector<16xi32>], vector<16xi32>,
        %gather3A_306 = tpu.vector_load_idx %arg16[%add3A_277, %and3A_302] : memref<80x64xi32, #tpu.memory_space<vmem>>[vector<16xi32>, vector<16xi32>], vector<16xi32>,
        %bitcast3A_307 = vector.bitcast %gather3A_305 : vector<16xi32> to vector<32xbf16>
        %bitcast3A_308 = vector.bitcast %gather3A_306 : vector<16xi32> to vector<32xbf16>
        %mul3A_309 = arith.mulf %bitcast3A_307, %bitcast3A_308 : vector<32xbf16>
        %add3A_310 = arith.addf %add3A_297, %mul3A_309 : vector<32xbf16>
        %add3A_311 = arith.constant 1 : i32
        %add3A_312 = vector.broadcast %add3A_311 : i32 to vector<16xi32>
        %add3A_313 = arith.addi %and3A_302, %add3A_312 : vector<16xi32>
        %and3A_314 = arith.constant 63 : i32
        %and3A_315 = vector.broadcast %and3A_314 : i32 to vector<16xi32>
        %and3A_316 = arith.andi %add3A_313, %and3A_315 : vector<16xi32>
        %scan3A_317 = arith.constant 2 : i32
        %scan3A_318 = arith.addi %scan3A_291, %scan3A_317 : i32
        %gather3A_319 = tpu.vector_load_idx %arg15[%add3A_277, %and3A_316] : memref<80x64xi32, #tpu.memory_space<vmem>>[vector<16xi32>, vector<16xi32>], vector<16xi32>,
        %gather3A_320 = tpu.vector_load_idx %arg16[%add3A_277, %and3A_316] : memref<80x64xi32, #tpu.memory_space<vmem>>[vector<16xi32>, vector<16xi32>], vector<16xi32>,
        %bitcast3A_321 = vector.bitcast %gather3A_319 : vector<16xi32> to vector<32xbf16>
        %bitcast3A_322 = vector.bitcast %gather3A_320 : vector<16xi32> to vector<32xbf16>
        %mul3A_323 = arith.mulf %bitcast3A_321, %bitcast3A_322 : vector<32xbf16>
        %add3A_324 = arith.addf %add3A_310, %mul3A_323 : vector<32xbf16>
        %add3A_325 = arith.constant 1 : i32
        %add3A_326 = vector.broadcast %add3A_325 : i32 to vector<16xi32>
        %add3A_327 = arith.addi %and3A_316, %add3A_326 : vector<16xi32>
        %and3A_328 = arith.constant 63 : i32
        %and3A_329 = vector.broadcast %and3A_328 : i32 to vector<16xi32>
        %and3A_330 = arith.andi %add3A_327, %and3A_329 : vector<16xi32>
        %scan3A_331 = arith.constant 3 : i32
        %scan3A_332 = arith.addi %scan3A_291, %scan3A_331 : i32
        %gather3A_333 = tpu.vector_load_idx %arg15[%add3A_277, %and3A_330] : memref<80x64xi32, #tpu.memory_space<vmem>>[vector<16xi32>, vector<16xi32>], vector<16xi32>,
        %gather3A_334 = tpu.vector_load_idx %arg16[%add3A_277, %and3A_330] : memref<80x64xi32, #tpu.memory_space<vmem>>[vector<16xi32>, vector<16xi32>], vector<16xi32>,
        %bitcast3A_335 = vector.bitcast %gather3A_333 : vector<16xi32> to vector<32xbf16>
        %bitcast3A_336 = vector.bitcast %gather3A_334 : vector<16xi32> to vector<32xbf16>
        %mul3A_337 = arith.mulf %bitcast3A_335, %bitcast3A_336 : vector<32xbf16>
        %add3A_338 = arith.addf %add3A_324, %mul3A_337 : vector<32xbf16>
        %add3A_339 = arith.constant 1 : i32
        %add3A_340 = vector.broadcast %add3A_339 : i32 to vector<16xi32>
        %add3A_341 = arith.addi %and3A_330, %add3A_340 : vector<16xi32>
        %and3A_342 = arith.constant 63 : i32
        %and3A_343 = vector.broadcast %and3A_342 : i32 to vector<16xi32>
        %and3A_344 = arith.andi %add3A_341, %and3A_343 : vector<16xi32>
        %scan3A_345 = arith.constant 4 : i32
        %scan3A_346 = arith.addi %scan3A_291, %scan3A_345 : i32
        %gather3A_347 = tpu.vector_load_idx %arg15[%add3A_277, %and3A_344] : memref<80x64xi32, #tpu.memory_space<vmem>>[vector<16xi32>, vector<16xi32>], vector<16xi32>,
        %gather3A_348 = tpu.vector_load_idx %arg16[%add3A_277, %and3A_344] : memref<80x64xi32, #tpu.memory_space<vmem>>[vector<16xi32>, vector<16xi32>], vector<16xi32>,
        %bitcast3A_349 = vector.bitcast %gather3A_347 : vector<16xi32> to vector<32xbf16>
        %bitcast3A_350 = vector.bitcast %gather3A_348 : vector<16xi32> to vector<32xbf16>
        %mul3A_351 = arith.mulf %bitcast3A_349, %bitcast3A_350 : vector<32xbf16>
        %add3A_352 = arith.addf %add3A_338, %mul3A_351 : vector<32xbf16>
        %add3A_353 = arith.constant 1 : i32
        %add3A_354 = vector.broadcast %add3A_353 : i32 to vector<16xi32>
        %add3A_355 = arith.addi %and3A_344, %add3A_354 : vector<16xi32>
        %and3A_356 = arith.constant 63 : i32
        %and3A_357 = vector.broadcast %and3A_356 : i32 to vector<16xi32>
        %and3A_358 = arith.andi %add3A_355, %and3A_357 : vector<16xi32>
        %scan3A_359 = arith.constant 5 : i32
        %scan3A_360 = arith.addi %scan3A_291, %scan3A_359 : i32
        %gather3A_361 = tpu.vector_load_idx %arg15[%add3A_277, %and3A_358] : memref<80x64xi32, #tpu.memory_space<vmem>>[vector<16xi32>, vector<16xi32>], vector<16xi32>,
        %gather3A_362 = tpu.vector_load_idx %arg16[%add3A_277, %and3A_358] : memref<80x64xi32, #tpu.memory_space<vmem>>[vector<16xi32>, vector<16xi32>], vector<16xi32>,
        %bitcast3A_363 = vector.bitcast %gather3A_361 : vector<16xi32> to vector<32xbf16>
        %bitcast3A_364 = vector.bitcast %gather3A_362 : vector<16xi32> to vector<32xbf16>
        %mul3A_365 = arith.mulf %bitcast3A_363, %bitcast3A_364 : vector<32xbf16>
        %add3A_366 = arith.addf %add3A_352, %mul3A_365 : vector<32xbf16>
        %add3A_367 = arith.constant 1 : i32
        %add3A_368 = vector.broadcast %add3A_367 : i32 to vector<16xi32>
        %add3A_369 = arith.addi %and3A_358, %add3A_368 : vector<16xi32>
        %and3A_370 = arith.constant 63 : i32
        %and3A_371 = vector.broadcast %and3A_370 : i32 to vector<16xi32>
        %and3A_372 = arith.andi %add3A_369, %and3A_371 : vector<16xi32>
        %scan3A_373 = arith.constant 6 : i32
        %scan3A_374 = arith.addi %scan3A_291, %scan3A_373 : i32
        %gather3A_375 = tpu.vector_load_idx %arg15[%add3A_277, %and3A_372] : memref<80x64xi32, #tpu.memory_space<vmem>>[vector<16xi32>, vector<16xi32>], vector<16xi32>,
        %gather3A_376 = tpu.vector_load_idx %arg16[%add3A_277, %and3A_372] : memref<80x64xi32, #tpu.memory_space<vmem>>[vector<16xi32>, vector<16xi32>], vector<16xi32>,
        %bitcast3A_377 = vector.bitcast %gather3A_375 : vector<16xi32> to vector<32xbf16>
        %bitcast3A_378 = vector.bitcast %gather3A_376 : vector<16xi32> to vector<32xbf16>
        %mul3A_379 = arith.mulf %bitcast3A_377, %bitcast3A_378 : vector<32xbf16>
        %add3A_380 = arith.addf %add3A_366, %mul3A_379 : vector<32xbf16>
        %add3A_381 = arith.constant 1 : i32
        %add3A_382 = vector.broadcast %add3A_381 : i32 to vector<16xi32>
        %add3A_383 = arith.addi %and3A_372, %add3A_382 : vector<16xi32>
        %and3A_384 = arith.constant 63 : i32
        %and3A_385 = vector.broadcast %and3A_384 : i32 to vector<16xi32>
        %and3A_386 = arith.andi %add3A_383, %and3A_385 : vector<16xi32>
        %scan3A_387 = arith.constant 7 : i32
        %scan3A_388 = arith.addi %scan3A_291, %scan3A_387 : i32
        %gather3A_389 = tpu.vector_load_idx %arg15[%add3A_277, %and3A_386] : memref<80x64xi32, #tpu.memory_space<vmem>>[vector<16xi32>, vector<16xi32>], vector<16xi32>,
        %gather3A_390 = tpu.vector_load_idx %arg16[%add3A_277, %and3A_386] : memref<80x64xi32, #tpu.memory_space<vmem>>[vector<16xi32>, vector<16xi32>], vector<16xi32>,
        %bitcast3A_391 = vector.bitcast %gather3A_389 : vector<16xi32> to vector<32xbf16>
        %bitcast3A_392 = vector.bitcast %gather3A_390 : vector<16xi32> to vector<32xbf16>
        %mul3A_393 = arith.mulf %bitcast3A_391, %bitcast3A_392 : vector<32xbf16>
        %add3A_394 = arith.addf %add3A_380, %mul3A_393 : vector<32xbf16>
        %add3A_395 = arith.constant 1 : i32
        %add3A_396 = vector.broadcast %add3A_395 : i32 to vector<16xi32>
        %add3A_397 = arith.addi %and3A_386, %add3A_396 : vector<16xi32>
        %and3A_398 = arith.constant 63 : i32
        %and3A_399 = vector.broadcast %and3A_398 : i32 to vector<16xi32>
        %and3A_400 = arith.andi %add3A_397, %and3A_399 : vector<16xi32>
        scf.yield %add3A_394, %and3A_400 : vector<32xbf16>, vector<16xi32>
      }
      %scan3A_283 = arith.constant 64 : i32
      %unpack3A = tpu.unpack_subelements %scan3A_282#0, 0 {pack_format = #tpu.pack_format<interleaved>} : vector<32xbf16> -> vector<16xf32>
      %unpack3A_284 = tpu.unpack_subelements %scan3A_282#0, 1 {pack_format = #tpu.pack_format<interleaved>} : vector<32xbf16> -> vector<16xf32>
      %add3A_285 = arith.addf %unpack3A, %unpack3A_284 : vector<16xf32>
      %mul3A_286 = arith.constant 16 : i32
      %mul3A_287 = arith.muli %scan3A_273, %mul3A_286 : i32
      %add3A_288 = arith.constant 9680 : i32
      %add3A_289 = arith.addi %add3A_288, %mul3A_287 : i32
      %swap3A = arith.index_cast %add3A_289 : i32 to index
      %swap3A_290 = tpu.vector_load %arg23[%swap3A] {strides = array<i32>} : memref<10000xf32, #tpu.memory_space<vmem>>, vector<16xf32>,
      tpu.vector_store %arg23[%swap3A], %add3A_285 {strides = array<i32>} : memref<10000xf32, #tpu.memory_space<vmem>>, vector<16xf32>,
    }
    %scan3A_88 = arith.constant 5 : i32
    %dma_wait3A_89 = arith.constant 0 : i32
    %dma_wait3A_90 = tpu.memref_slice %arg11[%dma_wait3A_89] : memref<10000xi32, #tpu.memory_space<vmem>> -> memref<80xi32, #tpu.memory_space<vmem>>
    %dma_wait3A_91 = arith.constant 0 : i32
    %dma_wait3A_92 = arith.constant 0 : i32
    %dma_wait3A_93 = tpu.memref_slice %arg2[%dma_wait3A_91, %dma_wait3A_92] : memref<10000x64xi32, #tpu.memory_space<hbm>> -> memref<10000x64xi32, #tpu.memory_space<hbm>>
    tpu.wait_indirect_dma semaphore(%arg26 : memref<!tpu.dma_semaphore, #tpu.memory_space<semaphore_mem>>) src(%dma_wait3A_93 : memref<10000x64xi32, #tpu.memory_space<hbm>>) dst(%arg17 : memref<80x64xi32, #tpu.memory_space<vmem>>)
    %dma_wait3A_94 = arith.constant 0 : i32
    %dma_wait3A_95 = tpu.memref_slice %arg12[%dma_wait3A_94] : memref<10000xi32, #tpu.memory_space<vmem>> -> memref<80xi32, #tpu.memory_space<vmem>>
    %dma_wait3A_96 = arith.constant 0 : i32
    %dma_wait3A_97 = arith.constant 0 : i32
    %dma_wait3A_98 = tpu.memref_slice %arg4[%dma_wait3A_96, %dma_wait3A_97] : memref<10000x64xi32, #tpu.memory_space<hbm>> -> memref<10000x64xi32, #tpu.memory_space<hbm>>
    tpu.wait_indirect_dma semaphore(%arg26 : memref<!tpu.dma_semaphore, #tpu.memory_space<semaphore_mem>>) src(%dma_wait3A_98 : memref<10000x64xi32, #tpu.memory_space<hbm>>) dst(%arg18 : memref<80x64xi32, #tpu.memory_space<vmem>>)
    %scan3A_99 = arith.constant 0 : i32
    %scan3A_100 = arith.constant 0 : i32
    %scan3A_101 = arith.constant 5 : i32
    %scan3A_102 = arith.addi %scan3A_100, %scan3A_101 : i32
    %scan3A_103 = arith.constant 1 : i32
    scf.for %scan3A_273 = %scan3A_100 to %scan3A_102 step %scan3A_103  : i32 {
      %mul3A_274 = arith.constant 16 : i32
      %mul3A_275 = arith.muli %scan3A_273, %mul3A_274 : i32
      %add3A_276 = vector.broadcast %mul3A_275 : i32 to vector<16xi32>
      %add3A_277 = arith.addi %add3A_276, %iota3A : vector<16xi32>
      %scan3A_278 = arith.constant 0 : i32
      %scan3A_279 = arith.constant 64 : i32
      %scan3A_280 = arith.addi %scan3A_278, %scan3A_279 : i32
      %scan3A_281 = arith.constant 8 : i32
      %scan3A_282:2 = scf.for %scan3A_291 = %scan3A_278 to %scan3A_280 step %scan3A_281 iter_args(%scan3A_292 = %broadcast_in_dim3A_3, %scan3A_293 = %iota3A) -> (vector<32xbf16>, vector<16xi32>)  : i32 {
        %gather3A = tpu.vector_load_idx %arg17[%add3A_277, %scan3A_293] : memref<80x64xi32, #tpu.memory_space<vmem>>[vector<16xi32>, vector<16xi32>], vector<16xi32>,
        %gather3A_294 = tpu.vector_load_idx %arg18[%add3A_277, %scan3A_293] : memref<80x64xi32, #tpu.memory_space<vmem>>[vector<16xi32>, vector<16xi32>], vector<16xi32>,
        %bitcast3A = vector.bitcast %gather3A : vector<16xi32> to vector<32xbf16>
        %bitcast3A_295 = vector.bitcast %gather3A_294 : vector<16xi32> to vector<32xbf16>
        %mul3A_296 = arith.mulf %bitcast3A, %bitcast3A_295 : vector<32xbf16>
        %add3A_297 = arith.addf %scan3A_292, %mul3A_296 : vector<32xbf16>
        %add3A_298 = arith.constant 1 : i32
        %add3A_299 = vector.broadcast %add3A_298 : i32 to vector<16xi32>
        %add3A_300 = arith.addi %scan3A_293, %add3A_299 : vector<16xi32>
        %and3A = arith.constant 63 : i32
        %and3A_301 = vector.broadcast %and3A : i32 to vector<16xi32>
        %and3A_302 = arith.andi %add3A_300, %and3A_301 : vector<16xi32>
        %scan3A_303 = arith.constant 1 : i32
        %scan3A_304 = arith.addi %scan3A_291, %scan3A_303 : i32
        %gather3A_305 = tpu.vector_load_idx %arg17[%add3A_277, %and3A_302] : memref<80x64xi32, #tpu.memory_space<vmem>>[vector<16xi32>, vector<16xi32>], vector<16xi32>,
        %gather3A_306 = tpu.vector_load_idx %arg18[%add3A_277, %and3A_302] : memref<80x64xi32, #tpu.memory_space<vmem>>[vector<16xi32>, vector<16xi32>], vector<16xi32>,
        %bitcast3A_307 = vector.bitcast %gather3A_305 : vector<16xi32> to vector<32xbf16>
        %bitcast3A_308 = vector.bitcast %gather3A_306 : vector<16xi32> to vector<32xbf16>
        %mul3A_309 = arith.mulf %bitcast3A_307, %bitcast3A_308 : vector<32xbf16>
        %add3A_310 = arith.addf %add3A_297, %mul3A_309 : vector<32xbf16>
        %add3A_311 = arith.constant 1 : i32
        %add3A_312 = vector.broadcast %add3A_311 : i32 to vector<16xi32>
        %add3A_313 = arith.addi %and3A_302, %add3A_312 : vector<16xi32>
        %and3A_314 = arith.constant 63 : i32
        %and3A_315 = vector.broadcast %and3A_314 : i32 to vector<16xi32>
        %and3A_316 = arith.andi %add3A_313, %and3A_315 : vector<16xi32>
        %scan3A_317 = arith.constant 2 : i32
        %scan3A_318 = arith.addi %scan3A_291, %scan3A_317 : i32
        %gather3A_319 = tpu.vector_load_idx %arg17[%add3A_277, %and3A_316] : memref<80x64xi32, #tpu.memory_space<vmem>>[vector<16xi32>, vector<16xi32>], vector<16xi32>,
        %gather3A_320 = tpu.vector_load_idx %arg18[%add3A_277, %and3A_316] : memref<80x64xi32, #tpu.memory_space<vmem>>[vector<16xi32>, vector<16xi32>], vector<16xi32>,
        %bitcast3A_321 = vector.bitcast %gather3A_319 : vector<16xi32> to vector<32xbf16>
        %bitcast3A_322 = vector.bitcast %gather3A_320 : vector<16xi32> to vector<32xbf16>
        %mul3A_323 = arith.mulf %bitcast3A_321, %bitcast3A_322 : vector<32xbf16>
        %add3A_324 = arith.addf %add3A_310, %mul3A_323 : vector<32xbf16>
        %add3A_325 = arith.constant 1 : i32
        %add3A_326 = vector.broadcast %add3A_325 : i32 to vector<16xi32>
        %add3A_327 = arith.addi %and3A_316, %add3A_326 : vector<16xi32>
        %and3A_328 = arith.constant 63 : i32
        %and3A_329 = vector.broadcast %and3A_328 : i32 to vector<16xi32>
        %and3A_330 = arith.andi %add3A_327, %and3A_329 : vector<16xi32>
        %scan3A_331 = arith.constant 3 : i32
        %scan3A_332 = arith.addi %scan3A_291, %scan3A_331 : i32
        %gather3A_333 = tpu.vector_load_idx %arg17[%add3A_277, %and3A_330] : memref<80x64xi32, #tpu.memory_space<vmem>>[vector<16xi32>, vector<16xi32>], vector<16xi32>,
        %gather3A_334 = tpu.vector_load_idx %arg18[%add3A_277, %and3A_330] : memref<80x64xi32, #tpu.memory_space<vmem>>[vector<16xi32>, vector<16xi32>], vector<16xi32>,
        %bitcast3A_335 = vector.bitcast %gather3A_333 : vector<16xi32> to vector<32xbf16>
        %bitcast3A_336 = vector.bitcast %gather3A_334 : vector<16xi32> to vector<32xbf16>
        %mul3A_337 = arith.mulf %bitcast3A_335, %bitcast3A_336 : vector<32xbf16>
        %add3A_338 = arith.addf %add3A_324, %mul3A_337 : vector<32xbf16>
        %add3A_339 = arith.constant 1 : i32
        %add3A_340 = vector.broadcast %add3A_339 : i32 to vector<16xi32>
        %add3A_341 = arith.addi %and3A_330, %add3A_340 : vector<16xi32>
        %and3A_342 = arith.constant 63 : i32
        %and3A_343 = vector.broadcast %and3A_342 : i32 to vector<16xi32>
        %and3A_344 = arith.andi %add3A_341, %and3A_343 : vector<16xi32>
        %scan3A_345 = arith.constant 4 : i32
        %scan3A_346 = arith.addi %scan3A_291, %scan3A_345 : i32
        %gather3A_347 = tpu.vector_load_idx %arg17[%add3A_277, %and3A_344] : memref<80x64xi32, #tpu.memory_space<vmem>>[vector<16xi32>, vector<16xi32>], vector<16xi32>,
        %gather3A_348 = tpu.vector_load_idx %arg18[%add3A_277, %and3A_344] : memref<80x64xi32, #tpu.memory_space<vmem>>[vector<16xi32>, vector<16xi32>], vector<16xi32>,
        %bitcast3A_349 = vector.bitcast %gather3A_347 : vector<16xi32> to vector<32xbf16>
        %bitcast3A_350 = vector.bitcast %gather3A_348 : vector<16xi32> to vector<32xbf16>
        %mul3A_351 = arith.mulf %bitcast3A_349, %bitcast3A_350 : vector<32xbf16>
        %add3A_352 = arith.addf %add3A_338, %mul3A_351 : vector<32xbf16>
        %add3A_353 = arith.constant 1 : i32
        %add3A_354 = vector.broadcast %add3A_353 : i32 to vector<16xi32>
        %add3A_355 = arith.addi %and3A_344, %add3A_354 : vector<16xi32>
        %and3A_356 = arith.constant 63 : i32
        %and3A_357 = vector.broadcast %and3A_356 : i32 to vector<16xi32>
        %and3A_358 = arith.andi %add3A_355, %and3A_357 : vector<16xi32>
        %scan3A_359 = arith.constant 5 : i32
        %scan3A_360 = arith.addi %scan3A_291, %scan3A_359 : i32
        %gather3A_361 = tpu.vector_load_idx %arg17[%add3A_277, %and3A_358] : memref<80x64xi32, #tpu.memory_space<vmem>>[vector<16xi32>, vector<16xi32>], vector<16xi32>,
        %gather3A_362 = tpu.vector_load_idx %arg18[%add3A_277, %and3A_358] : memref<80x64xi32, #tpu.memory_space<vmem>>[vector<16xi32>, vector<16xi32>], vector<16xi32>,
        %bitcast3A_363 = vector.bitcast %gather3A_361 : vector<16xi32> to vector<32xbf16>
        %bitcast3A_364 = vector.bitcast %gather3A_362 : vector<16xi32> to vector<32xbf16>
        %mul3A_365 = arith.mulf %bitcast3A_363, %bitcast3A_364 : vector<32xbf16>
        %add3A_366 = arith.addf %add3A_352, %mul3A_365 : vector<32xbf16>
        %add3A_367 = arith.constant 1 : i32
        %add3A_368 = vector.broadcast %add3A_367 : i32 to vector<16xi32>
        %add3A_369 = arith.addi %and3A_358, %add3A_368 : vector<16xi32>
        %and3A_370 = arith.constant 63 : i32
        %and3A_371 = vector.broadcast %and3A_370 : i32 to vector<16xi32>
        %and3A_372 = arith.andi %add3A_369, %and3A_371 : vector<16xi32>
        %scan3A_373 = arith.constant 6 : i32
        %scan3A_374 = arith.addi %scan3A_291, %scan3A_373 : i32
        %gather3A_375 = tpu.vector_load_idx %arg17[%add3A_277, %and3A_372] : memref<80x64xi32, #tpu.memory_space<vmem>>[vector<16xi32>, vector<16xi32>], vector<16xi32>,
        %gather3A_376 = tpu.vector_load_idx %arg18[%add3A_277, %and3A_372] : memref<80x64xi32, #tpu.memory_space<vmem>>[vector<16xi32>, vector<16xi32>], vector<16xi32>,
        %bitcast3A_377 = vector.bitcast %gather3A_375 : vector<16xi32> to vector<32xbf16>
        %bitcast3A_378 = vector.bitcast %gather3A_376 : vector<16xi32> to vector<32xbf16>
        %mul3A_379 = arith.mulf %bitcast3A_377, %bitcast3A_378 : vector<32xbf16>
        %add3A_380 = arith.addf %add3A_366, %mul3A_379 : vector<32xbf16>
        %add3A_381 = arith.constant 1 : i32
        %add3A_382 = vector.broadcast %add3A_381 : i32 to vector<16xi32>
        %add3A_383 = arith.addi %and3A_372, %add3A_382 : vector<16xi32>
        %and3A_384 = arith.constant 63 : i32
        %and3A_385 = vector.broadcast %and3A_384 : i32 to vector<16xi32>
        %and3A_386 = arith.andi %add3A_383, %and3A_385 : vector<16xi32>
        %scan3A_387 = arith.constant 7 : i32
        %scan3A_388 = arith.addi %scan3A_291, %scan3A_387 : i32
        %gather3A_389 = tpu.vector_load_idx %arg17[%add3A_277, %and3A_386] : memref<80x64xi32, #tpu.memory_space<vmem>>[vector<16xi32>, vector<16xi32>], vector<16xi32>,
        %gather3A_390 = tpu.vector_load_idx %arg18[%add3A_277, %and3A_386] : memref<80x64xi32, #tpu.memory_space<vmem>>[vector<16xi32>, vector<16xi32>], vector<16xi32>,
        %bitcast3A_391 = vector.bitcast %gather3A_389 : vector<16xi32> to vector<32xbf16>
        %bitcast3A_392 = vector.bitcast %gather3A_390 : vector<16xi32> to vector<32xbf16>
        %mul3A_393 = arith.mulf %bitcast3A_391, %bitcast3A_392 : vector<32xbf16>
        %add3A_394 = arith.addf %add3A_380, %mul3A_393 : vector<32xbf16>
        %add3A_395 = arith.constant 1 : i32
        %add3A_396 = vector.broadcast %add3A_395 : i32 to vector<16xi32>
        %add3A_397 = arith.addi %and3A_386, %add3A_396 : vector<16xi32>
        %and3A_398 = arith.constant 63 : i32
        %and3A_399 = vector.broadcast %and3A_398 : i32 to vector<16xi32>
        %and3A_400 = arith.andi %add3A_397, %and3A_399 : vector<16xi32>
        scf.yield %add3A_394, %and3A_400 : vector<32xbf16>, vector<16xi32>
      }
      %scan3A_283 = arith.constant 64 : i32
      %unpack3A = tpu.unpack_subelements %scan3A_282#0, 0 {pack_format = #tpu.pack_format<interleaved>} : vector<32xbf16> -> vector<16xf32>
      %unpack3A_284 = tpu.unpack_subelements %scan3A_282#0, 1 {pack_format = #tpu.pack_format<interleaved>} : vector<32xbf16> -> vector<16xf32>
      %add3A_285 = arith.addf %unpack3A, %unpack3A_284 : vector<16xf32>
      %mul3A_286 = arith.constant 16 : i32
      %mul3A_287 = arith.muli %scan3A_273, %mul3A_286 : i32
      %add3A_288 = arith.constant 9760 : i32
      %add3A_289 = arith.addi %add3A_288, %mul3A_287 : i32
      %swap3A = arith.index_cast %add3A_289 : i32 to index
      %swap3A_290 = tpu.vector_load %arg23[%swap3A] {strides = array<i32>} : memref<10000xf32, #tpu.memory_space<vmem>>, vector<16xf32>,
      tpu.vector_store %arg23[%swap3A], %add3A_285 {strides = array<i32>} : memref<10000xf32, #tpu.memory_space<vmem>>, vector<16xf32>,
    }
    %scan3A_104 = arith.constant 5 : i32
    %dma_wait3A_105 = arith.constant 0 : i32
    %dma_wait3A_106 = tpu.memref_slice %arg11[%dma_wait3A_105] : memref<10000xi32, #tpu.memory_space<vmem>> -> memref<80xi32, #tpu.memory_space<vmem>>
    %dma_wait3A_107 = arith.constant 0 : i32
    %dma_wait3A_108 = arith.constant 0 : i32
    %dma_wait3A_109 = tpu.memref_slice %arg2[%dma_wait3A_107, %dma_wait3A_108] : memref<10000x64xi32, #tpu.memory_space<hbm>> -> memref<10000x64xi32, #tpu.memory_space<hbm>>
    tpu.wait_indirect_dma semaphore(%arg27 : memref<!tpu.dma_semaphore, #tpu.memory_space<semaphore_mem>>) src(%dma_wait3A_109 : memref<10000x64xi32, #tpu.memory_space<hbm>>) dst(%arg19 : memref<80x64xi32, #tpu.memory_space<vmem>>)
    %dma_wait3A_110 = arith.constant 0 : i32
    %dma_wait3A_111 = tpu.memref_slice %arg12[%dma_wait3A_110] : memref<10000xi32, #tpu.memory_space<vmem>> -> memref<80xi32, #tpu.memory_space<vmem>>
    %dma_wait3A_112 = arith.constant 0 : i32
    %dma_wait3A_113 = arith.constant 0 : i32
    %dma_wait3A_114 = tpu.memref_slice %arg4[%dma_wait3A_112, %dma_wait3A_113] : memref<10000x64xi32, #tpu.memory_space<hbm>> -> memref<10000x64xi32, #tpu.memory_space<hbm>>
    tpu.wait_indirect_dma semaphore(%arg27 : memref<!tpu.dma_semaphore, #tpu.memory_space<semaphore_mem>>) src(%dma_wait3A_114 : memref<10000x64xi32, #tpu.memory_space<hbm>>) dst(%arg20 : memref<80x64xi32, #tpu.memory_space<vmem>>)
    %scan3A_115 = arith.constant 0 : i32
    %scan3A_116 = arith.constant 0 : i32
    %scan3A_117 = arith.constant 5 : i32
    %scan3A_118 = arith.addi %scan3A_116, %scan3A_117 : i32
    %scan3A_119 = arith.constant 1 : i32
    scf.for %scan3A_273 = %scan3A_116 to %scan3A_118 step %scan3A_119  : i32 {
      %mul3A_274 = arith.constant 16 : i32
      %mul3A_275 = arith.muli %scan3A_273, %mul3A_274 : i32
      %add3A_276 = vector.broadcast %mul3A_275 : i32 to vector<16xi32>
      %add3A_277 = arith.addi %add3A_276, %iota3A : vector<16xi32>
      %scan3A_278 = arith.constant 0 : i32
      %scan3A_279 = arith.constant 64 : i32
      %scan3A_280 = arith.addi %scan3A_278, %scan3A_279 : i32
      %scan3A_281 = arith.constant 8 : i32
      %scan3A_282:2 = scf.for %scan3A_291 = %scan3A_278 to %scan3A_280 step %scan3A_281 iter_args(%scan3A_292 = %broadcast_in_dim3A_3, %scan3A_293 = %iota3A) -> (vector<32xbf16>, vector<16xi32>)  : i32 {
        %gather3A = tpu.vector_load_idx %arg19[%add3A_277, %scan3A_293] : memref<80x64xi32, #tpu.memory_space<vmem>>[vector<16xi32>, vector<16xi32>], vector<16xi32>,
        %gather3A_294 = tpu.vector_load_idx %arg20[%add3A_277, %scan3A_293] : memref<80x64xi32, #tpu.memory_space<vmem>>[vector<16xi32>, vector<16xi32>], vector<16xi32>,
        %bitcast3A = vector.bitcast %gather3A : vector<16xi32> to vector<32xbf16>
        %bitcast3A_295 = vector.bitcast %gather3A_294 : vector<16xi32> to vector<32xbf16>
        %mul3A_296 = arith.mulf %bitcast3A, %bitcast3A_295 : vector<32xbf16>
        %add3A_297 = arith.addf %scan3A_292, %mul3A_296 : vector<32xbf16>
        %add3A_298 = arith.constant 1 : i32
        %add3A_299 = vector.broadcast %add3A_298 : i32 to vector<16xi32>
        %add3A_300 = arith.addi %scan3A_293, %add3A_299 : vector<16xi32>
        %and3A = arith.constant 63 : i32
        %and3A_301 = vector.broadcast %and3A : i32 to vector<16xi32>
        %and3A_302 = arith.andi %add3A_300, %and3A_301 : vector<16xi32>
        %scan3A_303 = arith.constant 1 : i32
        %scan3A_304 = arith.addi %scan3A_291, %scan3A_303 : i32
        %gather3A_305 = tpu.vector_load_idx %arg19[%add3A_277, %and3A_302] : memref<80x64xi32, #tpu.memory_space<vmem>>[vector<16xi32>, vector<16xi32>], vector<16xi32>,
        %gather3A_306 = tpu.vector_load_idx %arg20[%add3A_277, %and3A_302] : memref<80x64xi32, #tpu.memory_space<vmem>>[vector<16xi32>, vector<16xi32>], vector<16xi32>,
        %bitcast3A_307 = vector.bitcast %gather3A_305 : vector<16xi32> to vector<32xbf16>
        %bitcast3A_308 = vector.bitcast %gather3A_306 : vector<16xi32> to vector<32xbf16>
        %mul3A_309 = arith.mulf %bitcast3A_307, %bitcast3A_308 : vector<32xbf16>
        %add3A_310 = arith.addf %add3A_297, %mul3A_309 : vector<32xbf16>
        %add3A_311 = arith.constant 1 : i32
        %add3A_312 = vector.broadcast %add3A_311 : i32 to vector<16xi32>
        %add3A_313 = arith.addi %and3A_302, %add3A_312 : vector<16xi32>
        %and3A_314 = arith.constant 63 : i32
        %and3A_315 = vector.broadcast %and3A_314 : i32 to vector<16xi32>
        %and3A_316 = arith.andi %add3A_313, %and3A_315 : vector<16xi32>
        %scan3A_317 = arith.constant 2 : i32
        %scan3A_318 = arith.addi %scan3A_291, %scan3A_317 : i32
        %gather3A_319 = tpu.vector_load_idx %arg19[%add3A_277, %and3A_316] : memref<80x64xi32, #tpu.memory_space<vmem>>[vector<16xi32>, vector<16xi32>], vector<16xi32>,
        %gather3A_320 = tpu.vector_load_idx %arg20[%add3A_277, %and3A_316] : memref<80x64xi32, #tpu.memory_space<vmem>>[vector<16xi32>, vector<16xi32>], vector<16xi32>,
        %bitcast3A_321 = vector.bitcast %gather3A_319 : vector<16xi32> to vector<32xbf16>
        %bitcast3A_322 = vector.bitcast %gather3A_320 : vector<16xi32> to vector<32xbf16>
        %mul3A_323 = arith.mulf %bitcast3A_321, %bitcast3A_322 : vector<32xbf16>
        %add3A_324 = arith.addf %add3A_310, %mul3A_323 : vector<32xbf16>
        %add3A_325 = arith.constant 1 : i32
        %add3A_326 = vector.broadcast %add3A_325 : i32 to vector<16xi32>
        %add3A_327 = arith.addi %and3A_316, %add3A_326 : vector<16xi32>
        %and3A_328 = arith.constant 63 : i32
        %and3A_329 = vector.broadcast %and3A_328 : i32 to vector<16xi32>
        %and3A_330 = arith.andi %add3A_327, %and3A_329 : vector<16xi32>
        %scan3A_331 = arith.constant 3 : i32
        %scan3A_332 = arith.addi %scan3A_291, %scan3A_331 : i32
        %gather3A_333 = tpu.vector_load_idx %arg19[%add3A_277, %and3A_330] : memref<80x64xi32, #tpu.memory_space<vmem>>[vector<16xi32>, vector<16xi32>], vector<16xi32>,
        %gather3A_334 = tpu.vector_load_idx %arg20[%add3A_277, %and3A_330] : memref<80x64xi32, #tpu.memory_space<vmem>>[vector<16xi32>, vector<16xi32>], vector<16xi32>,
        %bitcast3A_335 = vector.bitcast %gather3A_333 : vector<16xi32> to vector<32xbf16>
        %bitcast3A_336 = vector.bitcast %gather3A_334 : vector<16xi32> to vector<32xbf16>
        %mul3A_337 = arith.mulf %bitcast3A_335, %bitcast3A_336 : vector<32xbf16>
        %add3A_338 = arith.addf %add3A_324, %mul3A_337 : vector<32xbf16>
        %add3A_339 = arith.constant 1 : i32
        %add3A_340 = vector.broadcast %add3A_339 : i32 to vector<16xi32>
        %add3A_341 = arith.addi %and3A_330, %add3A_340 : vector<16xi32>
        %and3A_342 = arith.constant 63 : i32
        %and3A_343 = vector.broadcast %and3A_342 : i32 to vector<16xi32>
        %and3A_344 = arith.andi %add3A_341, %and3A_343 : vector<16xi32>
        %scan3A_345 = arith.constant 4 : i32
        %scan3A_346 = arith.addi %scan3A_291, %scan3A_345 : i32
        %gather3A_347 = tpu.vector_load_idx %arg19[%add3A_277, %and3A_344] : memref<80x64xi32, #tpu.memory_space<vmem>>[vector<16xi32>, vector<16xi32>], vector<16xi32>,
        %gather3A_348 = tpu.vector_load_idx %arg20[%add3A_277, %and3A_344] : memref<80x64xi32, #tpu.memory_space<vmem>>[vector<16xi32>, vector<16xi32>], vector<16xi32>,
        %bitcast3A_349 = vector.bitcast %gather3A_347 : vector<16xi32> to vector<32xbf16>
        %bitcast3A_350 = vector.bitcast %gather3A_348 : vector<16xi32> to vector<32xbf16>
        %mul3A_351 = arith.mulf %bitcast3A_349, %bitcast3A_350 : vector<32xbf16>
        %add3A_352 = arith.addf %add3A_338, %mul3A_351 : vector<32xbf16>
        %add3A_353 = arith.constant 1 : i32
        %add3A_354 = vector.broadcast %add3A_353 : i32 to vector<16xi32>
        %add3A_355 = arith.addi %and3A_344, %add3A_354 : vector<16xi32>
        %and3A_356 = arith.constant 63 : i32
        %and3A_357 = vector.broadcast %and3A_356 : i32 to vector<16xi32>
        %and3A_358 = arith.andi %add3A_355, %and3A_357 : vector<16xi32>
        %scan3A_359 = arith.constant 5 : i32
        %scan3A_360 = arith.addi %scan3A_291, %scan3A_359 : i32
        %gather3A_361 = tpu.vector_load_idx %arg19[%add3A_277, %and3A_358] : memref<80x64xi32, #tpu.memory_space<vmem>>[vector<16xi32>, vector<16xi32>], vector<16xi32>,
        %gather3A_362 = tpu.vector_load_idx %arg20[%add3A_277, %and3A_358] : memref<80x64xi32, #tpu.memory_space<vmem>>[vector<16xi32>, vector<16xi32>], vector<16xi32>,
        %bitcast3A_363 = vector.bitcast %gather3A_361 : vector<16xi32> to vector<32xbf16>
        %bitcast3A_364 = vector.bitcast %gather3A_362 : vector<16xi32> to vector<32xbf16>
        %mul3A_365 = arith.mulf %bitcast3A_363, %bitcast3A_364 : vector<32xbf16>
        %add3A_366 = arith.addf %add3A_352, %mul3A_365 : vector<32xbf16>
        %add3A_367 = arith.constant 1 : i32
        %add3A_368 = vector.broadcast %add3A_367 : i32 to vector<16xi32>
        %add3A_369 = arith.addi %and3A_358, %add3A_368 : vector<16xi32>
        %and3A_370 = arith.constant 63 : i32
        %and3A_371 = vector.broadcast %and3A_370 : i32 to vector<16xi32>
        %and3A_372 = arith.andi %add3A_369, %and3A_371 : vector<16xi32>
        %scan3A_373 = arith.constant 6 : i32
        %scan3A_374 = arith.addi %scan3A_291, %scan3A_373 : i32
        %gather3A_375 = tpu.vector_load_idx %arg19[%add3A_277, %and3A_372] : memref<80x64xi32, #tpu.memory_space<vmem>>[vector<16xi32>, vector<16xi32>], vector<16xi32>,
        %gather3A_376 = tpu.vector_load_idx %arg20[%add3A_277, %and3A_372] : memref<80x64xi32, #tpu.memory_space<vmem>>[vector<16xi32>, vector<16xi32>], vector<16xi32>,
        %bitcast3A_377 = vector.bitcast %gather3A_375 : vector<16xi32> to vector<32xbf16>
        %bitcast3A_378 = vector.bitcast %gather3A_376 : vector<16xi32> to vector<32xbf16>
        %mul3A_379 = arith.mulf %bitcast3A_377, %bitcast3A_378 : vector<32xbf16>
        %add3A_380 = arith.addf %add3A_366, %mul3A_379 : vector<32xbf16>
        %add3A_381 = arith.constant 1 : i32
        %add3A_382 = vector.broadcast %add3A_381 : i32 to vector<16xi32>
        %add3A_383 = arith.addi %and3A_372, %add3A_382 : vector<16xi32>
        %and3A_384 = arith.constant 63 : i32
        %and3A_385 = vector.broadcast %and3A_384 : i32 to vector<16xi32>
        %and3A_386 = arith.andi %add3A_383, %and3A_385 : vector<16xi32>
        %scan3A_387 = arith.constant 7 : i32
        %scan3A_388 = arith.addi %scan3A_291, %scan3A_387 : i32
        %gather3A_389 = tpu.vector_load_idx %arg19[%add3A_277, %and3A_386] : memref<80x64xi32, #tpu.memory_space<vmem>>[vector<16xi32>, vector<16xi32>], vector<16xi32>,
        %gather3A_390 = tpu.vector_load_idx %arg20[%add3A_277, %and3A_386] : memref<80x64xi32, #tpu.memory_space<vmem>>[vector<16xi32>, vector<16xi32>], vector<16xi32>,
        %bitcast3A_391 = vector.bitcast %gather3A_389 : vector<16xi32> to vector<32xbf16>
        %bitcast3A_392 = vector.bitcast %gather3A_390 : vector<16xi32> to vector<32xbf16>
        %mul3A_393 = arith.mulf %bitcast3A_391, %bitcast3A_392 : vector<32xbf16>
        %add3A_394 = arith.addf %add3A_380, %mul3A_393 : vector<32xbf16>
        %add3A_395 = arith.constant 1 : i32
        %add3A_396 = vector.broadcast %add3A_395 : i32 to vector<16xi32>
        %add3A_397 = arith.addi %and3A_386, %add3A_396 : vector<16xi32>
        %and3A_398 = arith.constant 63 : i32
        %and3A_399 = vector.broadcast %and3A_398 : i32 to vector<16xi32>
        %and3A_400 = arith.andi %add3A_397, %and3A_399 : vector<16xi32>
        scf.yield %add3A_394, %and3A_400 : vector<32xbf16>, vector<16xi32>
      }
      %scan3A_283 = arith.constant 64 : i32
      %unpack3A = tpu.unpack_subelements %scan3A_282#0, 0 {pack_format = #tpu.pack_format<interleaved>} : vector<32xbf16> -> vector<16xf32>
      %unpack3A_284 = tpu.unpack_subelements %scan3A_282#0, 1 {pack_format = #tpu.pack_format<interleaved>} : vector<32xbf16> -> vector<16xf32>
      %add3A_285 = arith.addf %unpack3A, %unpack3A_284 : vector<16xf32>
      %mul3A_286 = arith.constant 16 : i32
      %mul3A_287 = arith.muli %scan3A_273, %mul3A_286 : i32
      %add3A_288 = arith.constant 9840 : i32
      %add3A_289 = arith.addi %add3A_288, %mul3A_287 : i32
      %swap3A = arith.index_cast %add3A_289 : i32 to index
      %swap3A_290 = tpu.vector_load %arg23[%swap3A] {strides = array<i32>} : memref<10000xf32, #tpu.memory_space<vmem>>, vector<16xf32>,
      tpu.vector_store %arg23[%swap3A], %add3A_285 {strides = array<i32>} : memref<10000xf32, #tpu.memory_space<vmem>>, vector<16xf32>,
    }
    %scan3A_120 = arith.constant 5 : i32
    %dma_wait3A_121 = arith.constant 0 : i32
    %dma_wait3A_122 = tpu.memref_slice %arg11[%dma_wait3A_121] : memref<10000xi32, #tpu.memory_space<vmem>> -> memref<80xi32, #tpu.memory_space<vmem>>
    %dma_wait3A_123 = arith.constant 0 : i32
    %dma_wait3A_124 = arith.constant 0 : i32
    %dma_wait3A_125 = tpu.memref_slice %arg2[%dma_wait3A_123, %dma_wait3A_124] : memref<10000x64xi32, #tpu.memory_space<hbm>> -> memref<10000x64xi32, #tpu.memory_space<hbm>>
    tpu.wait_indirect_dma semaphore(%arg28 : memref<!tpu.dma_semaphore, #tpu.memory_space<semaphore_mem>>) src(%dma_wait3A_125 : memref<10000x64xi32, #tpu.memory_space<hbm>>) dst(%arg21 : memref<80x64xi32, #tpu.memory_space<vmem>>)
    %dma_wait3A_126 = arith.constant 0 : i32
    %dma_wait3A_127 = tpu.memref_slice %arg12[%dma_wait3A_126] : memref<10000xi32, #tpu.memory_space<vmem>> -> memref<80xi32, #tpu.memory_space<vmem>>
    %dma_wait3A_128 = arith.constant 0 : i32
    %dma_wait3A_129 = arith.constant 0 : i32
    %dma_wait3A_130 = tpu.memref_slice %arg4[%dma_wait3A_128, %dma_wait3A_129] : memref<10000x64xi32, #tpu.memory_space<hbm>> -> memref<10000x64xi32, #tpu.memory_space<hbm>>
    tpu.wait_indirect_dma semaphore(%arg28 : memref<!tpu.dma_semaphore, #tpu.memory_space<semaphore_mem>>) src(%dma_wait3A_130 : memref<10000x64xi32, #tpu.memory_space<hbm>>) dst(%arg22 : memref<80x64xi32, #tpu.memory_space<vmem>>)
    %scan3A_131 = arith.constant 0 : i32
    %scan3A_132 = arith.constant 0 : i32
    %scan3A_133 = arith.constant 5 : i32
    %scan3A_134 = arith.addi %scan3A_132, %scan3A_133 : i32
    %scan3A_135 = arith.constant 1 : i32
    scf.for %scan3A_273 = %scan3A_132 to %scan3A_134 step %scan3A_135  : i32 {
      %mul3A_274 = arith.constant 16 : i32
      %mul3A_275 = arith.muli %scan3A_273, %mul3A_274 : i32
      %add3A_276 = vector.broadcast %mul3A_275 : i32 to vector<16xi32>
      %add3A_277 = arith.addi %add3A_276, %iota3A : vector<16xi32>
      %scan3A_278 = arith.constant 0 : i32
      %scan3A_279 = arith.constant 64 : i32
      %scan3A_280 = arith.addi %scan3A_278, %scan3A_279 : i32
      %scan3A_281 = arith.constant 8 : i32
      %scan3A_282:2 = scf.for %scan3A_291 = %scan3A_278 to %scan3A_280 step %scan3A_281 iter_args(%scan3A_292 = %broadcast_in_dim3A_3, %scan3A_293 = %iota3A) -> (vector<32xbf16>, vector<16xi32>)  : i32 {
        %gather3A = tpu.vector_load_idx %arg21[%add3A_277, %scan3A_293] : memref<80x64xi32, #tpu.memory_space<vmem>>[vector<16xi32>, vector<16xi32>], vector<16xi32>,
        %gather3A_294 = tpu.vector_load_idx %arg22[%add3A_277, %scan3A_293] : memref<80x64xi32, #tpu.memory_space<vmem>>[vector<16xi32>, vector<16xi32>], vector<16xi32>,
        %bitcast3A = vector.bitcast %gather3A : vector<16xi32> to vector<32xbf16>
        %bitcast3A_295 = vector.bitcast %gather3A_294 : vector<16xi32> to vector<32xbf16>
        %mul3A_296 = arith.mulf %bitcast3A, %bitcast3A_295 : vector<32xbf16>
        %add3A_297 = arith.addf %scan3A_292, %mul3A_296 : vector<32xbf16>
        %add3A_298 = arith.constant 1 : i32
        %add3A_299 = vector.broadcast %add3A_298 : i32 to vector<16xi32>
        %add3A_300 = arith.addi %scan3A_293, %add3A_299 : vector<16xi32>
        %and3A = arith.constant 63 : i32
        %and3A_301 = vector.broadcast %and3A : i32 to vector<16xi32>
        %and3A_302 = arith.andi %add3A_300, %and3A_301 : vector<16xi32>
        %scan3A_303 = arith.constant 1 : i32
        %scan3A_304 = arith.addi %scan3A_291, %scan3A_303 : i32
        %gather3A_305 = tpu.vector_load_idx %arg21[%add3A_277, %and3A_302] : memref<80x64xi32, #tpu.memory_space<vmem>>[vector<16xi32>, vector<16xi32>], vector<16xi32>,
        %gather3A_306 = tpu.vector_load_idx %arg22[%add3A_277, %and3A_302] : memref<80x64xi32, #tpu.memory_space<vmem>>[vector<16xi32>, vector<16xi32>], vector<16xi32>,
        %bitcast3A_307 = vector.bitcast %gather3A_305 : vector<16xi32> to vector<32xbf16>
        %bitcast3A_308 = vector.bitcast %gather3A_306 : vector<16xi32> to vector<32xbf16>
        %mul3A_309 = arith.mulf %bitcast3A_307, %bitcast3A_308 : vector<32xbf16>
        %add3A_310 = arith.addf %add3A_297, %mul3A_309 : vector<32xbf16>
        %add3A_311 = arith.constant 1 : i32
        %add3A_312 = vector.broadcast %add3A_311 : i32 to vector<16xi32>
        %add3A_313 = arith.addi %and3A_302, %add3A_312 : vector<16xi32>
        %and3A_314 = arith.constant 63 : i32
        %and3A_315 = vector.broadcast %and3A_314 : i32 to vector<16xi32>
        %and3A_316 = arith.andi %add3A_313, %and3A_315 : vector<16xi32>
        %scan3A_317 = arith.constant 2 : i32
        %scan3A_318 = arith.addi %scan3A_291, %scan3A_317 : i32
        %gather3A_319 = tpu.vector_load_idx %arg21[%add3A_277, %and3A_316] : memref<80x64xi32, #tpu.memory_space<vmem>>[vector<16xi32>, vector<16xi32>], vector<16xi32>,
        %gather3A_320 = tpu.vector_load_idx %arg22[%add3A_277, %and3A_316] : memref<80x64xi32, #tpu.memory_space<vmem>>[vector<16xi32>, vector<16xi32>], vector<16xi32>,
        %bitcast3A_321 = vector.bitcast %gather3A_319 : vector<16xi32> to vector<32xbf16>
        %bitcast3A_322 = vector.bitcast %gather3A_320 : vector<16xi32> to vector<32xbf16>
        %mul3A_323 = arith.mulf %bitcast3A_321, %bitcast3A_322 : vector<32xbf16>
        %add3A_324 = arith.addf %add3A_310, %mul3A_323 : vector<32xbf16>
        %add3A_325 = arith.constant 1 : i32
        %add3A_326 = vector.broadcast %add3A_325 : i32 to vector<16xi32>
        %add3A_327 = arith.addi %and3A_316, %add3A_326 : vector<16xi32>
        %and3A_328 = arith.constant 63 : i32
        %and3A_329 = vector.broadcast %and3A_328 : i32 to vector<16xi32>
        %and3A_330 = arith.andi %add3A_327, %and3A_329 : vector<16xi32>
        %scan3A_331 = arith.constant 3 : i32
        %scan3A_332 = arith.addi %scan3A_291, %scan3A_331 : i32
        %gather3A_333 = tpu.vector_load_idx %arg21[%add3A_277, %and3A_330] : memref<80x64xi32, #tpu.memory_space<vmem>>[vector<16xi32>, vector<16xi32>], vector<16xi32>,
        %gather3A_334 = tpu.vector_load_idx %arg22[%add3A_277, %and3A_330] : memref<80x64xi32, #tpu.memory_space<vmem>>[vector<16xi32>, vector<16xi32>], vector<16xi32>,
        %bitcast3A_335 = vector.bitcast %gather3A_333 : vector<16xi32> to vector<32xbf16>
        %bitcast3A_336 = vector.bitcast %gather3A_334 : vector<16xi32> to vector<32xbf16>
        %mul3A_337 = arith.mulf %bitcast3A_335, %bitcast3A_336 : vector<32xbf16>
        %add3A_338 = arith.addf %add3A_324, %mul3A_337 : vector<32xbf16>
        %add3A_339 = arith.constant 1 : i32
        %add3A_340 = vector.broadcast %add3A_339 : i32 to vector<16xi32>
        %add3A_341 = arith.addi %and3A_330, %add3A_340 : vector<16xi32>
        %and3A_342 = arith.constant 63 : i32
        %and3A_343 = vector.broadcast %and3A_342 : i32 to vector<16xi32>
        %and3A_344 = arith.andi %add3A_341, %and3A_343 : vector<16xi32>
        %scan3A_345 = arith.constant 4 : i32
        %scan3A_346 = arith.addi %scan3A_291, %scan3A_345 : i32
        %gather3A_347 = tpu.vector_load_idx %arg21[%add3A_277, %and3A_344] : memref<80x64xi32, #tpu.memory_space<vmem>>[vector<16xi32>, vector<16xi32>], vector<16xi32>,
        %gather3A_348 = tpu.vector_load_idx %arg22[%add3A_277, %and3A_344] : memref<80x64xi32, #tpu.memory_space<vmem>>[vector<16xi32>, vector<16xi32>], vector<16xi32>,
        %bitcast3A_349 = vector.bitcast %gather3A_347 : vector<16xi32> to vector<32xbf16>
        %bitcast3A_350 = vector.bitcast %gather3A_348 : vector<16xi32> to vector<32xbf16>
        %mul3A_351 = arith.mulf %bitcast3A_349, %bitcast3A_350 : vector<32xbf16>
        %add3A_352 = arith.addf %add3A_338, %mul3A_351 : vector<32xbf16>
        %add3A_353 = arith.constant 1 : i32
        %add3A_354 = vector.broadcast %add3A_353 : i32 to vector<16xi32>
        %add3A_355 = arith.addi %and3A_344, %add3A_354 : vector<16xi32>
        %and3A_356 = arith.constant 63 : i32
        %and3A_357 = vector.broadcast %and3A_356 : i32 to vector<16xi32>
        %and3A_358 = arith.andi %add3A_355, %and3A_357 : vector<16xi32>
        %scan3A_359 = arith.constant 5 : i32
        %scan3A_360 = arith.addi %scan3A_291, %scan3A_359 : i32
        %gather3A_361 = tpu.vector_load_idx %arg21[%add3A_277, %and3A_358] : memref<80x64xi32, #tpu.memory_space<vmem>>[vector<16xi32>, vector<16xi32>], vector<16xi32>,
        %gather3A_362 = tpu.vector_load_idx %arg22[%add3A_277, %and3A_358] : memref<80x64xi32, #tpu.memory_space<vmem>>[vector<16xi32>, vector<16xi32>], vector<16xi32>,
        %bitcast3A_363 = vector.bitcast %gather3A_361 : vector<16xi32> to vector<32xbf16>
        %bitcast3A_364 = vector.bitcast %gather3A_362 : vector<16xi32> to vector<32xbf16>
        %mul3A_365 = arith.mulf %bitcast3A_363, %bitcast3A_364 : vector<32xbf16>
        %add3A_366 = arith.addf %add3A_352, %mul3A_365 : vector<32xbf16>
        %add3A_367 = arith.constant 1 : i32
        %add3A_368 = vector.broadcast %add3A_367 : i32 to vector<16xi32>
        %add3A_369 = arith.addi %and3A_358, %add3A_368 : vector<16xi32>
        %and3A_370 = arith.constant 63 : i32
        %and3A_371 = vector.broadcast %and3A_370 : i32 to vector<16xi32>
        %and3A_372 = arith.andi %add3A_369, %and3A_371 : vector<16xi32>
        %scan3A_373 = arith.constant 6 : i32
        %scan3A_374 = arith.addi %scan3A_291, %scan3A_373 : i32
        %gather3A_375 = tpu.vector_load_idx %arg21[%add3A_277, %and3A_372] : memref<80x64xi32, #tpu.memory_space<vmem>>[vector<16xi32>, vector<16xi32>], vector<16xi32>,
        %gather3A_376 = tpu.vector_load_idx %arg22[%add3A_277, %and3A_372] : memref<80x64xi32, #tpu.memory_space<vmem>>[vector<16xi32>, vector<16xi32>], vector<16xi32>,
        %bitcast3A_377 = vector.bitcast %gather3A_375 : vector<16xi32> to vector<32xbf16>
        %bitcast3A_378 = vector.bitcast %gather3A_376 : vector<16xi32> to vector<32xbf16>
        %mul3A_379 = arith.mulf %bitcast3A_377, %bitcast3A_378 : vector<32xbf16>
        %add3A_380 = arith.addf %add3A_366, %mul3A_379 : vector<32xbf16>
        %add3A_381 = arith.constant 1 : i32
        %add3A_382 = vector.broadcast %add3A_381 : i32 to vector<16xi32>
        %add3A_383 = arith.addi %and3A_372, %add3A_382 : vector<16xi32>
        %and3A_384 = arith.constant 63 : i32
        %and3A_385 = vector.broadcast %and3A_384 : i32 to vector<16xi32>
        %and3A_386 = arith.andi %add3A_383, %and3A_385 : vector<16xi32>
        %scan3A_387 = arith.constant 7 : i32
        %scan3A_388 = arith.addi %scan3A_291, %scan3A_387 : i32
        %gather3A_389 = tpu.vector_load_idx %arg21[%add3A_277, %and3A_386] : memref<80x64xi32, #tpu.memory_space<vmem>>[vector<16xi32>, vector<16xi32>], vector<16xi32>,
        %gather3A_390 = tpu.vector_load_idx %arg22[%add3A_277, %and3A_386] : memref<80x64xi32, #tpu.memory_space<vmem>>[vector<16xi32>, vector<16xi32>], vector<16xi32>,
        %bitcast3A_391 = vector.bitcast %gather3A_389 : vector<16xi32> to vector<32xbf16>
        %bitcast3A_392 = vector.bitcast %gather3A_390 : vector<16xi32> to vector<32xbf16>
        %mul3A_393 = arith.mulf %bitcast3A_391, %bitcast3A_392 : vector<32xbf16>
        %add3A_394 = arith.addf %add3A_380, %mul3A_393 : vector<32xbf16>
        %add3A_395 = arith.constant 1 : i32
        %add3A_396 = vector.broadcast %add3A_395 : i32 to vector<16xi32>
        %add3A_397 = arith.addi %and3A_386, %add3A_396 : vector<16xi32>
        %and3A_398 = arith.constant 63 : i32
        %and3A_399 = vector.broadcast %and3A_398 : i32 to vector<16xi32>
        %and3A_400 = arith.andi %add3A_397, %and3A_399 : vector<16xi32>
        scf.yield %add3A_394, %and3A_400 : vector<32xbf16>, vector<16xi32>
      }
      %scan3A_283 = arith.constant 64 : i32
      %unpack3A = tpu.unpack_subelements %scan3A_282#0, 0 {pack_format = #tpu.pack_format<interleaved>} : vector<32xbf16> -> vector<16xf32>
      %unpack3A_284 = tpu.unpack_subelements %scan3A_282#0, 1 {pack_format = #tpu.pack_format<interleaved>} : vector<32xbf16> -> vector<16xf32>
      %add3A_285 = arith.addf %unpack3A, %unpack3A_284 : vector<16xf32>
      %mul3A_286 = arith.constant 16 : i32
      %mul3A_287 = arith.muli %scan3A_273, %mul3A_286 : i32
      %add3A_288 = arith.constant 9920 : i32
      %add3A_289 = arith.addi %add3A_288, %mul3A_287 : i32
      %swap3A = arith.index_cast %add3A_289 : i32 to index
      %swap3A_290 = tpu.vector_load %arg23[%swap3A] {strides = array<i32>} : memref<10000xf32, #tpu.memory_space<vmem>>, vector<16xf32>,
      tpu.vector_store %arg23[%swap3A], %add3A_285 {strides = array<i32>} : memref<10000xf32, #tpu.memory_space<vmem>>, vector<16xf32>,
    }
    %scan3A_136 = arith.constant 5 : i32
    "tpu.region"() ({
      %run_scoped3A = tpu.sem_alloc : memref<!tpu.dma_semaphore, #tpu.memory_space<semaphore_mem>>
      %dma_start3A_273 = tpu.memref_slice %arg9[%mul3A_2] : memref<320000xf32, #tpu.memory_space<hbm>> -> memref<10000xf32, #tpu.memory_space<hbm>>
      %dma_start3A_274 = tpu.memref_slice %arg9[%mul3A_2] : memref<320000xf32, #tpu.memory_space<hbm>> -> memref<10000xf32, #tpu.memory_space<hbm>>
      tpu.enqueue_dma source(%arg23 : memref<10000xf32, #tpu.memory_space<vmem>>) target(%dma_start3A_274 : memref<10000xf32, #tpu.memory_space<hbm>>) target_semaphore(%run_scoped3A : memref<!tpu.dma_semaphore, #tpu.memory_space<semaphore_mem>>)
      %dma_wait3A_275 = tpu.memref_slice %arg9[%mul3A_2] : memref<320000xf32, #tpu.memory_space<hbm>> -> memref<10000xf32, #tpu.memory_space<hbm>>
      %dma_wait3A_276 = tpu.memref_slice %arg9[%mul3A_2] : memref<320000xf32, #tpu.memory_space<hbm>> -> memref<10000xf32, #tpu.memory_space<hbm>>
      tpu.wait_dma2 semaphore(%run_scoped3A : memref<!tpu.dma_semaphore, #tpu.memory_space<semaphore_mem>>) src(%arg23 : memref<10000xf32, #tpu.memory_space<vmem>>) dst(%dma_wait3A_276 : memref<10000xf32, #tpu.memory_space<hbm>>)
      tpu.yield
    }) : () -> ()
    "tpu.region"() ({
      %run_scoped3A = tpu.sem_alloc : memref<!tpu.dma_semaphore, #tpu.memory_space<semaphore_mem>>
      %dma_start3A_273 = tpu.memref_slice %arg7[%mul3A_2] : memref<320000xi32, #tpu.memory_space<hbm>> -> memref<10000xi32, #tpu.memory_space<hbm>>
      %dma_start3A_274 = tpu.memref_slice %arg7[%mul3A_2] : memref<320000xi32, #tpu.memory_space<hbm>> -> memref<10000xi32, #tpu.memory_space<hbm>>
      tpu.enqueue_dma source(%dma_start3A_274 : memref<10000xi32, #tpu.memory_space<hbm>>) target(%arg11 : memref<10000xi32, #tpu.memory_space<vmem>>) target_semaphore(%run_scoped3A : memref<!tpu.dma_semaphore, #tpu.memory_space<semaphore_mem>>)
      %dma_wait3A_275 = tpu.memref_slice %arg7[%mul3A_2] : memref<320000xi32, #tpu.memory_space<hbm>> -> memref<10000xi32, #tpu.memory_space<hbm>>
      %dma_wait3A_276 = tpu.memref_slice %arg7[%mul3A_2] : memref<320000xi32, #tpu.memory_space<hbm>> -> memref<10000xi32, #tpu.memory_space<hbm>>
      tpu.wait_dma2 semaphore(%run_scoped3A : memref<!tpu.dma_semaphore, #tpu.memory_space<semaphore_mem>>) src(%dma_wait3A_276 : memref<10000xi32, #tpu.memory_space<hbm>>) dst(%arg11 : memref<10000xi32, #tpu.memory_space<vmem>>)
      tpu.yield
    }) : () -> ()
    "tpu.region"() ({
      %run_scoped3A = tpu.sem_alloc : memref<!tpu.dma_semaphore, #tpu.memory_space<semaphore_mem>>
      %dma_start3A_273 = tpu.memref_slice %arg8[%mul3A_2] : memref<320000xi32, #tpu.memory_space<hbm>> -> memref<10000xi32, #tpu.memory_space<hbm>>
      %dma_start3A_274 = tpu.memref_slice %arg8[%mul3A_2] : memref<320000xi32, #tpu.memory_space<hbm>> -> memref<10000xi32, #tpu.memory_space<hbm>>
      tpu.enqueue_dma source(%dma_start3A_274 : memref<10000xi32, #tpu.memory_space<hbm>>) target(%arg12 : memref<10000xi32, #tpu.memory_space<vmem>>) target_semaphore(%run_scoped3A : memref<!tpu.dma_semaphore, #tpu.memory_space<semaphore_mem>>)
      %dma_wait3A_275 = tpu.memref_slice %arg8[%mul3A_2] : memref<320000xi32, #tpu.memory_space<hbm>> -> memref<10000xi32, #tpu.memory_space<hbm>>
      %dma_wait3A_276 = tpu.memref_slice %arg8[%mul3A_2] : memref<320000xi32, #tpu.memory_space<hbm>> -> memref<10000xi32, #tpu.memory_space<hbm>>
      tpu.wait_dma2 semaphore(%run_scoped3A : memref<!tpu.dma_semaphore, #tpu.memory_space<semaphore_mem>>) src(%dma_wait3A_276 : memref<10000xi32, #tpu.memory_space<hbm>>) dst(%arg12 : memref<10000xi32, #tpu.memory_space<vmem>>)
      tpu.yield
    }) : () -> ()
    %dma_start3A_137 = arith.constant 0 : i32
    %dma_start3A_138 = tpu.memref_slice %arg11[%dma_start3A_137] : memref<10000xi32, #tpu.memory_space<vmem>> -> memref<80xi32, #tpu.memory_space<vmem>>
    %dma_start3A_139 = arith.constant 0 : i32
    %dma_start3A_140 = arith.constant 0 : i32
    %dma_start3A_141 = tpu.memref_slice %arg3[%dma_start3A_139, %dma_start3A_140] : memref<10000x64xi32, #tpu.memory_space<hbm>> -> memref<10000x64xi32, #tpu.memory_space<hbm>>
    tpu.enqueue_indirect_dma source(%dma_start3A_141 : memref<10000x64xi32, #tpu.memory_space<hbm>>) target(%arg13 : memref<80x64xi32, #tpu.memory_space<vmem>>) offsets(%dma_start3A_138 : memref<80xi32, #tpu.memory_space<vmem>>) semaphore(%arg24 : memref<!tpu.dma_semaphore, #tpu.memory_space<semaphore_mem>>)
    %dma_start3A_142 = arith.constant 0 : i32
    %dma_start3A_143 = tpu.memref_slice %arg12[%dma_start3A_142] : memref<10000xi32, #tpu.memory_space<vmem>> -> memref<80xi32, #tpu.memory_space<vmem>>
    %dma_start3A_144 = arith.constant 0 : i32
    %dma_start3A_145 = arith.constant 0 : i32
    %dma_start3A_146 = tpu.memref_slice %arg4[%dma_start3A_144, %dma_start3A_145] : memref<10000x64xi32, #tpu.memory_space<hbm>> -> memref<10000x64xi32, #tpu.memory_space<hbm>>
    tpu.enqueue_indirect_dma source(%dma_start3A_146 : memref<10000x64xi32, #tpu.memory_space<hbm>>) target(%arg14 : memref<80x64xi32, #tpu.memory_space<vmem>>) offsets(%dma_start3A_143 : memref<80xi32, #tpu.memory_space<vmem>>) semaphore(%arg24 : memref<!tpu.dma_semaphore, #tpu.memory_space<semaphore_mem>>)
    %dma_start3A_147 = arith.constant 80 : i32
    %dma_start3A_148 = tpu.memref_slice %arg11[%dma_start3A_147] : memref<10000xi32, #tpu.memory_space<vmem>> -> memref<80xi32, #tpu.memory_space<vmem>>
    %dma_start3A_149 = arith.constant 0 : i32
    %dma_start3A_150 = arith.constant 0 : i32
    %dma_start3A_151 = tpu.memref_slice %arg3[%dma_start3A_149, %dma_start3A_150] : memref<10000x64xi32, #tpu.memory_space<hbm>> -> memref<10000x64xi32, #tpu.memory_space<hbm>>
    tpu.enqueue_indirect_dma source(%dma_start3A_151 : memref<10000x64xi32, #tpu.memory_space<hbm>>) target(%arg15 : memref<80x64xi32, #tpu.memory_space<vmem>>) offsets(%dma_start3A_148 : memref<80xi32, #tpu.memory_space<vmem>>) semaphore(%arg25 : memref<!tpu.dma_semaphore, #tpu.memory_space<semaphore_mem>>)
    %dma_start3A_152 = arith.constant 80 : i32
    %dma_start3A_153 = tpu.memref_slice %arg12[%dma_start3A_152] : memref<10000xi32, #tpu.memory_space<vmem>> -> memref<80xi32, #tpu.memory_space<vmem>>
    %dma_start3A_154 = arith.constant 0 : i32
    %dma_start3A_155 = arith.constant 0 : i32
    %dma_start3A_156 = tpu.memref_slice %arg4[%dma_start3A_154, %dma_start3A_155] : memref<10000x64xi32, #tpu.memory_space<hbm>> -> memref<10000x64xi32, #tpu.memory_space<hbm>>
    tpu.enqueue_indirect_dma source(%dma_start3A_156 : memref<10000x64xi32, #tpu.memory_space<hbm>>) target(%arg16 : memref<80x64xi32, #tpu.memory_space<vmem>>) offsets(%dma_start3A_153 : memref<80xi32, #tpu.memory_space<vmem>>) semaphore(%arg25 : memref<!tpu.dma_semaphore, #tpu.memory_space<semaphore_mem>>)
    %dma_start3A_157 = arith.constant 160 : i32
    %dma_start3A_158 = tpu.memref_slice %arg11[%dma_start3A_157] : memref<10000xi32, #tpu.memory_space<vmem>> -> memref<80xi32, #tpu.memory_space<vmem>>
    %dma_start3A_159 = arith.constant 0 : i32
    %dma_start3A_160 = arith.constant 0 : i32
    %dma_start3A_161 = tpu.memref_slice %arg3[%dma_start3A_159, %dma_start3A_160] : memref<10000x64xi32, #tpu.memory_space<hbm>> -> memref<10000x64xi32, #tpu.memory_space<hbm>>
    tpu.enqueue_indirect_dma source(%dma_start3A_161 : memref<10000x64xi32, #tpu.memory_space<hbm>>) target(%arg17 : memref<80x64xi32, #tpu.memory_space<vmem>>) offsets(%dma_start3A_158 : memref<80xi32, #tpu.memory_space<vmem>>) semaphore(%arg26 : memref<!tpu.dma_semaphore, #tpu.memory_space<semaphore_mem>>)
    %dma_start3A_162 = arith.constant 160 : i32
    %dma_start3A_163 = tpu.memref_slice %arg12[%dma_start3A_162] : memref<10000xi32, #tpu.memory_space<vmem>> -> memref<80xi32, #tpu.memory_space<vmem>>
    %dma_start3A_164 = arith.constant 0 : i32
    %dma_start3A_165 = arith.constant 0 : i32
    %dma_start3A_166 = tpu.memref_slice %arg4[%dma_start3A_164, %dma_start3A_165] : memref<10000x64xi32, #tpu.memory_space<hbm>> -> memref<10000x64xi32, #tpu.memory_space<hbm>>
    tpu.enqueue_indirect_dma source(%dma_start3A_166 : memref<10000x64xi32, #tpu.memory_space<hbm>>) target(%arg18 : memref<80x64xi32, #tpu.memory_space<vmem>>) offsets(%dma_start3A_163 : memref<80xi32, #tpu.memory_space<vmem>>) semaphore(%arg26 : memref<!tpu.dma_semaphore, #tpu.memory_space<semaphore_mem>>)
    %dma_start3A_167 = arith.constant 240 : i32
    %dma_start3A_168 = tpu.memref_slice %arg11[%dma_start3A_167] : memref<10000xi32, #tpu.memory_space<vmem>> -> memref<80xi32, #tpu.memory_space<vmem>>
    %dma_start3A_169 = arith.constant 0 : i32
    %dma_start3A_170 = arith.constant 0 : i32
    %dma_start3A_171 = tpu.memref_slice %arg3[%dma_start3A_169, %dma_start3A_170] : memref<10000x64xi32, #tpu.memory_space<hbm>> -> memref<10000x64xi32, #tpu.memory_space<hbm>>
    tpu.enqueue_indirect_dma source(%dma_start3A_171 : memref<10000x64xi32, #tpu.memory_space<hbm>>) target(%arg19 : memref<80x64xi32, #tpu.memory_space<vmem>>) offsets(%dma_start3A_168 : memref<80xi32, #tpu.memory_space<vmem>>) semaphore(%arg27 : memref<!tpu.dma_semaphore, #tpu.memory_space<semaphore_mem>>)
    %dma_start3A_172 = arith.constant 240 : i32
    %dma_start3A_173 = tpu.memref_slice %arg12[%dma_start3A_172] : memref<10000xi32, #tpu.memory_space<vmem>> -> memref<80xi32, #tpu.memory_space<vmem>>
    %dma_start3A_174 = arith.constant 0 : i32
    %dma_start3A_175 = arith.constant 0 : i32
    %dma_start3A_176 = tpu.memref_slice %arg4[%dma_start3A_174, %dma_start3A_175] : memref<10000x64xi32, #tpu.memory_space<hbm>> -> memref<10000x64xi32, #tpu.memory_space<hbm>>
    tpu.enqueue_indirect_dma source(%dma_start3A_176 : memref<10000x64xi32, #tpu.memory_space<hbm>>) target(%arg20 : memref<80x64xi32, #tpu.memory_space<vmem>>) offsets(%dma_start3A_173 : memref<80xi32, #tpu.memory_space<vmem>>) semaphore(%arg27 : memref<!tpu.dma_semaphore, #tpu.memory_space<semaphore_mem>>)
    %scan3A_177 = arith.constant 0 : i32
    %scan3A_178 = arith.constant 0 : i32
    %scan3A_179 = arith.constant 24 : i32
    %scan3A_180 = arith.addi %scan3A_178, %scan3A_179 : i32
    %scan3A_181 = arith.constant 1 : i32
    scf.for %scan3A_273 = %scan3A_178 to %scan3A_180 step %scan3A_181  : i32 {
      %mul3A_274 = arith.constant 5 : i32
      %mul3A_275 = arith.muli %mul3A_274, %scan3A_273 : i32
      %add3A_276 = arith.constant 0 : i32
      %add3A_277 = arith.addi %mul3A_275, %add3A_276 : i32
      %add3A_278 = arith.constant 4 : i32
      %add3A_279 = arith.addi %add3A_277, %add3A_278 : i32
      %mul3A_280 = arith.constant 80 : i32
      %mul3A_281 = arith.muli %add3A_279, %mul3A_280 : i32
      %dma_start3A_282 = tpu.memref_slice %arg11[%mul3A_281] : memref<10000xi32, #tpu.memory_space<vmem>> -> memref<80xi32, #tpu.memory_space<vmem>>
      %dma_start3A_283 = arith.constant 0 : i32
      %dma_start3A_284 = arith.constant 0 : i32
      %dma_start3A_285 = tpu.memref_slice %arg3[%dma_start3A_283, %dma_start3A_284] : memref<10000x64xi32, #tpu.memory_space<hbm>> -> memref<10000x64xi32, #tpu.memory_space<hbm>>
      tpu.enqueue_indirect_dma source(%dma_start3A_285 : memref<10000x64xi32, #tpu.memory_space<hbm>>) target(%arg21 : memref<80x64xi32, #tpu.memory_space<vmem>>) offsets(%dma_start3A_282 : memref<80xi32, #tpu.memory_space<vmem>>) semaphore(%arg28 : memref<!tpu.dma_semaphore, #tpu.memory_space<semaphore_mem>>)
      %mul3A_286 = arith.constant 80 : i32
      %mul3A_287 = arith.muli %add3A_279, %mul3A_286 : i32
      %dma_start3A_288 = tpu.memref_slice %arg12[%mul3A_287] : memref<10000xi32, #tpu.memory_space<vmem>> -> memref<80xi32, #tpu.memory_space<vmem>>
      %dma_start3A_289 = arith.constant 0 : i32
      %dma_start3A_290 = arith.constant 0 : i32
      %dma_start3A_291 = tpu.memref_slice %arg4[%dma_start3A_289, %dma_start3A_290] : memref<10000x64xi32, #tpu.memory_space<hbm>> -> memref<10000x64xi32, #tpu.memory_space<hbm>>
      tpu.enqueue_indirect_dma source(%dma_start3A_291 : memref<10000x64xi32, #tpu.memory_space<hbm>>) target(%arg22 : memref<80x64xi32, #tpu.memory_space<vmem>>) offsets(%dma_start3A_288 : memref<80xi32, #tpu.memory_space<vmem>>) semaphore(%arg28 : memref<!tpu.dma_semaphore, #tpu.memory_space<semaphore_mem>>)
      %dma_wait3A_292 = arith.constant 0 : i32
      %dma_wait3A_293 = tpu.memref_slice %arg11[%dma_wait3A_292] : memref<10000xi32, #tpu.memory_space<vmem>> -> memref<80xi32, #tpu.memory_space<vmem>>
      %dma_wait3A_294 = arith.constant 0 : i32
      %dma_wait3A_295 = arith.constant 0 : i32
      %dma_wait3A_296 = tpu.memref_slice %arg3[%dma_wait3A_294, %dma_wait3A_295] : memref<10000x64xi32, #tpu.memory_space<hbm>> -> memref<10000x64xi32, #tpu.memory_space<hbm>>
      tpu.wait_indirect_dma semaphore(%arg24 : memref<!tpu.dma_semaphore, #tpu.memory_space<semaphore_mem>>) src(%dma_wait3A_296 : memref<10000x64xi32, #tpu.memory_space<hbm>>) dst(%arg13 : memref<80x64xi32, #tpu.memory_space<vmem>>)
      %dma_wait3A_297 = arith.constant 0 : i32
      %dma_wait3A_298 = tpu.memref_slice %arg12[%dma_wait3A_297] : memref<10000xi32, #tpu.memory_space<vmem>> -> memref<80xi32, #tpu.memory_space<vmem>>
      %dma_wait3A_299 = arith.constant 0 : i32
      %dma_wait3A_300 = arith.constant 0 : i32
      %dma_wait3A_301 = tpu.memref_slice %arg4[%dma_wait3A_299, %dma_wait3A_300] : memref<10000x64xi32, #tpu.memory_space<hbm>> -> memref<10000x64xi32, #tpu.memory_space<hbm>>
      tpu.wait_indirect_dma semaphore(%arg24 : memref<!tpu.dma_semaphore, #tpu.memory_space<semaphore_mem>>) src(%dma_wait3A_301 : memref<10000x64xi32, #tpu.memory_space<hbm>>) dst(%arg14 : memref<80x64xi32, #tpu.memory_space<vmem>>)
      %add3A_302 = arith.constant 0 : i32
      %add3A_303 = arith.addi %mul3A_275, %add3A_302 : i32
      %scan3A_304 = arith.constant 0 : i32
      %scan3A_305 = arith.constant 0 : i32
      %scan3A_306 = arith.constant 5 : i32
      %scan3A_307 = arith.addi %scan3A_305, %scan3A_306 : i32
      %scan3A_308 = arith.constant 1 : i32
      scf.for %scan3A_446 = %scan3A_305 to %scan3A_307 step %scan3A_308  : i32 {
        %mul3A_447 = arith.constant 16 : i32
        %mul3A_448 = arith.muli %scan3A_446, %mul3A_447 : i32
        %add3A_449 = vector.broadcast %mul3A_448 : i32 to vector<16xi32>
        %add3A_450 = arith.addi %add3A_449, %iota3A : vector<16xi32>
        %scan3A_451 = arith.constant 0 : i32
        %scan3A_452 = arith.constant 64 : i32
        %scan3A_453 = arith.addi %scan3A_451, %scan3A_452 : i32
        %scan3A_454 = arith.constant 8 : i32
        %scan3A_455:2 = scf.for %scan3A_465 = %scan3A_451 to %scan3A_453 step %scan3A_454 iter_args(%scan3A_466 = %broadcast_in_dim3A_3, %scan3A_467 = %iota3A) -> (vector<32xbf16>, vector<16xi32>)  : i32 {
          %gather3A = tpu.vector_load_idx %arg13[%add3A_450, %scan3A_467] : memref<80x64xi32, #tpu.memory_space<vmem>>[vector<16xi32>, vector<16xi32>], vector<16xi32>,
          %gather3A_468 = tpu.vector_load_idx %arg14[%add3A_450, %scan3A_467] : memref<80x64xi32, #tpu.memory_space<vmem>>[vector<16xi32>, vector<16xi32>], vector<16xi32>,
          %bitcast3A = vector.bitcast %gather3A : vector<16xi32> to vector<32xbf16>
          %bitcast3A_469 = vector.bitcast %gather3A_468 : vector<16xi32> to vector<32xbf16>
          %mul3A_470 = arith.mulf %bitcast3A, %bitcast3A_469 : vector<32xbf16>
          %add3A_471 = arith.addf %scan3A_466, %mul3A_470 : vector<32xbf16>
          %add3A_472 = arith.constant 1 : i32
          %add3A_473 = vector.broadcast %add3A_472 : i32 to vector<16xi32>
          %add3A_474 = arith.addi %scan3A_467, %add3A_473 : vector<16xi32>
          %and3A = arith.constant 63 : i32
          %and3A_475 = vector.broadcast %and3A : i32 to vector<16xi32>
          %and3A_476 = arith.andi %add3A_474, %and3A_475 : vector<16xi32>
          %scan3A_477 = arith.constant 1 : i32
          %scan3A_478 = arith.addi %scan3A_465, %scan3A_477 : i32
          %gather3A_479 = tpu.vector_load_idx %arg13[%add3A_450, %and3A_476] : memref<80x64xi32, #tpu.memory_space<vmem>>[vector<16xi32>, vector<16xi32>], vector<16xi32>,
          %gather3A_480 = tpu.vector_load_idx %arg14[%add3A_450, %and3A_476] : memref<80x64xi32, #tpu.memory_space<vmem>>[vector<16xi32>, vector<16xi32>], vector<16xi32>,
          %bitcast3A_481 = vector.bitcast %gather3A_479 : vector<16xi32> to vector<32xbf16>
          %bitcast3A_482 = vector.bitcast %gather3A_480 : vector<16xi32> to vector<32xbf16>
          %mul3A_483 = arith.mulf %bitcast3A_481, %bitcast3A_482 : vector<32xbf16>
          %add3A_484 = arith.addf %add3A_471, %mul3A_483 : vector<32xbf16>
          %add3A_485 = arith.constant 1 : i32
          %add3A_486 = vector.broadcast %add3A_485 : i32 to vector<16xi32>
          %add3A_487 = arith.addi %and3A_476, %add3A_486 : vector<16xi32>
          %and3A_488 = arith.constant 63 : i32
          %and3A_489 = vector.broadcast %and3A_488 : i32 to vector<16xi32>
          %and3A_490 = arith.andi %add3A_487, %and3A_489 : vector<16xi32>
          %scan3A_491 = arith.constant 2 : i32
          %scan3A_492 = arith.addi %scan3A_465, %scan3A_491 : i32
          %gather3A_493 = tpu.vector_load_idx %arg13[%add3A_450, %and3A_490] : memref<80x64xi32, #tpu.memory_space<vmem>>[vector<16xi32>, vector<16xi32>], vector<16xi32>,
          %gather3A_494 = tpu.vector_load_idx %arg14[%add3A_450, %and3A_490] : memref<80x64xi32, #tpu.memory_space<vmem>>[vector<16xi32>, vector<16xi32>], vector<16xi32>,
          %bitcast3A_495 = vector.bitcast %gather3A_493 : vector<16xi32> to vector<32xbf16>
          %bitcast3A_496 = vector.bitcast %gather3A_494 : vector<16xi32> to vector<32xbf16>
          %mul3A_497 = arith.mulf %bitcast3A_495, %bitcast3A_496 : vector<32xbf16>
          %add3A_498 = arith.addf %add3A_484, %mul3A_497 : vector<32xbf16>
          %add3A_499 = arith.constant 1 : i32
          %add3A_500 = vector.broadcast %add3A_499 : i32 to vector<16xi32>
          %add3A_501 = arith.addi %and3A_490, %add3A_500 : vector<16xi32>
          %and3A_502 = arith.constant 63 : i32
          %and3A_503 = vector.broadcast %and3A_502 : i32 to vector<16xi32>
          %and3A_504 = arith.andi %add3A_501, %and3A_503 : vector<16xi32>
          %scan3A_505 = arith.constant 3 : i32
          %scan3A_506 = arith.addi %scan3A_465, %scan3A_505 : i32
          %gather3A_507 = tpu.vector_load_idx %arg13[%add3A_450, %and3A_504] : memref<80x64xi32, #tpu.memory_space<vmem>>[vector<16xi32>, vector<16xi32>], vector<16xi32>,
          %gather3A_508 = tpu.vector_load_idx %arg14[%add3A_450, %and3A_504] : memref<80x64xi32, #tpu.memory_space<vmem>>[vector<16xi32>, vector<16xi32>], vector<16xi32>,
          %bitcast3A_509 = vector.bitcast %gather3A_507 : vector<16xi32> to vector<32xbf16>
          %bitcast3A_510 = vector.bitcast %gather3A_508 : vector<16xi32> to vector<32xbf16>
          %mul3A_511 = arith.mulf %bitcast3A_509, %bitcast3A_510 : vector<32xbf16>
          %add3A_512 = arith.addf %add3A_498, %mul3A_511 : vector<32xbf16>
          %add3A_513 = arith.constant 1 : i32
          %add3A_514 = vector.broadcast %add3A_513 : i32 to vector<16xi32>
          %add3A_515 = arith.addi %and3A_504, %add3A_514 : vector<16xi32>
          %and3A_516 = arith.constant 63 : i32
          %and3A_517 = vector.broadcast %and3A_516 : i32 to vector<16xi32>
          %and3A_518 = arith.andi %add3A_515, %and3A_517 : vector<16xi32>
          %scan3A_519 = arith.constant 4 : i32
          %scan3A_520 = arith.addi %scan3A_465, %scan3A_519 : i32
          %gather3A_521 = tpu.vector_load_idx %arg13[%add3A_450, %and3A_518] : memref<80x64xi32, #tpu.memory_space<vmem>>[vector<16xi32>, vector<16xi32>], vector<16xi32>,
          %gather3A_522 = tpu.vector_load_idx %arg14[%add3A_450, %and3A_518] : memref<80x64xi32, #tpu.memory_space<vmem>>[vector<16xi32>, vector<16xi32>], vector<16xi32>,
          %bitcast3A_523 = vector.bitcast %gather3A_521 : vector<16xi32> to vector<32xbf16>
          %bitcast3A_524 = vector.bitcast %gather3A_522 : vector<16xi32> to vector<32xbf16>
          %mul3A_525 = arith.mulf %bitcast3A_523, %bitcast3A_524 : vector<32xbf16>
          %add3A_526 = arith.addf %add3A_512, %mul3A_525 : vector<32xbf16>
          %add3A_527 = arith.constant 1 : i32
          %add3A_528 = vector.broadcast %add3A_527 : i32 to vector<16xi32>
          %add3A_529 = arith.addi %and3A_518, %add3A_528 : vector<16xi32>
          %and3A_530 = arith.constant 63 : i32
          %and3A_531 = vector.broadcast %and3A_530 : i32 to vector<16xi32>
          %and3A_532 = arith.andi %add3A_529, %and3A_531 : vector<16xi32>
          %scan3A_533 = arith.constant 5 : i32
          %scan3A_534 = arith.addi %scan3A_465, %scan3A_533 : i32
          %gather3A_535 = tpu.vector_load_idx %arg13[%add3A_450, %and3A_532] : memref<80x64xi32, #tpu.memory_space<vmem>>[vector<16xi32>, vector<16xi32>], vector<16xi32>,
          %gather3A_536 = tpu.vector_load_idx %arg14[%add3A_450, %and3A_532] : memref<80x64xi32, #tpu.memory_space<vmem>>[vector<16xi32>, vector<16xi32>], vector<16xi32>,
          %bitcast3A_537 = vector.bitcast %gather3A_535 : vector<16xi32> to vector<32xbf16>
          %bitcast3A_538 = vector.bitcast %gather3A_536 : vector<16xi32> to vector<32xbf16>
          %mul3A_539 = arith.mulf %bitcast3A_537, %bitcast3A_538 : vector<32xbf16>
          %add3A_540 = arith.addf %add3A_526, %mul3A_539 : vector<32xbf16>
          %add3A_541 = arith.constant 1 : i32
          %add3A_542 = vector.broadcast %add3A_541 : i32 to vector<16xi32>
          %add3A_543 = arith.addi %and3A_532, %add3A_542 : vector<16xi32>
          %and3A_544 = arith.constant 63 : i32
          %and3A_545 = vector.broadcast %and3A_544 : i32 to vector<16xi32>
          %and3A_546 = arith.andi %add3A_543, %and3A_545 : vector<16xi32>
          %scan3A_547 = arith.constant 6 : i32
          %scan3A_548 = arith.addi %scan3A_465, %scan3A_547 : i32
          %gather3A_549 = tpu.vector_load_idx %arg13[%add3A_450, %and3A_546] : memref<80x64xi32, #tpu.memory_space<vmem>>[vector<16xi32>, vector<16xi32>], vector<16xi32>,
          %gather3A_550 = tpu.vector_load_idx %arg14[%add3A_450, %and3A_546] : memref<80x64xi32, #tpu.memory_space<vmem>>[vector<16xi32>, vector<16xi32>], vector<16xi32>,
          %bitcast3A_551 = vector.bitcast %gather3A_549 : vector<16xi32> to vector<32xbf16>
          %bitcast3A_552 = vector.bitcast %gather3A_550 : vector<16xi32> to vector<32xbf16>
          %mul3A_553 = arith.mulf %bitcast3A_551, %bitcast3A_552 : vector<32xbf16>
          %add3A_554 = arith.addf %add3A_540, %mul3A_553 : vector<32xbf16>
          %add3A_555 = arith.constant 1 : i32
          %add3A_556 = vector.broadcast %add3A_555 : i32 to vector<16xi32>
          %add3A_557 = arith.addi %and3A_546, %add3A_556 : vector<16xi32>
          %and3A_558 = arith.constant 63 : i32
          %and3A_559 = vector.broadcast %and3A_558 : i32 to vector<16xi32>
          %and3A_560 = arith.andi %add3A_557, %and3A_559 : vector<16xi32>
          %scan3A_561 = arith.constant 7 : i32
          %scan3A_562 = arith.addi %scan3A_465, %scan3A_561 : i32
          %gather3A_563 = tpu.vector_load_idx %arg13[%add3A_450, %and3A_560] : memref<80x64xi32, #tpu.memory_space<vmem>>[vector<16xi32>, vector<16xi32>], vector<16xi32>,
          %gather3A_564 = tpu.vector_load_idx %arg14[%add3A_450, %and3A_560] : memref<80x64xi32, #tpu.memory_space<vmem>>[vector<16xi32>, vector<16xi32>], vector<16xi32>,
          %bitcast3A_565 = vector.bitcast %gather3A_563 : vector<16xi32> to vector<32xbf16>
          %bitcast3A_566 = vector.bitcast %gather3A_564 : vector<16xi32> to vector<32xbf16>
          %mul3A_567 = arith.mulf %bitcast3A_565, %bitcast3A_566 : vector<32xbf16>
          %add3A_568 = arith.addf %add3A_554, %mul3A_567 : vector<32xbf16>
          %add3A_569 = arith.constant 1 : i32
          %add3A_570 = vector.broadcast %add3A_569 : i32 to vector<16xi32>
          %add3A_571 = arith.addi %and3A_560, %add3A_570 : vector<16xi32>
          %and3A_572 = arith.constant 63 : i32
          %and3A_573 = vector.broadcast %and3A_572 : i32 to vector<16xi32>
          %and3A_574 = arith.andi %add3A_571, %and3A_573 : vector<16xi32>
          scf.yield %add3A_568, %and3A_574 : vector<32xbf16>, vector<16xi32>
        }
        %scan3A_456 = arith.constant 64 : i32
        %unpack3A = tpu.unpack_subelements %scan3A_455#0, 0 {pack_format = #tpu.pack_format<interleaved>} : vector<32xbf16> -> vector<16xf32>
        %unpack3A_457 = tpu.unpack_subelements %scan3A_455#0, 1 {pack_format = #tpu.pack_format<interleaved>} : vector<32xbf16> -> vector<16xf32>
        %add3A_458 = arith.addf %unpack3A, %unpack3A_457 : vector<16xf32>
        %mul3A_459 = arith.constant 80 : i32
        %mul3A_460 = arith.muli %add3A_303, %mul3A_459 : i32
        %mul3A_461 = arith.constant 16 : i32
        %mul3A_462 = arith.muli %scan3A_446, %mul3A_461 : i32
        %add3A_463 = arith.addi %mul3A_460, %mul3A_462 : i32
        %swap3A = arith.index_cast %add3A_463 : i32 to index
        %swap3A_464 = tpu.vector_load %arg23[%swap3A] {strides = array<i32>} : memref<10000xf32, #tpu.memory_space<vmem>>, vector<16xf32>,
        tpu.vector_store %arg23[%swap3A], %add3A_458 {strides = array<i32>} : memref<10000xf32, #tpu.memory_space<vmem>>, vector<16xf32>,
      }
      %scan3A_309 = arith.constant 5 : i32
      %add3A_310 = arith.constant 1 : i32
      %add3A_311 = arith.addi %mul3A_275, %add3A_310 : i32
      %add3A_312 = arith.constant 4 : i32
      %add3A_313 = arith.addi %add3A_311, %add3A_312 : i32
      %mul3A_314 = arith.constant 80 : i32
      %mul3A_315 = arith.muli %add3A_313, %mul3A_314 : i32
      %dma_start3A_316 = tpu.memref_slice %arg11[%mul3A_315] : memref<10000xi32, #tpu.memory_space<vmem>> -> memref<80xi32, #tpu.memory_space<vmem>>
      %dma_start3A_317 = arith.constant 0 : i32
      %dma_start3A_318 = arith.constant 0 : i32
      %dma_start3A_319 = tpu.memref_slice %arg3[%dma_start3A_317, %dma_start3A_318] : memref<10000x64xi32, #tpu.memory_space<hbm>> -> memref<10000x64xi32, #tpu.memory_space<hbm>>
      tpu.enqueue_indirect_dma source(%dma_start3A_319 : memref<10000x64xi32, #tpu.memory_space<hbm>>) target(%arg13 : memref<80x64xi32, #tpu.memory_space<vmem>>) offsets(%dma_start3A_316 : memref<80xi32, #tpu.memory_space<vmem>>) semaphore(%arg24 : memref<!tpu.dma_semaphore, #tpu.memory_space<semaphore_mem>>)
      %mul3A_320 = arith.constant 80 : i32
      %mul3A_321 = arith.muli %add3A_313, %mul3A_320 : i32
      %dma_start3A_322 = tpu.memref_slice %arg12[%mul3A_321] : memref<10000xi32, #tpu.memory_space<vmem>> -> memref<80xi32, #tpu.memory_space<vmem>>
      %dma_start3A_323 = arith.constant 0 : i32
      %dma_start3A_324 = arith.constant 0 : i32
      %dma_start3A_325 = tpu.memref_slice %arg4[%dma_start3A_323, %dma_start3A_324] : memref<10000x64xi32, #tpu.memory_space<hbm>> -> memref<10000x64xi32, #tpu.memory_space<hbm>>
      tpu.enqueue_indirect_dma source(%dma_start3A_325 : memref<10000x64xi32, #tpu.memory_space<hbm>>) target(%arg14 : memref<80x64xi32, #tpu.memory_space<vmem>>) offsets(%dma_start3A_322 : memref<80xi32, #tpu.memory_space<vmem>>) semaphore(%arg24 : memref<!tpu.dma_semaphore, #tpu.memory_space<semaphore_mem>>)
      %dma_wait3A_326 = arith.constant 0 : i32
      %dma_wait3A_327 = tpu.memref_slice %arg11[%dma_wait3A_326] : memref<10000xi32, #tpu.memory_space<vmem>> -> memref<80xi32, #tpu.memory_space<vmem>>
      %dma_wait3A_328 = arith.constant 0 : i32
      %dma_wait3A_329 = arith.constant 0 : i32
      %dma_wait3A_330 = tpu.memref_slice %arg3[%dma_wait3A_328, %dma_wait3A_329] : memref<10000x64xi32, #tpu.memory_space<hbm>> -> memref<10000x64xi32, #tpu.memory_space<hbm>>
      tpu.wait_indirect_dma semaphore(%arg25 : memref<!tpu.dma_semaphore, #tpu.memory_space<semaphore_mem>>) src(%dma_wait3A_330 : memref<10000x64xi32, #tpu.memory_space<hbm>>) dst(%arg15 : memref<80x64xi32, #tpu.memory_space<vmem>>)
      %dma_wait3A_331 = arith.constant 0 : i32
      %dma_wait3A_332 = tpu.memref_slice %arg12[%dma_wait3A_331] : memref<10000xi32, #tpu.memory_space<vmem>> -> memref<80xi32, #tpu.memory_space<vmem>>
      %dma_wait3A_333 = arith.constant 0 : i32
      %dma_wait3A_334 = arith.constant 0 : i32
      %dma_wait3A_335 = tpu.memref_slice %arg4[%dma_wait3A_333, %dma_wait3A_334] : memref<10000x64xi32, #tpu.memory_space<hbm>> -> memref<10000x64xi32, #tpu.memory_space<hbm>>
      tpu.wait_indirect_dma semaphore(%arg25 : memref<!tpu.dma_semaphore, #tpu.memory_space<semaphore_mem>>) src(%dma_wait3A_335 : memref<10000x64xi32, #tpu.memory_space<hbm>>) dst(%arg16 : memref<80x64xi32, #tpu.memory_space<vmem>>)
      %add3A_336 = arith.constant 1 : i32
      %add3A_337 = arith.addi %mul3A_275, %add3A_336 : i32
      %scan3A_338 = arith.constant 0 : i32
      %scan3A_339 = arith.constant 0 : i32
      %scan3A_340 = arith.constant 5 : i32
      %scan3A_341 = arith.addi %scan3A_339, %scan3A_340 : i32
      %scan3A_342 = arith.constant 1 : i32
      scf.for %scan3A_446 = %scan3A_339 to %scan3A_341 step %scan3A_342  : i32 {
        %mul3A_447 = arith.constant 16 : i32
        %mul3A_448 = arith.muli %scan3A_446, %mul3A_447 : i32
        %add3A_449 = vector.broadcast %mul3A_448 : i32 to vector<16xi32>
        %add3A_450 = arith.addi %add3A_449, %iota3A : vector<16xi32>
        %scan3A_451 = arith.constant 0 : i32
        %scan3A_452 = arith.constant 64 : i32
        %scan3A_453 = arith.addi %scan3A_451, %scan3A_452 : i32
        %scan3A_454 = arith.constant 8 : i32
        %scan3A_455:2 = scf.for %scan3A_465 = %scan3A_451 to %scan3A_453 step %scan3A_454 iter_args(%scan3A_466 = %broadcast_in_dim3A_3, %scan3A_467 = %iota3A) -> (vector<32xbf16>, vector<16xi32>)  : i32 {
          %gather3A = tpu.vector_load_idx %arg15[%add3A_450, %scan3A_467] : memref<80x64xi32, #tpu.memory_space<vmem>>[vector<16xi32>, vector<16xi32>], vector<16xi32>,
          %gather3A_468 = tpu.vector_load_idx %arg16[%add3A_450, %scan3A_467] : memref<80x64xi32, #tpu.memory_space<vmem>>[vector<16xi32>, vector<16xi32>], vector<16xi32>,
          %bitcast3A = vector.bitcast %gather3A : vector<16xi32> to vector<32xbf16>
          %bitcast3A_469 = vector.bitcast %gather3A_468 : vector<16xi32> to vector<32xbf16>
          %mul3A_470 = arith.mulf %bitcast3A, %bitcast3A_469 : vector<32xbf16>
          %add3A_471 = arith.addf %scan3A_466, %mul3A_470 : vector<32xbf16>
          %add3A_472 = arith.constant 1 : i32
          %add3A_473 = vector.broadcast %add3A_472 : i32 to vector<16xi32>
          %add3A_474 = arith.addi %scan3A_467, %add3A_473 : vector<16xi32>
          %and3A = arith.constant 63 : i32
          %and3A_475 = vector.broadcast %and3A : i32 to vector<16xi32>
          %and3A_476 = arith.andi %add3A_474, %and3A_475 : vector<16xi32>
          %scan3A_477 = arith.constant 1 : i32
          %scan3A_478 = arith.addi %scan3A_465, %scan3A_477 : i32
          %gather3A_479 = tpu.vector_load_idx %arg15[%add3A_450, %and3A_476] : memref<80x64xi32, #tpu.memory_space<vmem>>[vector<16xi32>, vector<16xi32>], vector<16xi32>,
          %gather3A_480 = tpu.vector_load_idx %arg16[%add3A_450, %and3A_476] : memref<80x64xi32, #tpu.memory_space<vmem>>[vector<16xi32>, vector<16xi32>], vector<16xi32>,
          %bitcast3A_481 = vector.bitcast %gather3A_479 : vector<16xi32> to vector<32xbf16>
          %bitcast3A_482 = vector.bitcast %gather3A_480 : vector<16xi32> to vector<32xbf16>
          %mul3A_483 = arith.mulf %bitcast3A_481, %bitcast3A_482 : vector<32xbf16>
          %add3A_484 = arith.addf %add3A_471, %mul3A_483 : vector<32xbf16>
          %add3A_485 = arith.constant 1 : i32
          %add3A_486 = vector.broadcast %add3A_485 : i32 to vector<16xi32>
          %add3A_487 = arith.addi %and3A_476, %add3A_486 : vector<16xi32>
          %and3A_488 = arith.constant 63 : i32
          %and3A_489 = vector.broadcast %and3A_488 : i32 to vector<16xi32>
          %and3A_490 = arith.andi %add3A_487, %and3A_489 : vector<16xi32>
          %scan3A_491 = arith.constant 2 : i32
          %scan3A_492 = arith.addi %scan3A_465, %scan3A_491 : i32
          %gather3A_493 = tpu.vector_load_idx %arg15[%add3A_450, %and3A_490] : memref<80x64xi32, #tpu.memory_space<vmem>>[vector<16xi32>, vector<16xi32>], vector<16xi32>,
          %gather3A_494 = tpu.vector_load_idx %arg16[%add3A_450, %and3A_490] : memref<80x64xi32, #tpu.memory_space<vmem>>[vector<16xi32>, vector<16xi32>], vector<16xi32>,
          %bitcast3A_495 = vector.bitcast %gather3A_493 : vector<16xi32> to vector<32xbf16>
          %bitcast3A_496 = vector.bitcast %gather3A_494 : vector<16xi32> to vector<32xbf16>
          %mul3A_497 = arith.mulf %bitcast3A_495, %bitcast3A_496 : vector<32xbf16>
          %add3A_498 = arith.addf %add3A_484, %mul3A_497 : vector<32xbf16>
          %add3A_499 = arith.constant 1 : i32
          %add3A_500 = vector.broadcast %add3A_499 : i32 to vector<16xi32>
          %add3A_501 = arith.addi %and3A_490, %add3A_500 : vector<16xi32>
          %and3A_502 = arith.constant 63 : i32
          %and3A_503 = vector.broadcast %and3A_502 : i32 to vector<16xi32>
          %and3A_504 = arith.andi %add3A_501, %and3A_503 : vector<16xi32>
          %scan3A_505 = arith.constant 3 : i32
          %scan3A_506 = arith.addi %scan3A_465, %scan3A_505 : i32
          %gather3A_507 = tpu.vector_load_idx %arg15[%add3A_450, %and3A_504] : memref<80x64xi32, #tpu.memory_space<vmem>>[vector<16xi32>, vector<16xi32>], vector<16xi32>,
          %gather3A_508 = tpu.vector_load_idx %arg16[%add3A_450, %and3A_504] : memref<80x64xi32, #tpu.memory_space<vmem>>[vector<16xi32>, vector<16xi32>], vector<16xi32>,
          %bitcast3A_509 = vector.bitcast %gather3A_507 : vector<16xi32> to vector<32xbf16>
          %bitcast3A_510 = vector.bitcast %gather3A_508 : vector<16xi32> to vector<32xbf16>
          %mul3A_511 = arith.mulf %bitcast3A_509, %bitcast3A_510 : vector<32xbf16>
          %add3A_512 = arith.addf %add3A_498, %mul3A_511 : vector<32xbf16>
          %add3A_513 = arith.constant 1 : i32
          %add3A_514 = vector.broadcast %add3A_513 : i32 to vector<16xi32>
          %add3A_515 = arith.addi %and3A_504, %add3A_514 : vector<16xi32>
          %and3A_516 = arith.constant 63 : i32
          %and3A_517 = vector.broadcast %and3A_516 : i32 to vector<16xi32>
          %and3A_518 = arith.andi %add3A_515, %and3A_517 : vector<16xi32>
          %scan3A_519 = arith.constant 4 : i32
          %scan3A_520 = arith.addi %scan3A_465, %scan3A_519 : i32
          %gather3A_521 = tpu.vector_load_idx %arg15[%add3A_450, %and3A_518] : memref<80x64xi32, #tpu.memory_space<vmem>>[vector<16xi32>, vector<16xi32>], vector<16xi32>,
          %gather3A_522 = tpu.vector_load_idx %arg16[%add3A_450, %and3A_518] : memref<80x64xi32, #tpu.memory_space<vmem>>[vector<16xi32>, vector<16xi32>], vector<16xi32>,
          %bitcast3A_523 = vector.bitcast %gather3A_521 : vector<16xi32> to vector<32xbf16>
          %bitcast3A_524 = vector.bitcast %gather3A_522 : vector<16xi32> to vector<32xbf16>
          %mul3A_525 = arith.mulf %bitcast3A_523, %bitcast3A_524 : vector<32xbf16>
          %add3A_526 = arith.addf %add3A_512, %mul3A_525 : vector<32xbf16>
          %add3A_527 = arith.constant 1 : i32
          %add3A_528 = vector.broadcast %add3A_527 : i32 to vector<16xi32>
          %add3A_529 = arith.addi %and3A_518, %add3A_528 : vector<16xi32>
          %and3A_530 = arith.constant 63 : i32
          %and3A_531 = vector.broadcast %and3A_530 : i32 to vector<16xi32>
          %and3A_532 = arith.andi %add3A_529, %and3A_531 : vector<16xi32>
          %scan3A_533 = arith.constant 5 : i32
          %scan3A_534 = arith.addi %scan3A_465, %scan3A_533 : i32
          %gather3A_535 = tpu.vector_load_idx %arg15[%add3A_450, %and3A_532] : memref<80x64xi32, #tpu.memory_space<vmem>>[vector<16xi32>, vector<16xi32>], vector<16xi32>,
          %gather3A_536 = tpu.vector_load_idx %arg16[%add3A_450, %and3A_532] : memref<80x64xi32, #tpu.memory_space<vmem>>[vector<16xi32>, vector<16xi32>], vector<16xi32>,
          %bitcast3A_537 = vector.bitcast %gather3A_535 : vector<16xi32> to vector<32xbf16>
          %bitcast3A_538 = vector.bitcast %gather3A_536 : vector<16xi32> to vector<32xbf16>
          %mul3A_539 = arith.mulf %bitcast3A_537, %bitcast3A_538 : vector<32xbf16>
          %add3A_540 = arith.addf %add3A_526, %mul3A_539 : vector<32xbf16>
          %add3A_541 = arith.constant 1 : i32
          %add3A_542 = vector.broadcast %add3A_541 : i32 to vector<16xi32>
          %add3A_543 = arith.addi %and3A_532, %add3A_542 : vector<16xi32>
          %and3A_544 = arith.constant 63 : i32
          %and3A_545 = vector.broadcast %and3A_544 : i32 to vector<16xi32>
          %and3A_546 = arith.andi %add3A_543, %and3A_545 : vector<16xi32>
          %scan3A_547 = arith.constant 6 : i32
          %scan3A_548 = arith.addi %scan3A_465, %scan3A_547 : i32
          %gather3A_549 = tpu.vector_load_idx %arg15[%add3A_450, %and3A_546] : memref<80x64xi32, #tpu.memory_space<vmem>>[vector<16xi32>, vector<16xi32>], vector<16xi32>,
          %gather3A_550 = tpu.vector_load_idx %arg16[%add3A_450, %and3A_546] : memref<80x64xi32, #tpu.memory_space<vmem>>[vector<16xi32>, vector<16xi32>], vector<16xi32>,
          %bitcast3A_551 = vector.bitcast %gather3A_549 : vector<16xi32> to vector<32xbf16>
          %bitcast3A_552 = vector.bitcast %gather3A_550 : vector<16xi32> to vector<32xbf16>
          %mul3A_553 = arith.mulf %bitcast3A_551, %bitcast3A_552 : vector<32xbf16>
          %add3A_554 = arith.addf %add3A_540, %mul3A_553 : vector<32xbf16>
          %add3A_555 = arith.constant 1 : i32
          %add3A_556 = vector.broadcast %add3A_555 : i32 to vector<16xi32>
          %add3A_557 = arith.addi %and3A_546, %add3A_556 : vector<16xi32>
          %and3A_558 = arith.constant 63 : i32
          %and3A_559 = vector.broadcast %and3A_558 : i32 to vector<16xi32>
          %and3A_560 = arith.andi %add3A_557, %and3A_559 : vector<16xi32>
          %scan3A_561 = arith.constant 7 : i32
          %scan3A_562 = arith.addi %scan3A_465, %scan3A_561 : i32
          %gather3A_563 = tpu.vector_load_idx %arg15[%add3A_450, %and3A_560] : memref<80x64xi32, #tpu.memory_space<vmem>>[vector<16xi32>, vector<16xi32>], vector<16xi32>,
          %gather3A_564 = tpu.vector_load_idx %arg16[%add3A_450, %and3A_560] : memref<80x64xi32, #tpu.memory_space<vmem>>[vector<16xi32>, vector<16xi32>], vector<16xi32>,
          %bitcast3A_565 = vector.bitcast %gather3A_563 : vector<16xi32> to vector<32xbf16>
          %bitcast3A_566 = vector.bitcast %gather3A_564 : vector<16xi32> to vector<32xbf16>
          %mul3A_567 = arith.mulf %bitcast3A_565, %bitcast3A_566 : vector<32xbf16>
          %add3A_568 = arith.addf %add3A_554, %mul3A_567 : vector<32xbf16>
          %add3A_569 = arith.constant 1 : i32
          %add3A_570 = vector.broadcast %add3A_569 : i32 to vector<16xi32>
          %add3A_571 = arith.addi %and3A_560, %add3A_570 : vector<16xi32>
          %and3A_572 = arith.constant 63 : i32
          %and3A_573 = vector.broadcast %and3A_572 : i32 to vector<16xi32>
          %and3A_574 = arith.andi %add3A_571, %and3A_573 : vector<16xi32>
          scf.yield %add3A_568, %and3A_574 : vector<32xbf16>, vector<16xi32>
        }
        %scan3A_456 = arith.constant 64 : i32
        %unpack3A = tpu.unpack_subelements %scan3A_455#0, 0 {pack_format = #tpu.pack_format<interleaved>} : vector<32xbf16> -> vector<16xf32>
        %unpack3A_457 = tpu.unpack_subelements %scan3A_455#0, 1 {pack_format = #tpu.pack_format<interleaved>} : vector<32xbf16> -> vector<16xf32>
        %add3A_458 = arith.addf %unpack3A, %unpack3A_457 : vector<16xf32>
        %mul3A_459 = arith.constant 80 : i32
        %mul3A_460 = arith.muli %add3A_337, %mul3A_459 : i32
        %mul3A_461 = arith.constant 16 : i32
        %mul3A_462 = arith.muli %scan3A_446, %mul3A_461 : i32
        %add3A_463 = arith.addi %mul3A_460, %mul3A_462 : i32
        %swap3A = arith.index_cast %add3A_463 : i32 to index
        %swap3A_464 = tpu.vector_load %arg23[%swap3A] {strides = array<i32>} : memref<10000xf32, #tpu.memory_space<vmem>>, vector<16xf32>,
        tpu.vector_store %arg23[%swap3A], %add3A_458 {strides = array<i32>} : memref<10000xf32, #tpu.memory_space<vmem>>, vector<16xf32>,
      }
      %scan3A_343 = arith.constant 5 : i32
      %add3A_344 = arith.constant 2 : i32
      %add3A_345 = arith.addi %mul3A_275, %add3A_344 : i32
      %add3A_346 = arith.constant 4 : i32
      %add3A_347 = arith.addi %add3A_345, %add3A_346 : i32
      %mul3A_348 = arith.constant 80 : i32
      %mul3A_349 = arith.muli %add3A_347, %mul3A_348 : i32
      %dma_start3A_350 = tpu.memref_slice %arg11[%mul3A_349] : memref<10000xi32, #tpu.memory_space<vmem>> -> memref<80xi32, #tpu.memory_space<vmem>>
      %dma_start3A_351 = arith.constant 0 : i32
      %dma_start3A_352 = arith.constant 0 : i32
      %dma_start3A_353 = tpu.memref_slice %arg3[%dma_start3A_351, %dma_start3A_352] : memref<10000x64xi32, #tpu.memory_space<hbm>> -> memref<10000x64xi32, #tpu.memory_space<hbm>>
      tpu.enqueue_indirect_dma source(%dma_start3A_353 : memref<10000x64xi32, #tpu.memory_space<hbm>>) target(%arg15 : memref<80x64xi32, #tpu.memory_space<vmem>>) offsets(%dma_start3A_350 : memref<80xi32, #tpu.memory_space<vmem>>) semaphore(%arg25 : memref<!tpu.dma_semaphore, #tpu.memory_space<semaphore_mem>>)
      %mul3A_354 = arith.constant 80 : i32
      %mul3A_355 = arith.muli %add3A_347, %mul3A_354 : i32
      %dma_start3A_356 = tpu.memref_slice %arg12[%mul3A_355] : memref<10000xi32, #tpu.memory_space<vmem>> -> memref<80xi32, #tpu.memory_space<vmem>>
      %dma_start3A_357 = arith.constant 0 : i32
      %dma_start3A_358 = arith.constant 0 : i32
      %dma_start3A_359 = tpu.memref_slice %arg4[%dma_start3A_357, %dma_start3A_358] : memref<10000x64xi32, #tpu.memory_space<hbm>> -> memref<10000x64xi32, #tpu.memory_space<hbm>>
      tpu.enqueue_indirect_dma source(%dma_start3A_359 : memref<10000x64xi32, #tpu.memory_space<hbm>>) target(%arg16 : memref<80x64xi32, #tpu.memory_space<vmem>>) offsets(%dma_start3A_356 : memref<80xi32, #tpu.memory_space<vmem>>) semaphore(%arg25 : memref<!tpu.dma_semaphore, #tpu.memory_space<semaphore_mem>>)
      %dma_wait3A_360 = arith.constant 0 : i32
      %dma_wait3A_361 = tpu.memref_slice %arg11[%dma_wait3A_360] : memref<10000xi32, #tpu.memory_space<vmem>> -> memref<80xi32, #tpu.memory_space<vmem>>
      %dma_wait3A_362 = arith.constant 0 : i32
      %dma_wait3A_363 = arith.constant 0 : i32
      %dma_wait3A_364 = tpu.memref_slice %arg3[%dma_wait3A_362, %dma_wait3A_363] : memref<10000x64xi32, #tpu.memory_space<hbm>> -> memref<10000x64xi32, #tpu.memory_space<hbm>>
      tpu.wait_indirect_dma semaphore(%arg26 : memref<!tpu.dma_semaphore, #tpu.memory_space<semaphore_mem>>) src(%dma_wait3A_364 : memref<10000x64xi32, #tpu.memory_space<hbm>>) dst(%arg17 : memref<80x64xi32, #tpu.memory_space<vmem>>)
      %dma_wait3A_365 = arith.constant 0 : i32
      %dma_wait3A_366 = tpu.memref_slice %arg12[%dma_wait3A_365] : memref<10000xi32, #tpu.memory_space<vmem>> -> memref<80xi32, #tpu.memory_space<vmem>>
      %dma_wait3A_367 = arith.constant 0 : i32
      %dma_wait3A_368 = arith.constant 0 : i32
      %dma_wait3A_369 = tpu.memref_slice %arg4[%dma_wait3A_367, %dma_wait3A_368] : memref<10000x64xi32, #tpu.memory_space<hbm>> -> memref<10000x64xi32, #tpu.memory_space<hbm>>
      tpu.wait_indirect_dma semaphore(%arg26 : memref<!tpu.dma_semaphore, #tpu.memory_space<semaphore_mem>>) src(%dma_wait3A_369 : memref<10000x64xi32, #tpu.memory_space<hbm>>) dst(%arg18 : memref<80x64xi32, #tpu.memory_space<vmem>>)
      %add3A_370 = arith.constant 2 : i32
      %add3A_371 = arith.addi %mul3A_275, %add3A_370 : i32
      %scan3A_372 = arith.constant 0 : i32
      %scan3A_373 = arith.constant 0 : i32
      %scan3A_374 = arith.constant 5 : i32
      %scan3A_375 = arith.addi %scan3A_373, %scan3A_374 : i32
      %scan3A_376 = arith.constant 1 : i32
      scf.for %scan3A_446 = %scan3A_373 to %scan3A_375 step %scan3A_376  : i32 {
        %mul3A_447 = arith.constant 16 : i32
        %mul3A_448 = arith.muli %scan3A_446, %mul3A_447 : i32
        %add3A_449 = vector.broadcast %mul3A_448 : i32 to vector<16xi32>
        %add3A_450 = arith.addi %add3A_449, %iota3A : vector<16xi32>
        %scan3A_451 = arith.constant 0 : i32
        %scan3A_452 = arith.constant 64 : i32
        %scan3A_453 = arith.addi %scan3A_451, %scan3A_452 : i32
        %scan3A_454 = arith.constant 8 : i32
        %scan3A_455:2 = scf.for %scan3A_465 = %scan3A_451 to %scan3A_453 step %scan3A_454 iter_args(%scan3A_466 = %broadcast_in_dim3A_3, %scan3A_467 = %iota3A) -> (vector<32xbf16>, vector<16xi32>)  : i32 {
          %gather3A = tpu.vector_load_idx %arg17[%add3A_450, %scan3A_467] : memref<80x64xi32, #tpu.memory_space<vmem>>[vector<16xi32>, vector<16xi32>], vector<16xi32>,
          %gather3A_468 = tpu.vector_load_idx %arg18[%add3A_450, %scan3A_467] : memref<80x64xi32, #tpu.memory_space<vmem>>[vector<16xi32>, vector<16xi32>], vector<16xi32>,
          %bitcast3A = vector.bitcast %gather3A : vector<16xi32> to vector<32xbf16>
          %bitcast3A_469 = vector.bitcast %gather3A_468 : vector<16xi32> to vector<32xbf16>
          %mul3A_470 = arith.mulf %bitcast3A, %bitcast3A_469 : vector<32xbf16>
          %add3A_471 = arith.addf %scan3A_466, %mul3A_470 : vector<32xbf16>
          %add3A_472 = arith.constant 1 : i32
          %add3A_473 = vector.broadcast %add3A_472 : i32 to vector<16xi32>
          %add3A_474 = arith.addi %scan3A_467, %add3A_473 : vector<16xi32>
          %and3A = arith.constant 63 : i32
          %and3A_475 = vector.broadcast %and3A : i32 to vector<16xi32>
          %and3A_476 = arith.andi %add3A_474, %and3A_475 : vector<16xi32>
          %scan3A_477 = arith.constant 1 : i32
          %scan3A_478 = arith.addi %scan3A_465, %scan3A_477 : i32
          %gather3A_479 = tpu.vector_load_idx %arg17[%add3A_450, %and3A_476] : memref<80x64xi32, #tpu.memory_space<vmem>>[vector<16xi32>, vector<16xi32>], vector<16xi32>,
          %gather3A_480 = tpu.vector_load_idx %arg18[%add3A_450, %and3A_476] : memref<80x64xi32, #tpu.memory_space<vmem>>[vector<16xi32>, vector<16xi32>], vector<16xi32>,
          %bitcast3A_481 = vector.bitcast %gather3A_479 : vector<16xi32> to vector<32xbf16>
          %bitcast3A_482 = vector.bitcast %gather3A_480 : vector<16xi32> to vector<32xbf16>
          %mul3A_483 = arith.mulf %bitcast3A_481, %bitcast3A_482 : vector<32xbf16>
          %add3A_484 = arith.addf %add3A_471, %mul3A_483 : vector<32xbf16>
          %add3A_485 = arith.constant 1 : i32
          %add3A_486 = vector.broadcast %add3A_485 : i32 to vector<16xi32>
          %add3A_487 = arith.addi %and3A_476, %add3A_486 : vector<16xi32>
          %and3A_488 = arith.constant 63 : i32
          %and3A_489 = vector.broadcast %and3A_488 : i32 to vector<16xi32>
          %and3A_490 = arith.andi %add3A_487, %and3A_489 : vector<16xi32>
          %scan3A_491 = arith.constant 2 : i32
          %scan3A_492 = arith.addi %scan3A_465, %scan3A_491 : i32
          %gather3A_493 = tpu.vector_load_idx %arg17[%add3A_450, %and3A_490] : memref<80x64xi32, #tpu.memory_space<vmem>>[vector<16xi32>, vector<16xi32>], vector<16xi32>,
          %gather3A_494 = tpu.vector_load_idx %arg18[%add3A_450, %and3A_490] : memref<80x64xi32, #tpu.memory_space<vmem>>[vector<16xi32>, vector<16xi32>], vector<16xi32>,
          %bitcast3A_495 = vector.bitcast %gather3A_493 : vector<16xi32> to vector<32xbf16>
          %bitcast3A_496 = vector.bitcast %gather3A_494 : vector<16xi32> to vector<32xbf16>
          %mul3A_497 = arith.mulf %bitcast3A_495, %bitcast3A_496 : vector<32xbf16>
          %add3A_498 = arith.addf %add3A_484, %mul3A_497 : vector<32xbf16>
          %add3A_499 = arith.constant 1 : i32
          %add3A_500 = vector.broadcast %add3A_499 : i32 to vector<16xi32>
          %add3A_501 = arith.addi %and3A_490, %add3A_500 : vector<16xi32>
          %and3A_502 = arith.constant 63 : i32
          %and3A_503 = vector.broadcast %and3A_502 : i32 to vector<16xi32>
          %and3A_504 = arith.andi %add3A_501, %and3A_503 : vector<16xi32>
          %scan3A_505 = arith.constant 3 : i32
          %scan3A_506 = arith.addi %scan3A_465, %scan3A_505 : i32
          %gather3A_507 = tpu.vector_load_idx %arg17[%add3A_450, %and3A_504] : memref<80x64xi32, #tpu.memory_space<vmem>>[vector<16xi32>, vector<16xi32>], vector<16xi32>,
          %gather3A_508 = tpu.vector_load_idx %arg18[%add3A_450, %and3A_504] : memref<80x64xi32, #tpu.memory_space<vmem>>[vector<16xi32>, vector<16xi32>], vector<16xi32>,
          %bitcast3A_509 = vector.bitcast %gather3A_507 : vector<16xi32> to vector<32xbf16>
          %bitcast3A_510 = vector.bitcast %gather3A_508 : vector<16xi32> to vector<32xbf16>
          %mul3A_511 = arith.mulf %bitcast3A_509, %bitcast3A_510 : vector<32xbf16>
          %add3A_512 = arith.addf %add3A_498, %mul3A_511 : vector<32xbf16>
          %add3A_513 = arith.constant 1 : i32
          %add3A_514 = vector.broadcast %add3A_513 : i32 to vector<16xi32>
          %add3A_515 = arith.addi %and3A_504, %add3A_514 : vector<16xi32>
          %and3A_516 = arith.constant 63 : i32
          %and3A_517 = vector.broadcast %and3A_516 : i32 to vector<16xi32>
          %and3A_518 = arith.andi %add3A_515, %and3A_517 : vector<16xi32>
          %scan3A_519 = arith.constant 4 : i32
          %scan3A_520 = arith.addi %scan3A_465, %scan3A_519 : i32
          %gather3A_521 = tpu.vector_load_idx %arg17[%add3A_450, %and3A_518] : memref<80x64xi32, #tpu.memory_space<vmem>>[vector<16xi32>, vector<16xi32>], vector<16xi32>,
          %gather3A_522 = tpu.vector_load_idx %arg18[%add3A_450, %and3A_518] : memref<80x64xi32, #tpu.memory_space<vmem>>[vector<16xi32>, vector<16xi32>], vector<16xi32>,
          %bitcast3A_523 = vector.bitcast %gather3A_521 : vector<16xi32> to vector<32xbf16>
          %bitcast3A_524 = vector.bitcast %gather3A_522 : vector<16xi32> to vector<32xbf16>
          %mul3A_525 = arith.mulf %bitcast3A_523, %bitcast3A_524 : vector<32xbf16>
          %add3A_526 = arith.addf %add3A_512, %mul3A_525 : vector<32xbf16>
          %add3A_527 = arith.constant 1 : i32
          %add3A_528 = vector.broadcast %add3A_527 : i32 to vector<16xi32>
          %add3A_529 = arith.addi %and3A_518, %add3A_528 : vector<16xi32>
          %and3A_530 = arith.constant 63 : i32
          %and3A_531 = vector.broadcast %and3A_530 : i32 to vector<16xi32>
          %and3A_532 = arith.andi %add3A_529, %and3A_531 : vector<16xi32>
          %scan3A_533 = arith.constant 5 : i32
          %scan3A_534 = arith.addi %scan3A_465, %scan3A_533 : i32
          %gather3A_535 = tpu.vector_load_idx %arg17[%add3A_450, %and3A_532] : memref<80x64xi32, #tpu.memory_space<vmem>>[vector<16xi32>, vector<16xi32>], vector<16xi32>,
          %gather3A_536 = tpu.vector_load_idx %arg18[%add3A_450, %and3A_532] : memref<80x64xi32, #tpu.memory_space<vmem>>[vector<16xi32>, vector<16xi32>], vector<16xi32>,
          %bitcast3A_537 = vector.bitcast %gather3A_535 : vector<16xi32> to vector<32xbf16>
          %bitcast3A_538 = vector.bitcast %gather3A_536 : vector<16xi32> to vector<32xbf16>
          %mul3A_539 = arith.mulf %bitcast3A_537, %bitcast3A_538 : vector<32xbf16>
          %add3A_540 = arith.addf %add3A_526, %mul3A_539 : vector<32xbf16>
          %add3A_541 = arith.constant 1 : i32
          %add3A_542 = vector.broadcast %add3A_541 : i32 to vector<16xi32>
          %add3A_543 = arith.addi %and3A_532, %add3A_542 : vector<16xi32>
          %and3A_544 = arith.constant 63 : i32
          %and3A_545 = vector.broadcast %and3A_544 : i32 to vector<16xi32>
          %and3A_546 = arith.andi %add3A_543, %and3A_545 : vector<16xi32>
          %scan3A_547 = arith.constant 6 : i32
          %scan3A_548 = arith.addi %scan3A_465, %scan3A_547 : i32
          %gather3A_549 = tpu.vector_load_idx %arg17[%add3A_450, %and3A_546] : memref<80x64xi32, #tpu.memory_space<vmem>>[vector<16xi32>, vector<16xi32>], vector<16xi32>,
          %gather3A_550 = tpu.vector_load_idx %arg18[%add3A_450, %and3A_546] : memref<80x64xi32, #tpu.memory_space<vmem>>[vector<16xi32>, vector<16xi32>], vector<16xi32>,
          %bitcast3A_551 = vector.bitcast %gather3A_549 : vector<16xi32> to vector<32xbf16>
          %bitcast3A_552 = vector.bitcast %gather3A_550 : vector<16xi32> to vector<32xbf16>
          %mul3A_553 = arith.mulf %bitcast3A_551, %bitcast3A_552 : vector<32xbf16>
          %add3A_554 = arith.addf %add3A_540, %mul3A_553 : vector<32xbf16>
          %add3A_555 = arith.constant 1 : i32
          %add3A_556 = vector.broadcast %add3A_555 : i32 to vector<16xi32>
          %add3A_557 = arith.addi %and3A_546, %add3A_556 : vector<16xi32>
          %and3A_558 = arith.constant 63 : i32
          %and3A_559 = vector.broadcast %and3A_558 : i32 to vector<16xi32>
          %and3A_560 = arith.andi %add3A_557, %and3A_559 : vector<16xi32>
          %scan3A_561 = arith.constant 7 : i32
          %scan3A_562 = arith.addi %scan3A_465, %scan3A_561 : i32
          %gather3A_563 = tpu.vector_load_idx %arg17[%add3A_450, %and3A_560] : memref<80x64xi32, #tpu.memory_space<vmem>>[vector<16xi32>, vector<16xi32>], vector<16xi32>,
          %gather3A_564 = tpu.vector_load_idx %arg18[%add3A_450, %and3A_560] : memref<80x64xi32, #tpu.memory_space<vmem>>[vector<16xi32>, vector<16xi32>], vector<16xi32>,
          %bitcast3A_565 = vector.bitcast %gather3A_563 : vector<16xi32> to vector<32xbf16>
          %bitcast3A_566 = vector.bitcast %gather3A_564 : vector<16xi32> to vector<32xbf16>
          %mul3A_567 = arith.mulf %bitcast3A_565, %bitcast3A_566 : vector<32xbf16>
          %add3A_568 = arith.addf %add3A_554, %mul3A_567 : vector<32xbf16>
          %add3A_569 = arith.constant 1 : i32
          %add3A_570 = vector.broadcast %add3A_569 : i32 to vector<16xi32>
          %add3A_571 = arith.addi %and3A_560, %add3A_570 : vector<16xi32>
          %and3A_572 = arith.constant 63 : i32
          %and3A_573 = vector.broadcast %and3A_572 : i32 to vector<16xi32>
          %and3A_574 = arith.andi %add3A_571, %and3A_573 : vector<16xi32>
          scf.yield %add3A_568, %and3A_574 : vector<32xbf16>, vector<16xi32>
        }
        %scan3A_456 = arith.constant 64 : i32
        %unpack3A = tpu.unpack_subelements %scan3A_455#0, 0 {pack_format = #tpu.pack_format<interleaved>} : vector<32xbf16> -> vector<16xf32>
        %unpack3A_457 = tpu.unpack_subelements %scan3A_455#0, 1 {pack_format = #tpu.pack_format<interleaved>} : vector<32xbf16> -> vector<16xf32>
        %add3A_458 = arith.addf %unpack3A, %unpack3A_457 : vector<16xf32>
        %mul3A_459 = arith.constant 80 : i32
        %mul3A_460 = arith.muli %add3A_371, %mul3A_459 : i32
        %mul3A_461 = arith.constant 16 : i32
        %mul3A_462 = arith.muli %scan3A_446, %mul3A_461 : i32
        %add3A_463 = arith.addi %mul3A_460, %mul3A_462 : i32
        %swap3A = arith.index_cast %add3A_463 : i32 to index
        %swap3A_464 = tpu.vector_load %arg23[%swap3A] {strides = array<i32>} : memref<10000xf32, #tpu.memory_space<vmem>>, vector<16xf32>,
        tpu.vector_store %arg23[%swap3A], %add3A_458 {strides = array<i32>} : memref<10000xf32, #tpu.memory_space<vmem>>, vector<16xf32>,
      }
      %scan3A_377 = arith.constant 5 : i32
      %add3A_378 = arith.constant 3 : i32
      %add3A_379 = arith.addi %mul3A_275, %add3A_378 : i32
      %add3A_380 = arith.constant 4 : i32
      %add3A_381 = arith.addi %add3A_379, %add3A_380 : i32
      %mul3A_382 = arith.constant 80 : i32
      %mul3A_383 = arith.muli %add3A_381, %mul3A_382 : i32
      %dma_start3A_384 = tpu.memref_slice %arg11[%mul3A_383] : memref<10000xi32, #tpu.memory_space<vmem>> -> memref<80xi32, #tpu.memory_space<vmem>>
      %dma_start3A_385 = arith.constant 0 : i32
      %dma_start3A_386 = arith.constant 0 : i32
      %dma_start3A_387 = tpu.memref_slice %arg3[%dma_start3A_385, %dma_start3A_386] : memref<10000x64xi32, #tpu.memory_space<hbm>> -> memref<10000x64xi32, #tpu.memory_space<hbm>>
      tpu.enqueue_indirect_dma source(%dma_start3A_387 : memref<10000x64xi32, #tpu.memory_space<hbm>>) target(%arg17 : memref<80x64xi32, #tpu.memory_space<vmem>>) offsets(%dma_start3A_384 : memref<80xi32, #tpu.memory_space<vmem>>) semaphore(%arg26 : memref<!tpu.dma_semaphore, #tpu.memory_space<semaphore_mem>>)
      %mul3A_388 = arith.constant 80 : i32
      %mul3A_389 = arith.muli %add3A_381, %mul3A_388 : i32
      %dma_start3A_390 = tpu.memref_slice %arg12[%mul3A_389] : memref<10000xi32, #tpu.memory_space<vmem>> -> memref<80xi32, #tpu.memory_space<vmem>>
      %dma_start3A_391 = arith.constant 0 : i32
      %dma_start3A_392 = arith.constant 0 : i32
      %dma_start3A_393 = tpu.memref_slice %arg4[%dma_start3A_391, %dma_start3A_392] : memref<10000x64xi32, #tpu.memory_space<hbm>> -> memref<10000x64xi32, #tpu.memory_space<hbm>>
      tpu.enqueue_indirect_dma source(%dma_start3A_393 : memref<10000x64xi32, #tpu.memory_space<hbm>>) target(%arg18 : memref<80x64xi32, #tpu.memory_space<vmem>>) offsets(%dma_start3A_390 : memref<80xi32, #tpu.memory_space<vmem>>) semaphore(%arg26 : memref<!tpu.dma_semaphore, #tpu.memory_space<semaphore_mem>>)
      %dma_wait3A_394 = arith.constant 0 : i32
      %dma_wait3A_395 = tpu.memref_slice %arg11[%dma_wait3A_394] : memref<10000xi32, #tpu.memory_space<vmem>> -> memref<80xi32, #tpu.memory_space<vmem>>
      %dma_wait3A_396 = arith.constant 0 : i32
      %dma_wait3A_397 = arith.constant 0 : i32
      %dma_wait3A_398 = tpu.memref_slice %arg3[%dma_wait3A_396, %dma_wait3A_397] : memref<10000x64xi32, #tpu.memory_space<hbm>> -> memref<10000x64xi32, #tpu.memory_space<hbm>>
      tpu.wait_indirect_dma semaphore(%arg27 : memref<!tpu.dma_semaphore, #tpu.memory_space<semaphore_mem>>) src(%dma_wait3A_398 : memref<10000x64xi32, #tpu.memory_space<hbm>>) dst(%arg19 : memref<80x64xi32, #tpu.memory_space<vmem>>)
      %dma_wait3A_399 = arith.constant 0 : i32
      %dma_wait3A_400 = tpu.memref_slice %arg12[%dma_wait3A_399] : memref<10000xi32, #tpu.memory_space<vmem>> -> memref<80xi32, #tpu.memory_space<vmem>>
      %dma_wait3A_401 = arith.constant 0 : i32
      %dma_wait3A_402 = arith.constant 0 : i32
      %dma_wait3A_403 = tpu.memref_slice %arg4[%dma_wait3A_401, %dma_wait3A_402] : memref<10000x64xi32, #tpu.memory_space<hbm>> -> memref<10000x64xi32, #tpu.memory_space<hbm>>
      tpu.wait_indirect_dma semaphore(%arg27 : memref<!tpu.dma_semaphore, #tpu.memory_space<semaphore_mem>>) src(%dma_wait3A_403 : memref<10000x64xi32, #tpu.memory_space<hbm>>) dst(%arg20 : memref<80x64xi32, #tpu.memory_space<vmem>>)
      %add3A_404 = arith.constant 3 : i32
      %add3A_405 = arith.addi %mul3A_275, %add3A_404 : i32
      %scan3A_406 = arith.constant 0 : i32
      %scan3A_407 = arith.constant 0 : i32
      %scan3A_408 = arith.constant 5 : i32
      %scan3A_409 = arith.addi %scan3A_407, %scan3A_408 : i32
      %scan3A_410 = arith.constant 1 : i32
      scf.for %scan3A_446 = %scan3A_407 to %scan3A_409 step %scan3A_410  : i32 {
        %mul3A_447 = arith.constant 16 : i32
        %mul3A_448 = arith.muli %scan3A_446, %mul3A_447 : i32
        %add3A_449 = vector.broadcast %mul3A_448 : i32 to vector<16xi32>
        %add3A_450 = arith.addi %add3A_449, %iota3A : vector<16xi32>
        %scan3A_451 = arith.constant 0 : i32
        %scan3A_452 = arith.constant 64 : i32
        %scan3A_453 = arith.addi %scan3A_451, %scan3A_452 : i32
        %scan3A_454 = arith.constant 8 : i32
        %scan3A_455:2 = scf.for %scan3A_465 = %scan3A_451 to %scan3A_453 step %scan3A_454 iter_args(%scan3A_466 = %broadcast_in_dim3A_3, %scan3A_467 = %iota3A) -> (vector<32xbf16>, vector<16xi32>)  : i32 {
          %gather3A = tpu.vector_load_idx %arg19[%add3A_450, %scan3A_467] : memref<80x64xi32, #tpu.memory_space<vmem>>[vector<16xi32>, vector<16xi32>], vector<16xi32>,
          %gather3A_468 = tpu.vector_load_idx %arg20[%add3A_450, %scan3A_467] : memref<80x64xi32, #tpu.memory_space<vmem>>[vector<16xi32>, vector<16xi32>], vector<16xi32>,
          %bitcast3A = vector.bitcast %gather3A : vector<16xi32> to vector<32xbf16>
          %bitcast3A_469 = vector.bitcast %gather3A_468 : vector<16xi32> to vector<32xbf16>
          %mul3A_470 = arith.mulf %bitcast3A, %bitcast3A_469 : vector<32xbf16>
          %add3A_471 = arith.addf %scan3A_466, %mul3A_470 : vector<32xbf16>
          %add3A_472 = arith.constant 1 : i32
          %add3A_473 = vector.broadcast %add3A_472 : i32 to vector<16xi32>
          %add3A_474 = arith.addi %scan3A_467, %add3A_473 : vector<16xi32>
          %and3A = arith.constant 63 : i32
          %and3A_475 = vector.broadcast %and3A : i32 to vector<16xi32>
          %and3A_476 = arith.andi %add3A_474, %and3A_475 : vector<16xi32>
          %scan3A_477 = arith.constant 1 : i32
          %scan3A_478 = arith.addi %scan3A_465, %scan3A_477 : i32
          %gather3A_479 = tpu.vector_load_idx %arg19[%add3A_450, %and3A_476] : memref<80x64xi32, #tpu.memory_space<vmem>>[vector<16xi32>, vector<16xi32>], vector<16xi32>,
          %gather3A_480 = tpu.vector_load_idx %arg20[%add3A_450, %and3A_476] : memref<80x64xi32, #tpu.memory_space<vmem>>[vector<16xi32>, vector<16xi32>], vector<16xi32>,
          %bitcast3A_481 = vector.bitcast %gather3A_479 : vector<16xi32> to vector<32xbf16>
          %bitcast3A_482 = vector.bitcast %gather3A_480 : vector<16xi32> to vector<32xbf16>
          %mul3A_483 = arith.mulf %bitcast3A_481, %bitcast3A_482 : vector<32xbf16>
          %add3A_484 = arith.addf %add3A_471, %mul3A_483 : vector<32xbf16>
          %add3A_485 = arith.constant 1 : i32
          %add3A_486 = vector.broadcast %add3A_485 : i32 to vector<16xi32>
          %add3A_487 = arith.addi %and3A_476, %add3A_486 : vector<16xi32>
          %and3A_488 = arith.constant 63 : i32
          %and3A_489 = vector.broadcast %and3A_488 : i32 to vector<16xi32>
          %and3A_490 = arith.andi %add3A_487, %and3A_489 : vector<16xi32>
          %scan3A_491 = arith.constant 2 : i32
          %scan3A_492 = arith.addi %scan3A_465, %scan3A_491 : i32
          %gather3A_493 = tpu.vector_load_idx %arg19[%add3A_450, %and3A_490] : memref<80x64xi32, #tpu.memory_space<vmem>>[vector<16xi32>, vector<16xi32>], vector<16xi32>,
          %gather3A_494 = tpu.vector_load_idx %arg20[%add3A_450, %and3A_490] : memref<80x64xi32, #tpu.memory_space<vmem>>[vector<16xi32>, vector<16xi32>], vector<16xi32>,
          %bitcast3A_495 = vector.bitcast %gather3A_493 : vector<16xi32> to vector<32xbf16>
          %bitcast3A_496 = vector.bitcast %gather3A_494 : vector<16xi32> to vector<32xbf16>
          %mul3A_497 = arith.mulf %bitcast3A_495, %bitcast3A_496 : vector<32xbf16>
          %add3A_498 = arith.addf %add3A_484, %mul3A_497 : vector<32xbf16>
          %add3A_499 = arith.constant 1 : i32
          %add3A_500 = vector.broadcast %add3A_499 : i32 to vector<16xi32>
          %add3A_501 = arith.addi %and3A_490, %add3A_500 : vector<16xi32>
          %and3A_502 = arith.constant 63 : i32
          %and3A_503 = vector.broadcast %and3A_502 : i32 to vector<16xi32>
          %and3A_504 = arith.andi %add3A_501, %and3A_503 : vector<16xi32>
          %scan3A_505 = arith.constant 3 : i32
          %scan3A_506 = arith.addi %scan3A_465, %scan3A_505 : i32
          %gather3A_507 = tpu.vector_load_idx %arg19[%add3A_450, %and3A_504] : memref<80x64xi32, #tpu.memory_space<vmem>>[vector<16xi32>, vector<16xi32>], vector<16xi32>,
          %gather3A_508 = tpu.vector_load_idx %arg20[%add3A_450, %and3A_504] : memref<80x64xi32, #tpu.memory_space<vmem>>[vector<16xi32>, vector<16xi32>], vector<16xi32>,
          %bitcast3A_509 = vector.bitcast %gather3A_507 : vector<16xi32> to vector<32xbf16>
          %bitcast3A_510 = vector.bitcast %gather3A_508 : vector<16xi32> to vector<32xbf16>
          %mul3A_511 = arith.mulf %bitcast3A_509, %bitcast3A_510 : vector<32xbf16>
          %add3A_512 = arith.addf %add3A_498, %mul3A_511 : vector<32xbf16>
          %add3A_513 = arith.constant 1 : i32
          %add3A_514 = vector.broadcast %add3A_513 : i32 to vector<16xi32>
          %add3A_515 = arith.addi %and3A_504, %add3A_514 : vector<16xi32>
          %and3A_516 = arith.constant 63 : i32
          %and3A_517 = vector.broadcast %and3A_516 : i32 to vector<16xi32>
          %and3A_518 = arith.andi %add3A_515, %and3A_517 : vector<16xi32>
          %scan3A_519 = arith.constant 4 : i32
          %scan3A_520 = arith.addi %scan3A_465, %scan3A_519 : i32
          %gather3A_521 = tpu.vector_load_idx %arg19[%add3A_450, %and3A_518] : memref<80x64xi32, #tpu.memory_space<vmem>>[vector<16xi32>, vector<16xi32>], vector<16xi32>,
          %gather3A_522 = tpu.vector_load_idx %arg20[%add3A_450, %and3A_518] : memref<80x64xi32, #tpu.memory_space<vmem>>[vector<16xi32>, vector<16xi32>], vector<16xi32>,
          %bitcast3A_523 = vector.bitcast %gather3A_521 : vector<16xi32> to vector<32xbf16>
          %bitcast3A_524 = vector.bitcast %gather3A_522 : vector<16xi32> to vector<32xbf16>
          %mul3A_525 = arith.mulf %bitcast3A_523, %bitcast3A_524 : vector<32xbf16>
          %add3A_526 = arith.addf %add3A_512, %mul3A_525 : vector<32xbf16>
          %add3A_527 = arith.constant 1 : i32
          %add3A_528 = vector.broadcast %add3A_527 : i32 to vector<16xi32>
          %add3A_529 = arith.addi %and3A_518, %add3A_528 : vector<16xi32>
          %and3A_530 = arith.constant 63 : i32
          %and3A_531 = vector.broadcast %and3A_530 : i32 to vector<16xi32>
          %and3A_532 = arith.andi %add3A_529, %and3A_531 : vector<16xi32>
          %scan3A_533 = arith.constant 5 : i32
          %scan3A_534 = arith.addi %scan3A_465, %scan3A_533 : i32
          %gather3A_535 = tpu.vector_load_idx %arg19[%add3A_450, %and3A_532] : memref<80x64xi32, #tpu.memory_space<vmem>>[vector<16xi32>, vector<16xi32>], vector<16xi32>,
          %gather3A_536 = tpu.vector_load_idx %arg20[%add3A_450, %and3A_532] : memref<80x64xi32, #tpu.memory_space<vmem>>[vector<16xi32>, vector<16xi32>], vector<16xi32>,
          %bitcast3A_537 = vector.bitcast %gather3A_535 : vector<16xi32> to vector<32xbf16>
          %bitcast3A_538 = vector.bitcast %gather3A_536 : vector<16xi32> to vector<32xbf16>
          %mul3A_539 = arith.mulf %bitcast3A_537, %bitcast3A_538 : vector<32xbf16>
          %add3A_540 = arith.addf %add3A_526, %mul3A_539 : vector<32xbf16>
          %add3A_541 = arith.constant 1 : i32
          %add3A_542 = vector.broadcast %add3A_541 : i32 to vector<16xi32>
          %add3A_543 = arith.addi %and3A_532, %add3A_542 : vector<16xi32>
          %and3A_544 = arith.constant 63 : i32
          %and3A_545 = vector.broadcast %and3A_544 : i32 to vector<16xi32>
          %and3A_546 = arith.andi %add3A_543, %and3A_545 : vector<16xi32>
          %scan3A_547 = arith.constant 6 : i32
          %scan3A_548 = arith.addi %scan3A_465, %scan3A_547 : i32
          %gather3A_549 = tpu.vector_load_idx %arg19[%add3A_450, %and3A_546] : memref<80x64xi32, #tpu.memory_space<vmem>>[vector<16xi32>, vector<16xi32>], vector<16xi32>,
          %gather3A_550 = tpu.vector_load_idx %arg20[%add3A_450, %and3A_546] : memref<80x64xi32, #tpu.memory_space<vmem>>[vector<16xi32>, vector<16xi32>], vector<16xi32>,
          %bitcast3A_551 = vector.bitcast %gather3A_549 : vector<16xi32> to vector<32xbf16>
          %bitcast3A_552 = vector.bitcast %gather3A_550 : vector<16xi32> to vector<32xbf16>
          %mul3A_553 = arith.mulf %bitcast3A_551, %bitcast3A_552 : vector<32xbf16>
          %add3A_554 = arith.addf %add3A_540, %mul3A_553 : vector<32xbf16>
          %add3A_555 = arith.constant 1 : i32
          %add3A_556 = vector.broadcast %add3A_555 : i32 to vector<16xi32>
          %add3A_557 = arith.addi %and3A_546, %add3A_556 : vector<16xi32>
          %and3A_558 = arith.constant 63 : i32
          %and3A_559 = vector.broadcast %and3A_558 : i32 to vector<16xi32>
          %and3A_560 = arith.andi %add3A_557, %and3A_559 : vector<16xi32>
          %scan3A_561 = arith.constant 7 : i32
          %scan3A_562 = arith.addi %scan3A_465, %scan3A_561 : i32
          %gather3A_563 = tpu.vector_load_idx %arg19[%add3A_450, %and3A_560] : memref<80x64xi32, #tpu.memory_space<vmem>>[vector<16xi32>, vector<16xi32>], vector<16xi32>,
          %gather3A_564 = tpu.vector_load_idx %arg20[%add3A_450, %and3A_560] : memref<80x64xi32, #tpu.memory_space<vmem>>[vector<16xi32>, vector<16xi32>], vector<16xi32>,
          %bitcast3A_565 = vector.bitcast %gather3A_563 : vector<16xi32> to vector<32xbf16>
          %bitcast3A_566 = vector.bitcast %gather3A_564 : vector<16xi32> to vector<32xbf16>
          %mul3A_567 = arith.mulf %bitcast3A_565, %bitcast3A_566 : vector<32xbf16>
          %add3A_568 = arith.addf %add3A_554, %mul3A_567 : vector<32xbf16>
          %add3A_569 = arith.constant 1 : i32
          %add3A_570 = vector.broadcast %add3A_569 : i32 to vector<16xi32>
          %add3A_571 = arith.addi %and3A_560, %add3A_570 : vector<16xi32>
          %and3A_572 = arith.constant 63 : i32
          %and3A_573 = vector.broadcast %and3A_572 : i32 to vector<16xi32>
          %and3A_574 = arith.andi %add3A_571, %and3A_573 : vector<16xi32>
          scf.yield %add3A_568, %and3A_574 : vector<32xbf16>, vector<16xi32>
        }
        %scan3A_456 = arith.constant 64 : i32
        %unpack3A = tpu.unpack_subelements %scan3A_455#0, 0 {pack_format = #tpu.pack_format<interleaved>} : vector<32xbf16> -> vector<16xf32>
        %unpack3A_457 = tpu.unpack_subelements %scan3A_455#0, 1 {pack_format = #tpu.pack_format<interleaved>} : vector<32xbf16> -> vector<16xf32>
        %add3A_458 = arith.addf %unpack3A, %unpack3A_457 : vector<16xf32>
        %mul3A_459 = arith.constant 80 : i32
        %mul3A_460 = arith.muli %add3A_405, %mul3A_459 : i32
        %mul3A_461 = arith.constant 16 : i32
        %mul3A_462 = arith.muli %scan3A_446, %mul3A_461 : i32
        %add3A_463 = arith.addi %mul3A_460, %mul3A_462 : i32
        %swap3A = arith.index_cast %add3A_463 : i32 to index
        %swap3A_464 = tpu.vector_load %arg23[%swap3A] {strides = array<i32>} : memref<10000xf32, #tpu.memory_space<vmem>>, vector<16xf32>,
        tpu.vector_store %arg23[%swap3A], %add3A_458 {strides = array<i32>} : memref<10000xf32, #tpu.memory_space<vmem>>, vector<16xf32>,
      }
      %scan3A_411 = arith.constant 5 : i32
      %add3A_412 = arith.constant 4 : i32
      %add3A_413 = arith.addi %mul3A_275, %add3A_412 : i32
      %add3A_414 = arith.constant 4 : i32
      %add3A_415 = arith.addi %add3A_413, %add3A_414 : i32
      %mul3A_416 = arith.constant 80 : i32
      %mul3A_417 = arith.muli %add3A_415, %mul3A_416 : i32
      %dma_start3A_418 = tpu.memref_slice %arg11[%mul3A_417] : memref<10000xi32, #tpu.memory_space<vmem>> -> memref<80xi32, #tpu.memory_space<vmem>>
      %dma_start3A_419 = arith.constant 0 : i32
      %dma_start3A_420 = arith.constant 0 : i32
      %dma_start3A_421 = tpu.memref_slice %arg3[%dma_start3A_419, %dma_start3A_420] : memref<10000x64xi32, #tpu.memory_space<hbm>> -> memref<10000x64xi32, #tpu.memory_space<hbm>>
      tpu.enqueue_indirect_dma source(%dma_start3A_421 : memref<10000x64xi32, #tpu.memory_space<hbm>>) target(%arg19 : memref<80x64xi32, #tpu.memory_space<vmem>>) offsets(%dma_start3A_418 : memref<80xi32, #tpu.memory_space<vmem>>) semaphore(%arg27 : memref<!tpu.dma_semaphore, #tpu.memory_space<semaphore_mem>>)
      %mul3A_422 = arith.constant 80 : i32
      %mul3A_423 = arith.muli %add3A_415, %mul3A_422 : i32
      %dma_start3A_424 = tpu.memref_slice %arg12[%mul3A_423] : memref<10000xi32, #tpu.memory_space<vmem>> -> memref<80xi32, #tpu.memory_space<vmem>>
      %dma_start3A_425 = arith.constant 0 : i32
      %dma_start3A_426 = arith.constant 0 : i32
      %dma_start3A_427 = tpu.memref_slice %arg4[%dma_start3A_425, %dma_start3A_426] : memref<10000x64xi32, #tpu.memory_space<hbm>> -> memref<10000x64xi32, #tpu.memory_space<hbm>>
      tpu.enqueue_indirect_dma source(%dma_start3A_427 : memref<10000x64xi32, #tpu.memory_space<hbm>>) target(%arg20 : memref<80x64xi32, #tpu.memory_space<vmem>>) offsets(%dma_start3A_424 : memref<80xi32, #tpu.memory_space<vmem>>) semaphore(%arg27 : memref<!tpu.dma_semaphore, #tpu.memory_space<semaphore_mem>>)
      %dma_wait3A_428 = arith.constant 0 : i32
      %dma_wait3A_429 = tpu.memref_slice %arg11[%dma_wait3A_428] : memref<10000xi32, #tpu.memory_space<vmem>> -> memref<80xi32, #tpu.memory_space<vmem>>
      %dma_wait3A_430 = arith.constant 0 : i32
      %dma_wait3A_431 = arith.constant 0 : i32
      %dma_wait3A_432 = tpu.memref_slice %arg3[%dma_wait3A_430, %dma_wait3A_431] : memref<10000x64xi32, #tpu.memory_space<hbm>> -> memref<10000x64xi32, #tpu.memory_space<hbm>>
      tpu.wait_indirect_dma semaphore(%arg28 : memref<!tpu.dma_semaphore, #tpu.memory_space<semaphore_mem>>) src(%dma_wait3A_432 : memref<10000x64xi32, #tpu.memory_space<hbm>>) dst(%arg21 : memref<80x64xi32, #tpu.memory_space<vmem>>)
      %dma_wait3A_433 = arith.constant 0 : i32
      %dma_wait3A_434 = tpu.memref_slice %arg12[%dma_wait3A_433] : memref<10000xi32, #tpu.memory_space<vmem>> -> memref<80xi32, #tpu.memory_space<vmem>>
      %dma_wait3A_435 = arith.constant 0 : i32
      %dma_wait3A_436 = arith.constant 0 : i32
      %dma_wait3A_437 = tpu.memref_slice %arg4[%dma_wait3A_435, %dma_wait3A_436] : memref<10000x64xi32, #tpu.memory_space<hbm>> -> memref<10000x64xi32, #tpu.memory_space<hbm>>
      tpu.wait_indirect_dma semaphore(%arg28 : memref<!tpu.dma_semaphore, #tpu.memory_space<semaphore_mem>>) src(%dma_wait3A_437 : memref<10000x64xi32, #tpu.memory_space<hbm>>) dst(%arg22 : memref<80x64xi32, #tpu.memory_space<vmem>>)
      %add3A_438 = arith.constant 4 : i32
      %add3A_439 = arith.addi %mul3A_275, %add3A_438 : i32
      %scan3A_440 = arith.constant 0 : i32
      %scan3A_441 = arith.constant 0 : i32
      %scan3A_442 = arith.constant 5 : i32
      %scan3A_443 = arith.addi %scan3A_441, %scan3A_442 : i32
      %scan3A_444 = arith.constant 1 : i32
      scf.for %scan3A_446 = %scan3A_441 to %scan3A_443 step %scan3A_444  : i32 {
        %mul3A_447 = arith.constant 16 : i32
        %mul3A_448 = arith.muli %scan3A_446, %mul3A_447 : i32
        %add3A_449 = vector.broadcast %mul3A_448 : i32 to vector<16xi32>
        %add3A_450 = arith.addi %add3A_449, %iota3A : vector<16xi32>
        %scan3A_451 = arith.constant 0 : i32
        %scan3A_452 = arith.constant 64 : i32
        %scan3A_453 = arith.addi %scan3A_451, %scan3A_452 : i32
        %scan3A_454 = arith.constant 8 : i32
        %scan3A_455:2 = scf.for %scan3A_465 = %scan3A_451 to %scan3A_453 step %scan3A_454 iter_args(%scan3A_466 = %broadcast_in_dim3A_3, %scan3A_467 = %iota3A) -> (vector<32xbf16>, vector<16xi32>)  : i32 {
          %gather3A = tpu.vector_load_idx %arg21[%add3A_450, %scan3A_467] : memref<80x64xi32, #tpu.memory_space<vmem>>[vector<16xi32>, vector<16xi32>], vector<16xi32>,
          %gather3A_468 = tpu.vector_load_idx %arg22[%add3A_450, %scan3A_467] : memref<80x64xi32, #tpu.memory_space<vmem>>[vector<16xi32>, vector<16xi32>], vector<16xi32>,
          %bitcast3A = vector.bitcast %gather3A : vector<16xi32> to vector<32xbf16>
          %bitcast3A_469 = vector.bitcast %gather3A_468 : vector<16xi32> to vector<32xbf16>
          %mul3A_470 = arith.mulf %bitcast3A, %bitcast3A_469 : vector<32xbf16>
          %add3A_471 = arith.addf %scan3A_466, %mul3A_470 : vector<32xbf16>
          %add3A_472 = arith.constant 1 : i32
          %add3A_473 = vector.broadcast %add3A_472 : i32 to vector<16xi32>
          %add3A_474 = arith.addi %scan3A_467, %add3A_473 : vector<16xi32>
          %and3A = arith.constant 63 : i32
          %and3A_475 = vector.broadcast %and3A : i32 to vector<16xi32>
          %and3A_476 = arith.andi %add3A_474, %and3A_475 : vector<16xi32>
          %scan3A_477 = arith.constant 1 : i32
          %scan3A_478 = arith.addi %scan3A_465, %scan3A_477 : i32
          %gather3A_479 = tpu.vector_load_idx %arg21[%add3A_450, %and3A_476] : memref<80x64xi32, #tpu.memory_space<vmem>>[vector<16xi32>, vector<16xi32>], vector<16xi32>,
          %gather3A_480 = tpu.vector_load_idx %arg22[%add3A_450, %and3A_476] : memref<80x64xi32, #tpu.memory_space<vmem>>[vector<16xi32>, vector<16xi32>], vector<16xi32>,
          %bitcast3A_481 = vector.bitcast %gather3A_479 : vector<16xi32> to vector<32xbf16>
          %bitcast3A_482 = vector.bitcast %gather3A_480 : vector<16xi32> to vector<32xbf16>
          %mul3A_483 = arith.mulf %bitcast3A_481, %bitcast3A_482 : vector<32xbf16>
          %add3A_484 = arith.addf %add3A_471, %mul3A_483 : vector<32xbf16>
          %add3A_485 = arith.constant 1 : i32
          %add3A_486 = vector.broadcast %add3A_485 : i32 to vector<16xi32>
          %add3A_487 = arith.addi %and3A_476, %add3A_486 : vector<16xi32>
          %and3A_488 = arith.constant 63 : i32
          %and3A_489 = vector.broadcast %and3A_488 : i32 to vector<16xi32>
          %and3A_490 = arith.andi %add3A_487, %and3A_489 : vector<16xi32>
          %scan3A_491 = arith.constant 2 : i32
          %scan3A_492 = arith.addi %scan3A_465, %scan3A_491 : i32
          %gather3A_493 = tpu.vector_load_idx %arg21[%add3A_450, %and3A_490] : memref<80x64xi32, #tpu.memory_space<vmem>>[vector<16xi32>, vector<16xi32>], vector<16xi32>,
          %gather3A_494 = tpu.vector_load_idx %arg22[%add3A_450, %and3A_490] : memref<80x64xi32, #tpu.memory_space<vmem>>[vector<16xi32>, vector<16xi32>], vector<16xi32>,
          %bitcast3A_495 = vector.bitcast %gather3A_493 : vector<16xi32> to vector<32xbf16>
          %bitcast3A_496 = vector.bitcast %gather3A_494 : vector<16xi32> to vector<32xbf16>
          %mul3A_497 = arith.mulf %bitcast3A_495, %bitcast3A_496 : vector<32xbf16>
          %add3A_498 = arith.addf %add3A_484, %mul3A_497 : vector<32xbf16>
          %add3A_499 = arith.constant 1 : i32
          %add3A_500 = vector.broadcast %add3A_499 : i32 to vector<16xi32>
          %add3A_501 = arith.addi %and3A_490, %add3A_500 : vector<16xi32>
          %and3A_502 = arith.constant 63 : i32
          %and3A_503 = vector.broadcast %and3A_502 : i32 to vector<16xi32>
          %and3A_504 = arith.andi %add3A_501, %and3A_503 : vector<16xi32>
          %scan3A_505 = arith.constant 3 : i32
          %scan3A_506 = arith.addi %scan3A_465, %scan3A_505 : i32
          %gather3A_507 = tpu.vector_load_idx %arg21[%add3A_450, %and3A_504] : memref<80x64xi32, #tpu.memory_space<vmem>>[vector<16xi32>, vector<16xi32>], vector<16xi32>,
          %gather3A_508 = tpu.vector_load_idx %arg22[%add3A_450, %and3A_504] : memref<80x64xi32, #tpu.memory_space<vmem>>[vector<16xi32>, vector<16xi32>], vector<16xi32>,
          %bitcast3A_509 = vector.bitcast %gather3A_507 : vector<16xi32> to vector<32xbf16>
          %bitcast3A_510 = vector.bitcast %gather3A_508 : vector<16xi32> to vector<32xbf16>
          %mul3A_511 = arith.mulf %bitcast3A_509, %bitcast3A_510 : vector<32xbf16>
          %add3A_512 = arith.addf %add3A_498, %mul3A_511 : vector<32xbf16>
          %add3A_513 = arith.constant 1 : i32
          %add3A_514 = vector.broadcast %add3A_513 : i32 to vector<16xi32>
          %add3A_515 = arith.addi %and3A_504, %add3A_514 : vector<16xi32>
          %and3A_516 = arith.constant 63 : i32
          %and3A_517 = vector.broadcast %and3A_516 : i32 to vector<16xi32>
          %and3A_518 = arith.andi %add3A_515, %and3A_517 : vector<16xi32>
          %scan3A_519 = arith.constant 4 : i32
          %scan3A_520 = arith.addi %scan3A_465, %scan3A_519 : i32
          %gather3A_521 = tpu.vector_load_idx %arg21[%add3A_450, %and3A_518] : memref<80x64xi32, #tpu.memory_space<vmem>>[vector<16xi32>, vector<16xi32>], vector<16xi32>,
          %gather3A_522 = tpu.vector_load_idx %arg22[%add3A_450, %and3A_518] : memref<80x64xi32, #tpu.memory_space<vmem>>[vector<16xi32>, vector<16xi32>], vector<16xi32>,
          %bitcast3A_523 = vector.bitcast %gather3A_521 : vector<16xi32> to vector<32xbf16>
          %bitcast3A_524 = vector.bitcast %gather3A_522 : vector<16xi32> to vector<32xbf16>
          %mul3A_525 = arith.mulf %bitcast3A_523, %bitcast3A_524 : vector<32xbf16>
          %add3A_526 = arith.addf %add3A_512, %mul3A_525 : vector<32xbf16>
          %add3A_527 = arith.constant 1 : i32
          %add3A_528 = vector.broadcast %add3A_527 : i32 to vector<16xi32>
          %add3A_529 = arith.addi %and3A_518, %add3A_528 : vector<16xi32>
          %and3A_530 = arith.constant 63 : i32
          %and3A_531 = vector.broadcast %and3A_530 : i32 to vector<16xi32>
          %and3A_532 = arith.andi %add3A_529, %and3A_531 : vector<16xi32>
          %scan3A_533 = arith.constant 5 : i32
          %scan3A_534 = arith.addi %scan3A_465, %scan3A_533 : i32
          %gather3A_535 = tpu.vector_load_idx %arg21[%add3A_450, %and3A_532] : memref<80x64xi32, #tpu.memory_space<vmem>>[vector<16xi32>, vector<16xi32>], vector<16xi32>,
          %gather3A_536 = tpu.vector_load_idx %arg22[%add3A_450, %and3A_532] : memref<80x64xi32, #tpu.memory_space<vmem>>[vector<16xi32>, vector<16xi32>], vector<16xi32>,
          %bitcast3A_537 = vector.bitcast %gather3A_535 : vector<16xi32> to vector<32xbf16>
          %bitcast3A_538 = vector.bitcast %gather3A_536 : vector<16xi32> to vector<32xbf16>
          %mul3A_539 = arith.mulf %bitcast3A_537, %bitcast3A_538 : vector<32xbf16>
          %add3A_540 = arith.addf %add3A_526, %mul3A_539 : vector<32xbf16>
          %add3A_541 = arith.constant 1 : i32
          %add3A_542 = vector.broadcast %add3A_541 : i32 to vector<16xi32>
          %add3A_543 = arith.addi %and3A_532, %add3A_542 : vector<16xi32>
          %and3A_544 = arith.constant 63 : i32
          %and3A_545 = vector.broadcast %and3A_544 : i32 to vector<16xi32>
          %and3A_546 = arith.andi %add3A_543, %and3A_545 : vector<16xi32>
          %scan3A_547 = arith.constant 6 : i32
          %scan3A_548 = arith.addi %scan3A_465, %scan3A_547 : i32
          %gather3A_549 = tpu.vector_load_idx %arg21[%add3A_450, %and3A_546] : memref<80x64xi32, #tpu.memory_space<vmem>>[vector<16xi32>, vector<16xi32>], vector<16xi32>,
          %gather3A_550 = tpu.vector_load_idx %arg22[%add3A_450, %and3A_546] : memref<80x64xi32, #tpu.memory_space<vmem>>[vector<16xi32>, vector<16xi32>], vector<16xi32>,
          %bitcast3A_551 = vector.bitcast %gather3A_549 : vector<16xi32> to vector<32xbf16>
          %bitcast3A_552 = vector.bitcast %gather3A_550 : vector<16xi32> to vector<32xbf16>
          %mul3A_553 = arith.mulf %bitcast3A_551, %bitcast3A_552 : vector<32xbf16>
          %add3A_554 = arith.addf %add3A_540, %mul3A_553 : vector<32xbf16>
          %add3A_555 = arith.constant 1 : i32
          %add3A_556 = vector.broadcast %add3A_555 : i32 to vector<16xi32>
          %add3A_557 = arith.addi %and3A_546, %add3A_556 : vector<16xi32>
          %and3A_558 = arith.constant 63 : i32
          %and3A_559 = vector.broadcast %and3A_558 : i32 to vector<16xi32>
          %and3A_560 = arith.andi %add3A_557, %and3A_559 : vector<16xi32>
          %scan3A_561 = arith.constant 7 : i32
          %scan3A_562 = arith.addi %scan3A_465, %scan3A_561 : i32
          %gather3A_563 = tpu.vector_load_idx %arg21[%add3A_450, %and3A_560] : memref<80x64xi32, #tpu.memory_space<vmem>>[vector<16xi32>, vector<16xi32>], vector<16xi32>,
          %gather3A_564 = tpu.vector_load_idx %arg22[%add3A_450, %and3A_560] : memref<80x64xi32, #tpu.memory_space<vmem>>[vector<16xi32>, vector<16xi32>], vector<16xi32>,
          %bitcast3A_565 = vector.bitcast %gather3A_563 : vector<16xi32> to vector<32xbf16>
          %bitcast3A_566 = vector.bitcast %gather3A_564 : vector<16xi32> to vector<32xbf16>
          %mul3A_567 = arith.mulf %bitcast3A_565, %bitcast3A_566 : vector<32xbf16>
          %add3A_568 = arith.addf %add3A_554, %mul3A_567 : vector<32xbf16>
          %add3A_569 = arith.constant 1 : i32
          %add3A_570 = vector.broadcast %add3A_569 : i32 to vector<16xi32>
          %add3A_571 = arith.addi %and3A_560, %add3A_570 : vector<16xi32>
          %and3A_572 = arith.constant 63 : i32
          %and3A_573 = vector.broadcast %and3A_572 : i32 to vector<16xi32>
          %and3A_574 = arith.andi %add3A_571, %and3A_573 : vector<16xi32>
          scf.yield %add3A_568, %and3A_574 : vector<32xbf16>, vector<16xi32>
        }
        %scan3A_456 = arith.constant 64 : i32
        %unpack3A = tpu.unpack_subelements %scan3A_455#0, 0 {pack_format = #tpu.pack_format<interleaved>} : vector<32xbf16> -> vector<16xf32>
        %unpack3A_457 = tpu.unpack_subelements %scan3A_455#0, 1 {pack_format = #tpu.pack_format<interleaved>} : vector<32xbf16> -> vector<16xf32>
        %add3A_458 = arith.addf %unpack3A, %unpack3A_457 : vector<16xf32>
        %mul3A_459 = arith.constant 80 : i32
        %mul3A_460 = arith.muli %add3A_439, %mul3A_459 : i32
        %mul3A_461 = arith.constant 16 : i32
        %mul3A_462 = arith.muli %scan3A_446, %mul3A_461 : i32
        %add3A_463 = arith.addi %mul3A_460, %mul3A_462 : i32
        %swap3A = arith.index_cast %add3A_463 : i32 to index
        %swap3A_464 = tpu.vector_load %arg23[%swap3A] {strides = array<i32>} : memref<10000xf32, #tpu.memory_space<vmem>>, vector<16xf32>,
        tpu.vector_store %arg23[%swap3A], %add3A_458 {strides = array<i32>} : memref<10000xf32, #tpu.memory_space<vmem>>, vector<16xf32>,
      }
      %scan3A_445 = arith.constant 5 : i32
    }
    %scan3A_182 = arith.constant 24 : i32
    %dma_start3A_183 = arith.constant 9920 : i32
    %dma_start3A_184 = tpu.memref_slice %arg11[%dma_start3A_183] : memref<10000xi32, #tpu.memory_space<vmem>> -> memref<80xi32, #tpu.memory_space<vmem>>
    %dma_start3A_185 = arith.constant 0 : i32
    %dma_start3A_186 = arith.constant 0 : i32
    %dma_start3A_187 = tpu.memref_slice %arg3[%dma_start3A_185, %dma_start3A_186] : memref<10000x64xi32, #tpu.memory_space<hbm>> -> memref<10000x64xi32, #tpu.memory_space<hbm>>
    tpu.enqueue_indirect_dma source(%dma_start3A_187 : memref<10000x64xi32, #tpu.memory_space<hbm>>) target(%arg21 : memref<80x64xi32, #tpu.memory_space<vmem>>) offsets(%dma_start3A_184 : memref<80xi32, #tpu.memory_space<vmem>>) semaphore(%arg28 : memref<!tpu.dma_semaphore, #tpu.memory_space<semaphore_mem>>)
    %dma_start3A_188 = arith.constant 9920 : i32
    %dma_start3A_189 = tpu.memref_slice %arg12[%dma_start3A_188] : memref<10000xi32, #tpu.memory_space<vmem>> -> memref<80xi32, #tpu.memory_space<vmem>>
    %dma_start3A_190 = arith.constant 0 : i32
    %dma_start3A_191 = arith.constant 0 : i32
    %dma_start3A_192 = tpu.memref_slice %arg4[%dma_start3A_190, %dma_start3A_191] : memref<10000x64xi32, #tpu.memory_space<hbm>> -> memref<10000x64xi32, #tpu.memory_space<hbm>>
    tpu.enqueue_indirect_dma source(%dma_start3A_192 : memref<10000x64xi32, #tpu.memory_space<hbm>>) target(%arg22 : memref<80x64xi32, #tpu.memory_space<vmem>>) offsets(%dma_start3A_189 : memref<80xi32, #tpu.memory_space<vmem>>) semaphore(%arg28 : memref<!tpu.dma_semaphore, #tpu.memory_space<semaphore_mem>>)
    %dma_wait3A_193 = arith.constant 0 : i32
    %dma_wait3A_194 = tpu.memref_slice %arg11[%dma_wait3A_193] : memref<10000xi32, #tpu.memory_space<vmem>> -> memref<80xi32, #tpu.memory_space<vmem>>
    %dma_wait3A_195 = arith.constant 0 : i32
    %dma_wait3A_196 = arith.constant 0 : i32
    %dma_wait3A_197 = tpu.memref_slice %arg3[%dma_wait3A_195, %dma_wait3A_196] : memref<10000x64xi32, #tpu.memory_space<hbm>> -> memref<10000x64xi32, #tpu.memory_space<hbm>>
    tpu.wait_indirect_dma semaphore(%arg24 : memref<!tpu.dma_semaphore, #tpu.memory_space<semaphore_mem>>) src(%dma_wait3A_197 : memref<10000x64xi32, #tpu.memory_space<hbm>>) dst(%arg13 : memref<80x64xi32, #tpu.memory_space<vmem>>)
    %dma_wait3A_198 = arith.constant 0 : i32
    %dma_wait3A_199 = tpu.memref_slice %arg12[%dma_wait3A_198] : memref<10000xi32, #tpu.memory_space<vmem>> -> memref<80xi32, #tpu.memory_space<vmem>>
    %dma_wait3A_200 = arith.constant 0 : i32
    %dma_wait3A_201 = arith.constant 0 : i32
    %dma_wait3A_202 = tpu.memref_slice %arg4[%dma_wait3A_200, %dma_wait3A_201] : memref<10000x64xi32, #tpu.memory_space<hbm>> -> memref<10000x64xi32, #tpu.memory_space<hbm>>
    tpu.wait_indirect_dma semaphore(%arg24 : memref<!tpu.dma_semaphore, #tpu.memory_space<semaphore_mem>>) src(%dma_wait3A_202 : memref<10000x64xi32, #tpu.memory_space<hbm>>) dst(%arg14 : memref<80x64xi32, #tpu.memory_space<vmem>>)
    %scan3A_203 = arith.constant 0 : i32
    %scan3A_204 = arith.constant 0 : i32
    %scan3A_205 = arith.constant 5 : i32
    %scan3A_206 = arith.addi %scan3A_204, %scan3A_205 : i32
    %scan3A_207 = arith.constant 1 : i32
    scf.for %scan3A_273 = %scan3A_204 to %scan3A_206 step %scan3A_207  : i32 {
      %mul3A_274 = arith.constant 16 : i32
      %mul3A_275 = arith.muli %scan3A_273, %mul3A_274 : i32
      %add3A_276 = vector.broadcast %mul3A_275 : i32 to vector<16xi32>
      %add3A_277 = arith.addi %add3A_276, %iota3A : vector<16xi32>
      %scan3A_278 = arith.constant 0 : i32
      %scan3A_279 = arith.constant 64 : i32
      %scan3A_280 = arith.addi %scan3A_278, %scan3A_279 : i32
      %scan3A_281 = arith.constant 8 : i32
      %scan3A_282:2 = scf.for %scan3A_291 = %scan3A_278 to %scan3A_280 step %scan3A_281 iter_args(%scan3A_292 = %broadcast_in_dim3A_3, %scan3A_293 = %iota3A) -> (vector<32xbf16>, vector<16xi32>)  : i32 {
        %gather3A = tpu.vector_load_idx %arg13[%add3A_277, %scan3A_293] : memref<80x64xi32, #tpu.memory_space<vmem>>[vector<16xi32>, vector<16xi32>], vector<16xi32>,
        %gather3A_294 = tpu.vector_load_idx %arg14[%add3A_277, %scan3A_293] : memref<80x64xi32, #tpu.memory_space<vmem>>[vector<16xi32>, vector<16xi32>], vector<16xi32>,
        %bitcast3A = vector.bitcast %gather3A : vector<16xi32> to vector<32xbf16>
        %bitcast3A_295 = vector.bitcast %gather3A_294 : vector<16xi32> to vector<32xbf16>
        %mul3A_296 = arith.mulf %bitcast3A, %bitcast3A_295 : vector<32xbf16>
        %add3A_297 = arith.addf %scan3A_292, %mul3A_296 : vector<32xbf16>
        %add3A_298 = arith.constant 1 : i32
        %add3A_299 = vector.broadcast %add3A_298 : i32 to vector<16xi32>
        %add3A_300 = arith.addi %scan3A_293, %add3A_299 : vector<16xi32>
        %and3A = arith.constant 63 : i32
        %and3A_301 = vector.broadcast %and3A : i32 to vector<16xi32>
        %and3A_302 = arith.andi %add3A_300, %and3A_301 : vector<16xi32>
        %scan3A_303 = arith.constant 1 : i32
        %scan3A_304 = arith.addi %scan3A_291, %scan3A_303 : i32
        %gather3A_305 = tpu.vector_load_idx %arg13[%add3A_277, %and3A_302] : memref<80x64xi32, #tpu.memory_space<vmem>>[vector<16xi32>, vector<16xi32>], vector<16xi32>,
        %gather3A_306 = tpu.vector_load_idx %arg14[%add3A_277, %and3A_302] : memref<80x64xi32, #tpu.memory_space<vmem>>[vector<16xi32>, vector<16xi32>], vector<16xi32>,
        %bitcast3A_307 = vector.bitcast %gather3A_305 : vector<16xi32> to vector<32xbf16>
        %bitcast3A_308 = vector.bitcast %gather3A_306 : vector<16xi32> to vector<32xbf16>
        %mul3A_309 = arith.mulf %bitcast3A_307, %bitcast3A_308 : vector<32xbf16>
        %add3A_310 = arith.addf %add3A_297, %mul3A_309 : vector<32xbf16>
        %add3A_311 = arith.constant 1 : i32
        %add3A_312 = vector.broadcast %add3A_311 : i32 to vector<16xi32>
        %add3A_313 = arith.addi %and3A_302, %add3A_312 : vector<16xi32>
        %and3A_314 = arith.constant 63 : i32
        %and3A_315 = vector.broadcast %and3A_314 : i32 to vector<16xi32>
        %and3A_316 = arith.andi %add3A_313, %and3A_315 : vector<16xi32>
        %scan3A_317 = arith.constant 2 : i32
        %scan3A_318 = arith.addi %scan3A_291, %scan3A_317 : i32
        %gather3A_319 = tpu.vector_load_idx %arg13[%add3A_277, %and3A_316] : memref<80x64xi32, #tpu.memory_space<vmem>>[vector<16xi32>, vector<16xi32>], vector<16xi32>,
        %gather3A_320 = tpu.vector_load_idx %arg14[%add3A_277, %and3A_316] : memref<80x64xi32, #tpu.memory_space<vmem>>[vector<16xi32>, vector<16xi32>], vector<16xi32>,
        %bitcast3A_321 = vector.bitcast %gather3A_319 : vector<16xi32> to vector<32xbf16>
        %bitcast3A_322 = vector.bitcast %gather3A_320 : vector<16xi32> to vector<32xbf16>
        %mul3A_323 = arith.mulf %bitcast3A_321, %bitcast3A_322 : vector<32xbf16>
        %add3A_324 = arith.addf %add3A_310, %mul3A_323 : vector<32xbf16>
        %add3A_325 = arith.constant 1 : i32
        %add3A_326 = vector.broadcast %add3A_325 : i32 to vector<16xi32>
        %add3A_327 = arith.addi %and3A_316, %add3A_326 : vector<16xi32>
        %and3A_328 = arith.constant 63 : i32
        %and3A_329 = vector.broadcast %and3A_328 : i32 to vector<16xi32>
        %and3A_330 = arith.andi %add3A_327, %and3A_329 : vector<16xi32>
        %scan3A_331 = arith.constant 3 : i32
        %scan3A_332 = arith.addi %scan3A_291, %scan3A_331 : i32
        %gather3A_333 = tpu.vector_load_idx %arg13[%add3A_277, %and3A_330] : memref<80x64xi32, #tpu.memory_space<vmem>>[vector<16xi32>, vector<16xi32>], vector<16xi32>,
        %gather3A_334 = tpu.vector_load_idx %arg14[%add3A_277, %and3A_330] : memref<80x64xi32, #tpu.memory_space<vmem>>[vector<16xi32>, vector<16xi32>], vector<16xi32>,
        %bitcast3A_335 = vector.bitcast %gather3A_333 : vector<16xi32> to vector<32xbf16>
        %bitcast3A_336 = vector.bitcast %gather3A_334 : vector<16xi32> to vector<32xbf16>
        %mul3A_337 = arith.mulf %bitcast3A_335, %bitcast3A_336 : vector<32xbf16>
        %add3A_338 = arith.addf %add3A_324, %mul3A_337 : vector<32xbf16>
        %add3A_339 = arith.constant 1 : i32
        %add3A_340 = vector.broadcast %add3A_339 : i32 to vector<16xi32>
        %add3A_341 = arith.addi %and3A_330, %add3A_340 : vector<16xi32>
        %and3A_342 = arith.constant 63 : i32
        %and3A_343 = vector.broadcast %and3A_342 : i32 to vector<16xi32>
        %and3A_344 = arith.andi %add3A_341, %and3A_343 : vector<16xi32>
        %scan3A_345 = arith.constant 4 : i32
        %scan3A_346 = arith.addi %scan3A_291, %scan3A_345 : i32
        %gather3A_347 = tpu.vector_load_idx %arg13[%add3A_277, %and3A_344] : memref<80x64xi32, #tpu.memory_space<vmem>>[vector<16xi32>, vector<16xi32>], vector<16xi32>,
        %gather3A_348 = tpu.vector_load_idx %arg14[%add3A_277, %and3A_344] : memref<80x64xi32, #tpu.memory_space<vmem>>[vector<16xi32>, vector<16xi32>], vector<16xi32>,
        %bitcast3A_349 = vector.bitcast %gather3A_347 : vector<16xi32> to vector<32xbf16>
        %bitcast3A_350 = vector.bitcast %gather3A_348 : vector<16xi32> to vector<32xbf16>
        %mul3A_351 = arith.mulf %bitcast3A_349, %bitcast3A_350 : vector<32xbf16>
        %add3A_352 = arith.addf %add3A_338, %mul3A_351 : vector<32xbf16>
        %add3A_353 = arith.constant 1 : i32
        %add3A_354 = vector.broadcast %add3A_353 : i32 to vector<16xi32>
        %add3A_355 = arith.addi %and3A_344, %add3A_354 : vector<16xi32>
        %and3A_356 = arith.constant 63 : i32
        %and3A_357 = vector.broadcast %and3A_356 : i32 to vector<16xi32>
        %and3A_358 = arith.andi %add3A_355, %and3A_357 : vector<16xi32>
        %scan3A_359 = arith.constant 5 : i32
        %scan3A_360 = arith.addi %scan3A_291, %scan3A_359 : i32
        %gather3A_361 = tpu.vector_load_idx %arg13[%add3A_277, %and3A_358] : memref<80x64xi32, #tpu.memory_space<vmem>>[vector<16xi32>, vector<16xi32>], vector<16xi32>,
        %gather3A_362 = tpu.vector_load_idx %arg14[%add3A_277, %and3A_358] : memref<80x64xi32, #tpu.memory_space<vmem>>[vector<16xi32>, vector<16xi32>], vector<16xi32>,
        %bitcast3A_363 = vector.bitcast %gather3A_361 : vector<16xi32> to vector<32xbf16>
        %bitcast3A_364 = vector.bitcast %gather3A_362 : vector<16xi32> to vector<32xbf16>
        %mul3A_365 = arith.mulf %bitcast3A_363, %bitcast3A_364 : vector<32xbf16>
        %add3A_366 = arith.addf %add3A_352, %mul3A_365 : vector<32xbf16>
        %add3A_367 = arith.constant 1 : i32
        %add3A_368 = vector.broadcast %add3A_367 : i32 to vector<16xi32>
        %add3A_369 = arith.addi %and3A_358, %add3A_368 : vector<16xi32>
        %and3A_370 = arith.constant 63 : i32
        %and3A_371 = vector.broadcast %and3A_370 : i32 to vector<16xi32>
        %and3A_372 = arith.andi %add3A_369, %and3A_371 : vector<16xi32>
        %scan3A_373 = arith.constant 6 : i32
        %scan3A_374 = arith.addi %scan3A_291, %scan3A_373 : i32
        %gather3A_375 = tpu.vector_load_idx %arg13[%add3A_277, %and3A_372] : memref<80x64xi32, #tpu.memory_space<vmem>>[vector<16xi32>, vector<16xi32>], vector<16xi32>,
        %gather3A_376 = tpu.vector_load_idx %arg14[%add3A_277, %and3A_372] : memref<80x64xi32, #tpu.memory_space<vmem>>[vector<16xi32>, vector<16xi32>], vector<16xi32>,
        %bitcast3A_377 = vector.bitcast %gather3A_375 : vector<16xi32> to vector<32xbf16>
        %bitcast3A_378 = vector.bitcast %gather3A_376 : vector<16xi32> to vector<32xbf16>
        %mul3A_379 = arith.mulf %bitcast3A_377, %bitcast3A_378 : vector<32xbf16>
        %add3A_380 = arith.addf %add3A_366, %mul3A_379 : vector<32xbf16>
        %add3A_381 = arith.constant 1 : i32
        %add3A_382 = vector.broadcast %add3A_381 : i32 to vector<16xi32>
        %add3A_383 = arith.addi %and3A_372, %add3A_382 : vector<16xi32>
        %and3A_384 = arith.constant 63 : i32
        %and3A_385 = vector.broadcast %and3A_384 : i32 to vector<16xi32>
        %and3A_386 = arith.andi %add3A_383, %and3A_385 : vector<16xi32>
        %scan3A_387 = arith.constant 7 : i32
        %scan3A_388 = arith.addi %scan3A_291, %scan3A_387 : i32
        %gather3A_389 = tpu.vector_load_idx %arg13[%add3A_277, %and3A_386] : memref<80x64xi32, #tpu.memory_space<vmem>>[vector<16xi32>, vector<16xi32>], vector<16xi32>,
        %gather3A_390 = tpu.vector_load_idx %arg14[%add3A_277, %and3A_386] : memref<80x64xi32, #tpu.memory_space<vmem>>[vector<16xi32>, vector<16xi32>], vector<16xi32>,
        %bitcast3A_391 = vector.bitcast %gather3A_389 : vector<16xi32> to vector<32xbf16>
        %bitcast3A_392 = vector.bitcast %gather3A_390 : vector<16xi32> to vector<32xbf16>
        %mul3A_393 = arith.mulf %bitcast3A_391, %bitcast3A_392 : vector<32xbf16>
        %add3A_394 = arith.addf %add3A_380, %mul3A_393 : vector<32xbf16>
        %add3A_395 = arith.constant 1 : i32
        %add3A_396 = vector.broadcast %add3A_395 : i32 to vector<16xi32>
        %add3A_397 = arith.addi %and3A_386, %add3A_396 : vector<16xi32>
        %and3A_398 = arith.constant 63 : i32
        %and3A_399 = vector.broadcast %and3A_398 : i32 to vector<16xi32>
        %and3A_400 = arith.andi %add3A_397, %and3A_399 : vector<16xi32>
        scf.yield %add3A_394, %and3A_400 : vector<32xbf16>, vector<16xi32>
      }
      %scan3A_283 = arith.constant 64 : i32
      %unpack3A = tpu.unpack_subelements %scan3A_282#0, 0 {pack_format = #tpu.pack_format<interleaved>} : vector<32xbf16> -> vector<16xf32>
      %unpack3A_284 = tpu.unpack_subelements %scan3A_282#0, 1 {pack_format = #tpu.pack_format<interleaved>} : vector<32xbf16> -> vector<16xf32>
      %add3A_285 = arith.addf %unpack3A, %unpack3A_284 : vector<16xf32>
      %mul3A_286 = arith.constant 16 : i32
      %mul3A_287 = arith.muli %scan3A_273, %mul3A_286 : i32
      %add3A_288 = arith.constant 9600 : i32
      %add3A_289 = arith.addi %add3A_288, %mul3A_287 : i32
      %swap3A = arith.index_cast %add3A_289 : i32 to index
      %swap3A_290 = tpu.vector_load %arg23[%swap3A] {strides = array<i32>} : memref<10000xf32, #tpu.memory_space<vmem>>, vector<16xf32>,
      tpu.vector_store %arg23[%swap3A], %add3A_285 {strides = array<i32>} : memref<10000xf32, #tpu.memory_space<vmem>>, vector<16xf32>,
    }
    %scan3A_208 = arith.constant 5 : i32
    %dma_wait3A_209 = arith.constant 0 : i32
    %dma_wait3A_210 = tpu.memref_slice %arg11[%dma_wait3A_209] : memref<10000xi32, #tpu.memory_space<vmem>> -> memref<80xi32, #tpu.memory_space<vmem>>
    %dma_wait3A_211 = arith.constant 0 : i32
    %dma_wait3A_212 = arith.constant 0 : i32
    %dma_wait3A_213 = tpu.memref_slice %arg3[%dma_wait3A_211, %dma_wait3A_212] : memref<10000x64xi32, #tpu.memory_space<hbm>> -> memref<10000x64xi32, #tpu.memory_space<hbm>>
    tpu.wait_indirect_dma semaphore(%arg25 : memref<!tpu.dma_semaphore, #tpu.memory_space<semaphore_mem>>) src(%dma_wait3A_213 : memref<10000x64xi32, #tpu.memory_space<hbm>>) dst(%arg15 : memref<80x64xi32, #tpu.memory_space<vmem>>)
    %dma_wait3A_214 = arith.constant 0 : i32
    %dma_wait3A_215 = tpu.memref_slice %arg12[%dma_wait3A_214] : memref<10000xi32, #tpu.memory_space<vmem>> -> memref<80xi32, #tpu.memory_space<vmem>>
    %dma_wait3A_216 = arith.constant 0 : i32
    %dma_wait3A_217 = arith.constant 0 : i32
    %dma_wait3A_218 = tpu.memref_slice %arg4[%dma_wait3A_216, %dma_wait3A_217] : memref<10000x64xi32, #tpu.memory_space<hbm>> -> memref<10000x64xi32, #tpu.memory_space<hbm>>
    tpu.wait_indirect_dma semaphore(%arg25 : memref<!tpu.dma_semaphore, #tpu.memory_space<semaphore_mem>>) src(%dma_wait3A_218 : memref<10000x64xi32, #tpu.memory_space<hbm>>) dst(%arg16 : memref<80x64xi32, #tpu.memory_space<vmem>>)
    %scan3A_219 = arith.constant 0 : i32
    %scan3A_220 = arith.constant 0 : i32
    %scan3A_221 = arith.constant 5 : i32
    %scan3A_222 = arith.addi %scan3A_220, %scan3A_221 : i32
    %scan3A_223 = arith.constant 1 : i32
    scf.for %scan3A_273 = %scan3A_220 to %scan3A_222 step %scan3A_223  : i32 {
      %mul3A_274 = arith.constant 16 : i32
      %mul3A_275 = arith.muli %scan3A_273, %mul3A_274 : i32
      %add3A_276 = vector.broadcast %mul3A_275 : i32 to vector<16xi32>
      %add3A_277 = arith.addi %add3A_276, %iota3A : vector<16xi32>
      %scan3A_278 = arith.constant 0 : i32
      %scan3A_279 = arith.constant 64 : i32
      %scan3A_280 = arith.addi %scan3A_278, %scan3A_279 : i32
      %scan3A_281 = arith.constant 8 : i32
      %scan3A_282:2 = scf.for %scan3A_291 = %scan3A_278 to %scan3A_280 step %scan3A_281 iter_args(%scan3A_292 = %broadcast_in_dim3A_3, %scan3A_293 = %iota3A) -> (vector<32xbf16>, vector<16xi32>)  : i32 {
        %gather3A = tpu.vector_load_idx %arg15[%add3A_277, %scan3A_293] : memref<80x64xi32, #tpu.memory_space<vmem>>[vector<16xi32>, vector<16xi32>], vector<16xi32>,
        %gather3A_294 = tpu.vector_load_idx %arg16[%add3A_277, %scan3A_293] : memref<80x64xi32, #tpu.memory_space<vmem>>[vector<16xi32>, vector<16xi32>], vector<16xi32>,
        %bitcast3A = vector.bitcast %gather3A : vector<16xi32> to vector<32xbf16>
        %bitcast3A_295 = vector.bitcast %gather3A_294 : vector<16xi32> to vector<32xbf16>
        %mul3A_296 = arith.mulf %bitcast3A, %bitcast3A_295 : vector<32xbf16>
        %add3A_297 = arith.addf %scan3A_292, %mul3A_296 : vector<32xbf16>
        %add3A_298 = arith.constant 1 : i32
        %add3A_299 = vector.broadcast %add3A_298 : i32 to vector<16xi32>
        %add3A_300 = arith.addi %scan3A_293, %add3A_299 : vector<16xi32>
        %and3A = arith.constant 63 : i32
        %and3A_301 = vector.broadcast %and3A : i32 to vector<16xi32>
        %and3A_302 = arith.andi %add3A_300, %and3A_301 : vector<16xi32>
        %scan3A_303 = arith.constant 1 : i32
        %scan3A_304 = arith.addi %scan3A_291, %scan3A_303 : i32
        %gather3A_305 = tpu.vector_load_idx %arg15[%add3A_277, %and3A_302] : memref<80x64xi32, #tpu.memory_space<vmem>>[vector<16xi32>, vector<16xi32>], vector<16xi32>,
        %gather3A_306 = tpu.vector_load_idx %arg16[%add3A_277, %and3A_302] : memref<80x64xi32, #tpu.memory_space<vmem>>[vector<16xi32>, vector<16xi32>], vector<16xi32>,
        %bitcast3A_307 = vector.bitcast %gather3A_305 : vector<16xi32> to vector<32xbf16>
        %bitcast3A_308 = vector.bitcast %gather3A_306 : vector<16xi32> to vector<32xbf16>
        %mul3A_309 = arith.mulf %bitcast3A_307, %bitcast3A_308 : vector<32xbf16>
        %add3A_310 = arith.addf %add3A_297, %mul3A_309 : vector<32xbf16>
        %add3A_311 = arith.constant 1 : i32
        %add3A_312 = vector.broadcast %add3A_311 : i32 to vector<16xi32>
        %add3A_313 = arith.addi %and3A_302, %add3A_312 : vector<16xi32>
        %and3A_314 = arith.constant 63 : i32
        %and3A_315 = vector.broadcast %and3A_314 : i32 to vector<16xi32>
        %and3A_316 = arith.andi %add3A_313, %and3A_315 : vector<16xi32>
        %scan3A_317 = arith.constant 2 : i32
        %scan3A_318 = arith.addi %scan3A_291, %scan3A_317 : i32
        %gather3A_319 = tpu.vector_load_idx %arg15[%add3A_277, %and3A_316] : memref<80x64xi32, #tpu.memory_space<vmem>>[vector<16xi32>, vector<16xi32>], vector<16xi32>,
        %gather3A_320 = tpu.vector_load_idx %arg16[%add3A_277, %and3A_316] : memref<80x64xi32, #tpu.memory_space<vmem>>[vector<16xi32>, vector<16xi32>], vector<16xi32>,
        %bitcast3A_321 = vector.bitcast %gather3A_319 : vector<16xi32> to vector<32xbf16>
        %bitcast3A_322 = vector.bitcast %gather3A_320 : vector<16xi32> to vector<32xbf16>
        %mul3A_323 = arith.mulf %bitcast3A_321, %bitcast3A_322 : vector<32xbf16>
        %add3A_324 = arith.addf %add3A_310, %mul3A_323 : vector<32xbf16>
        %add3A_325 = arith.constant 1 : i32
        %add3A_326 = vector.broadcast %add3A_325 : i32 to vector<16xi32>
        %add3A_327 = arith.addi %and3A_316, %add3A_326 : vector<16xi32>
        %and3A_328 = arith.constant 63 : i32
        %and3A_329 = vector.broadcast %and3A_328 : i32 to vector<16xi32>
        %and3A_330 = arith.andi %add3A_327, %and3A_329 : vector<16xi32>
        %scan3A_331 = arith.constant 3 : i32
        %scan3A_332 = arith.addi %scan3A_291, %scan3A_331 : i32
        %gather3A_333 = tpu.vector_load_idx %arg15[%add3A_277, %and3A_330] : memref<80x64xi32, #tpu.memory_space<vmem>>[vector<16xi32>, vector<16xi32>], vector<16xi32>,
        %gather3A_334 = tpu.vector_load_idx %arg16[%add3A_277, %and3A_330] : memref<80x64xi32, #tpu.memory_space<vmem>>[vector<16xi32>, vector<16xi32>], vector<16xi32>,
        %bitcast3A_335 = vector.bitcast %gather3A_333 : vector<16xi32> to vector<32xbf16>
        %bitcast3A_336 = vector.bitcast %gather3A_334 : vector<16xi32> to vector<32xbf16>
        %mul3A_337 = arith.mulf %bitcast3A_335, %bitcast3A_336 : vector<32xbf16>
        %add3A_338 = arith.addf %add3A_324, %mul3A_337 : vector<32xbf16>
        %add3A_339 = arith.constant 1 : i32
        %add3A_340 = vector.broadcast %add3A_339 : i32 to vector<16xi32>
        %add3A_341 = arith.addi %and3A_330, %add3A_340 : vector<16xi32>
        %and3A_342 = arith.constant 63 : i32
        %and3A_343 = vector.broadcast %and3A_342 : i32 to vector<16xi32>
        %and3A_344 = arith.andi %add3A_341, %and3A_343 : vector<16xi32>
        %scan3A_345 = arith.constant 4 : i32
        %scan3A_346 = arith.addi %scan3A_291, %scan3A_345 : i32
        %gather3A_347 = tpu.vector_load_idx %arg15[%add3A_277, %and3A_344] : memref<80x64xi32, #tpu.memory_space<vmem>>[vector<16xi32>, vector<16xi32>], vector<16xi32>,
        %gather3A_348 = tpu.vector_load_idx %arg16[%add3A_277, %and3A_344] : memref<80x64xi32, #tpu.memory_space<vmem>>[vector<16xi32>, vector<16xi32>], vector<16xi32>,
        %bitcast3A_349 = vector.bitcast %gather3A_347 : vector<16xi32> to vector<32xbf16>
        %bitcast3A_350 = vector.bitcast %gather3A_348 : vector<16xi32> to vector<32xbf16>
        %mul3A_351 = arith.mulf %bitcast3A_349, %bitcast3A_350 : vector<32xbf16>
        %add3A_352 = arith.addf %add3A_338, %mul3A_351 : vector<32xbf16>
        %add3A_353 = arith.constant 1 : i32
        %add3A_354 = vector.broadcast %add3A_353 : i32 to vector<16xi32>
        %add3A_355 = arith.addi %and3A_344, %add3A_354 : vector<16xi32>
        %and3A_356 = arith.constant 63 : i32
        %and3A_357 = vector.broadcast %and3A_356 : i32 to vector<16xi32>
        %and3A_358 = arith.andi %add3A_355, %and3A_357 : vector<16xi32>
        %scan3A_359 = arith.constant 5 : i32
        %scan3A_360 = arith.addi %scan3A_291, %scan3A_359 : i32
        %gather3A_361 = tpu.vector_load_idx %arg15[%add3A_277, %and3A_358] : memref<80x64xi32, #tpu.memory_space<vmem>>[vector<16xi32>, vector<16xi32>], vector<16xi32>,
        %gather3A_362 = tpu.vector_load_idx %arg16[%add3A_277, %and3A_358] : memref<80x64xi32, #tpu.memory_space<vmem>>[vector<16xi32>, vector<16xi32>], vector<16xi32>,
        %bitcast3A_363 = vector.bitcast %gather3A_361 : vector<16xi32> to vector<32xbf16>
        %bitcast3A_364 = vector.bitcast %gather3A_362 : vector<16xi32> to vector<32xbf16>
        %mul3A_365 = arith.mulf %bitcast3A_363, %bitcast3A_364 : vector<32xbf16>
        %add3A_366 = arith.addf %add3A_352, %mul3A_365 : vector<32xbf16>
        %add3A_367 = arith.constant 1 : i32
        %add3A_368 = vector.broadcast %add3A_367 : i32 to vector<16xi32>
        %add3A_369 = arith.addi %and3A_358, %add3A_368 : vector<16xi32>
        %and3A_370 = arith.constant 63 : i32
        %and3A_371 = vector.broadcast %and3A_370 : i32 to vector<16xi32>
        %and3A_372 = arith.andi %add3A_369, %and3A_371 : vector<16xi32>
        %scan3A_373 = arith.constant 6 : i32
        %scan3A_374 = arith.addi %scan3A_291, %scan3A_373 : i32
        %gather3A_375 = tpu.vector_load_idx %arg15[%add3A_277, %and3A_372] : memref<80x64xi32, #tpu.memory_space<vmem>>[vector<16xi32>, vector<16xi32>], vector<16xi32>,
        %gather3A_376 = tpu.vector_load_idx %arg16[%add3A_277, %and3A_372] : memref<80x64xi32, #tpu.memory_space<vmem>>[vector<16xi32>, vector<16xi32>], vector<16xi32>,
        %bitcast3A_377 = vector.bitcast %gather3A_375 : vector<16xi32> to vector<32xbf16>
        %bitcast3A_378 = vector.bitcast %gather3A_376 : vector<16xi32> to vector<32xbf16>
        %mul3A_379 = arith.mulf %bitcast3A_377, %bitcast3A_378 : vector<32xbf16>
        %add3A_380 = arith.addf %add3A_366, %mul3A_379 : vector<32xbf16>
        %add3A_381 = arith.constant 1 : i32
        %add3A_382 = vector.broadcast %add3A_381 : i32 to vector<16xi32>
        %add3A_383 = arith.addi %and3A_372, %add3A_382 : vector<16xi32>
        %and3A_384 = arith.constant 63 : i32
        %and3A_385 = vector.broadcast %and3A_384 : i32 to vector<16xi32>
        %and3A_386 = arith.andi %add3A_383, %and3A_385 : vector<16xi32>
        %scan3A_387 = arith.constant 7 : i32
        %scan3A_388 = arith.addi %scan3A_291, %scan3A_387 : i32
        %gather3A_389 = tpu.vector_load_idx %arg15[%add3A_277, %and3A_386] : memref<80x64xi32, #tpu.memory_space<vmem>>[vector<16xi32>, vector<16xi32>], vector<16xi32>,
        %gather3A_390 = tpu.vector_load_idx %arg16[%add3A_277, %and3A_386] : memref<80x64xi32, #tpu.memory_space<vmem>>[vector<16xi32>, vector<16xi32>], vector<16xi32>,
        %bitcast3A_391 = vector.bitcast %gather3A_389 : vector<16xi32> to vector<32xbf16>
        %bitcast3A_392 = vector.bitcast %gather3A_390 : vector<16xi32> to vector<32xbf16>
        %mul3A_393 = arith.mulf %bitcast3A_391, %bitcast3A_392 : vector<32xbf16>
        %add3A_394 = arith.addf %add3A_380, %mul3A_393 : vector<32xbf16>
        %add3A_395 = arith.constant 1 : i32
        %add3A_396 = vector.broadcast %add3A_395 : i32 to vector<16xi32>
        %add3A_397 = arith.addi %and3A_386, %add3A_396 : vector<16xi32>
        %and3A_398 = arith.constant 63 : i32
        %and3A_399 = vector.broadcast %and3A_398 : i32 to vector<16xi32>
        %and3A_400 = arith.andi %add3A_397, %and3A_399 : vector<16xi32>
        scf.yield %add3A_394, %and3A_400 : vector<32xbf16>, vector<16xi32>
      }
      %scan3A_283 = arith.constant 64 : i32
      %unpack3A = tpu.unpack_subelements %scan3A_282#0, 0 {pack_format = #tpu.pack_format<interleaved>} : vector<32xbf16> -> vector<16xf32>
      %unpack3A_284 = tpu.unpack_subelements %scan3A_282#0, 1 {pack_format = #tpu.pack_format<interleaved>} : vector<32xbf16> -> vector<16xf32>
      %add3A_285 = arith.addf %unpack3A, %unpack3A_284 : vector<16xf32>
      %mul3A_286 = arith.constant 16 : i32
      %mul3A_287 = arith.muli %scan3A_273, %mul3A_286 : i32
      %add3A_288 = arith.constant 9680 : i32
      %add3A_289 = arith.addi %add3A_288, %mul3A_287 : i32
      %swap3A = arith.index_cast %add3A_289 : i32 to index
      %swap3A_290 = tpu.vector_load %arg23[%swap3A] {strides = array<i32>} : memref<10000xf32, #tpu.memory_space<vmem>>, vector<16xf32>,
      tpu.vector_store %arg23[%swap3A], %add3A_285 {strides = array<i32>} : memref<10000xf32, #tpu.memory_space<vmem>>, vector<16xf32>,
    }
    %scan3A_224 = arith.constant 5 : i32
    %dma_wait3A_225 = arith.constant 0 : i32
    %dma_wait3A_226 = tpu.memref_slice %arg11[%dma_wait3A_225] : memref<10000xi32, #tpu.memory_space<vmem>> -> memref<80xi32, #tpu.memory_space<vmem>>
    %dma_wait3A_227 = arith.constant 0 : i32
    %dma_wait3A_228 = arith.constant 0 : i32
    %dma_wait3A_229 = tpu.memref_slice %arg3[%dma_wait3A_227, %dma_wait3A_228] : memref<10000x64xi32, #tpu.memory_space<hbm>> -> memref<10000x64xi32, #tpu.memory_space<hbm>>
    tpu.wait_indirect_dma semaphore(%arg26 : memref<!tpu.dma_semaphore, #tpu.memory_space<semaphore_mem>>) src(%dma_wait3A_229 : memref<10000x64xi32, #tpu.memory_space<hbm>>) dst(%arg17 : memref<80x64xi32, #tpu.memory_space<vmem>>)
    %dma_wait3A_230 = arith.constant 0 : i32
    %dma_wait3A_231 = tpu.memref_slice %arg12[%dma_wait3A_230] : memref<10000xi32, #tpu.memory_space<vmem>> -> memref<80xi32, #tpu.memory_space<vmem>>
    %dma_wait3A_232 = arith.constant 0 : i32
    %dma_wait3A_233 = arith.constant 0 : i32
    %dma_wait3A_234 = tpu.memref_slice %arg4[%dma_wait3A_232, %dma_wait3A_233] : memref<10000x64xi32, #tpu.memory_space<hbm>> -> memref<10000x64xi32, #tpu.memory_space<hbm>>
    tpu.wait_indirect_dma semaphore(%arg26 : memref<!tpu.dma_semaphore, #tpu.memory_space<semaphore_mem>>) src(%dma_wait3A_234 : memref<10000x64xi32, #tpu.memory_space<hbm>>) dst(%arg18 : memref<80x64xi32, #tpu.memory_space<vmem>>)
    %scan3A_235 = arith.constant 0 : i32
    %scan3A_236 = arith.constant 0 : i32
    %scan3A_237 = arith.constant 5 : i32
    %scan3A_238 = arith.addi %scan3A_236, %scan3A_237 : i32
    %scan3A_239 = arith.constant 1 : i32
    scf.for %scan3A_273 = %scan3A_236 to %scan3A_238 step %scan3A_239  : i32 {
      %mul3A_274 = arith.constant 16 : i32
      %mul3A_275 = arith.muli %scan3A_273, %mul3A_274 : i32
      %add3A_276 = vector.broadcast %mul3A_275 : i32 to vector<16xi32>
      %add3A_277 = arith.addi %add3A_276, %iota3A : vector<16xi32>
      %scan3A_278 = arith.constant 0 : i32
      %scan3A_279 = arith.constant 64 : i32
      %scan3A_280 = arith.addi %scan3A_278, %scan3A_279 : i32
      %scan3A_281 = arith.constant 8 : i32
      %scan3A_282:2 = scf.for %scan3A_291 = %scan3A_278 to %scan3A_280 step %scan3A_281 iter_args(%scan3A_292 = %broadcast_in_dim3A_3, %scan3A_293 = %iota3A) -> (vector<32xbf16>, vector<16xi32>)  : i32 {
        %gather3A = tpu.vector_load_idx %arg17[%add3A_277, %scan3A_293] : memref<80x64xi32, #tpu.memory_space<vmem>>[vector<16xi32>, vector<16xi32>], vector<16xi32>,
        %gather3A_294 = tpu.vector_load_idx %arg18[%add3A_277, %scan3A_293] : memref<80x64xi32, #tpu.memory_space<vmem>>[vector<16xi32>, vector<16xi32>], vector<16xi32>,
        %bitcast3A = vector.bitcast %gather3A : vector<16xi32> to vector<32xbf16>
        %bitcast3A_295 = vector.bitcast %gather3A_294 : vector<16xi32> to vector<32xbf16>
        %mul3A_296 = arith.mulf %bitcast3A, %bitcast3A_295 : vector<32xbf16>
        %add3A_297 = arith.addf %scan3A_292, %mul3A_296 : vector<32xbf16>
        %add3A_298 = arith.constant 1 : i32
        %add3A_299 = vector.broadcast %add3A_298 : i32 to vector<16xi32>
        %add3A_300 = arith.addi %scan3A_293, %add3A_299 : vector<16xi32>
        %and3A = arith.constant 63 : i32
        %and3A_301 = vector.broadcast %and3A : i32 to vector<16xi32>
        %and3A_302 = arith.andi %add3A_300, %and3A_301 : vector<16xi32>
        %scan3A_303 = arith.constant 1 : i32
        %scan3A_304 = arith.addi %scan3A_291, %scan3A_303 : i32
        %gather3A_305 = tpu.vector_load_idx %arg17[%add3A_277, %and3A_302] : memref<80x64xi32, #tpu.memory_space<vmem>>[vector<16xi32>, vector<16xi32>], vector<16xi32>,
        %gather3A_306 = tpu.vector_load_idx %arg18[%add3A_277, %and3A_302] : memref<80x64xi32, #tpu.memory_space<vmem>>[vector<16xi32>, vector<16xi32>], vector<16xi32>,
        %bitcast3A_307 = vector.bitcast %gather3A_305 : vector<16xi32> to vector<32xbf16>
        %bitcast3A_308 = vector.bitcast %gather3A_306 : vector<16xi32> to vector<32xbf16>
        %mul3A_309 = arith.mulf %bitcast3A_307, %bitcast3A_308 : vector<32xbf16>
        %add3A_310 = arith.addf %add3A_297, %mul3A_309 : vector<32xbf16>
        %add3A_311 = arith.constant 1 : i32
        %add3A_312 = vector.broadcast %add3A_311 : i32 to vector<16xi32>
        %add3A_313 = arith.addi %and3A_302, %add3A_312 : vector<16xi32>
        %and3A_314 = arith.constant 63 : i32
        %and3A_315 = vector.broadcast %and3A_314 : i32 to vector<16xi32>
        %and3A_316 = arith.andi %add3A_313, %and3A_315 : vector<16xi32>
        %scan3A_317 = arith.constant 2 : i32
        %scan3A_318 = arith.addi %scan3A_291, %scan3A_317 : i32
        %gather3A_319 = tpu.vector_load_idx %arg17[%add3A_277, %and3A_316] : memref<80x64xi32, #tpu.memory_space<vmem>>[vector<16xi32>, vector<16xi32>], vector<16xi32>,
        %gather3A_320 = tpu.vector_load_idx %arg18[%add3A_277, %and3A_316] : memref<80x64xi32, #tpu.memory_space<vmem>>[vector<16xi32>, vector<16xi32>], vector<16xi32>,
        %bitcast3A_321 = vector.bitcast %gather3A_319 : vector<16xi32> to vector<32xbf16>
        %bitcast3A_322 = vector.bitcast %gather3A_320 : vector<16xi32> to vector<32xbf16>
        %mul3A_323 = arith.mulf %bitcast3A_321, %bitcast3A_322 : vector<32xbf16>
        %add3A_324 = arith.addf %add3A_310, %mul3A_323 : vector<32xbf16>
        %add3A_325 = arith.constant 1 : i32
        %add3A_326 = vector.broadcast %add3A_325 : i32 to vector<16xi32>
        %add3A_327 = arith.addi %and3A_316, %add3A_326 : vector<16xi32>
        %and3A_328 = arith.constant 63 : i32
        %and3A_329 = vector.broadcast %and3A_328 : i32 to vector<16xi32>
        %and3A_330 = arith.andi %add3A_327, %and3A_329 : vector<16xi32>
        %scan3A_331 = arith.constant 3 : i32
        %scan3A_332 = arith.addi %scan3A_291, %scan3A_331 : i32
        %gather3A_333 = tpu.vector_load_idx %arg17[%add3A_277, %and3A_330] : memref<80x64xi32, #tpu.memory_space<vmem>>[vector<16xi32>, vector<16xi32>], vector<16xi32>,
        %gather3A_334 = tpu.vector_load_idx %arg18[%add3A_277, %and3A_330] : memref<80x64xi32, #tpu.memory_space<vmem>>[vector<16xi32>, vector<16xi32>], vector<16xi32>,
        %bitcast3A_335 = vector.bitcast %gather3A_333 : vector<16xi32> to vector<32xbf16>
        %bitcast3A_336 = vector.bitcast %gather3A_334 : vector<16xi32> to vector<32xbf16>
        %mul3A_337 = arith.mulf %bitcast3A_335, %bitcast3A_336 : vector<32xbf16>
        %add3A_338 = arith.addf %add3A_324, %mul3A_337 : vector<32xbf16>
        %add3A_339 = arith.constant 1 : i32
        %add3A_340 = vector.broadcast %add3A_339 : i32 to vector<16xi32>
        %add3A_341 = arith.addi %and3A_330, %add3A_340 : vector<16xi32>
        %and3A_342 = arith.constant 63 : i32
        %and3A_343 = vector.broadcast %and3A_342 : i32 to vector<16xi32>
        %and3A_344 = arith.andi %add3A_341, %and3A_343 : vector<16xi32>
        %scan3A_345 = arith.constant 4 : i32
        %scan3A_346 = arith.addi %scan3A_291, %scan3A_345 : i32
        %gather3A_347 = tpu.vector_load_idx %arg17[%add3A_277, %and3A_344] : memref<80x64xi32, #tpu.memory_space<vmem>>[vector<16xi32>, vector<16xi32>], vector<16xi32>,
        %gather3A_348 = tpu.vector_load_idx %arg18[%add3A_277, %and3A_344] : memref<80x64xi32, #tpu.memory_space<vmem>>[vector<16xi32>, vector<16xi32>], vector<16xi32>,
        %bitcast3A_349 = vector.bitcast %gather3A_347 : vector<16xi32> to vector<32xbf16>
        %bitcast3A_350 = vector.bitcast %gather3A_348 : vector<16xi32> to vector<32xbf16>
        %mul3A_351 = arith.mulf %bitcast3A_349, %bitcast3A_350 : vector<32xbf16>
        %add3A_352 = arith.addf %add3A_338, %mul3A_351 : vector<32xbf16>
        %add3A_353 = arith.constant 1 : i32
        %add3A_354 = vector.broadcast %add3A_353 : i32 to vector<16xi32>
        %add3A_355 = arith.addi %and3A_344, %add3A_354 : vector<16xi32>
        %and3A_356 = arith.constant 63 : i32
        %and3A_357 = vector.broadcast %and3A_356 : i32 to vector<16xi32>
        %and3A_358 = arith.andi %add3A_355, %and3A_357 : vector<16xi32>
        %scan3A_359 = arith.constant 5 : i32
        %scan3A_360 = arith.addi %scan3A_291, %scan3A_359 : i32
        %gather3A_361 = tpu.vector_load_idx %arg17[%add3A_277, %and3A_358] : memref<80x64xi32, #tpu.memory_space<vmem>>[vector<16xi32>, vector<16xi32>], vector<16xi32>,
        %gather3A_362 = tpu.vector_load_idx %arg18[%add3A_277, %and3A_358] : memref<80x64xi32, #tpu.memory_space<vmem>>[vector<16xi32>, vector<16xi32>], vector<16xi32>,
        %bitcast3A_363 = vector.bitcast %gather3A_361 : vector<16xi32> to vector<32xbf16>
        %bitcast3A_364 = vector.bitcast %gather3A_362 : vector<16xi32> to vector<32xbf16>
        %mul3A_365 = arith.mulf %bitcast3A_363, %bitcast3A_364 : vector<32xbf16>
        %add3A_366 = arith.addf %add3A_352, %mul3A_365 : vector<32xbf16>
        %add3A_367 = arith.constant 1 : i32
        %add3A_368 = vector.broadcast %add3A_367 : i32 to vector<16xi32>
        %add3A_369 = arith.addi %and3A_358, %add3A_368 : vector<16xi32>
        %and3A_370 = arith.constant 63 : i32
        %and3A_371 = vector.broadcast %and3A_370 : i32 to vector<16xi32>
        %and3A_372 = arith.andi %add3A_369, %and3A_371 : vector<16xi32>
        %scan3A_373 = arith.constant 6 : i32
        %scan3A_374 = arith.addi %scan3A_291, %scan3A_373 : i32
        %gather3A_375 = tpu.vector_load_idx %arg17[%add3A_277, %and3A_372] : memref<80x64xi32, #tpu.memory_space<vmem>>[vector<16xi32>, vector<16xi32>], vector<16xi32>,
        %gather3A_376 = tpu.vector_load_idx %arg18[%add3A_277, %and3A_372] : memref<80x64xi32, #tpu.memory_space<vmem>>[vector<16xi32>, vector<16xi32>], vector<16xi32>,
        %bitcast3A_377 = vector.bitcast %gather3A_375 : vector<16xi32> to vector<32xbf16>
        %bitcast3A_378 = vector.bitcast %gather3A_376 : vector<16xi32> to vector<32xbf16>
        %mul3A_379 = arith.mulf %bitcast3A_377, %bitcast3A_378 : vector<32xbf16>
        %add3A_380 = arith.addf %add3A_366, %mul3A_379 : vector<32xbf16>
        %add3A_381 = arith.constant 1 : i32
        %add3A_382 = vector.broadcast %add3A_381 : i32 to vector<16xi32>
        %add3A_383 = arith.addi %and3A_372, %add3A_382 : vector<16xi32>
        %and3A_384 = arith.constant 63 : i32
        %and3A_385 = vector.broadcast %and3A_384 : i32 to vector<16xi32>
        %and3A_386 = arith.andi %add3A_383, %and3A_385 : vector<16xi32>
        %scan3A_387 = arith.constant 7 : i32
        %scan3A_388 = arith.addi %scan3A_291, %scan3A_387 : i32
        %gather3A_389 = tpu.vector_load_idx %arg17[%add3A_277, %and3A_386] : memref<80x64xi32, #tpu.memory_space<vmem>>[vector<16xi32>, vector<16xi32>], vector<16xi32>,
        %gather3A_390 = tpu.vector_load_idx %arg18[%add3A_277, %and3A_386] : memref<80x64xi32, #tpu.memory_space<vmem>>[vector<16xi32>, vector<16xi32>], vector<16xi32>,
        %bitcast3A_391 = vector.bitcast %gather3A_389 : vector<16xi32> to vector<32xbf16>
        %bitcast3A_392 = vector.bitcast %gather3A_390 : vector<16xi32> to vector<32xbf16>
        %mul3A_393 = arith.mulf %bitcast3A_391, %bitcast3A_392 : vector<32xbf16>
        %add3A_394 = arith.addf %add3A_380, %mul3A_393 : vector<32xbf16>
        %add3A_395 = arith.constant 1 : i32
        %add3A_396 = vector.broadcast %add3A_395 : i32 to vector<16xi32>
        %add3A_397 = arith.addi %and3A_386, %add3A_396 : vector<16xi32>
        %and3A_398 = arith.constant 63 : i32
        %and3A_399 = vector.broadcast %and3A_398 : i32 to vector<16xi32>
        %and3A_400 = arith.andi %add3A_397, %and3A_399 : vector<16xi32>
        scf.yield %add3A_394, %and3A_400 : vector<32xbf16>, vector<16xi32>
      }
      %scan3A_283 = arith.constant 64 : i32
      %unpack3A = tpu.unpack_subelements %scan3A_282#0, 0 {pack_format = #tpu.pack_format<interleaved>} : vector<32xbf16> -> vector<16xf32>
      %unpack3A_284 = tpu.unpack_subelements %scan3A_282#0, 1 {pack_format = #tpu.pack_format<interleaved>} : vector<32xbf16> -> vector<16xf32>
      %add3A_285 = arith.addf %unpack3A, %unpack3A_284 : vector<16xf32>
      %mul3A_286 = arith.constant 16 : i32
      %mul3A_287 = arith.muli %scan3A_273, %mul3A_286 : i32
      %add3A_288 = arith.constant 9760 : i32
      %add3A_289 = arith.addi %add3A_288, %mul3A_287 : i32
      %swap3A = arith.index_cast %add3A_289 : i32 to index
      %swap3A_290 = tpu.vector_load %arg23[%swap3A] {strides = array<i32>} : memref<10000xf32, #tpu.memory_space<vmem>>, vector<16xf32>,
      tpu.vector_store %arg23[%swap3A], %add3A_285 {strides = array<i32>} : memref<10000xf32, #tpu.memory_space<vmem>>, vector<16xf32>,
    }
    %scan3A_240 = arith.constant 5 : i32
    %dma_wait3A_241 = arith.constant 0 : i32
    %dma_wait3A_242 = tpu.memref_slice %arg11[%dma_wait3A_241] : memref<10000xi32, #tpu.memory_space<vmem>> -> memref<80xi32, #tpu.memory_space<vmem>>
    %dma_wait3A_243 = arith.constant 0 : i32
    %dma_wait3A_244 = arith.constant 0 : i32
    %dma_wait3A_245 = tpu.memref_slice %arg3[%dma_wait3A_243, %dma_wait3A_244] : memref<10000x64xi32, #tpu.memory_space<hbm>> -> memref<10000x64xi32, #tpu.memory_space<hbm>>
    tpu.wait_indirect_dma semaphore(%arg27 : memref<!tpu.dma_semaphore, #tpu.memory_space<semaphore_mem>>) src(%dma_wait3A_245 : memref<10000x64xi32, #tpu.memory_space<hbm>>) dst(%arg19 : memref<80x64xi32, #tpu.memory_space<vmem>>)
    %dma_wait3A_246 = arith.constant 0 : i32
    %dma_wait3A_247 = tpu.memref_slice %arg12[%dma_wait3A_246] : memref<10000xi32, #tpu.memory_space<vmem>> -> memref<80xi32, #tpu.memory_space<vmem>>
    %dma_wait3A_248 = arith.constant 0 : i32
    %dma_wait3A_249 = arith.constant 0 : i32
    %dma_wait3A_250 = tpu.memref_slice %arg4[%dma_wait3A_248, %dma_wait3A_249] : memref<10000x64xi32, #tpu.memory_space<hbm>> -> memref<10000x64xi32, #tpu.memory_space<hbm>>
    tpu.wait_indirect_dma semaphore(%arg27 : memref<!tpu.dma_semaphore, #tpu.memory_space<semaphore_mem>>) src(%dma_wait3A_250 : memref<10000x64xi32, #tpu.memory_space<hbm>>) dst(%arg20 : memref<80x64xi32, #tpu.memory_space<vmem>>)
    %scan3A_251 = arith.constant 0 : i32
    %scan3A_252 = arith.constant 0 : i32
    %scan3A_253 = arith.constant 5 : i32
    %scan3A_254 = arith.addi %scan3A_252, %scan3A_253 : i32
    %scan3A_255 = arith.constant 1 : i32
    scf.for %scan3A_273 = %scan3A_252 to %scan3A_254 step %scan3A_255  : i32 {
      %mul3A_274 = arith.constant 16 : i32
      %mul3A_275 = arith.muli %scan3A_273, %mul3A_274 : i32
      %add3A_276 = vector.broadcast %mul3A_275 : i32 to vector<16xi32>
      %add3A_277 = arith.addi %add3A_276, %iota3A : vector<16xi32>
      %scan3A_278 = arith.constant 0 : i32
      %scan3A_279 = arith.constant 64 : i32
      %scan3A_280 = arith.addi %scan3A_278, %scan3A_279 : i32
      %scan3A_281 = arith.constant 8 : i32
      %scan3A_282:2 = scf.for %scan3A_291 = %scan3A_278 to %scan3A_280 step %scan3A_281 iter_args(%scan3A_292 = %broadcast_in_dim3A_3, %scan3A_293 = %iota3A) -> (vector<32xbf16>, vector<16xi32>)  : i32 {
        %gather3A = tpu.vector_load_idx %arg19[%add3A_277, %scan3A_293] : memref<80x64xi32, #tpu.memory_space<vmem>>[vector<16xi32>, vector<16xi32>], vector<16xi32>,
        %gather3A_294 = tpu.vector_load_idx %arg20[%add3A_277, %scan3A_293] : memref<80x64xi32, #tpu.memory_space<vmem>>[vector<16xi32>, vector<16xi32>], vector<16xi32>,
        %bitcast3A = vector.bitcast %gather3A : vector<16xi32> to vector<32xbf16>
        %bitcast3A_295 = vector.bitcast %gather3A_294 : vector<16xi32> to vector<32xbf16>
        %mul3A_296 = arith.mulf %bitcast3A, %bitcast3A_295 : vector<32xbf16>
        %add3A_297 = arith.addf %scan3A_292, %mul3A_296 : vector<32xbf16>
        %add3A_298 = arith.constant 1 : i32
        %add3A_299 = vector.broadcast %add3A_298 : i32 to vector<16xi32>
        %add3A_300 = arith.addi %scan3A_293, %add3A_299 : vector<16xi32>
        %and3A = arith.constant 63 : i32
        %and3A_301 = vector.broadcast %and3A : i32 to vector<16xi32>
        %and3A_302 = arith.andi %add3A_300, %and3A_301 : vector<16xi32>
        %scan3A_303 = arith.constant 1 : i32
        %scan3A_304 = arith.addi %scan3A_291, %scan3A_303 : i32
        %gather3A_305 = tpu.vector_load_idx %arg19[%add3A_277, %and3A_302] : memref<80x64xi32, #tpu.memory_space<vmem>>[vector<16xi32>, vector<16xi32>], vector<16xi32>,
        %gather3A_306 = tpu.vector_load_idx %arg20[%add3A_277, %and3A_302] : memref<80x64xi32, #tpu.memory_space<vmem>>[vector<16xi32>, vector<16xi32>], vector<16xi32>,
        %bitcast3A_307 = vector.bitcast %gather3A_305 : vector<16xi32> to vector<32xbf16>
        %bitcast3A_308 = vector.bitcast %gather3A_306 : vector<16xi32> to vector<32xbf16>
        %mul3A_309 = arith.mulf %bitcast3A_307, %bitcast3A_308 : vector<32xbf16>
        %add3A_310 = arith.addf %add3A_297, %mul3A_309 : vector<32xbf16>
        %add3A_311 = arith.constant 1 : i32
        %add3A_312 = vector.broadcast %add3A_311 : i32 to vector<16xi32>
        %add3A_313 = arith.addi %and3A_302, %add3A_312 : vector<16xi32>
        %and3A_314 = arith.constant 63 : i32
        %and3A_315 = vector.broadcast %and3A_314 : i32 to vector<16xi32>
        %and3A_316 = arith.andi %add3A_313, %and3A_315 : vector<16xi32>
        %scan3A_317 = arith.constant 2 : i32
        %scan3A_318 = arith.addi %scan3A_291, %scan3A_317 : i32
        %gather3A_319 = tpu.vector_load_idx %arg19[%add3A_277, %and3A_316] : memref<80x64xi32, #tpu.memory_space<vmem>>[vector<16xi32>, vector<16xi32>], vector<16xi32>,
        %gather3A_320 = tpu.vector_load_idx %arg20[%add3A_277, %and3A_316] : memref<80x64xi32, #tpu.memory_space<vmem>>[vector<16xi32>, vector<16xi32>], vector<16xi32>,
        %bitcast3A_321 = vector.bitcast %gather3A_319 : vector<16xi32> to vector<32xbf16>
        %bitcast3A_322 = vector.bitcast %gather3A_320 : vector<16xi32> to vector<32xbf16>
        %mul3A_323 = arith.mulf %bitcast3A_321, %bitcast3A_322 : vector<32xbf16>
        %add3A_324 = arith.addf %add3A_310, %mul3A_323 : vector<32xbf16>
        %add3A_325 = arith.constant 1 : i32
        %add3A_326 = vector.broadcast %add3A_325 : i32 to vector<16xi32>
        %add3A_327 = arith.addi %and3A_316, %add3A_326 : vector<16xi32>
        %and3A_328 = arith.constant 63 : i32
        %and3A_329 = vector.broadcast %and3A_328 : i32 to vector<16xi32>
        %and3A_330 = arith.andi %add3A_327, %and3A_329 : vector<16xi32>
        %scan3A_331 = arith.constant 3 : i32
        %scan3A_332 = arith.addi %scan3A_291, %scan3A_331 : i32
        %gather3A_333 = tpu.vector_load_idx %arg19[%add3A_277, %and3A_330] : memref<80x64xi32, #tpu.memory_space<vmem>>[vector<16xi32>, vector<16xi32>], vector<16xi32>,
        %gather3A_334 = tpu.vector_load_idx %arg20[%add3A_277, %and3A_330] : memref<80x64xi32, #tpu.memory_space<vmem>>[vector<16xi32>, vector<16xi32>], vector<16xi32>,
        %bitcast3A_335 = vector.bitcast %gather3A_333 : vector<16xi32> to vector<32xbf16>
        %bitcast3A_336 = vector.bitcast %gather3A_334 : vector<16xi32> to vector<32xbf16>
        %mul3A_337 = arith.mulf %bitcast3A_335, %bitcast3A_336 : vector<32xbf16>
        %add3A_338 = arith.addf %add3A_324, %mul3A_337 : vector<32xbf16>
        %add3A_339 = arith.constant 1 : i32
        %add3A_340 = vector.broadcast %add3A_339 : i32 to vector<16xi32>
        %add3A_341 = arith.addi %and3A_330, %add3A_340 : vector<16xi32>
        %and3A_342 = arith.constant 63 : i32
        %and3A_343 = vector.broadcast %and3A_342 : i32 to vector<16xi32>
        %and3A_344 = arith.andi %add3A_341, %and3A_343 : vector<16xi32>
        %scan3A_345 = arith.constant 4 : i32
        %scan3A_346 = arith.addi %scan3A_291, %scan3A_345 : i32
        %gather3A_347 = tpu.vector_load_idx %arg19[%add3A_277, %and3A_344] : memref<80x64xi32, #tpu.memory_space<vmem>>[vector<16xi32>, vector<16xi32>], vector<16xi32>,
        %gather3A_348 = tpu.vector_load_idx %arg20[%add3A_277, %and3A_344] : memref<80x64xi32, #tpu.memory_space<vmem>>[vector<16xi32>, vector<16xi32>], vector<16xi32>,
        %bitcast3A_349 = vector.bitcast %gather3A_347 : vector<16xi32> to vector<32xbf16>
        %bitcast3A_350 = vector.bitcast %gather3A_348 : vector<16xi32> to vector<32xbf16>
        %mul3A_351 = arith.mulf %bitcast3A_349, %bitcast3A_350 : vector<32xbf16>
        %add3A_352 = arith.addf %add3A_338, %mul3A_351 : vector<32xbf16>
        %add3A_353 = arith.constant 1 : i32
        %add3A_354 = vector.broadcast %add3A_353 : i32 to vector<16xi32>
        %add3A_355 = arith.addi %and3A_344, %add3A_354 : vector<16xi32>
        %and3A_356 = arith.constant 63 : i32
        %and3A_357 = vector.broadcast %and3A_356 : i32 to vector<16xi32>
        %and3A_358 = arith.andi %add3A_355, %and3A_357 : vector<16xi32>
        %scan3A_359 = arith.constant 5 : i32
        %scan3A_360 = arith.addi %scan3A_291, %scan3A_359 : i32
        %gather3A_361 = tpu.vector_load_idx %arg19[%add3A_277, %and3A_358] : memref<80x64xi32, #tpu.memory_space<vmem>>[vector<16xi32>, vector<16xi32>], vector<16xi32>,
        %gather3A_362 = tpu.vector_load_idx %arg20[%add3A_277, %and3A_358] : memref<80x64xi32, #tpu.memory_space<vmem>>[vector<16xi32>, vector<16xi32>], vector<16xi32>,
        %bitcast3A_363 = vector.bitcast %gather3A_361 : vector<16xi32> to vector<32xbf16>
        %bitcast3A_364 = vector.bitcast %gather3A_362 : vector<16xi32> to vector<32xbf16>
        %mul3A_365 = arith.mulf %bitcast3A_363, %bitcast3A_364 : vector<32xbf16>
        %add3A_366 = arith.addf %add3A_352, %mul3A_365 : vector<32xbf16>
        %add3A_367 = arith.constant 1 : i32
        %add3A_368 = vector.broadcast %add3A_367 : i32 to vector<16xi32>
        %add3A_369 = arith.addi %and3A_358, %add3A_368 : vector<16xi32>
        %and3A_370 = arith.constant 63 : i32
        %and3A_371 = vector.broadcast %and3A_370 : i32 to vector<16xi32>
        %and3A_372 = arith.andi %add3A_369, %and3A_371 : vector<16xi32>
        %scan3A_373 = arith.constant 6 : i32
        %scan3A_374 = arith.addi %scan3A_291, %scan3A_373 : i32
        %gather3A_375 = tpu.vector_load_idx %arg19[%add3A_277, %and3A_372] : memref<80x64xi32, #tpu.memory_space<vmem>>[vector<16xi32>, vector<16xi32>], vector<16xi32>,
        %gather3A_376 = tpu.vector_load_idx %arg20[%add3A_277, %and3A_372] : memref<80x64xi32, #tpu.memory_space<vmem>>[vector<16xi32>, vector<16xi32>], vector<16xi32>,
        %bitcast3A_377 = vector.bitcast %gather3A_375 : vector<16xi32> to vector<32xbf16>
        %bitcast3A_378 = vector.bitcast %gather3A_376 : vector<16xi32> to vector<32xbf16>
        %mul3A_379 = arith.mulf %bitcast3A_377, %bitcast3A_378 : vector<32xbf16>
        %add3A_380 = arith.addf %add3A_366, %mul3A_379 : vector<32xbf16>
        %add3A_381 = arith.constant 1 : i32
        %add3A_382 = vector.broadcast %add3A_381 : i32 to vector<16xi32>
        %add3A_383 = arith.addi %and3A_372, %add3A_382 : vector<16xi32>
        %and3A_384 = arith.constant 63 : i32
        %and3A_385 = vector.broadcast %and3A_384 : i32 to vector<16xi32>
        %and3A_386 = arith.andi %add3A_383, %and3A_385 : vector<16xi32>
        %scan3A_387 = arith.constant 7 : i32
        %scan3A_388 = arith.addi %scan3A_291, %scan3A_387 : i32
        %gather3A_389 = tpu.vector_load_idx %arg19[%add3A_277, %and3A_386] : memref<80x64xi32, #tpu.memory_space<vmem>>[vector<16xi32>, vector<16xi32>], vector<16xi32>,
        %gather3A_390 = tpu.vector_load_idx %arg20[%add3A_277, %and3A_386] : memref<80x64xi32, #tpu.memory_space<vmem>>[vector<16xi32>, vector<16xi32>], vector<16xi32>,
        %bitcast3A_391 = vector.bitcast %gather3A_389 : vector<16xi32> to vector<32xbf16>
        %bitcast3A_392 = vector.bitcast %gather3A_390 : vector<16xi32> to vector<32xbf16>
        %mul3A_393 = arith.mulf %bitcast3A_391, %bitcast3A_392 : vector<32xbf16>
        %add3A_394 = arith.addf %add3A_380, %mul3A_393 : vector<32xbf16>
        %add3A_395 = arith.constant 1 : i32
        %add3A_396 = vector.broadcast %add3A_395 : i32 to vector<16xi32>
        %add3A_397 = arith.addi %and3A_386, %add3A_396 : vector<16xi32>
        %and3A_398 = arith.constant 63 : i32
        %and3A_399 = vector.broadcast %and3A_398 : i32 to vector<16xi32>
        %and3A_400 = arith.andi %add3A_397, %and3A_399 : vector<16xi32>
        scf.yield %add3A_394, %and3A_400 : vector<32xbf16>, vector<16xi32>
      }
      %scan3A_283 = arith.constant 64 : i32
      %unpack3A = tpu.unpack_subelements %scan3A_282#0, 0 {pack_format = #tpu.pack_format<interleaved>} : vector<32xbf16> -> vector<16xf32>
      %unpack3A_284 = tpu.unpack_subelements %scan3A_282#0, 1 {pack_format = #tpu.pack_format<interleaved>} : vector<32xbf16> -> vector<16xf32>
      %add3A_285 = arith.addf %unpack3A, %unpack3A_284 : vector<16xf32>
      %mul3A_286 = arith.constant 16 : i32
      %mul3A_287 = arith.muli %scan3A_273, %mul3A_286 : i32
      %add3A_288 = arith.constant 9840 : i32
      %add3A_289 = arith.addi %add3A_288, %mul3A_287 : i32
      %swap3A = arith.index_cast %add3A_289 : i32 to index
      %swap3A_290 = tpu.vector_load %arg23[%swap3A] {strides = array<i32>} : memref<10000xf32, #tpu.memory_space<vmem>>, vector<16xf32>,
      tpu.vector_store %arg23[%swap3A], %add3A_285 {strides = array<i32>} : memref<10000xf32, #tpu.memory_space<vmem>>, vector<16xf32>,
    }
    %scan3A_256 = arith.constant 5 : i32
    %dma_wait3A_257 = arith.constant 0 : i32
    %dma_wait3A_258 = tpu.memref_slice %arg11[%dma_wait3A_257] : memref<10000xi32, #tpu.memory_space<vmem>> -> memref<80xi32, #tpu.memory_space<vmem>>
    %dma_wait3A_259 = arith.constant 0 : i32
    %dma_wait3A_260 = arith.constant 0 : i32
    %dma_wait3A_261 = tpu.memref_slice %arg3[%dma_wait3A_259, %dma_wait3A_260] : memref<10000x64xi32, #tpu.memory_space<hbm>> -> memref<10000x64xi32, #tpu.memory_space<hbm>>
    tpu.wait_indirect_dma semaphore(%arg28 : memref<!tpu.dma_semaphore, #tpu.memory_space<semaphore_mem>>) src(%dma_wait3A_261 : memref<10000x64xi32, #tpu.memory_space<hbm>>) dst(%arg21 : memref<80x64xi32, #tpu.memory_space<vmem>>)
    %dma_wait3A_262 = arith.constant 0 : i32
    %dma_wait3A_263 = tpu.memref_slice %arg12[%dma_wait3A_262] : memref<10000xi32, #tpu.memory_space<vmem>> -> memref<80xi32, #tpu.memory_space<vmem>>
    %dma_wait3A_264 = arith.constant 0 : i32
    %dma_wait3A_265 = arith.constant 0 : i32
    %dma_wait3A_266 = tpu.memref_slice %arg4[%dma_wait3A_264, %dma_wait3A_265] : memref<10000x64xi32, #tpu.memory_space<hbm>> -> memref<10000x64xi32, #tpu.memory_space<hbm>>
    tpu.wait_indirect_dma semaphore(%arg28 : memref<!tpu.dma_semaphore, #tpu.memory_space<semaphore_mem>>) src(%dma_wait3A_266 : memref<10000x64xi32, #tpu.memory_space<hbm>>) dst(%arg22 : memref<80x64xi32, #tpu.memory_space<vmem>>)
    %scan3A_267 = arith.constant 0 : i32
    %scan3A_268 = arith.constant 0 : i32
    %scan3A_269 = arith.constant 5 : i32
    %scan3A_270 = arith.addi %scan3A_268, %scan3A_269 : i32
    %scan3A_271 = arith.constant 1 : i32
    scf.for %scan3A_273 = %scan3A_268 to %scan3A_270 step %scan3A_271  : i32 {
      %mul3A_274 = arith.constant 16 : i32
      %mul3A_275 = arith.muli %scan3A_273, %mul3A_274 : i32
      %add3A_276 = vector.broadcast %mul3A_275 : i32 to vector<16xi32>
      %add3A_277 = arith.addi %add3A_276, %iota3A : vector<16xi32>
      %scan3A_278 = arith.constant 0 : i32
      %scan3A_279 = arith.constant 64 : i32
      %scan3A_280 = arith.addi %scan3A_278, %scan3A_279 : i32
      %scan3A_281 = arith.constant 8 : i32
      %scan3A_282:2 = scf.for %scan3A_291 = %scan3A_278 to %scan3A_280 step %scan3A_281 iter_args(%scan3A_292 = %broadcast_in_dim3A_3, %scan3A_293 = %iota3A) -> (vector<32xbf16>, vector<16xi32>)  : i32 {
        %gather3A = tpu.vector_load_idx %arg21[%add3A_277, %scan3A_293] : memref<80x64xi32, #tpu.memory_space<vmem>>[vector<16xi32>, vector<16xi32>], vector<16xi32>,
        %gather3A_294 = tpu.vector_load_idx %arg22[%add3A_277, %scan3A_293] : memref<80x64xi32, #tpu.memory_space<vmem>>[vector<16xi32>, vector<16xi32>], vector<16xi32>,
        %bitcast3A = vector.bitcast %gather3A : vector<16xi32> to vector<32xbf16>
        %bitcast3A_295 = vector.bitcast %gather3A_294 : vector<16xi32> to vector<32xbf16>
        %mul3A_296 = arith.mulf %bitcast3A, %bitcast3A_295 : vector<32xbf16>
        %add3A_297 = arith.addf %scan3A_292, %mul3A_296 : vector<32xbf16>
        %add3A_298 = arith.constant 1 : i32
        %add3A_299 = vector.broadcast %add3A_298 : i32 to vector<16xi32>
        %add3A_300 = arith.addi %scan3A_293, %add3A_299 : vector<16xi32>
        %and3A = arith.constant 63 : i32
        %and3A_301 = vector.broadcast %and3A : i32 to vector<16xi32>
        %and3A_302 = arith.andi %add3A_300, %and3A_301 : vector<16xi32>
        %scan3A_303 = arith.constant 1 : i32
        %scan3A_304 = arith.addi %scan3A_291, %scan3A_303 : i32
        %gather3A_305 = tpu.vector_load_idx %arg21[%add3A_277, %and3A_302] : memref<80x64xi32, #tpu.memory_space<vmem>>[vector<16xi32>, vector<16xi32>], vector<16xi32>,
        %gather3A_306 = tpu.vector_load_idx %arg22[%add3A_277, %and3A_302] : memref<80x64xi32, #tpu.memory_space<vmem>>[vector<16xi32>, vector<16xi32>], vector<16xi32>,
        %bitcast3A_307 = vector.bitcast %gather3A_305 : vector<16xi32> to vector<32xbf16>
        %bitcast3A_308 = vector.bitcast %gather3A_306 : vector<16xi32> to vector<32xbf16>
        %mul3A_309 = arith.mulf %bitcast3A_307, %bitcast3A_308 : vector<32xbf16>
        %add3A_310 = arith.addf %add3A_297, %mul3A_309 : vector<32xbf16>
        %add3A_311 = arith.constant 1 : i32
        %add3A_312 = vector.broadcast %add3A_311 : i32 to vector<16xi32>
        %add3A_313 = arith.addi %and3A_302, %add3A_312 : vector<16xi32>
        %and3A_314 = arith.constant 63 : i32
        %and3A_315 = vector.broadcast %and3A_314 : i32 to vector<16xi32>
        %and3A_316 = arith.andi %add3A_313, %and3A_315 : vector<16xi32>
        %scan3A_317 = arith.constant 2 : i32
        %scan3A_318 = arith.addi %scan3A_291, %scan3A_317 : i32
        %gather3A_319 = tpu.vector_load_idx %arg21[%add3A_277, %and3A_316] : memref<80x64xi32, #tpu.memory_space<vmem>>[vector<16xi32>, vector<16xi32>], vector<16xi32>,
        %gather3A_320 = tpu.vector_load_idx %arg22[%add3A_277, %and3A_316] : memref<80x64xi32, #tpu.memory_space<vmem>>[vector<16xi32>, vector<16xi32>], vector<16xi32>,
        %bitcast3A_321 = vector.bitcast %gather3A_319 : vector<16xi32> to vector<32xbf16>
        %bitcast3A_322 = vector.bitcast %gather3A_320 : vector<16xi32> to vector<32xbf16>
        %mul3A_323 = arith.mulf %bitcast3A_321, %bitcast3A_322 : vector<32xbf16>
        %add3A_324 = arith.addf %add3A_310, %mul3A_323 : vector<32xbf16>
        %add3A_325 = arith.constant 1 : i32
        %add3A_326 = vector.broadcast %add3A_325 : i32 to vector<16xi32>
        %add3A_327 = arith.addi %and3A_316, %add3A_326 : vector<16xi32>
        %and3A_328 = arith.constant 63 : i32
        %and3A_329 = vector.broadcast %and3A_328 : i32 to vector<16xi32>
        %and3A_330 = arith.andi %add3A_327, %and3A_329 : vector<16xi32>
        %scan3A_331 = arith.constant 3 : i32
        %scan3A_332 = arith.addi %scan3A_291, %scan3A_331 : i32
        %gather3A_333 = tpu.vector_load_idx %arg21[%add3A_277, %and3A_330] : memref<80x64xi32, #tpu.memory_space<vmem>>[vector<16xi32>, vector<16xi32>], vector<16xi32>,
        %gather3A_334 = tpu.vector_load_idx %arg22[%add3A_277, %and3A_330] : memref<80x64xi32, #tpu.memory_space<vmem>>[vector<16xi32>, vector<16xi32>], vector<16xi32>,
        %bitcast3A_335 = vector.bitcast %gather3A_333 : vector<16xi32> to vector<32xbf16>
        %bitcast3A_336 = vector.bitcast %gather3A_334 : vector<16xi32> to vector<32xbf16>
        %mul3A_337 = arith.mulf %bitcast3A_335, %bitcast3A_336 : vector<32xbf16>
        %add3A_338 = arith.addf %add3A_324, %mul3A_337 : vector<32xbf16>
        %add3A_339 = arith.constant 1 : i32
        %add3A_340 = vector.broadcast %add3A_339 : i32 to vector<16xi32>
        %add3A_341 = arith.addi %and3A_330, %add3A_340 : vector<16xi32>
        %and3A_342 = arith.constant 63 : i32
        %and3A_343 = vector.broadcast %and3A_342 : i32 to vector<16xi32>
        %and3A_344 = arith.andi %add3A_341, %and3A_343 : vector<16xi32>
        %scan3A_345 = arith.constant 4 : i32
        %scan3A_346 = arith.addi %scan3A_291, %scan3A_345 : i32
        %gather3A_347 = tpu.vector_load_idx %arg21[%add3A_277, %and3A_344] : memref<80x64xi32, #tpu.memory_space<vmem>>[vector<16xi32>, vector<16xi32>], vector<16xi32>,
        %gather3A_348 = tpu.vector_load_idx %arg22[%add3A_277, %and3A_344] : memref<80x64xi32, #tpu.memory_space<vmem>>[vector<16xi32>, vector<16xi32>], vector<16xi32>,
        %bitcast3A_349 = vector.bitcast %gather3A_347 : vector<16xi32> to vector<32xbf16>
        %bitcast3A_350 = vector.bitcast %gather3A_348 : vector<16xi32> to vector<32xbf16>
        %mul3A_351 = arith.mulf %bitcast3A_349, %bitcast3A_350 : vector<32xbf16>
        %add3A_352 = arith.addf %add3A_338, %mul3A_351 : vector<32xbf16>
        %add3A_353 = arith.constant 1 : i32
        %add3A_354 = vector.broadcast %add3A_353 : i32 to vector<16xi32>
        %add3A_355 = arith.addi %and3A_344, %add3A_354 : vector<16xi32>
        %and3A_356 = arith.constant 63 : i32
        %and3A_357 = vector.broadcast %and3A_356 : i32 to vector<16xi32>
        %and3A_358 = arith.andi %add3A_355, %and3A_357 : vector<16xi32>
        %scan3A_359 = arith.constant 5 : i32
        %scan3A_360 = arith.addi %scan3A_291, %scan3A_359 : i32
        %gather3A_361 = tpu.vector_load_idx %arg21[%add3A_277, %and3A_358] : memref<80x64xi32, #tpu.memory_space<vmem>>[vector<16xi32>, vector<16xi32>], vector<16xi32>,
        %gather3A_362 = tpu.vector_load_idx %arg22[%add3A_277, %and3A_358] : memref<80x64xi32, #tpu.memory_space<vmem>>[vector<16xi32>, vector<16xi32>], vector<16xi32>,
        %bitcast3A_363 = vector.bitcast %gather3A_361 : vector<16xi32> to vector<32xbf16>
        %bitcast3A_364 = vector.bitcast %gather3A_362 : vector<16xi32> to vector<32xbf16>
        %mul3A_365 = arith.mulf %bitcast3A_363, %bitcast3A_364 : vector<32xbf16>
        %add3A_366 = arith.addf %add3A_352, %mul3A_365 : vector<32xbf16>
        %add3A_367 = arith.constant 1 : i32
        %add3A_368 = vector.broadcast %add3A_367 : i32 to vector<16xi32>
        %add3A_369 = arith.addi %and3A_358, %add3A_368 : vector<16xi32>
        %and3A_370 = arith.constant 63 : i32
        %and3A_371 = vector.broadcast %and3A_370 : i32 to vector<16xi32>
        %and3A_372 = arith.andi %add3A_369, %and3A_371 : vector<16xi32>
        %scan3A_373 = arith.constant 6 : i32
        %scan3A_374 = arith.addi %scan3A_291, %scan3A_373 : i32
        %gather3A_375 = tpu.vector_load_idx %arg21[%add3A_277, %and3A_372] : memref<80x64xi32, #tpu.memory_space<vmem>>[vector<16xi32>, vector<16xi32>], vector<16xi32>,
        %gather3A_376 = tpu.vector_load_idx %arg22[%add3A_277, %and3A_372] : memref<80x64xi32, #tpu.memory_space<vmem>>[vector<16xi32>, vector<16xi32>], vector<16xi32>,
        %bitcast3A_377 = vector.bitcast %gather3A_375 : vector<16xi32> to vector<32xbf16>
        %bitcast3A_378 = vector.bitcast %gather3A_376 : vector<16xi32> to vector<32xbf16>
        %mul3A_379 = arith.mulf %bitcast3A_377, %bitcast3A_378 : vector<32xbf16>
        %add3A_380 = arith.addf %add3A_366, %mul3A_379 : vector<32xbf16>
        %add3A_381 = arith.constant 1 : i32
        %add3A_382 = vector.broadcast %add3A_381 : i32 to vector<16xi32>
        %add3A_383 = arith.addi %and3A_372, %add3A_382 : vector<16xi32>
        %and3A_384 = arith.constant 63 : i32
        %and3A_385 = vector.broadcast %and3A_384 : i32 to vector<16xi32>
        %and3A_386 = arith.andi %add3A_383, %and3A_385 : vector<16xi32>
        %scan3A_387 = arith.constant 7 : i32
        %scan3A_388 = arith.addi %scan3A_291, %scan3A_387 : i32
        %gather3A_389 = tpu.vector_load_idx %arg21[%add3A_277, %and3A_386] : memref<80x64xi32, #tpu.memory_space<vmem>>[vector<16xi32>, vector<16xi32>], vector<16xi32>,
        %gather3A_390 = tpu.vector_load_idx %arg22[%add3A_277, %and3A_386] : memref<80x64xi32, #tpu.memory_space<vmem>>[vector<16xi32>, vector<16xi32>], vector<16xi32>,
        %bitcast3A_391 = vector.bitcast %gather3A_389 : vector<16xi32> to vector<32xbf16>
        %bitcast3A_392 = vector.bitcast %gather3A_390 : vector<16xi32> to vector<32xbf16>
        %mul3A_393 = arith.mulf %bitcast3A_391, %bitcast3A_392 : vector<32xbf16>
        %add3A_394 = arith.addf %add3A_380, %mul3A_393 : vector<32xbf16>
        %add3A_395 = arith.constant 1 : i32
        %add3A_396 = vector.broadcast %add3A_395 : i32 to vector<16xi32>
        %add3A_397 = arith.addi %and3A_386, %add3A_396 : vector<16xi32>
        %and3A_398 = arith.constant 63 : i32
        %and3A_399 = vector.broadcast %and3A_398 : i32 to vector<16xi32>
        %and3A_400 = arith.andi %add3A_397, %and3A_399 : vector<16xi32>
        scf.yield %add3A_394, %and3A_400 : vector<32xbf16>, vector<16xi32>
      }
      %scan3A_283 = arith.constant 64 : i32
      %unpack3A = tpu.unpack_subelements %scan3A_282#0, 0 {pack_format = #tpu.pack_format<interleaved>} : vector<32xbf16> -> vector<16xf32>
      %unpack3A_284 = tpu.unpack_subelements %scan3A_282#0, 1 {pack_format = #tpu.pack_format<interleaved>} : vector<32xbf16> -> vector<16xf32>
      %add3A_285 = arith.addf %unpack3A, %unpack3A_284 : vector<16xf32>
      %mul3A_286 = arith.constant 16 : i32
      %mul3A_287 = arith.muli %scan3A_273, %mul3A_286 : i32
      %add3A_288 = arith.constant 9920 : i32
      %add3A_289 = arith.addi %add3A_288, %mul3A_287 : i32
      %swap3A = arith.index_cast %add3A_289 : i32 to index
      %swap3A_290 = tpu.vector_load %arg23[%swap3A] {strides = array<i32>} : memref<10000xf32, #tpu.memory_space<vmem>>, vector<16xf32>,
      tpu.vector_store %arg23[%swap3A], %add3A_285 {strides = array<i32>} : memref<10000xf32, #tpu.memory_space<vmem>>, vector<16xf32>,
    }
    %scan3A_272 = arith.constant 5 : i32
    "tpu.region"() ({
      %run_scoped3A = tpu.sem_alloc : memref<!tpu.dma_semaphore, #tpu.memory_space<semaphore_mem>>
      %dma_start3A_273 = tpu.memref_slice %arg10[%mul3A_2] : memref<320000xf32, #tpu.memory_space<hbm>> -> memref<10000xf32, #tpu.memory_space<hbm>>
      %dma_start3A_274 = tpu.memref_slice %arg10[%mul3A_2] : memref<320000xf32, #tpu.memory_space<hbm>> -> memref<10000xf32, #tpu.memory_space<hbm>>
      tpu.enqueue_dma source(%arg23 : memref<10000xf32, #tpu.memory_space<vmem>>) target(%dma_start3A_274 : memref<10000xf32, #tpu.memory_space<hbm>>) target_semaphore(%run_scoped3A : memref<!tpu.dma_semaphore, #tpu.memory_space<semaphore_mem>>)
      %dma_wait3A_275 = tpu.memref_slice %arg10[%mul3A_2] : memref<320000xf32, #tpu.memory_space<hbm>> -> memref<10000xf32, #tpu.memory_space<hbm>>
      %dma_wait3A_276 = tpu.memref_slice %arg10[%mul3A_2] : memref<320000xf32, #tpu.memory_space<hbm>> -> memref<10000xf32, #tpu.memory_space<hbm>>
      tpu.wait_dma2 semaphore(%run_scoped3A : memref<!tpu.dma_semaphore, #tpu.memory_space<semaphore_mem>>) src(%arg23 : memref<10000xf32, #tpu.memory_space<vmem>>) dst(%dma_wait3A_276 : memref<10000xf32, #tpu.memory_space<hbm>>)
      tpu.yield
    }) : () -> ()
    return
  }
}

module attributes {stable_mosaic.version = 14 : i64} {
  func.func @_tc_prescale_body(%arg0: memref<10000x128xf32, #tpu.memory_space<vmem>>, %arg1: memref<10000x128xf32, #tpu.memory_space<vmem>>, %arg2: memref<1x128xf32, #tpu.memory_space<vmem>>, %arg3: memref<1x128xf32, #tpu.memory_space<vmem>>, %arg4: memref<10000x128xbf16, #tpu.memory_space<vmem>>, %arg5: memref<10000x128xbf16, #tpu.memory_space<vmem>>, %arg6: memref<10000x128xbf16, #tpu.memory_space<vmem>>) attributes {dimension_semantics = [], scalar_prefetch = 0 : i64, scratch_operands = 0 : i64, tpu.core_type = #tpu.core_type<tc>} {
    %get3A = arith.constant 0 : index
    %get3A_0 = arith.constant 0 : index
    %get3A_1 = vector.load %arg0[%get3A, %get3A_0] : memref<10000x128xf32, #tpu.memory_space<vmem>>, vector<10000x128xf32>
    %get3A_2 = arith.constant 0 : index
    %get3A_3 = arith.constant 0 : index
    %get3A_4 = vector.load %arg2[%get3A_2, %get3A_3] : memref<1x128xf32, #tpu.memory_space<vmem>>, vector<1x128xf32>
    %mul3A = vector.broadcast %get3A_4 : vector<1x128xf32> to vector<10000x128xf32>
    %mul3A_5 = arith.mulf %get3A_1, %mul3A : vector<10000x128xf32>
    %convert_element_type3A = arith.truncf %mul3A_5 : vector<10000x128xf32> to vector<10000x128xbf16>
    %swap3A = arith.constant 0 : index
    %swap3A_6 = arith.constant 0 : index
    %swap3A_7 = vector.load %arg4[%swap3A, %swap3A_6] : memref<10000x128xbf16, #tpu.memory_space<vmem>>, vector<10000x128xbf16>
    tpu.vector_store %arg4[%swap3A, %swap3A_6], %convert_element_type3A {strides = array<i32>} : memref<10000x128xbf16, #tpu.memory_space<vmem>>, vector<10000x128xbf16>,
    %get3A_8 = arith.constant 0 : index
    %get3A_9 = arith.constant 0 : index
    %get3A_10 = vector.load %arg3[%get3A_8, %get3A_9] : memref<1x128xf32, #tpu.memory_space<vmem>>, vector<1x128xf32>
    %mul3A_11 = vector.broadcast %get3A_10 : vector<1x128xf32> to vector<10000x128xf32>
    %mul3A_12 = arith.mulf %get3A_1, %mul3A_11 : vector<10000x128xf32>
    %convert_element_type3A_13 = arith.truncf %mul3A_12 : vector<10000x128xf32> to vector<10000x128xbf16>
    %swap3A_14 = arith.constant 0 : index
    %swap3A_15 = arith.constant 0 : index
    %swap3A_16 = vector.load %arg5[%swap3A_14, %swap3A_15] : memref<10000x128xbf16, #tpu.memory_space<vmem>>, vector<10000x128xbf16>
    tpu.vector_store %arg5[%swap3A_14, %swap3A_15], %convert_element_type3A_13 {strides = array<i32>} : memref<10000x128xbf16, #tpu.memory_space<vmem>>, vector<10000x128xbf16>,
    %get3A_17 = arith.constant 0 : index
    %get3A_18 = arith.constant 0 : index
    %get3A_19 = vector.load %arg1[%get3A_17, %get3A_18] : memref<10000x128xf32, #tpu.memory_space<vmem>>, vector<10000x128xf32>
    %convert_element_type3A_20 = arith.truncf %get3A_19 : vector<10000x128xf32> to vector<10000x128xbf16>
    %swap3A_21 = arith.constant 0 : index
    %swap3A_22 = arith.constant 0 : index
    %swap3A_23 = vector.load %arg6[%swap3A_21, %swap3A_22] : memref<10000x128xbf16, #tpu.memory_space<vmem>>, vector<10000x128xbf16>
    tpu.vector_store %arg6[%swap3A_21, %swap3A_22], %convert_element_type3A_20 {strides = array<i32>} : memref<10000x128xbf16, #tpu.memory_space<vmem>>, vector<10000x128xbf16>,
    return
  }
}

module attributes {stable_mosaic.version = 14 : i64} {
  func.func @_tc_loss_body(%arg0: memref<2500x128xf32, #tpu.memory_space<vmem>>, %arg1: memref<2500x128xf32, #tpu.memory_space<vmem>>, %arg2: memref<2500x128xf32, #tpu.memory_space<vmem>>, %arg3: memref<2500x128xf32, #tpu.memory_space<vmem>>, %arg4: memref<10000x128xf32, #tpu.memory_space<vmem>>, %arg5: memref<10000x128xf32, #tpu.memory_space<vmem>>, %arg6: memref<1x128xf32, #tpu.memory_space<vmem>>, %arg7: memref<1x128xf32, #tpu.memory_space<vmem>>, %arg8: memref<1x1xf32, #tpu.memory_space<vmem>>) attributes {dimension_semantics = [], scalar_prefetch = 0 : i64, scratch_operands = 0 : i64, tpu.core_type = #tpu.core_type<tc>} {
    %get3A = arith.constant 0 : index
    %get3A_0 = arith.constant 0 : index
    %get3A_1 = vector.load %arg0[%get3A, %get3A_0] : memref<2500x128xf32, #tpu.memory_space<vmem>>, vector<2500x128xf32>
    %get3A_2 = arith.constant 0 : index
    %get3A_3 = arith.constant 0 : index
    %get3A_4 = vector.load %arg2[%get3A_2, %get3A_3] : memref<2500x128xf32, #tpu.memory_space<vmem>>, vector<2500x128xf32>
    %max3A = arith.constant 0.000000e+00 : f32
    %max3A_5 = vector.broadcast %max3A : f32 to vector<2500x128xf32>
    %max3A_6 = arith.maximumf %get3A_1, %max3A_5 : vector<2500x128xf32>
    %mul3A = arith.mulf %get3A_1, %get3A_4 : vector<2500x128xf32>
    %sub3A = arith.subf %max3A_6, %mul3A : vector<2500x128xf32>
    %abs3A = math.absf %get3A_1 : vector<2500x128xf32>
    %neg3A = arith.constant 0.000000e+00 : f32
    %neg3A_7 = vector.broadcast %neg3A : f32 to vector<2500x128xf32>
    %neg3A_8 = arith.subf %neg3A_7, %abs3A : vector<2500x128xf32>
    %exp3A = math.exp %neg3A_8 : vector<2500x128xf32>
    %log1p3A = math.log1p %exp3A : vector<2500x128xf32>
    %add3A = arith.addf %sub3A, %log1p3A : vector<2500x128xf32>
    %reduce_sum3A = vector.shape_cast %add3A : vector<2500x128xf32> to vector<1x2500x128xf32>
    %reduce_sum3A_9 = arith.constant dense<0.000000e+00> : vector<1xf32>
    %reduce_sum3A_10 = vector.multi_reduction <add>, %reduce_sum3A, %reduce_sum3A_9 [1, 2] : vector<1x2500x128xf32> to vector<1xf32>
    %reduce_sum3A_11 = vector.shape_cast %reduce_sum3A_10 : vector<1xf32> to vector<1x1x1xf32>
    %reduce_sum3A_12 = vector.extract %reduce_sum3A_11[0, 0, 0] : f32 from vector<1x1x1xf32>
    %get3A_13 = arith.constant 0 : index
    %get3A_14 = arith.constant 0 : index
    %get3A_15 = vector.load %arg1[%get3A_13, %get3A_14] : memref<2500x128xf32, #tpu.memory_space<vmem>>, vector<2500x128xf32>
    %get3A_16 = arith.constant 0 : index
    %get3A_17 = arith.constant 0 : index
    %get3A_18 = vector.load %arg3[%get3A_16, %get3A_17] : memref<2500x128xf32, #tpu.memory_space<vmem>>, vector<2500x128xf32>
    %max3A_19 = arith.constant 0.000000e+00 : f32
    %max3A_20 = vector.broadcast %max3A_19 : f32 to vector<2500x128xf32>
    %max3A_21 = arith.maximumf %get3A_15, %max3A_20 : vector<2500x128xf32>
    %mul3A_22 = arith.mulf %get3A_15, %get3A_18 : vector<2500x128xf32>
    %sub3A_23 = arith.subf %max3A_21, %mul3A_22 : vector<2500x128xf32>
    %abs3A_24 = math.absf %get3A_15 : vector<2500x128xf32>
    %neg3A_25 = arith.constant 0.000000e+00 : f32
    %neg3A_26 = vector.broadcast %neg3A_25 : f32 to vector<2500x128xf32>
    %neg3A_27 = arith.subf %neg3A_26, %abs3A_24 : vector<2500x128xf32>
    %exp3A_28 = math.exp %neg3A_27 : vector<2500x128xf32>
    %log1p3A_29 = math.log1p %exp3A_28 : vector<2500x128xf32>
    %add3A_30 = arith.addf %sub3A_23, %log1p3A_29 : vector<2500x128xf32>
    %reduce_sum3A_31 = vector.shape_cast %add3A_30 : vector<2500x128xf32> to vector<1x2500x128xf32>
    %reduce_sum3A_32 = arith.constant dense<0.000000e+00> : vector<1xf32>
    %reduce_sum3A_33 = vector.multi_reduction <add>, %reduce_sum3A_31, %reduce_sum3A_32 [1, 2] : vector<1x2500x128xf32> to vector<1xf32>
    %reduce_sum3A_34 = vector.shape_cast %reduce_sum3A_33 : vector<1xf32> to vector<1x1x1xf32>
    %reduce_sum3A_35 = vector.extract %reduce_sum3A_34[0, 0, 0] : f32 from vector<1x1x1xf32>
    %add3A_36 = arith.addf %reduce_sum3A_12, %reduce_sum3A_35 : f32
    %div3A = arith.constant 3.200000e+05 : f32
    %div3A_37 = arith.divf %add3A_36, %div3A : f32
    %get3A_38 = arith.constant 0 : index
    %get3A_39 = arith.constant 0 : index
    %get3A_40 = vector.load %arg4[%get3A_38, %get3A_39] : memref<10000x128xf32, #tpu.memory_space<vmem>>, vector<10000x128xf32>
    %integer_pow3A = arith.mulf %get3A_40, %get3A_40 : vector<10000x128xf32>
    %reduce_sum3A_41 = vector.shape_cast %integer_pow3A : vector<10000x128xf32> to vector<1x10000x128xf32>
    %reduce_sum3A_42 = arith.constant dense<0.000000e+00> : vector<1xf32>
    %reduce_sum3A_43 = vector.multi_reduction <add>, %reduce_sum3A_41, %reduce_sum3A_42 [1, 2] : vector<1x10000x128xf32> to vector<1xf32>
    %reduce_sum3A_44 = vector.shape_cast %reduce_sum3A_43 : vector<1xf32> to vector<1x1x1xf32>
    %reduce_sum3A_45 = vector.extract %reduce_sum3A_44[0, 0, 0] : f32 from vector<1x1x1xf32>
    %div3A_46 = arith.constant 1.280000e+06 : f32
    %div3A_47 = arith.divf %reduce_sum3A_45, %div3A_46 : f32
    %get3A_48 = arith.constant 0 : index
    %get3A_49 = arith.constant 0 : index
    %get3A_50 = vector.load %arg5[%get3A_48, %get3A_49] : memref<10000x128xf32, #tpu.memory_space<vmem>>, vector<10000x128xf32>
    %integer_pow3A_51 = arith.mulf %get3A_50, %get3A_50 : vector<10000x128xf32>
    %reduce_sum3A_52 = vector.shape_cast %integer_pow3A_51 : vector<10000x128xf32> to vector<1x10000x128xf32>
    %reduce_sum3A_53 = arith.constant dense<0.000000e+00> : vector<1xf32>
    %reduce_sum3A_54 = vector.multi_reduction <add>, %reduce_sum3A_52, %reduce_sum3A_53 [1, 2] : vector<1x10000x128xf32> to vector<1xf32>
    %reduce_sum3A_55 = vector.shape_cast %reduce_sum3A_54 : vector<1xf32> to vector<1x1x1xf32>
    %reduce_sum3A_56 = vector.extract %reduce_sum3A_55[0, 0, 0] : f32 from vector<1x1x1xf32>
    %div3A_57 = arith.constant 1.280000e+06 : f32
    %div3A_58 = arith.divf %reduce_sum3A_56, %div3A_57 : f32
    %add3A_59 = arith.addf %div3A_47, %div3A_58 : f32
    %get3A_60 = arith.constant 0 : index
    %get3A_61 = arith.constant 0 : index
    %get3A_62 = vector.load %arg6[%get3A_60, %get3A_61] : memref<1x128xf32, #tpu.memory_space<vmem>>, vector<1x128xf32>
    %integer_pow3A_63 = arith.mulf %get3A_62, %get3A_62 : vector<1x128xf32>
    %reduce_sum3A_64 = vector.shape_cast %integer_pow3A_63 : vector<1x128xf32> to vector<1x1x128xf32>
    %reduce_sum3A_65 = arith.constant dense<0.000000e+00> : vector<1xf32>
    %reduce_sum3A_66 = vector.multi_reduction <add>, %reduce_sum3A_64, %reduce_sum3A_65 [1, 2] : vector<1x1x128xf32> to vector<1xf32>
    %reduce_sum3A_67 = vector.shape_cast %reduce_sum3A_66 : vector<1xf32> to vector<1x1x1xf32>
    %reduce_sum3A_68 = vector.extract %reduce_sum3A_67[0, 0, 0] : f32 from vector<1x1x1xf32>
    %div3A_69 = arith.constant 1.280000e+02 : f32
    %div3A_70 = arith.divf %reduce_sum3A_68, %div3A_69 : f32
    %add3A_71 = arith.addf %add3A_59, %div3A_70 : f32
    %get3A_72 = arith.constant 0 : index
    %get3A_73 = arith.constant 0 : index
    %get3A_74 = vector.load %arg7[%get3A_72, %get3A_73] : memref<1x128xf32, #tpu.memory_space<vmem>>, vector<1x128xf32>
    %integer_pow3A_75 = arith.mulf %get3A_74, %get3A_74 : vector<1x128xf32>
    %reduce_sum3A_76 = vector.shape_cast %integer_pow3A_75 : vector<1x128xf32> to vector<1x1x128xf32>
    %reduce_sum3A_77 = arith.constant dense<0.000000e+00> : vector<1xf32>
    %reduce_sum3A_78 = vector.multi_reduction <add>, %reduce_sum3A_76, %reduce_sum3A_77 [1, 2] : vector<1x1x128xf32> to vector<1xf32>
    %reduce_sum3A_79 = vector.shape_cast %reduce_sum3A_78 : vector<1xf32> to vector<1x1x1xf32>
    %reduce_sum3A_80 = vector.extract %reduce_sum3A_79[0, 0, 0] : f32 from vector<1x1x1xf32>
    %div3A_81 = arith.constant 1.280000e+02 : f32
    %div3A_82 = arith.divf %reduce_sum3A_80, %div3A_81 : f32
    %add3A_83 = arith.addf %add3A_71, %div3A_82 : f32
    %mul3A_84 = arith.constant 0.00999999977 : f32
    %mul3A_85 = arith.mulf %mul3A_84, %add3A_83 : f32
    %add3A_86 = arith.addf %div3A_37, %mul3A_85 : f32
    %broadcast_in_dim3A = vector.broadcast %add3A_86 : f32 to vector<1x1xf32>
    %swap3A = arith.constant 0 : index
    %swap3A_87 = arith.constant 0 : index
    %swap3A_88 = vector.load %arg8[%swap3A, %swap3A_87] : memref<1x1xf32, #tpu.memory_space<vmem>>, vector<1x1xf32>
    tpu.vector_store %arg8[%swap3A, %swap3A_87], %broadcast_in_dim3A {strides = array<i32>} : memref<1x1xf32, #tpu.memory_space<vmem>>, vector<1x1xf32>,
    return
  }
}

</mosaic_0001>

<sc_bundles>
// kernel: kernel.5.cloned.1.call-start
scs
__scs_entry_jumppad:
0x0: {  	(pc) =	sbr.rel $0x88, $3  }
0x1: {  	(tag) =	ssettag $0x0;
	lr =	simm.s32 $0x1  }
0x2: {  	[smem:$0x3F99] =	sst lr;
	_ =	strace $0xD0000000  }
0x3: {  	_ = 	snop  }
0x4: {  	_ = 	snop  }
0x5: {  	_ = 	snop  }
0x6: {  	_ = 	snop  }
0x7: {  	_ = 	snop  }
__scs_overlays_trampoline_lowered:
0x8: {  	[smem:$0x3FA8] =	sst s0  }
0x9: {  	[smem:$0x3FA9] =	sst s1  }
0xa: {  	[smem:$0x3FAA] =	sst s2  }
0xb: {  	[smem:$0x3FAB] =	sst s3  }
0xc: {  	[smem:$0x3FAC] =	sst s4  }
0xd: {  	[smem:$0x3FAD] =	sst s5  }
0xe: {  	[smem:$0x3FAE] =	sst s6  }
0xf: {  	[smem:$0x3FAF] =	sst s7  }
0x10: {  	[smem:$0x3FB0] =	sst s8  }
0x11: {  	[smem:$0x3FB1] =	sst s9;
	s0 =	simm.s32 @!p0 $0x0  }
0x12: {  	s1 =	sld [smem:$0x3F97];
	s0 =	simm.s32 @p0 $0x1  }
0x13: {  	[smem:$0x3FB2] =	sst s0;
	s0 =	simm.s32 @!p1 $0x0  }
0x14: {  	s2 =	sld [smem:$0x3F96];
	s0 =	simm.s32 @p1 $0x1  }
0x15: {  	[smem:$0x3FB3] =	sst s0;
	s0 =	simm.s32 @!p2 $0x0  }
0x16: {  	s3 =	sld [smem:$0x3FDB];
	s0 =	simm.s32 @p2 $0x1  }
0x17: {  	s4 =	simm.s32 $0x1BF5;
	[smem:$0x3FB5] =	sst s0  }
0x18: {  	s0 =	sld [smem:$0x3F98];
	_ =	swait.ge [sflag:s4], $0x0  }
0x19: {  	s7 =	sld [smem:$0x3F99]  }
0x1a: {  	s8 =	sadd.s32 $0xFFFFE003, lr  }
0x1b: {  	s9 =	sadd.s32 $0xFFFFFEF7, lr;
	s5 =	simm.s32 $0xFFFFFFFF;
	p2 =	slt.u32 s8, $0xFFFFF086  }
0x1c: {  	p1 =	slt.u32 s9, $0xF7A;
	s5 =	simm.s32 @!p2 $0x0  }
0x1d: {  	s5 =	simm.s32 @p1 $0x1;
	p0 =	seq.s32 s7, s2  }
0x1e: {  	s7 =	smul.u32 @!p0 $0xF7A, s2;
	p2 =	seq.s32 @!p0 s5, $0x0  }
0x1f: {  	s9 =	smul.u32 $0xF7A, s1;
	s8 =	simm.s32 @!p0 $0x1BF5;
	p2 =	por !p2, p0  }
0x20: {  	[sflag:s8] =	ssyncset.s32 @!p0 $0xFFFFF086;
	s6 =	sadd.s32 @!p0 s3, s7;
	s7 =	simm.s32 @!p0 $0x108  }
0x21: {  	s3 =	sadd.s32 s3, s9;
	s6 =	sadd.s32 @!p0 $0x88, s6;
	s7 =	simm.s32 @p2 $0x1082  }
0x22: {  	[simem:s7], [sflag:s8] =	dma.local @!p0 [hbm:s6], $0xF7A  }
0x23: {  	s9 =	sor.u32 $0xD0000000, s2;
	s6 =	simm.s32 $0x108;
	_ =	swait.ge @!p0 [sflag:s8], $0x0  }
0x24: {  	s3 =	sadd.s32 $0x88, s3;
	s6 =	simm.s32 @!p1 $0x1082;
	[sflag:s4] =	ssyncset.s32 $0xFFFFF086  }
0x25: {  	[simem:s6], [sflag:s4] =	dma.local [hbm:s3], $0xF7A  }
0x26: {  	[smem:$0x3F99] =	sst s1;
	(tag) =	ssettag s2;
	_ =	strace s9  }
0x27: {  	s1 =	sld [smem:$0x3FA9]  }
0x28: {  	s2 =	sld [smem:$0x3FAA]  }
0x29: {  	s4 =	sld [smem:$0x3FAC]  }
0x2a: {  	p0 =	seq.s32 s5, $0x0;
	s5 =	sld [smem:$0x3FAD]  }
0x2b: {  	s6 =	sld [smem:$0x3FAE]  }
0x2c: {  	s7 =	sld [smem:$0x3FAF]  }
0x2d: {  	s3 =	simm.s32 $0x108;
	s8 =	sld [smem:$0x3FB0]  }
0x2e: {  	s3 =	simm.s32 @!p0 $0x1082;
	s9 =	sld [smem:$0x3FB1]  }
0x2f: {  	lr =	sadd.s32 s0, s3;
	s0 =	sld [smem:$0x3FA8]  }
0x30: {  	s3 =	sld [smem:$0x3FAB]  }
0x31: {  	[smem:$0x3FB4] =	sst s10  }
0x32: {  	s10 =	sld [smem:$0x3FB2];
	_ =	sdelay $0x3  }
0x33: {  	p0 =	seq.s32 s10, $0x1;
	s10 =	sld [smem:$0x3FB4];
	_ =	sdelay $0x3  }
0x34: {  	[smem:$0x3FB4] =	sst s10  }
0x35: {  	s10 =	sld [smem:$0x3FB3];
	_ =	sdelay $0x3  }
0x36: {  	p1 =	seq.s32 s10, $0x1;
	s10 =	sld [smem:$0x3FB4];
	_ =	sdelay $0x3  }
0x37: {  	[smem:$0x3FB4] =	sst s10  }
0x38: {  	s10 =	sld [smem:$0x3FB5]  }
0x39: {  	_ = 	snop;
	(pc) =	sbr.ind lr, $3  }
0x3a: {  	_ = 	snop  }
0x3b: {  	_ = 	snop  }
0x3c: {  	p2 =	seq.s32 s10, $0x1;
	s10 =	sld [smem:$0x3FB4]  }
0x3d: {  	_ =	shalt  }
0x3e: {  	_ =	shalt  }
0x3f: {  	_ =	shalt  }
0x40: {  	_ =	shalt  }
0x41: {  	_ =	shalt  }
0x42: {  	_ =	shalt  }
0x43: {  	_ =	shalt  }
0x44: {  	_ =	shalt  }
0x45: {  	_ =	shalt  }
0x46: {  	_ =	shalt  }
0x47: {  	_ =	shalt  }
0x48: {  	_ =	shalt  }
0x49: {  	_ =	shalt  }
0x4a: {  	_ =	shalt  }
0x4b: {  	_ =	shalt  }
0x4c: {  	_ =	shalt  }
0x4d: {  	_ =	shalt  }
0x4e: {  	_ =	shalt  }
0x4f: {  	_ =	shalt  }
0x50: {  	_ =	shalt  }
0x51: {  	_ =	shalt  }
0x52: {  	_ =	shalt  }
0x53: {  	_ =	shalt  }
0x54: {  	_ =	shalt  }
0x55: {  	_ =	shalt  }
0x56: {  	_ =	shalt  }
0x57: {  	_ =	shalt  }
0x58: {  	_ =	shalt  }
0x59: {  	_ =	shalt  }
0x5a: {  	_ =	shalt  }
0x5b: {  	_ =	shalt  }
0x5c: {  	_ =	shalt  }
0x5d: {  	_ =	shalt  }
0x5e: {  	_ =	shalt  }
0x5f: {  	_ =	shalt  }
0x60: {  	_ =	shalt  }
0x61: {  	_ =	shalt  }
0x62: {  	_ =	shalt  }
0x63: {  	_ =	shalt  }
0x64: {  	_ =	shalt  }
0x65: {  	_ =	shalt  }
0x66: {  	_ =	shalt  }
0x67: {  	_ =	shalt  }
0x68: {  	_ =	shalt  }
0x69: {  	_ =	shalt  }
0x6a: {  	_ =	shalt  }
0x6b: {  	_ =	shalt  }
0x6c: {  	_ =	shalt  }
0x6d: {  	_ =	shalt  }
0x6e: {  	_ =	shalt  }
0x6f: {  	_ =	shalt  }
0x70: {  	_ =	shalt  }
0x71: {  	_ =	shalt  }
0x72: {  	_ =	shalt  }
0x73: {  	_ =	shalt  }
0x74: {  	_ =	shalt  }
0x75: {  	_ =	shalt  }
0x76: {  	_ =	shalt  }
0x77: {  	_ =	shalt  }
0x78: {  	_ =	shalt  }
0x79: {  	_ =	shalt  }
0x7a: {  	_ =	shalt  }
0x7b: {  	_ =	shalt  }
0x7c: {  	_ =	shalt  }
0x7d: {  	_ =	shalt  }
0x7e: {  	_ =	shalt  }
0x7f: {  	_ =	shalt  }
0x80: {  	_ =	shalt  }
0x81: {  	_ =	shalt  }
0x82: {  	_ =	shalt  }
0x83: {  	_ =	shalt  }
0x84: {  	_ =	shalt  }
0x85: {  	_ =	shalt  }
0x86: {  	_ =	shalt  }
0x87: {  	_ =	shalt  }
.Lfunc_end0:
.L_simem_size_0:
called_computation_lowered:
.L_overlay_start_0:
0x88: {  	s2 =	sld [smem:$0x3FD9]  }
0x89: {  	s3 =	sld [smem:$0x3FFE];
	_ =	sdelay $0x1  }
0x8a: {  	s1 =	srdreg.scid  }
0x8b: {  	s0 =	sand.u32 $0x1, s1  }
0x8c: {  	s16 =	sshll.u32 s0, $0xA;
	s2 =	sadd.s32 s3, s2  }
0x8d: {  	s2 =	sadd.s32 s2, s16  }
0x8e: {  	[smem:$0x3FC0] =	sst s2  }
0x8f: {  	_ = 	snop  }
0x90: {  	(tm) =	ssettm $0x1  }
0x91: {  	s17 =	sld [smem:$0x3FFB];
	_ =	sdelay $0x3  }
0x92: {  	_ =	strace s17  }
0x93: {  	s2 =	sld [smem:$0x3FFC];
	_ =	sdelay $0x3  }
0x94: {  	_ =	strace s2  }
0x95: {  	s2 =	sld [smem:$0x3FFD];
	_ =	sdelay $0x3  }
0x96: {  	_ =	strace s2  }
0x97: {  	_ =	strace $0x8FFFFFFF  }
0x98: {  	s18 =	sld [smem:$0x3FDB];
	_ =	sdelay $0x1  }
0x99: {  	s19 =	simm.s32 $_scs_section_size  }
0x9a: {  	s4 =	simm.s32 $_size__tile_overlayer_lowered;
	s5 =	simm.s32 $_tile_overlayer_lowered  }
0x9b: {  	s22 =	simm.s32 $0x1BFF;
	s21 =	sshll.u32 s5, $0x1;
	s2 =	sadd.s32 s19, s18  }
0x9c: {  	s6 =	simm.s32 $0x0;
	s20 =	sshll.u32 s4, $0x1;
	s4 =	sadd.s32 s21, s2  }
0x9d: {  	[timem:s6], [sflag:s22] =	dma.local [hbm:s4], s20  }
0x9e: {  	_ =	swait.ge [sflag:s22], s20  }
0x9f: {  	s3 =	ssub.s32 $0x0, s20;
	[sflag:s22] =	ssyncset.done $0x0  }
0xa0: {  	[sflag:s22] =	ssyncadd.s32 s3;
	_ =	sdelay $0x1  }
0xa1: {  	s23 =	simm.s32 $0x1B8B  }
0xa2: {  	_ =	swait.ge [sflag:s23], $0x1  }
0xa3: {  	[sflag:s23] =	ssyncset.done $0x0  }
0xa4: {  	s25 =	simm.s32 $0x1B8E;
	s24 =	sld [smem:$0x3FFE];
	[sflag:s23] =	ssyncadd.s32 $0xFFFFFFFF  }
0xa5: {  	s26 =	simm.s32 $execute0_lowered;
	[smem:$0x3FD2] =	sst s25  }
0xa6: {  	s4 =	sshll.u32 s26, $0x1;
	_ =	strace $0x80000046;
	[dreg:$0x1] =	wrdreg $0xFFFFFFFF  }
0xa7: {  	s28 =	simm.s32 $_size_execute0_lowered;
	s2 =	sadd.s32 s2, s4;
	[dreg:$0x0] =	wrdreg $0x0  }
0xa8: {  	s4 =	sshll.u32 s28, $0x1;
	[dreg:$0x2] =	wrdreg s2  }
0xa9: {  	[dreg:$0x3] =	wrdreg s4  }
0xaa: {  	[dreg:$0x4] =	wrdreg $0xC0  }
0xab: {  	_ =	task [dreg:s6], $0x5FFFF  }
0xac: {  	[dreg:$0x1] =	wrdreg $0xFFFFFFFF  }
0xad: {  	[dreg:$0x0] =	wrdreg $0x60  }
0xae: {  	[dreg:$0x2] =	wrdreg s24  }
0xaf: {  	[dreg:$0x3] =	wrdreg $0x9  }
0xb0: {  	_ =	task.clear_ibuf [dreg:s6], $0x4FFFF;
	_ =	strace $0x90000046  }
0xb1: {  	s29 =	simm.s32 $0x9;
	_ =	strace $0x80000048  }
0xb2: {  	_ =	swait.ge [sflag:s29], $0x1  }
0xb3: {  	[sflag:s29] =	ssyncadd.s32 $0xFFFFFFFF  }
0xb4: {  	_ =	strace $0x90000048  }
0xb5: {  	_ =	sfence  }
0xb6: {  	s30 =	sld [smem:$0x0];
	_ =	sdelay $0x2  }
0xb7: {  	s31 =	sshll.u32 s1, $0xD;
	s1 =	sshrl.u32 s1, $0x2  }
0xb8: {  	s3 =	sand.u32 $0x4000, s31;
	s1 =	sadd.s32 s1, s30  }
0xb9: {  	s0 =	sor.u32 s3, s0;
	s1 =	sshll.u32 s1, $0x11  }
0xba: {  	s0 =	sor.u32 s1, s0  }
0xbb: {  	s0 =	sadd.s32 $0x8F2B, s0  }
0xbc: {  	[sflag:s0] =	ssyncadd.remote.s32 $0x1  }
0xbd: {  	_ =	sfence.sel $0xFFFF  }
0xbe: {  	[dreg:$0x0] =	wrdreg $0xFFFFFFFF;
	(pc) =	sbr.abs _section_cstart, $3  }
0xbf: {  	[dreg:$0x1] =	wrdreg $0xFFFFFFFF  }
0xc0: {  	_ =	task.clear_ibuf [dreg:s6], $0x2FFFF;
	_ =	strace $0x9FFFFFFF  }
0xc1: {  	(tm) =	ssettm $0x7FFFFFFF  }
tec
execute0_lowered:
.L_overlay_start_1:
0x0: {  	(tag) =	ssettag $0x1  }
0x1: {  	s0 =	srdreg.scid  }
0x2: {  	s2 =	stileid.u32;
	s1 =	rddreg [dreg:$0x0];
	s13 =	simm.s32 $0x6  }
0x3: {  	s14 =	simm.s32 $0x2710;
	s15 =	simm.s32 $0x50;
	s16 =	simm.s32 $0x4E20  }
0x4: {  	s17 =	simm.s32 $0x6220;
	s18 =	simm.s32 $0x7620;
	s20 =	simm.s32 $0x8A20  }
0x5: {  	s29 =	simm.s32 $0xDA20;
	s0 =	sand.u32 $0x1, s0;
	s3 =	sshll.u32 s2, $0x1  }
0x6: {  	s30 =	simm.s32 $0xEE20;
	s31 =	simm.s32 $0x10220;
	s3 =	sor.u32 s0, s3  }
0x7: {  	s19 =	simm.s32 $0x3;
	s2 =	simm.s32 $0x0;
	s5 =	smul.u32 $0x4E2, s3  }
0x8: {  	s28 =	simm.s32 $0x0;
	s4 =	sadd.s32 $0x14A00, s1;
	[smem:$0x7FF] =	sst s2  }
0x9: {  	s0 =	ssub.s32 $0x2, s0;
	_ =	strace $0x80000047;
	s6 =	sadd.s32 s5, s1  }
0xa: {  	s3 =	sadd.s32 $0x1000, s1;
	s7 =	sshrl.u32 s0, $0x1;
	s21 =	sadd.s32 $0x45C00, s6  }
0xb: {  	s0 =	ssub.s32 s0, s7;
	s22 =	sadd.s32 $0x3BE00, s6;
	[dreg:$0x2] =	wrdreg s21  }
0xc: {  	s5 =	sadd.s32 $0x28400, s1;
	s23 =	sadd.s32 $0x63600, s6;
	[dreg:$0x3] =	wrdreg s22  }
0xd: {  	s12 =	smax.u32 s0, $0x1;
	s24 =	sadd.s32 $0x59800, s6;
	[dreg:$0x4] =	wrdreg s23  }
0xe: {  	s1 =	simm.s32 $0x1;
	s25 =	sadd.s32 $0x4FA00, s6;
	[dreg:$0x5] =	wrdreg s24  }
0xf: {  	s0 =	simm.s32 $0x2;
	s26 =	sadd.s32 $0x6D400, s6;
	[dreg:$0x6] =	wrdreg s25  }
0x10: {  	[dreg:$0x7] =	wrdreg s26;
	s22 =	simm.s32 $0x9E20;
	s24 =	simm.s32 $0xB220  }
0x11: {  	s26 =	simm.s32 $0xC620;
	s21 =	simm.s32 $0x4;
	s23 =	simm.s32 $0x5  }
.LBB2_1:
0x12: {  	s6 =	rddreg [dreg:$0x2]  }
0x13: {  	[tilespmem:s2], [sflag:$0x6] =	stream.linear.gather [hbm4b:s6+s2], $0x2710, $0x38;
	[tilespmem:$0x13D30] =	vst v63  }
0x14: {  	_ =	swait.ge [sflag:s13], $0x2710  }
0x15: {  	[sflag:s13] =	ssyncset.done $0x0  }
0x16: {  	s7 =	rddreg [dreg:$0x3];
	[sflag:s13] =	ssyncadd.s32 $0xFFFFD8F0  }
0x17: {  	[tilespmem:s14], [sflag:$0x6] =	stream.linear.gather [hbm4b:s7+s2], $0x2710, $0x38;
	[tilespmem:$0x13D30] =	vst v63  }
0x18: {  	_ =	swait.ge [sflag:s13], $0x2710  }
0x19: {  	[sflag:s13] =	ssyncset.done $0x0  }
0x1a: {  	[sflag:s13] =	ssyncadd.s32 $0xFFFFD8F0  }
0x1b: {  	[tilespmem:s16], [sflag:$0x1] =	stream.indirect.gather [hbm4b:s3+s15], $0x40, s2, s15, $0xb8;
	[tilespmem:$0x13D30] =	vst v63  }
0x1c: {  	_ = 	snop  }
0x1d: {  	[tilespmem:s17], [sflag:$0x1] =	stream.indirect.gather [hbm4b:s5+s15], $0x40, s14, s15, $0xb8;
	[tilespmem:$0x13D30] =	vst v63  }
0x1e: {  	_ = 	snop  }
0x1f: {  	[tilespmem:s18], [sflag:$0x2] =	stream.indirect.gather [hbm4b:s3+s15], $0x40, s15, s15, $0xb8;
	[tilespmem:$0x13D30] =	vst v63  }
0x20: {  	s8 =	simm.s32 $0x2760  }
0x21: {  	[tilespmem:s20], [sflag:$0x2] =	stream.indirect.gather [hbm4b:s5+s15], $0x40, s8, s15, $0xb8;
	[tilespmem:$0x13D30] =	vst v63  }
0x22: {  	s9 =	simm.s32 $0xA0  }
0x23: {  	[tilespmem:s22], [sflag:$0x3] =	stream.indirect.gather [hbm4b:s3+s15], $0x40, s9, s15, $0xb8;
	[tilespmem:$0x13D30] =	vst v63  }
0x24: {  	s10 =	simm.s32 $0x27B0  }
0x25: {  	[tilespmem:s24], [sflag:$0x3] =	stream.indirect.gather [hbm4b:s5+s15], $0x40, s10, s15, $0xb8;
	[tilespmem:$0x13D30] =	vst v63  }
0x26: {  	s11 =	simm.s32 $0xF0  }
0x27: {  	[tilespmem:s26], [sflag:$0x4] =	stream.indirect.gather [hbm4b:s3+s15], $0x40, s11, s15, $0xb8;
	[tilespmem:$0x13D30] =	vst v63  }
0x28: {  	s25 =	simm.s32 $0x2800  }
0x29: {  	[tilespmem:s29], [sflag:$0x4] =	stream.indirect.gather [hbm4b:s5+s15], $0x40, s25, s15, $0xb8;
	[tilespmem:$0x13D30] =	vst v63  }
0x2a: {  	s25 =	simm.s32 $0x0  }
.LBB2_2:
0x2b: {  	s7 =	smul.u32 $0x190, s25;
	_ =	sdelay $0x1  }
0x2c: {  	s6 =	sadd.s32 $0x140, s7  }
0x2d: {  	[tilespmem:s30], [sflag:$0x5] =	stream.indirect.gather [hbm4b:s3+s15], $0x40, s6, s15, $0xb8;
	[tilespmem:$0x13D30] =	vst v63  }
0x2e: {  	s8 =	sadd.s32 $0x2850, s7  }
0x2f: {  	[tilespmem:s31], [sflag:$0x5] =	stream.indirect.gather [hbm4b:s5+s15], $0x40, s8, s15, $0xb8;
	[tilespmem:$0x13D30] =	vst v63  }
0x30: {  	_ =	swait.ge [sflag:s1], $0x1400  }
0x31: {  	s11 =	smul.u32 $0x640, s25;
	[sflag:s1] =	ssyncset.done $0x0  }
0x32: {  	[sflag:s1] =	ssyncadd.s32 $0xFFFFEC00  }
0x33: {  	s8 =	sshra.s32 s11, $0x2;
	_ =	swait.ge [sflag:s1], $0x1400  }
0x34: {  	s10 =	sadd.s32 $0x11620, s8;
	[sflag:s1] =	ssyncset.done $0x0  }
0x35: {  	s9 =	simm.s32 $0x0;
	v0 =	vmov s10;
	[sflag:s1] =	ssyncadd.s32 $0xFFFFEC00  }
.LBB2_3:
0x36: {  	s10 =	sshll.u32 s9, $0x4;
	v2 =	vlaneseq.u32  }
0x37: {  	v1 =	vmov s10;
	v3 =	vmul.u32 $0x40, v2  }
0x38: {  	v1 =	vshll.u32 v1, $0x6  }
0x39: {  	v1 =	vor.u32 v3, v1  }
0x3a: {  	v4 =	vadd.s32 $0x1, v2;
	v3 =	vor.u32 v1, v2  }
0x3b: {  	v4 =	vand.u32 $0x3F, v4  }
0x3c: {  	v5 =	vadd.s32 $0x2, v2;
	v4 =	vor.u32 v1, v4  }
0x3d: {  	v5 =	vand.u32 $0x3F, v5  }
0x3e: {  	v6 =	vadd.s32 $0x3, v2;
	v5 =	vor.u32 v1, v5  }
0x3f: {  	v6 =	vand.u32 $0x3F, v6;
	v8 =	vld.idx.msk [tilespmem:v3+s16+$0x0], $0xffff  }
0x40: {  	v9 =	vor.u32 v1, v6;
	v10 =	vld.idx.msk [tilespmem:v3+s17+$0x0], $0xffff;
	v3 =	vadd.s32 $0x4, v2  }
0x41: {  	v11 =	vld.idx.msk [tilespmem:v4+s16+$0x0], $0xffff;
	v3 =	vand.u32 $0x3F, v3  }
0x42: {  	v12 =	vld.idx.msk [tilespmem:v4+s17+$0x0], $0xffff;
	v4 =	vadd.s32 $0x5, v2;
	v14 =	vor.u32 v1, v3  }
0x43: {  	v7 =	vld.idx.msk [tilespmem:v5+s17+$0x0], $0xffff;
	v4 =	vand.u32 $0x3F, v4  }
0x44: {  	v3 =	vld.idx.msk [tilespmem:v5+s16+$0x0], $0xffff;
	v6 =	vor.u32 v1, v4;
	v5 =	vadd.s32 $0x6, v2  }
0x45: {  	v4 =	vld.idx.msk [tilespmem:v9+s16+$0x0], $0xffff;
	v5 =	vand.u32 $0x3F, v5  }
0x46: {  	v13 =	vadd.s32 $0x7, v2;
	v9 =	vld.idx.msk [tilespmem:v9+s17+$0x0], $0xffff;
	v10 =	vmul.bf16 v10, v8;
	v8 =	vor.u32 v1, v5  }
0x47: {  	v15 =	vimm.bf16 $0.0e+00;
	v16 =	vand.u32 $0x3F, v13;
	v5 =	vld.idx.msk [tilespmem:v14+s16+$0x0], $0xffff  }
0x48: {  	v2 =	vadd.s32 $0x8, v2;
	v13 =	vmul.bf16 v12, v11;
	v12 =	vor.u32 v1, v16;
	v11 =	vld.idx.msk [tilespmem:v14+s17+$0x0], $0xffff  }
0x49: {  	s11 =	simm.s32 $0x0;
	v2 =	vand.u32 $0x3F, v2;
	v14 =	vadd.bf16 v10, v15;
	v10 =	vld.idx.msk [tilespmem:v6+s16+$0x0], $0xffff  }
.LBB2_4:
0x4a: {  	v15 =	vor.u32 v1, v2;
	v16 =	vadd.s32 $0x1, v2;
	s11 =	sadd.s32 $0x8, s11;
	v3 =	vmul.bf16 v7, v3;
	v6 =	vld.idx.msk [tilespmem:v6+s17+$0x0], $0xffff  }
0x4b: {  	v7 =	vand.u32 $0x3F, v16;
	v16 =	vadd.s32 $0x2, v2;
	p0 =	slt.u32 s11, $0x38;
	v13 =	vadd.bf16 v13, v14;
	v14 =	vld.idx.msk [tilespmem:v8+s16+$0x0], $0xffff  }
0x4c: {  	v4 =	vmul.bf16 v9, v4;
	v7 =	vor.u32 v1, v7;
	v8 =	vld.idx.msk [tilespmem:v8+s17+$0x0], $0xffff  }
0x4d: {  	v9 =	vand.u32 $0x3F, v16;
	v3 =	vadd.bf16 v3, v13;
	v13 =	vld.idx.msk [tilespmem:v12+s16+$0x0], $0xffff  }
0x4e: {  	v16 =	vadd.s32 $0x3, v2;
	v9 =	vor.u32 v1, v9;
	v5 =	vmul.bf16 v11, v5;
	v11 =	vld.idx.msk [tilespmem:v12+s17+$0x0], $0xffff  }
0x4f: {  	v16 =	vand.u32 $0x3F, v16;
	v12 =	vld.idx.msk [tilespmem:v15+s16+$0x0], $0xffff;
	v3 =	vadd.bf16 v4, v3  }
0x50: {  	v16 =	vor.u32 v1, v16;
	v4 =	vadd.s32 $0x4, v2;
	v6 =	vmul.bf16 v6, v10;
	v15 =	vld.idx.msk [tilespmem:v15+s17+$0x0], $0xffff  }
0x51: {  	v4 =	vand.u32 $0x3F, v4;
	v10 =	vld.idx.msk [tilespmem:v7+s16+$0x0], $0xffff;
	v5 =	vadd.bf16 v5, v3  }
0x52: {  	v18 =	vor.u32 v1, v4;
	v4 =	vadd.s32 $0x5, v2;
	v8 =	vmul.bf16 v8, v14;
	v17 =	vld.idx.msk [tilespmem:v7+s17+$0x0], $0xffff  }
0x53: {  	v4 =	vand.u32 $0x3F, v4;
	v3 =	vld.idx.msk [tilespmem:v9+s16+$0x0], $0xffff;
	v5 =	vadd.bf16 v6, v5  }
0x54: {  	v6 =	vor.u32 v1, v4;
	v11 =	vmul.bf16 v11, v13;
	v7 =	vld.idx.msk [tilespmem:v9+s17+$0x0], $0xffff;
	v9 =	vadd.s32 $0x6, v2  }
.Ltmp0:
0x55: {  	v4 =	vld.idx.msk [tilespmem:v16+s16+$0x0], $0xffff;
	v13 =	vand.u32 $0x3F, v9;
	v14 =	vadd.bf16 v8, v5;
	(pc) =	sbr.rel @p0 .LBB2_4-.Ltmp0, $4  }
0x56: {  	v15 =	vmul.bf16 v15, v12;
	v12 =	vadd.s32 $0x7, v2;
	v9 =	vld.idx.msk [tilespmem:v16+s17+$0x0], $0xffff;
	v8 =	vor.u32 v1, v13  }
0x57: {  	v12 =	vand.u32 $0x3F, v12;
	v5 =	vld.idx.msk [tilespmem:v18+s16+$0x0], $0xffff;
	v14 =	vadd.bf16 v11, v14  }
0x58: {  	v2 =	vadd.s32 $0x8, v2;
	v13 =	vmul.bf16 v17, v10;
	v12 =	vor.u32 v1, v12;
	v11 =	vld.idx.msk [tilespmem:v18+s17+$0x0], $0xffff  }
0x59: {  	v2 =	vand.u32 $0x3F, v2;
	v14 =	vadd.bf16 v15, v14;
	v10 =	vld.idx.msk [tilespmem:v6+s16+$0x0], $0xffff  }
0x5a: {  	_ =	sdelay $0x2  }
0x5b: {  	v1 =	vmul.bf16 v7, v3;
	v2 =	vadd.bf16 v13, v14  }
0x5c: {  	v3 =	vld.idx.msk [tilespmem:v6+s17+$0x0], $0xffff  }
0x5d: {  	v61 =	vld.idx.msk [tilespmem:v8+s16+$0x0], $0xffff;
	v4 =	vmul.bf16 v9, v4;
	v1 =	vadd.bf16 v1, v2  }
0x5e: {  	v2 =	vld.idx.msk [tilespmem:v8+s17+$0x0], $0xffff  }
0x5f: {  	v62 =	vld.idx.msk [tilespmem:v12+s16+$0x0], $0xffff;
	v5 =	vmul.bf16 v11, v5;
	v1 =	vadd.bf16 v4, v1  }
0x60: {  	v63 =	vld.idx.msk [tilespmem:v12+s17+$0x0], $0xffff  }
0x61: {  	v3 =	vmul.bf16 v3, v10;
	v1 =	vadd.bf16 v5, v1;
	_ =	sdelay $0x1  }
0x62: {  	v2 =	vmul.bf16 v2, v61;
	v1 =	vadd.bf16 v3, v1;
	_ =	sdelay $0x1  }
0x63: {  	v3 =	vmul.bf16 v63, v62;
	v1 =	vadd.bf16 v2, v1  }
0x64: {  	s9 =	sadd.s32 $0x1, s9  }
0x65: {  	p0 =	sne.s32 s9, $0x5;
	v1 =	vadd.bf16 v3, v1  }
.Ltmp1:
0x66: {  	_ = 	snop;
	(pc) =	sbr.rel @p0 .LBB2_3-.Ltmp1, $3  }
0x67: {  	v2 =	vunpack.i.u.bf16.f32 v1;
	v1 =	vunpack.i.l.bf16.f32 v1  }
0x68: {  	v1 =	vadd.f32 v1, v2;
	_ =	sdelay $0x1  }
0x69: {  	[tilespmem:v0+s10+$0x0 ss:$0x1] =	vst.idx.msk $0xffff, v1  }
0x6a: {  	s9 =	sadd.s32 $0x190, s7  }
0x6b: {  	[tilespmem:s16], [sflag:$0x1] =	stream.indirect.gather [hbm4b:s3+s15], $0x40, s9, s15, $0xb8;
	[tilespmem:$0x13D30] =	vst v63  }
0x6c: {  	s11 =	sadd.s32 $0x28A0, s7  }
0x6d: {  	[tilespmem:s17], [sflag:$0x1] =	stream.indirect.gather [hbm4b:s5+s15], $0x40, s11, s15, $0xb8;
	[tilespmem:$0x13D30] =	vst v63  }
0x6e: {  	_ =	swait.ge [sflag:s0], $0x1400  }
0x6f: {  	[sflag:s0] =	ssyncset.done $0x0  }
0x70: {  	[sflag:s0] =	ssyncadd.s32 $0xFFFFEC00  }
0x71: {  	_ =	swait.ge [sflag:s0], $0x1400  }
0x72: {  	s10 =	sadd.s32 $0x11670, s8;
	[sflag:s0] =	ssyncset.done $0x0  }
0x73: {  	s9 =	simm.s32 $0x0;
	v0 =	vmov s10;
	[sflag:s0] =	ssyncadd.s32 $0xFFFFEC00  }
.LBB2_7:
0x74: {  	s10 =	sshll.u32 s9, $0x4;
	v2 =	vlaneseq.u32  }
0x75: {  	v1 =	vmov s10;
	v3 =	vmul.u32 $0x40, v2  }
0x76: {  	v1 =	vshll.u32 v1, $0x6  }
0x77: {  	v1 =	vor.u32 v3, v1  }
0x78: {  	v4 =	vadd.s32 $0x1, v2;
	v3 =	vor.u32 v1, v2  }
0x79: {  	v4 =	vand.u32 $0x3F, v4  }
0x7a: {  	v5 =	vadd.s32 $0x2, v2;
	v4 =	vor.u32 v1, v4  }
0x7b: {  	v5 =	vand.u32 $0x3F, v5  }
0x7c: {  	v6 =	vadd.s32 $0x3, v2;
	v5 =	vor.u32 v1, v5  }
0x7d: {  	v6 =	vand.u32 $0x3F, v6;
	v8 =	vld.idx.msk [tilespmem:v3+s18+$0x0], $0xffff  }
0x7e: {  	v9 =	vor.u32 v1, v6;
	v10 =	vld.idx.msk [tilespmem:v3+s20+$0x0], $0xffff;
	v3 =	vadd.s32 $0x4, v2  }
0x7f: {  	v11 =	vld.idx.msk [tilespmem:v4+s18+$0x0], $0xffff;
	v3 =	vand.u32 $0x3F, v3  }
0x80: {  	v12 =	vld.idx.msk [tilespmem:v4+s20+$0x0], $0xffff;
	v4 =	vadd.s32 $0x5, v2;
	v14 =	vor.u32 v1, v3  }
0x81: {  	v7 =	vld.idx.msk [tilespmem:v5+s20+$0x0], $0xffff;
	v4 =	vand.u32 $0x3F, v4  }
0x82: {  	v3 =	vld.idx.msk [tilespmem:v5+s18+$0x0], $0xffff;
	v6 =	vor.u32 v1, v4;
	v5 =	vadd.s32 $0x6, v2  }
0x83: {  	v4 =	vld.idx.msk [tilespmem:v9+s18+$0x0], $0xffff;
	v5 =	vand.u32 $0x3F, v5  }
0x84: {  	v13 =	vadd.s32 $0x7, v2;
	v9 =	vld.idx.msk [tilespmem:v9+s20+$0x0], $0xffff;
	v10 =	vmul.bf16 v10, v8;
	v8 =	vor.u32 v1, v5  }
0x85: {  	v15 =	vimm.bf16 $0.0e+00;
	v16 =	vand.u32 $0x3F, v13;
	v5 =	vld.idx.msk [tilespmem:v14+s18+$0x0], $0xffff  }
0x86: {  	v2 =	vadd.s32 $0x8, v2;
	v13 =	vmul.bf16 v12, v11;
	v12 =	vor.u32 v1, v16;
	v11 =	vld.idx.msk [tilespmem:v14+s20+$0x0], $0xffff  }
0x87: {  	s11 =	simm.s32 $0x0;
	v2 =	vand.u32 $0x3F, v2;
	v14 =	vadd.bf16 v10, v15;
	v10 =	vld.idx.msk [tilespmem:v6+s18+$0x0], $0xffff  }
.LBB2_8:
0x88: {  	v15 =	vor.u32 v1, v2;
	v16 =	vadd.s32 $0x1, v2;
	s11 =	sadd.s32 $0x8, s11;
	v3 =	vmul.bf16 v7, v3;
	v6 =	vld.idx.msk [tilespmem:v6+s20+$0x0], $0xffff  }
0x89: {  	v7 =	vand.u32 $0x3F, v16;
	v16 =	vadd.s32 $0x2, v2;
	p0 =	slt.u32 s11, $0x38;
	v13 =	vadd.bf16 v13, v14;
	v14 =	vld.idx.msk [tilespmem:v8+s18+$0x0], $0xffff  }
0x8a: {  	v4 =	vmul.bf16 v9, v4;
	v7 =	vor.u32 v1, v7;
	v8 =	vld.idx.msk [tilespmem:v8+s20+$0x0], $0xffff  }
0x8b: {  	v9 =	vand.u32 $0x3F, v16;
	v3 =	vadd.bf16 v3, v13;
	v13 =	vld.idx.msk [tilespmem:v12+s18+$0x0], $0xffff  }
0x8c: {  	v16 =	vadd.s32 $0x3, v2;
	v9 =	vor.u32 v1, v9;
	v5 =	vmul.bf16 v11, v5;
	v11 =	vld.idx.msk [tilespmem:v12+s20+$0x0], $0xffff  }
0x8d: {  	v16 =	vand.u32 $0x3F, v16;
	v12 =	vld.idx.msk [tilespmem:v15+s18+$0x0], $0xffff;
	v3 =	vadd.bf16 v4, v3  }
0x8e: {  	v16 =	vor.u32 v1, v16;
	v4 =	vadd.s32 $0x4, v2;
	v6 =	vmul.bf16 v6, v10;
	v15 =	vld.idx.msk [tilespmem:v15+s20+$0x0], $0xffff  }
0x8f: {  	v4 =	vand.u32 $0x3F, v4;
	v10 =	vld.idx.msk [tilespmem:v7+s18+$0x0], $0xffff;
	v5 =	vadd.bf16 v5, v3  }
0x90: {  	v18 =	vor.u32 v1, v4;
	v4 =	vadd.s32 $0x5, v2;
	v8 =	vmul.bf16 v8, v14;
	v17 =	vld.idx.msk [tilespmem:v7+s20+$0x0], $0xffff  }
0x91: {  	v4 =	vand.u32 $0x3F, v4;
	v3 =	vld.idx.msk [tilespmem:v9+s18+$0x0], $0xffff;
	v5 =	vadd.bf16 v6, v5  }
0x92: {  	v6 =	vor.u32 v1, v4;
	v11 =	vmul.bf16 v11, v13;
	v7 =	vld.idx.msk [tilespmem:v9+s20+$0x0], $0xffff;
	v9 =	vadd.s32 $0x6, v2  }
.Ltmp2:
0x93: {  	v4 =	vld.idx.msk [tilespmem:v16+s18+$0x0], $0xffff;
	v13 =	vand.u32 $0x3F, v9;
	v14 =	vadd.bf16 v8, v5;
	(pc) =	sbr.rel @p0 .LBB2_8-.Ltmp2, $4  }
0x94: {  	v15 =	vmul.bf16 v15, v12;
	v12 =	vadd.s32 $0x7, v2;
	v9 =	vld.idx.msk [tilespmem:v16+s20+$0x0], $0xffff;
	v8 =	vor.u32 v1, v13  }
0x95: {  	v12 =	vand.u32 $0x3F, v12;
	v5 =	vld.idx.msk [tilespmem:v18+s18+$0x0], $0xffff;
	v14 =	vadd.bf16 v11, v14  }
0x96: {  	v2 =	vadd.s32 $0x8, v2;
	v13 =	vmul.bf16 v17, v10;
	v12 =	vor.u32 v1, v12;
	v11 =	vld.idx.msk [tilespmem:v18+s20+$0x0], $0xffff  }
0x97: {  	v2 =	vand.u32 $0x3F, v2;
	v14 =	vadd.bf16 v15, v14;
	v10 =	vld.idx.msk [tilespmem:v6+s18+$0x0], $0xffff  }
0x98: {  	_ =	sdelay $0x2  }
0x99: {  	v1 =	vmul.bf16 v7, v3;
	v2 =	vadd.bf16 v13, v14  }
0x9a: {  	v3 =	vld.idx.msk [tilespmem:v6+s20+$0x0], $0xffff  }
0x9b: {  	v61 =	vld.idx.msk [tilespmem:v8+s18+$0x0], $0xffff;
	v4 =	vmul.bf16 v9, v4;
	v1 =	vadd.bf16 v1, v2  }
0x9c: {  	v2 =	vld.idx.msk [tilespmem:v8+s20+$0x0], $0xffff  }
0x9d: {  	v62 =	vld.idx.msk [tilespmem:v12+s18+$0x0], $0xffff;
	v5 =	vmul.bf16 v11, v5;
	v1 =	vadd.bf16 v4, v1  }
0x9e: {  	v63 =	vld.idx.msk [tilespmem:v12+s20+$0x0], $0xffff  }
0x9f: {  	v3 =	vmul.bf16 v3, v10;
	v1 =	vadd.bf16 v5, v1;
	_ =	sdelay $0x1  }
0xa0: {  	v2 =	vmul.bf16 v2, v61;
	v1 =	vadd.bf16 v3, v1;
	_ =	sdelay $0x1  }
0xa1: {  	v3 =	vmul.bf16 v63, v62;
	v1 =	vadd.bf16 v2, v1  }
0xa2: {  	s9 =	sadd.s32 $0x1, s9  }
0xa3: {  	p0 =	sne.s32 s9, $0x5;
	v1 =	vadd.bf16 v3, v1  }
.Ltmp3:
0xa4: {  	_ = 	snop;
	(pc) =	sbr.rel @p0 .LBB2_7-.Ltmp3, $3  }
0xa5: {  	v2 =	vunpack.i.u.bf16.f32 v1;
	v1 =	vunpack.i.l.bf16.f32 v1  }
0xa6: {  	v1 =	vadd.f32 v1, v2;
	_ =	sdelay $0x1  }
0xa7: {  	[tilespmem:v0+s10+$0x0 ss:$0x1] =	vst.idx.msk $0xffff, v1  }
0xa8: {  	s9 =	sadd.s32 $0x1E0, s7  }
0xa9: {  	[tilespmem:s18], [sflag:$0x2] =	stream.indirect.gather [hbm4b:s3+s15], $0x40, s9, s15, $0xb8;
	[tilespmem:$0x13D30] =	vst v63  }
0xaa: {  	s11 =	sadd.s32 $0x28F0, s7  }
0xab: {  	[tilespmem:s20], [sflag:$0x2] =	stream.indirect.gather [hbm4b:s5+s15], $0x40, s11, s15, $0xb8;
	[tilespmem:$0x13D30] =	vst v63  }
0xac: {  	_ =	swait.ge [sflag:s19], $0x1400  }
0xad: {  	[sflag:s19] =	ssyncset.done $0x0  }
0xae: {  	[sflag:s19] =	ssyncadd.s32 $0xFFFFEC00  }
0xaf: {  	_ =	swait.ge [sflag:s19], $0x1400  }
0xb0: {  	s10 =	sadd.s32 $0x116C0, s8;
	[sflag:s19] =	ssyncset.done $0x0  }
0xb1: {  	s9 =	simm.s32 $0x0;
	v0 =	vmov s10;
	[sflag:s19] =	ssyncadd.s32 $0xFFFFEC00  }
.LBB2_11:
0xb2: {  	s10 =	sshll.u32 s9, $0x4;
	v2 =	vlaneseq.u32  }
0xb3: {  	v1 =	vmov s10;
	v3 =	vmul.u32 $0x40, v2  }
0xb4: {  	v1 =	vshll.u32 v1, $0x6  }
0xb5: {  	v1 =	vor.u32 v3, v1  }
0xb6: {  	v4 =	vadd.s32 $0x1, v2;
	v3 =	vor.u32 v1, v2  }
0xb7: {  	v4 =	vand.u32 $0x3F, v4  }
0xb8: {  	v5 =	vadd.s32 $0x2, v2;
	v4 =	vor.u32 v1, v4  }
0xb9: {  	v5 =	vand.u32 $0x3F, v5  }
0xba: {  	v6 =	vadd.s32 $0x3, v2;
	v5 =	vor.u32 v1, v5  }
0xbb: {  	v6 =	vand.u32 $0x3F, v6;
	v8 =	vld.idx.msk [tilespmem:v3+s22+$0x0], $0xffff  }
0xbc: {  	v9 =	vor.u32 v1, v6;
	v10 =	vld.idx.msk [tilespmem:v3+s24+$0x0], $0xffff;
	v3 =	vadd.s32 $0x4, v2  }
0xbd: {  	v11 =	vld.idx.msk [tilespmem:v4+s22+$0x0], $0xffff;
	v3 =	vand.u32 $0x3F, v3  }
0xbe: {  	v12 =	vld.idx.msk [tilespmem:v4+s24+$0x0], $0xffff;
	v4 =	vadd.s32 $0x5, v2;
	v14 =	vor.u32 v1, v3  }
0xbf: {  	v7 =	vld.idx.msk [tilespmem:v5+s24+$0x0], $0xffff;
	v4 =	vand.u32 $0x3F, v4  }
0xc0: {  	v3 =	vld.idx.msk [tilespmem:v5+s22+$0x0], $0xffff;
	v6 =	vor.u32 v1, v4;
	v5 =	vadd.s32 $0x6, v2  }
0xc1: {  	v4 =	vld.idx.msk [tilespmem:v9+s22+$0x0], $0xffff;
	v5 =	vand.u32 $0x3F, v5  }
0xc2: {  	v13 =	vadd.s32 $0x7, v2;
	v9 =	vld.idx.msk [tilespmem:v9+s24+$0x0], $0xffff;
	v10 =	vmul.bf16 v10, v8;
	v8 =	vor.u32 v1, v5  }
0xc3: {  	v15 =	vimm.bf16 $0.0e+00;
	v16 =	vand.u32 $0x3F, v13;
	v5 =	vld.idx.msk [tilespmem:v14+s22+$0x0], $0xffff  }
0xc4: {  	v2 =	vadd.s32 $0x8, v2;
	v13 =	vmul.bf16 v12, v11;
	v12 =	vor.u32 v1, v16;
	v11 =	vld.idx.msk [tilespmem:v14+s24+$0x0], $0xffff  }
0xc5: {  	s11 =	simm.s32 $0x0;
	v2 =	vand.u32 $0x3F, v2;
	v14 =	vadd.bf16 v10, v15;
	v10 =	vld.idx.msk [tilespmem:v6+s22+$0x0], $0xffff  }
.LBB2_12:
0xc6: {  	v15 =	vor.u32 v1, v2;
	v16 =	vadd.s32 $0x1, v2;
	s11 =	sadd.s32 $0x8, s11;
	v3 =	vmul.bf16 v7, v3;
	v6 =	vld.idx.msk [tilespmem:v6+s24+$0x0], $0xffff  }
0xc7: {  	v7 =	vand.u32 $0x3F, v16;
	v16 =	vadd.s32 $0x2, v2;
	p0 =	slt.u32 s11, $0x38;
	v13 =	vadd.bf16 v13, v14;
	v14 =	vld.idx.msk [tilespmem:v8+s22+$0x0], $0xffff  }
0xc8: {  	v4 =	vmul.bf16 v9, v4;
	v7 =	vor.u32 v1, v7;
	v8 =	vld.idx.msk [tilespmem:v8+s24+$0x0], $0xffff  }
0xc9: {  	v9 =	vand.u32 $0x3F, v16;
	v3 =	vadd.bf16 v3, v13;
	v13 =	vld.idx.msk [tilespmem:v12+s22+$0x0], $0xffff  }
0xca: {  	v16 =	vadd.s32 $0x3, v2;
	v9 =	vor.u32 v1, v9;
	v5 =	vmul.bf16 v11, v5;
	v11 =	vld.idx.msk [tilespmem:v12+s24+$0x0], $0xffff  }
0xcb: {  	v16 =	vand.u32 $0x3F, v16;
	v12 =	vld.idx.msk [tilespmem:v15+s22+$0x0], $0xffff;
	v3 =	vadd.bf16 v4, v3  }
0xcc: {  	v16 =	vor.u32 v1, v16;
	v4 =	vadd.s32 $0x4, v2;
	v6 =	vmul.bf16 v6, v10;
	v15 =	vld.idx.msk [tilespmem:v15+s24+$0x0], $0xffff  }
0xcd: {  	v4 =	vand.u32 $0x3F, v4;
	v10 =	vld.idx.msk [tilespmem:v7+s22+$0x0], $0xffff;
	v5 =	vadd.bf16 v5, v3  }
0xce: {  	v18 =	vor.u32 v1, v4;
	v4 =	vadd.s32 $0x5, v2;
	v8 =	vmul.bf16 v8, v14;
	v17 =	vld.idx.msk [tilespmem:v7+s24+$0x0], $0xffff  }
0xcf: {  	v4 =	vand.u32 $0x3F, v4;
	v3 =	vld.idx.msk [tilespmem:v9+s22+$0x0], $0xffff;
	v5 =	vadd.bf16 v6, v5  }
0xd0: {  	v6 =	vor.u32 v1, v4;
	v11 =	vmul.bf16 v11, v13;
	v7 =	vld.idx.msk [tilespmem:v9+s24+$0x0], $0xffff;
	v9 =	vadd.s32 $0x6, v2  }
.Ltmp4:
0xd1: {  	v4 =	vld.idx.msk [tilespmem:v16+s22+$0x0], $0xffff;
	v13 =	vand.u32 $0x3F, v9;
	v14 =	vadd.bf16 v8, v5;
	(pc) =	sbr.rel @p0 .LBB2_12-.Ltmp4, $4  }
0xd2: {  	v15 =	vmul.bf16 v15, v12;
	v12 =	vadd.s32 $0x7, v2;
	v9 =	vld.idx.msk [tilespmem:v16+s24+$0x0], $0xffff;
	v8 =	vor.u32 v1, v13  }
0xd3: {  	v12 =	vand.u32 $0x3F, v12;
	v5 =	vld.idx.msk [tilespmem:v18+s22+$0x0], $0xffff;
	v14 =	vadd.bf16 v11, v14  }
0xd4: {  	v2 =	vadd.s32 $0x8, v2;
	v13 =	vmul.bf16 v17, v10;
	v12 =	vor.u32 v1, v12;
	v11 =	vld.idx.msk [tilespmem:v18+s24+$0x0], $0xffff  }
0xd5: {  	v2 =	vand.u32 $0x3F, v2;
	v14 =	vadd.bf16 v15, v14;
	v10 =	vld.idx.msk [tilespmem:v6+s22+$0x0], $0xffff  }
0xd6: {  	_ =	sdelay $0x2  }
0xd7: {  	v1 =	vmul.bf16 v7, v3;
	v2 =	vadd.bf16 v13, v14  }
0xd8: {  	v3 =	vld.idx.msk [tilespmem:v6+s24+$0x0], $0xffff  }
0xd9: {  	v61 =	vld.idx.msk [tilespmem:v8+s22+$0x0], $0xffff;
	v4 =	vmul.bf16 v9, v4;
	v1 =	vadd.bf16 v1, v2  }
0xda: {  	v2 =	vld.idx.msk [tilespmem:v8+s24+$0x0], $0xffff  }
0xdb: {  	v62 =	vld.idx.msk [tilespmem:v12+s22+$0x0], $0xffff;
	v5 =	vmul.bf16 v11, v5;
	v1 =	vadd.bf16 v4, v1  }
0xdc: {  	v63 =	vld.idx.msk [tilespmem:v12+s24+$0x0], $0xffff  }
0xdd: {  	v3 =	vmul.bf16 v3, v10;
	v1 =	vadd.bf16 v5, v1;
	_ =	sdelay $0x1  }
0xde: {  	v2 =	vmul.bf16 v2, v61;
	v1 =	vadd.bf16 v3, v1;
	_ =	sdelay $0x1  }
0xdf: {  	v3 =	vmul.bf16 v63, v62;
	v1 =	vadd.bf16 v2, v1  }
0xe0: {  	s9 =	sadd.s32 $0x1, s9  }
0xe1: {  	p0 =	sne.s32 s9, $0x5;
	v1 =	vadd.bf16 v3, v1  }
.Ltmp5:
0xe2: {  	_ = 	snop;
	(pc) =	sbr.rel @p0 .LBB2_11-.Ltmp5, $3  }
0xe3: {  	v2 =	vunpack.i.u.bf16.f32 v1;
	v1 =	vunpack.i.l.bf16.f32 v1  }
0xe4: {  	v1 =	vadd.f32 v1, v2;
	_ =	sdelay $0x1  }
0xe5: {  	[tilespmem:v0+s10+$0x0 ss:$0x1] =	vst.idx.msk $0xffff, v1  }
0xe6: {  	s9 =	sadd.s32 $0x230, s7  }
0xe7: {  	[tilespmem:s22], [sflag:$0x3] =	stream.indirect.gather [hbm4b:s3+s15], $0x40, s9, s15, $0xb8;
	[tilespmem:$0x13D30] =	vst v63  }
0xe8: {  	s10 =	sadd.s32 $0x2940, s7  }
0xe9: {  	[tilespmem:s24], [sflag:$0x3] =	stream.indirect.gather [hbm4b:s5+s15], $0x40, s10, s15, $0xb8;
	[tilespmem:$0x13D30] =	vst v63  }
0xea: {  	_ =	swait.ge [sflag:s21], $0x1400  }
0xeb: {  	[sflag:s21] =	ssyncset.done $0x0  }
0xec: {  	[sflag:s21] =	ssyncadd.s32 $0xFFFFEC00  }
0xed: {  	_ =	swait.ge [sflag:s21], $0x1400  }
0xee: {  	s11 =	sadd.s32 $0x11710, s8;
	[sflag:s21] =	ssyncset.done $0x0  }
0xef: {  	s8 =	simm.s32 $0x0;
	v0 =	vmov s11;
	[sflag:s21] =	ssyncadd.s32 $0xFFFFEC00  }
.LBB2_15:
0xf0: {  	s9 =	sshll.u32 s8, $0x4;
	v2 =	vlaneseq.u32  }
0xf1: {  	v1 =	vmov s9;
	v3 =	vmul.u32 $0x40, v2  }
0xf2: {  	v1 =	vshll.u32 v1, $0x6  }
0xf3: {  	v1 =	vor.u32 v3, v1  }
0xf4: {  	v4 =	vadd.s32 $0x1, v2;
	v3 =	vor.u32 v1, v2  }
0xf5: {  	v4 =	vand.u32 $0x3F, v4  }
0xf6: {  	v5 =	vadd.s32 $0x2, v2;
	v4 =	vor.u32 v1, v4  }
0xf7: {  	v5 =	vand.u32 $0x3F, v5  }
0xf8: {  	v6 =	vadd.s32 $0x3, v2;
	v5 =	vor.u32 v1, v5  }
0xf9: {  	v6 =	vand.u32 $0x3F, v6;
	v8 =	vld.idx.msk [tilespmem:v3+s26+$0x0], $0xffff  }
0xfa: {  	v9 =	vor.u32 v1, v6;
	v10 =	vld.idx.msk [tilespmem:v3+s29+$0x0], $0xffff;
	v3 =	vadd.s32 $0x4, v2  }
0xfb: {  	v11 =	vld.idx.msk [tilespmem:v4+s26+$0x0], $0xffff;
	v3 =	vand.u32 $0x3F, v3  }
0xfc: {  	v12 =	vld.idx.msk [tilespmem:v4+s29+$0x0], $0xffff;
	v4 =	vadd.s32 $0x5, v2;
	v14 =	vor.u32 v1, v3  }
0xfd: {  	v7 =	vld.idx.msk [tilespmem:v5+s29+$0x0], $0xffff;
	v4 =	vand.u32 $0x3F, v4  }
0xfe: {  	v3 =	vld.idx.msk [tilespmem:v5+s26+$0x0], $0xffff;
	v6 =	vor.u32 v1, v4;
	v5 =	vadd.s32 $0x6, v2  }
0xff: {  	v4 =	vld.idx.msk [tilespmem:v9+s26+$0x0], $0xffff;
	v5 =	vand.u32 $0x3F, v5  }
0x100: {  	v13 =	vadd.s32 $0x7, v2;
	v9 =	vld.idx.msk [tilespmem:v9+s29+$0x0], $0xffff;
	v10 =	vmul.bf16 v10, v8;
	v8 =	vor.u32 v1, v5  }
0x101: {  	v15 =	vimm.bf16 $0.0e+00;
	v16 =	vand.u32 $0x3F, v13;
	v5 =	vld.idx.msk [tilespmem:v14+s26+$0x0], $0xffff  }
0x102: {  	v2 =	vadd.s32 $0x8, v2;
	v13 =	vmul.bf16 v12, v11;
	v12 =	vor.u32 v1, v16;
	v11 =	vld.idx.msk [tilespmem:v14+s29+$0x0], $0xffff  }
0x103: {  	s10 =	simm.s32 $0x0;
	v2 =	vand.u32 $0x3F, v2;
	v14 =	vadd.bf16 v10, v15;
	v10 =	vld.idx.msk [tilespmem:v6+s26+$0x0], $0xffff  }
.LBB2_16:
0x104: {  	v15 =	vor.u32 v1, v2;
	v16 =	vadd.s32 $0x1, v2;
	s10 =	sadd.s32 $0x8, s10;
	v3 =	vmul.bf16 v7, v3;
	v6 =	vld.idx.msk [tilespmem:v6+s29+$0x0], $0xffff  }
0x105: {  	v7 =	vand.u32 $0x3F, v16;
	v16 =	vadd.s32 $0x2, v2;
	p0 =	slt.u32 s10, $0x38;
	v13 =	vadd.bf16 v13, v14;
	v14 =	vld.idx.msk [tilespmem:v8+s26+$0x0], $0xffff  }
0x106: {  	v4 =	vmul.bf16 v9, v4;
	v7 =	vor.u32 v1, v7;
	v8 =	vld.idx.msk [tilespmem:v8+s29+$0x0], $0xffff  }
0x107: {  	v9 =	vand.u32 $0x3F, v16;
	v3 =	vadd.bf16 v3, v13;
	v13 =	vld.idx.msk [tilespmem:v12+s26+$0x0], $0xffff  }
0x108: {  	v16 =	vadd.s32 $0x3, v2;
	v9 =	vor.u32 v1, v9;
	v5 =	vmul.bf16 v11, v5;
	v11 =	vld.idx.msk [tilespmem:v12+s29+$0x0], $0xffff  }
0x109: {  	v16 =	vand.u32 $0x3F, v16;
	v12 =	vld.idx.msk [tilespmem:v15+s26+$0x0], $0xffff;
	v3 =	vadd.bf16 v4, v3  }
0x10a: {  	v16 =	vor.u32 v1, v16;
	v4 =	vadd.s32 $0x4, v2;
	v6 =	vmul.bf16 v6, v10;
	v15 =	vld.idx.msk [tilespmem:v15+s29+$0x0], $0xffff  }
0x10b: {  	v4 =	vand.u32 $0x3F, v4;
	v10 =	vld.idx.msk [tilespmem:v7+s26+$0x0], $0xffff;
	v5 =	vadd.bf16 v5, v3  }
0x10c: {  	v18 =	vor.u32 v1, v4;
	v4 =	vadd.s32 $0x5, v2;
	v8 =	vmul.bf16 v8, v14;
	v17 =	vld.idx.msk [tilespmem:v7+s29+$0x0], $0xffff  }
0x10d: {  	v4 =	vand.u32 $0x3F, v4;
	v3 =	vld.idx.msk [tilespmem:v9+s26+$0x0], $0xffff;
	v5 =	vadd.bf16 v6, v5  }
0x10e: {  	v6 =	vor.u32 v1, v4;
	v11 =	vmul.bf16 v11, v13;
	v7 =	vld.idx.msk [tilespmem:v9+s29+$0x0], $0xffff;
	v9 =	vadd.s32 $0x6, v2  }
.Ltmp6:
0x10f: {  	v4 =	vld.idx.msk [tilespmem:v16+s26+$0x0], $0xffff;
	v13 =	vand.u32 $0x3F, v9;
	v14 =	vadd.bf16 v8, v5;
	(pc) =	sbr.rel @p0 .LBB2_16-.Ltmp6, $4  }
0x110: {  	v15 =	vmul.bf16 v15, v12;
	v12 =	vadd.s32 $0x7, v2;
	v9 =	vld.idx.msk [tilespmem:v16+s29+$0x0], $0xffff;
	v8 =	vor.u32 v1, v13  }
0x111: {  	v12 =	vand.u32 $0x3F, v12;
	v5 =	vld.idx.msk [tilespmem:v18+s26+$0x0], $0xffff;
	v14 =	vadd.bf16 v11, v14  }
0x112: {  	v2 =	vadd.s32 $0x8, v2;
	v13 =	vmul.bf16 v17, v10;
	v12 =	vor.u32 v1, v12;
	v11 =	vld.idx.msk [tilespmem:v18+s29+$0x0], $0xffff  }
0x113: {  	v2 =	vand.u32 $0x3F, v2;
	v14 =	vadd.bf16 v15, v14;
	v10 =	vld.idx.msk [tilespmem:v6+s26+$0x0], $0xffff  }
0x114: {  	_ =	sdelay $0x2  }
0x115: {  	v1 =	vmul.bf16 v7, v3;
	v2 =	vadd.bf16 v13, v14  }
0x116: {  	v3 =	vld.idx.msk [tilespmem:v6+s29+$0x0], $0xffff  }
0x117: {  	v61 =	vld.idx.msk [tilespmem:v8+s26+$0x0], $0xffff;
	v4 =	vmul.bf16 v9, v4;
	v1 =	vadd.bf16 v1, v2  }
0x118: {  	v2 =	vld.idx.msk [tilespmem:v8+s29+$0x0], $0xffff  }
0x119: {  	v62 =	vld.idx.msk [tilespmem:v12+s26+$0x0], $0xffff;
	v5 =	vmul.bf16 v11, v5;
	v1 =	vadd.bf16 v4, v1  }
0x11a: {  	v63 =	vld.idx.msk [tilespmem:v12+s29+$0x0], $0xffff  }
0x11b: {  	v3 =	vmul.bf16 v3, v10;
	v1 =	vadd.bf16 v5, v1;
	_ =	sdelay $0x1  }
0x11c: {  	v2 =	vmul.bf16 v2, v61;
	v1 =	vadd.bf16 v3, v1;
	_ =	sdelay $0x1  }
0x11d: {  	v3 =	vmul.bf16 v63, v62;
	v1 =	vadd.bf16 v2, v1  }
0x11e: {  	s8 =	sadd.s32 $0x1, s8  }
0x11f: {  	p0 =	sne.s32 s8, $0x5;
	v1 =	vadd.bf16 v3, v1  }
.Ltmp7:
0x120: {  	_ = 	snop;
	(pc) =	sbr.rel @p0 .LBB2_15-.Ltmp7, $3  }
0x121: {  	v2 =	vunpack.i.u.bf16.f32 v1;
	v1 =	vunpack.i.l.bf16.f32 v1  }
0x122: {  	v1 =	vadd.f32 v1, v2;
	_ =	sdelay $0x1  }
0x123: {  	[tilespmem:v0+s9+$0x0 ss:$0x1] =	vst.idx.msk $0xffff, v1  }
0x124: {  	s8 =	sadd.s32 $0x280, s7  }
0x125: {  	[tilespmem:s26], [sflag:$0x4] =	stream.indirect.gather [hbm4b:s3+s15], $0x40, s8, s15, $0xb8;
	[tilespmem:$0x13D30] =	vst v63  }
0x126: {  	s10 =	sadd.s32 $0x2990, s7  }
0x127: {  	[tilespmem:s29], [sflag:$0x4] =	stream.indirect.gather [hbm4b:s5+s15], $0x40, s10, s15, $0xb8;
	[tilespmem:$0x13D30] =	vst v63  }
0x128: {  	_ =	swait.ge [sflag:s23], $0x1400  }
0x129: {  	[sflag:s23] =	ssyncset.done $0x0  }
0x12a: {  	[sflag:s23] =	ssyncadd.s32 $0xFFFFEC00  }
0x12b: {  	_ =	swait.ge [sflag:s23], $0x1400  }
0x12c: {  	s11 =	sadd.s32 $0x11620, s6;
	[sflag:s23] =	ssyncset.done $0x0  }
0x12d: {  	s6 =	simm.s32 $0x0;
	v0 =	vmov s11;
	[sflag:s23] =	ssyncadd.s32 $0xFFFFEC00  }
.LBB2_19:
0x12e: {  	s7 =	sshll.u32 s6, $0x4;
	v2 =	vlaneseq.u32  }
0x12f: {  	v1 =	vmov s7;
	v3 =	vmul.u32 $0x40, v2  }
0x130: {  	v1 =	vshll.u32 v1, $0x6  }
0x131: {  	v1 =	vor.u32 v3, v1  }
0x132: {  	v4 =	vadd.s32 $0x1, v2;
	v3 =	vor.u32 v1, v2  }
0x133: {  	v4 =	vand.u32 $0x3F, v4  }
0x134: {  	v5 =	vadd.s32 $0x2, v2;
	v4 =	vor.u32 v1, v4  }
0x135: {  	v5 =	vand.u32 $0x3F, v5  }
0x136: {  	v6 =	vadd.s32 $0x3, v2;
	v5 =	vor.u32 v1, v5  }
0x137: {  	v6 =	vand.u32 $0x3F, v6;
	v8 =	vld.idx.msk [tilespmem:v3+s30+$0x0], $0xffff  }
0x138: {  	v9 =	vor.u32 v1, v6;
	v10 =	vld.idx.msk [tilespmem:v3+s31+$0x0], $0xffff;
	v3 =	vadd.s32 $0x4, v2  }
0x139: {  	v11 =	vld.idx.msk [tilespmem:v4+s30+$0x0], $0xffff;
	v3 =	vand.u32 $0x3F, v3  }
0x13a: {  	v12 =	vld.idx.msk [tilespmem:v4+s31+$0x0], $0xffff;
	v4 =	vadd.s32 $0x5, v2;
	v14 =	vor.u32 v1, v3  }
0x13b: {  	v7 =	vld.idx.msk [tilespmem:v5+s31+$0x0], $0xffff;
	v4 =	vand.u32 $0x3F, v4  }
0x13c: {  	v3 =	vld.idx.msk [tilespmem:v5+s30+$0x0], $0xffff;
	v6 =	vor.u32 v1, v4;
	v5 =	vadd.s32 $0x6, v2  }
0x13d: {  	v4 =	vld.idx.msk [tilespmem:v9+s30+$0x0], $0xffff;
	v5 =	vand.u32 $0x3F, v5  }
0x13e: {  	v13 =	vadd.s32 $0x7, v2;
	v9 =	vld.idx.msk [tilespmem:v9+s31+$0x0], $0xffff;
	v10 =	vmul.bf16 v10, v8;
	v8 =	vor.u32 v1, v5  }
0x13f: {  	v15 =	vimm.bf16 $0.0e+00;
	v16 =	vand.u32 $0x3F, v13;
	v5 =	vld.idx.msk [tilespmem:v14+s30+$0x0], $0xffff  }
0x140: {  	v2 =	vadd.s32 $0x8, v2;
	v13 =	vmul.bf16 v12, v11;
	v12 =	vor.u32 v1, v16;
	v11 =	vld.idx.msk [tilespmem:v14+s31+$0x0], $0xffff  }
0x141: {  	s8 =	simm.s32 $0x0;
	v2 =	vand.u32 $0x3F, v2;
	v14 =	vadd.bf16 v10, v15;
	v10 =	vld.idx.msk [tilespmem:v6+s30+$0x0], $0xffff  }
.LBB2_20:
0x142: {  	v15 =	vor.u32 v1, v2;
	v16 =	vadd.s32 $0x1, v2;
	s8 =	sadd.s32 $0x8, s8;
	v3 =	vmul.bf16 v7, v3;
	v6 =	vld.idx.msk [tilespmem:v6+s31+$0x0], $0xffff  }
0x143: {  	v7 =	vand.u32 $0x3F, v16;
	v16 =	vadd.s32 $0x2, v2;
	p0 =	slt.u32 s8, $0x38;
	v13 =	vadd.bf16 v13, v14;
	v14 =	vld.idx.msk [tilespmem:v8+s30+$0x0], $0xffff  }
0x144: {  	v4 =	vmul.bf16 v9, v4;
	v7 =	vor.u32 v1, v7;
	v8 =	vld.idx.msk [tilespmem:v8+s31+$0x0], $0xffff  }
0x145: {  	v9 =	vand.u32 $0x3F, v16;
	v3 =	vadd.bf16 v3, v13;
	v13 =	vld.idx.msk [tilespmem:v12+s30+$0x0], $0xffff  }
0x146: {  	v16 =	vadd.s32 $0x3, v2;
	v9 =	vor.u32 v1, v9;
	v5 =	vmul.bf16 v11, v5;
	v11 =	vld.idx.msk [tilespmem:v12+s31+$0x0], $0xffff  }
0x147: {  	v16 =	vand.u32 $0x3F, v16;
	v12 =	vld.idx.msk [tilespmem:v15+s30+$0x0], $0xffff;
	v3 =	vadd.bf16 v4, v3  }
0x148: {  	v16 =	vor.u32 v1, v16;
	v4 =	vadd.s32 $0x4, v2;
	v6 =	vmul.bf16 v6, v10;
	v15 =	vld.idx.msk [tilespmem:v15+s31+$0x0], $0xffff  }
0x149: {  	v4 =	vand.u32 $0x3F, v4;
	v10 =	vld.idx.msk [tilespmem:v7+s30+$0x0], $0xffff;
	v5 =	vadd.bf16 v5, v3  }
0x14a: {  	v18 =	vor.u32 v1, v4;
	v4 =	vadd.s32 $0x5, v2;
	v8 =	vmul.bf16 v8, v14;
	v17 =	vld.idx.msk [tilespmem:v7+s31+$0x0], $0xffff  }
0x14b: {  	v4 =	vand.u32 $0x3F, v4;
	v3 =	vld.idx.msk [tilespmem:v9+s30+$0x0], $0xffff;
	v5 =	vadd.bf16 v6, v5  }
0x14c: {  	v6 =	vor.u32 v1, v4;
	v11 =	vmul.bf16 v11, v13;
	v7 =	vld.idx.msk [tilespmem:v9+s31+$0x0], $0xffff;
	v9 =	vadd.s32 $0x6, v2  }
.Ltmp8:
0x14d: {  	v4 =	vld.idx.msk [tilespmem:v16+s30+$0x0], $0xffff;
	v13 =	vand.u32 $0x3F, v9;
	v14 =	vadd.bf16 v8, v5;
	(pc) =	sbr.rel @p0 .LBB2_20-.Ltmp8, $4  }
0x14e: {  	v15 =	vmul.bf16 v15, v12;
	v12 =	vadd.s32 $0x7, v2;
	v9 =	vld.idx.msk [tilespmem:v16+s31+$0x0], $0xffff;
	v8 =	vor.u32 v1, v13  }
0x14f: {  	v12 =	vand.u32 $0x3F, v12;
	v5 =	vld.idx.msk [tilespmem:v18+s30+$0x0], $0xffff;
	v14 =	vadd.bf16 v11, v14  }
0x150: {  	v2 =	vadd.s32 $0x8, v2;
	v13 =	vmul.bf16 v17, v10;
	v12 =	vor.u32 v1, v12;
	v11 =	vld.idx.msk [tilespmem:v18+s31+$0x0], $0xffff  }
0x151: {  	v2 =	vand.u32 $0x3F, v2;
	v14 =	vadd.bf16 v15, v14;
	v10 =	vld.idx.msk [tilespmem:v6+s30+$0x0], $0xffff  }
0x152: {  	_ =	sdelay $0x2  }
0x153: {  	v1 =	vmul.bf16 v7, v3;
	v2 =	vadd.bf16 v13, v14  }
0x154: {  	v3 =	vld.idx.msk [tilespmem:v6+s31+$0x0], $0xffff  }
0x155: {  	v61 =	vld.idx.msk [tilespmem:v8+s30+$0x0], $0xffff;
	v4 =	vmul.bf16 v9, v4;
	v1 =	vadd.bf16 v1, v2  }
0x156: {  	v2 =	vld.idx.msk [tilespmem:v8+s31+$0x0], $0xffff  }
0x157: {  	v62 =	vld.idx.msk [tilespmem:v12+s30+$0x0], $0xffff;
	v5 =	vmul.bf16 v11, v5;
	v1 =	vadd.bf16 v4, v1  }
0x158: {  	v63 =	vld.idx.msk [tilespmem:v12+s31+$0x0], $0xffff  }
0x159: {  	v3 =	vmul.bf16 v3, v10;
	v1 =	vadd.bf16 v5, v1;
	_ =	sdelay $0x1  }
0x15a: {  	v2 =	vmul.bf16 v2, v61;
	v1 =	vadd.bf16 v3, v1;
	_ =	sdelay $0x1  }
0x15b: {  	v3 =	vmul.bf16 v63, v62;
	v1 =	vadd.bf16 v2, v1  }
0x15c: {  	s6 =	sadd.s32 $0x1, s6  }
0x15d: {  	p0 =	sne.s32 s6, $0x5;
	v1 =	vadd.bf16 v3, v1  }
.Ltmp9:
0x15e: {  	_ = 	snop;
	(pc) =	sbr.rel @p0 .LBB2_19-.Ltmp9, $3  }
0x15f: {  	v2 =	vunpack.i.u.bf16.f32 v1;
	v1 =	vunpack.i.l.bf16.f32 v1  }
0x160: {  	v1 =	vadd.f32 v1, v2;
	_ =	sdelay $0x1  }
0x161: {  	[tilespmem:v0+s7+$0x0 ss:$0x1] =	vst.idx.msk $0xffff, v1  }
0x162: {  	s25 =	sadd.s32 $0x1, s25  }
0x163: {  	p0 =	sne.s32 s25, $0x18  }
.Ltmp10:
0x164: {  	_ = 	snop;
	(pc) =	sbr.rel @p0 .LBB2_2-.Ltmp10, $1  }
0x165: {  	_ =	sdelay $0x3  }
0x166: {  	s6 =	simm.s32 $0x26C0  }
0x167: {  	[tilespmem:s30], [sflag:$0x5] =	stream.indirect.gather [hbm4b:s3+s15], $0x40, s6, s15, $0xb8;
	[tilespmem:$0x13D30] =	vst v63  }
0x168: {  	s25 =	simm.s32 $0x4DD0  }
0x169: {  	[tilespmem:s31], [sflag:$0x5] =	stream.indirect.gather [hbm4b:s5+s15], $0x40, s25, s15, $0xb8;
	[tilespmem:$0x13D30] =	vst v63  }
0x16a: {  	_ =	swait.ge [sflag:s1], $0x1400  }
0x16b: {  	[sflag:s1] =	ssyncset.done $0x0  }
0x16c: {  	[sflag:s1] =	ssyncadd.s32 $0xFFFFEC00  }
0x16d: {  	_ =	swait.ge [sflag:s1], $0x1400  }
0x16e: {  	[sflag:s1] =	ssyncset.done $0x0  }
0x16f: {  	s6 =	simm.s32 $0x0;
	[sflag:s1] =	ssyncadd.s32 $0xFFFFEC00  }
.LBB2_24:
0x170: {  	s7 =	sshll.u32 s6, $0x4;
	v1 =	vlaneseq.u32  }
0x171: {  	v0 =	vmov s7;
	v2 =	vmul.u32 $0x40, v1  }
0x172: {  	v0 =	vshll.u32 v0, $0x6  }
0x173: {  	v0 =	vor.u32 v2, v0  }
0x174: {  	v3 =	vadd.s32 $0x1, v1;
	v2 =	vor.u32 v0, v1  }
0x175: {  	v3 =	vand.u32 $0x3F, v3  }
0x176: {  	v4 =	vadd.s32 $0x2, v1;
	v3 =	vor.u32 v0, v3  }
0x177: {  	v4 =	vand.u32 $0x3F, v4  }
0x178: {  	v5 =	vadd.s32 $0x3, v1;
	v4 =	vor.u32 v0, v4  }
0x179: {  	v5 =	vand.u32 $0x3F, v5;
	v7 =	vld.idx.msk [tilespmem:v2+s16+$0x0], $0xffff  }
0x17a: {  	v8 =	vor.u32 v0, v5;
	v9 =	vld.idx.msk [tilespmem:v2+s17+$0x0], $0xffff;
	v2 =	vadd.s32 $0x4, v1  }
0x17b: {  	v10 =	vld.idx.msk [tilespmem:v3+s16+$0x0], $0xffff;
	v2 =	vand.u32 $0x3F, v2  }
0x17c: {  	v11 =	vld.idx.msk [tilespmem:v3+s17+$0x0], $0xffff;
	v3 =	vadd.s32 $0x5, v1;
	v13 =	vor.u32 v0, v2  }
0x17d: {  	v6 =	vld.idx.msk [tilespmem:v4+s17+$0x0], $0xffff;
	v3 =	vand.u32 $0x3F, v3  }
0x17e: {  	v2 =	vld.idx.msk [tilespmem:v4+s16+$0x0], $0xffff;
	v5 =	vor.u32 v0, v3;
	v4 =	vadd.s32 $0x6, v1  }
0x17f: {  	v3 =	vld.idx.msk [tilespmem:v8+s16+$0x0], $0xffff;
	v4 =	vand.u32 $0x3F, v4  }
0x180: {  	v12 =	vadd.s32 $0x7, v1;
	v8 =	vld.idx.msk [tilespmem:v8+s17+$0x0], $0xffff;
	v9 =	vmul.bf16 v9, v7;
	v7 =	vor.u32 v0, v4  }
0x181: {  	v14 =	vimm.bf16 $0.0e+00;
	v15 =	vand.u32 $0x3F, v12;
	v4 =	vld.idx.msk [tilespmem:v13+s16+$0x0], $0xffff  }
0x182: {  	v1 =	vadd.s32 $0x8, v1;
	v12 =	vmul.bf16 v11, v10;
	v11 =	vor.u32 v0, v15;
	v10 =	vld.idx.msk [tilespmem:v13+s17+$0x0], $0xffff  }
0x183: {  	s8 =	simm.s32 $0x0;
	v1 =	vand.u32 $0x3F, v1;
	v13 =	vadd.bf16 v9, v14;
	v9 =	vld.idx.msk [tilespmem:v5+s16+$0x0], $0xffff  }
.LBB2_25:
0x184: {  	v14 =	vor.u32 v0, v1;
	v15 =	vadd.s32 $0x1, v1;
	s8 =	sadd.s32 $0x8, s8;
	v2 =	vmul.bf16 v6, v2;
	v5 =	vld.idx.msk [tilespmem:v5+s17+$0x0], $0xffff  }
0x185: {  	v6 =	vand.u32 $0x3F, v15;
	v15 =	vadd.s32 $0x2, v1;
	p0 =	slt.u32 s8, $0x38;
	v12 =	vadd.bf16 v12, v13;
	v13 =	vld.idx.msk [tilespmem:v7+s16+$0x0], $0xffff  }
0x186: {  	v3 =	vmul.bf16 v8, v3;
	v6 =	vor.u32 v0, v6;
	v7 =	vld.idx.msk [tilespmem:v7+s17+$0x0], $0xffff  }
0x187: {  	v8 =	vand.u32 $0x3F, v15;
	v2 =	vadd.bf16 v2, v12;
	v12 =	vld.idx.msk [tilespmem:v11+s16+$0x0], $0xffff  }
0x188: {  	v15 =	vadd.s32 $0x3, v1;
	v8 =	vor.u32 v0, v8;
	v4 =	vmul.bf16 v10, v4;
	v10 =	vld.idx.msk [tilespmem:v11+s17+$0x0], $0xffff  }
0x189: {  	v15 =	vand.u32 $0x3F, v15;
	v11 =	vld.idx.msk [tilespmem:v14+s16+$0x0], $0xffff;
	v2 =	vadd.bf16 v3, v2  }
0x18a: {  	v15 =	vor.u32 v0, v15;
	v3 =	vadd.s32 $0x4, v1;
	v5 =	vmul.bf16 v5, v9;
	v14 =	vld.idx.msk [tilespmem:v14+s17+$0x0], $0xffff  }
0x18b: {  	v3 =	vand.u32 $0x3F, v3;
	v9 =	vld.idx.msk [tilespmem:v6+s16+$0x0], $0xffff;
	v4 =	vadd.bf16 v4, v2  }
0x18c: {  	v17 =	vor.u32 v0, v3;
	v3 =	vadd.s32 $0x5, v1;
	v7 =	vmul.bf16 v7, v13;
	v16 =	vld.idx.msk [tilespmem:v6+s17+$0x0], $0xffff  }
0x18d: {  	v3 =	vand.u32 $0x3F, v3;
	v2 =	vld.idx.msk [tilespmem:v8+s16+$0x0], $0xffff;
	v4 =	vadd.bf16 v5, v4  }
0x18e: {  	v5 =	vor.u32 v0, v3;
	v10 =	vmul.bf16 v10, v12;
	v6 =	vld.idx.msk [tilespmem:v8+s17+$0x0], $0xffff;
	v8 =	vadd.s32 $0x6, v1  }
.Ltmp11:
0x18f: {  	v3 =	vld.idx.msk [tilespmem:v15+s16+$0x0], $0xffff;
	v12 =	vand.u32 $0x3F, v8;
	v13 =	vadd.bf16 v7, v4;
	(pc) =	sbr.rel @p0 .LBB2_25-.Ltmp11, $4  }
0x190: {  	v14 =	vmul.bf16 v14, v11;
	v11 =	vadd.s32 $0x7, v1;
	v8 =	vld.idx.msk [tilespmem:v15+s17+$0x0], $0xffff;
	v7 =	vor.u32 v0, v12  }
0x191: {  	v11 =	vand.u32 $0x3F, v11;
	v4 =	vld.idx.msk [tilespmem:v17+s16+$0x0], $0xffff;
	v13 =	vadd.bf16 v10, v13  }
0x192: {  	v1 =	vadd.s32 $0x8, v1;
	v12 =	vmul.bf16 v16, v9;
	v11 =	vor.u32 v0, v11;
	v10 =	vld.idx.msk [tilespmem:v17+s17+$0x0], $0xffff  }
0x193: {  	v1 =	vand.u32 $0x3F, v1;
	v13 =	vadd.bf16 v14, v13;
	v9 =	vld.idx.msk [tilespmem:v5+s16+$0x0], $0xffff  }
0x194: {  	_ =	sdelay $0x2  }
0x195: {  	v0 =	vmul.bf16 v6, v2;
	v1 =	vadd.bf16 v12, v13  }
0x196: {  	v57 =	vld.idx.msk [tilespmem:v5+s17+$0x0], $0xffff  }
0x197: {  	v58 =	vld.idx.msk [tilespmem:v7+s16+$0x0], $0xffff;
	v3 =	vmul.bf16 v8, v3;
	v0 =	vadd.bf16 v0, v1  }
0x198: {  	v59 =	vld.idx.msk [tilespmem:v7+s17+$0x0], $0xffff  }
0x199: {  	v60 =	vld.idx.msk [tilespmem:v11+s16+$0x0], $0xffff;
	v4 =	vmul.bf16 v10, v4;
	v0 =	vadd.bf16 v3, v0  }
0x19a: {  	v61 =	vld.idx.msk [tilespmem:v11+s17+$0x0], $0xffff  }
0x19b: {  	v2 =	vmul.bf16 v57, v9;
	v0 =	vadd.bf16 v4, v0;
	_ =	sdelay $0x1  }
0x19c: {  	v1 =	vmul.bf16 v59, v58;
	v0 =	vadd.bf16 v2, v0;
	_ =	sdelay $0x1  }
0x19d: {  	v62 =	vmul.bf16 v61, v60;
	v0 =	vadd.bf16 v1, v0  }
0x19e: {  	s6 =	sadd.s32 $0x1, s6  }
0x19f: {  	p0 =	sne.s32 s6, $0x5;
	v0 =	vadd.bf16 v62, v0  }
.Ltmp12:
0x1a0: {  	_ = 	snop;
	(pc) =	sbr.rel @p0 .LBB2_24-.Ltmp12, $3  }
0x1a1: {  	v63 =	vunpack.i.u.bf16.f32 v0;
	v0 =	vunpack.i.l.bf16.f32 v0  }
0x1a2: {  	v0 =	vadd.f32 v0, v63;
	_ =	sdelay $0x1  }
0x1a3: {  	[tilespmem:s7+$0x13BA0] =	vst v0  }
0x1a4: {  	_ =	swait.ge [sflag:s0], $0x1400  }
0x1a5: {  	[sflag:s0] =	ssyncset.done $0x0  }
0x1a6: {  	[sflag:s0] =	ssyncadd.s32 $0xFFFFEC00  }
0x1a7: {  	_ =	swait.ge [sflag:s0], $0x1400  }
0x1a8: {  	[sflag:s0] =	ssyncset.done $0x0  }
0x1a9: {  	s6 =	simm.s32 $0x0;
	[sflag:s0] =	ssyncadd.s32 $0xFFFFEC00  }
.LBB2_28:
0x1aa: {  	s7 =	sshll.u32 s6, $0x4;
	v1 =	vlaneseq.u32  }
0x1ab: {  	v0 =	vmov s7;
	v2 =	vmul.u32 $0x40, v1  }
0x1ac: {  	v0 =	vshll.u32 v0, $0x6  }
0x1ad: {  	v0 =	vor.u32 v2, v0  }
0x1ae: {  	v3 =	vadd.s32 $0x1, v1;
	v2 =	vor.u32 v0, v1  }
0x1af: {  	v3 =	vand.u32 $0x3F, v3  }
0x1b0: {  	v4 =	vadd.s32 $0x2, v1;
	v3 =	vor.u32 v0, v3  }
0x1b1: {  	v4 =	vand.u32 $0x3F, v4  }
0x1b2: {  	v5 =	vadd.s32 $0x3, v1;
	v4 =	vor.u32 v0, v4  }
0x1b3: {  	v5 =	vand.u32 $0x3F, v5;
	v7 =	vld.idx.msk [tilespmem:v2+s18+$0x0], $0xffff  }
0x1b4: {  	v8 =	vor.u32 v0, v5;
	v9 =	vld.idx.msk [tilespmem:v2+s20+$0x0], $0xffff;
	v2 =	vadd.s32 $0x4, v1  }
0x1b5: {  	v10 =	vld.idx.msk [tilespmem:v3+s18+$0x0], $0xffff;
	v2 =	vand.u32 $0x3F, v2  }
0x1b6: {  	v11 =	vld.idx.msk [tilespmem:v3+s20+$0x0], $0xffff;
	v3 =	vadd.s32 $0x5, v1;
	v13 =	vor.u32 v0, v2  }
0x1b7: {  	v6 =	vld.idx.msk [tilespmem:v4+s20+$0x0], $0xffff;
	v3 =	vand.u32 $0x3F, v3  }
0x1b8: {  	v2 =	vld.idx.msk [tilespmem:v4+s18+$0x0], $0xffff;
	v5 =	vor.u32 v0, v3;
	v4 =	vadd.s32 $0x6, v1  }
0x1b9: {  	v3 =	vld.idx.msk [tilespmem:v8+s18+$0x0], $0xffff;
	v4 =	vand.u32 $0x3F, v4  }
0x1ba: {  	v12 =	vadd.s32 $0x7, v1;
	v8 =	vld.idx.msk [tilespmem:v8+s20+$0x0], $0xffff;
	v9 =	vmul.bf16 v9, v7;
	v7 =	vor.u32 v0, v4  }
0x1bb: {  	v14 =	vimm.bf16 $0.0e+00;
	v15 =	vand.u32 $0x3F, v12;
	v4 =	vld.idx.msk [tilespmem:v13+s18+$0x0], $0xffff  }
0x1bc: {  	v1 =	vadd.s32 $0x8, v1;
	v12 =	vmul.bf16 v11, v10;
	v11 =	vor.u32 v0, v15;
	v10 =	vld.idx.msk [tilespmem:v13+s20+$0x0], $0xffff  }
0x1bd: {  	s8 =	simm.s32 $0x0;
	v1 =	vand.u32 $0x3F, v1;
	v13 =	vadd.bf16 v9, v14;
	v9 =	vld.idx.msk [tilespmem:v5+s18+$0x0], $0xffff  }
.LBB2_29:
0x1be: {  	v14 =	vor.u32 v0, v1;
	v15 =	vadd.s32 $0x1, v1;
	s8 =	sadd.s32 $0x8, s8;
	v2 =	vmul.bf16 v6, v2;
	v5 =	vld.idx.msk [tilespmem:v5+s20+$0x0], $0xffff  }
0x1bf: {  	v6 =	vand.u32 $0x3F, v15;
	v15 =	vadd.s32 $0x2, v1;
	p0 =	slt.u32 s8, $0x38;
	v12 =	vadd.bf16 v12, v13;
	v13 =	vld.idx.msk [tilespmem:v7+s18+$0x0], $0xffff  }
0x1c0: {  	v3 =	vmul.bf16 v8, v3;
	v6 =	vor.u32 v0, v6;
	v7 =	vld.idx.msk [tilespmem:v7+s20+$0x0], $0xffff  }
0x1c1: {  	v8 =	vand.u32 $0x3F, v15;
	v2 =	vadd.bf16 v2, v12;
	v12 =	vld.idx.msk [tilespmem:v11+s18+$0x0], $0xffff  }
0x1c2: {  	v15 =	vadd.s32 $0x3, v1;
	v8 =	vor.u32 v0, v8;
	v4 =	vmul.bf16 v10, v4;
	v10 =	vld.idx.msk [tilespmem:v11+s20+$0x0], $0xffff  }
0x1c3: {  	v15 =	vand.u32 $0x3F, v15;
	v11 =	vld.idx.msk [tilespmem:v14+s18+$0x0], $0xffff;
	v2 =	vadd.bf16 v3, v2  }
0x1c4: {  	v15 =	vor.u32 v0, v15;
	v3 =	vadd.s32 $0x4, v1;
	v5 =	vmul.bf16 v5, v9;
	v14 =	vld.idx.msk [tilespmem:v14+s20+$0x0], $0xffff  }
0x1c5: {  	v3 =	vand.u32 $0x3F, v3;
	v9 =	vld.idx.msk [tilespmem:v6+s18+$0x0], $0xffff;
	v4 =	vadd.bf16 v4, v2  }
0x1c6: {  	v17 =	vor.u32 v0, v3;
	v3 =	vadd.s32 $0x5, v1;
	v7 =	vmul.bf16 v7, v13;
	v16 =	vld.idx.msk [tilespmem:v6+s20+$0x0], $0xffff  }
0x1c7: {  	v3 =	vand.u32 $0x3F, v3;
	v2 =	vld.idx.msk [tilespmem:v8+s18+$0x0], $0xffff;
	v4 =	vadd.bf16 v5, v4  }
0x1c8: {  	v5 =	vor.u32 v0, v3;
	v10 =	vmul.bf16 v10, v12;
	v6 =	vld.idx.msk [tilespmem:v8+s20+$0x0], $0xffff;
	v8 =	vadd.s32 $0x6, v1  }
.Ltmp13:
0x1c9: {  	v3 =	vld.idx.msk [tilespmem:v15+s18+$0x0], $0xffff;
	v12 =	vand.u32 $0x3F, v8;
	v13 =	vadd.bf16 v7, v4;
	(pc) =	sbr.rel @p0 .LBB2_29-.Ltmp13, $4  }
0x1ca: {  	v14 =	vmul.bf16 v14, v11;
	v11 =	vadd.s32 $0x7, v1;
	v8 =	vld.idx.msk [tilespmem:v15+s20+$0x0], $0xffff;
	v7 =	vor.u32 v0, v12  }
0x1cb: {  	v11 =	vand.u32 $0x3F, v11;
	v4 =	vld.idx.msk [tilespmem:v17+s18+$0x0], $0xffff;
	v13 =	vadd.bf16 v10, v13  }
0x1cc: {  	v1 =	vadd.s32 $0x8, v1;
	v12 =	vmul.bf16 v16, v9;
	v11 =	vor.u32 v0, v11;
	v10 =	vld.idx.msk [tilespmem:v17+s20+$0x0], $0xffff  }
0x1cd: {  	v1 =	vand.u32 $0x3F, v1;
	v13 =	vadd.bf16 v14, v13;
	v9 =	vld.idx.msk [tilespmem:v5+s18+$0x0], $0xffff  }
0x1ce: {  	_ =	sdelay $0x2  }
0x1cf: {  	v0 =	vmul.bf16 v6, v2;
	v1 =	vadd.bf16 v12, v13  }
0x1d0: {  	v57 =	vld.idx.msk [tilespmem:v5+s20+$0x0], $0xffff  }
0x1d1: {  	v58 =	vld.idx.msk [tilespmem:v7+s18+$0x0], $0xffff;
	v3 =	vmul.bf16 v8, v3;
	v0 =	vadd.bf16 v0, v1  }
0x1d2: {  	v59 =	vld.idx.msk [tilespmem:v7+s20+$0x0], $0xffff  }
0x1d3: {  	v60 =	vld.idx.msk [tilespmem:v11+s18+$0x0], $0xffff;
	v4 =	vmul.bf16 v10, v4;
	v0 =	vadd.bf16 v3, v0  }
0x1d4: {  	v61 =	vld.idx.msk [tilespmem:v11+s20+$0x0], $0xffff  }
0x1d5: {  	v2 =	vmul.bf16 v57, v9;
	v0 =	vadd.bf16 v4, v0;
	_ =	sdelay $0x1  }
0x1d6: {  	v1 =	vmul.bf16 v59, v58;
	v0 =	vadd.bf16 v2, v0;
	_ =	sdelay $0x1  }
0x1d7: {  	v62 =	vmul.bf16 v61, v60;
	v0 =	vadd.bf16 v1, v0  }
0x1d8: {  	s6 =	sadd.s32 $0x1, s6  }
0x1d9: {  	p0 =	sne.s32 s6, $0x5;
	v0 =	vadd.bf16 v62, v0  }
.Ltmp14:
0x1da: {  	_ = 	snop;
	(pc) =	sbr.rel @p0 .LBB2_28-.Ltmp14, $3  }
0x1db: {  	v63 =	vunpack.i.u.bf16.f32 v0;
	v0 =	vunpack.i.l.bf16.f32 v0  }
0x1dc: {  	v0 =	vadd.f32 v0, v63;
	_ =	sdelay $0x1  }
0x1dd: {  	[tilespmem:s7+$0x13BF0] =	vst v0  }
0x1de: {  	_ =	swait.ge [sflag:s19], $0x1400  }
0x1df: {  	[sflag:s19] =	ssyncset.done $0x0  }
0x1e0: {  	[sflag:s19] =	ssyncadd.s32 $0xFFFFEC00  }
0x1e1: {  	_ =	swait.ge [sflag:s19], $0x1400  }
0x1e2: {  	[sflag:s19] =	ssyncset.done $0x0  }
0x1e3: {  	s6 =	simm.s32 $0x0;
	[sflag:s19] =	ssyncadd.s32 $0xFFFFEC00  }
.LBB2_32:
0x1e4: {  	s7 =	sshll.u32 s6, $0x4;
	v1 =	vlaneseq.u32  }
0x1e5: {  	v0 =	vmov s7;
	v2 =	vmul.u32 $0x40, v1  }
0x1e6: {  	v0 =	vshll.u32 v0, $0x6  }
0x1e7: {  	v0 =	vor.u32 v2, v0  }
0x1e8: {  	v3 =	vadd.s32 $0x1, v1;
	v2 =	vor.u32 v0, v1  }
0x1e9: {  	v3 =	vand.u32 $0x3F, v3  }
0x1ea: {  	v4 =	vadd.s32 $0x2, v1;
	v3 =	vor.u32 v0, v3  }
0x1eb: {  	v4 =	vand.u32 $0x3F, v4  }
0x1ec: {  	v5 =	vadd.s32 $0x3, v1;
	v4 =	vor.u32 v0, v4  }
0x1ed: {  	v5 =	vand.u32 $0x3F, v5;
	v7 =	vld.idx.msk [tilespmem:v2+s22+$0x0], $0xffff  }
0x1ee: {  	v8 =	vor.u32 v0, v5;
	v9 =	vld.idx.msk [tilespmem:v2+s24+$0x0], $0xffff;
	v2 =	vadd.s32 $0x4, v1  }
0x1ef: {  	v10 =	vld.idx.msk [tilespmem:v3+s22+$0x0], $0xffff;
	v2 =	vand.u32 $0x3F, v2  }
0x1f0: {  	v11 =	vld.idx.msk [tilespmem:v3+s24+$0x0], $0xffff;
	v3 =	vadd.s32 $0x5, v1;
	v13 =	vor.u32 v0, v2  }
0x1f1: {  	v6 =	vld.idx.msk [tilespmem:v4+s24+$0x0], $0xffff;
	v3 =	vand.u32 $0x3F, v3  }
0x1f2: {  	v2 =	vld.idx.msk [tilespmem:v4+s22+$0x0], $0xffff;
	v5 =	vor.u32 v0, v3;
	v4 =	vadd.s32 $0x6, v1  }
0x1f3: {  	v3 =	vld.idx.msk [tilespmem:v8+s22+$0x0], $0xffff;
	v4 =	vand.u32 $0x3F, v4  }
0x1f4: {  	v12 =	vadd.s32 $0x7, v1;
	v8 =	vld.idx.msk [tilespmem:v8+s24+$0x0], $0xffff;
	v9 =	vmul.bf16 v9, v7;
	v7 =	vor.u32 v0, v4  }
0x1f5: {  	v14 =	vimm.bf16 $0.0e+00;
	v15 =	vand.u32 $0x3F, v12;
	v4 =	vld.idx.msk [tilespmem:v13+s22+$0x0], $0xffff  }
0x1f6: {  	v1 =	vadd.s32 $0x8, v1;
	v12 =	vmul.bf16 v11, v10;
	v11 =	vor.u32 v0, v15;
	v10 =	vld.idx.msk [tilespmem:v13+s24+$0x0], $0xffff  }
0x1f7: {  	s8 =	simm.s32 $0x0;
	v1 =	vand.u32 $0x3F, v1;
	v13 =	vadd.bf16 v9, v14;
	v9 =	vld.idx.msk [tilespmem:v5+s22+$0x0], $0xffff  }
.LBB2_33:
0x1f8: {  	v14 =	vor.u32 v0, v1;
	v15 =	vadd.s32 $0x1, v1;
	s8 =	sadd.s32 $0x8, s8;
	v2 =	vmul.bf16 v6, v2;
	v5 =	vld.idx.msk [tilespmem:v5+s24+$0x0], $0xffff  }
0x1f9: {  	v6 =	vand.u32 $0x3F, v15;
	v15 =	vadd.s32 $0x2, v1;
	p0 =	slt.u32 s8, $0x38;
	v12 =	vadd.bf16 v12, v13;
	v13 =	vld.idx.msk [tilespmem:v7+s22+$0x0], $0xffff  }
0x1fa: {  	v3 =	vmul.bf16 v8, v3;
	v6 =	vor.u32 v0, v6;
	v7 =	vld.idx.msk [tilespmem:v7+s24+$0x0], $0xffff  }
0x1fb: {  	v8 =	vand.u32 $0x3F, v15;
	v2 =	vadd.bf16 v2, v12;
	v12 =	vld.idx.msk [tilespmem:v11+s22+$0x0], $0xffff  }
0x1fc: {  	v15 =	vadd.s32 $0x3, v1;
	v8 =	vor.u32 v0, v8;
	v4 =	vmul.bf16 v10, v4;
	v10 =	vld.idx.msk [tilespmem:v11+s24+$0x0], $0xffff  }
0x1fd: {  	v15 =	vand.u32 $0x3F, v15;
	v11 =	vld.idx.msk [tilespmem:v14+s22+$0x0], $0xffff;
	v2 =	vadd.bf16 v3, v2  }
0x1fe: {  	v15 =	vor.u32 v0, v15;
	v3 =	vadd.s32 $0x4, v1;
	v5 =	vmul.bf16 v5, v9;
	v14 =	vld.idx.msk [tilespmem:v14+s24+$0x0], $0xffff  }
0x1ff: {  	v3 =	vand.u32 $0x3F, v3;
	v9 =	vld.idx.msk [tilespmem:v6+s22+$0x0], $0xffff;
	v4 =	vadd.bf16 v4, v2  }
0x200: {  	v17 =	vor.u32 v0, v3;
	v3 =	vadd.s32 $0x5, v1;
	v7 =	vmul.bf16 v7, v13;
	v16 =	vld.idx.msk [tilespmem:v6+s24+$0x0], $0xffff  }
0x201: {  	v3 =	vand.u32 $0x3F, v3;
	v2 =	vld.idx.msk [tilespmem:v8+s22+$0x0], $0xffff;
	v4 =	vadd.bf16 v5, v4  }
0x202: {  	v5 =	vor.u32 v0, v3;
	v10 =	vmul.bf16 v10, v12;
	v6 =	vld.idx.msk [tilespmem:v8+s24+$0x0], $0xffff;
	v8 =	vadd.s32 $0x6, v1  }
.Ltmp15:
0x203: {  	v3 =	vld.idx.msk [tilespmem:v15+s22+$0x0], $0xffff;
	v12 =	vand.u32 $0x3F, v8;
	v13 =	vadd.bf16 v7, v4;
	(pc) =	sbr.rel @p0 .LBB2_33-.Ltmp15, $4  }
0x204: {  	v14 =	vmul.bf16 v14, v11;
	v11 =	vadd.s32 $0x7, v1;
	v8 =	vld.idx.msk [tilespmem:v15+s24+$0x0], $0xffff;
	v7 =	vor.u32 v0, v12  }
0x205: {  	v11 =	vand.u32 $0x3F, v11;
	v4 =	vld.idx.msk [tilespmem:v17+s22+$0x0], $0xffff;
	v13 =	vadd.bf16 v10, v13  }
0x206: {  	v1 =	vadd.s32 $0x8, v1;
	v12 =	vmul.bf16 v16, v9;
	v11 =	vor.u32 v0, v11;
	v10 =	vld.idx.msk [tilespmem:v17+s24+$0x0], $0xffff  }
0x207: {  	v1 =	vand.u32 $0x3F, v1;
	v13 =	vadd.bf16 v14, v13;
	v9 =	vld.idx.msk [tilespmem:v5+s22+$0x0], $0xffff  }
0x208: {  	_ =	sdelay $0x2  }
0x209: {  	v0 =	vmul.bf16 v6, v2;
	v1 =	vadd.bf16 v12, v13  }
0x20a: {  	v57 =	vld.idx.msk [tilespmem:v5+s24+$0x0], $0xffff  }
0x20b: {  	v58 =	vld.idx.msk [tilespmem:v7+s22+$0x0], $0xffff;
	v3 =	vmul.bf16 v8, v3;
	v0 =	vadd.bf16 v0, v1  }
0x20c: {  	v59 =	vld.idx.msk [tilespmem:v7+s24+$0x0], $0xffff  }
0x20d: {  	v60 =	vld.idx.msk [tilespmem:v11+s22+$0x0], $0xffff;
	v4 =	vmul.bf16 v10, v4;
	v0 =	vadd.bf16 v3, v0  }
0x20e: {  	v61 =	vld.idx.msk [tilespmem:v11+s24+$0x0], $0xffff  }
0x20f: {  	v2 =	vmul.bf16 v57, v9;
	v0 =	vadd.bf16 v4, v0;
	_ =	sdelay $0x1  }
0x210: {  	v1 =	vmul.bf16 v59, v58;
	v0 =	vadd.bf16 v2, v0;
	_ =	sdelay $0x1  }
0x211: {  	v62 =	vmul.bf16 v61, v60;
	v0 =	vadd.bf16 v1, v0  }
0x212: {  	s6 =	sadd.s32 $0x1, s6  }
0x213: {  	p0 =	sne.s32 s6, $0x5;
	v0 =	vadd.bf16 v62, v0  }
.Ltmp16:
0x214: {  	_ = 	snop;
	(pc) =	sbr.rel @p0 .LBB2_32-.Ltmp16, $3  }
0x215: {  	v63 =	vunpack.i.u.bf16.f32 v0;
	v0 =	vunpack.i.l.bf16.f32 v0  }
0x216: {  	v0 =	vadd.f32 v0, v63;
	_ =	sdelay $0x1  }
0x217: {  	[tilespmem:s7+$0x13C40] =	vst v0  }
0x218: {  	_ =	swait.ge [sflag:s21], $0x1400  }
0x219: {  	[sflag:s21] =	ssyncset.done $0x0  }
0x21a: {  	[sflag:s21] =	ssyncadd.s32 $0xFFFFEC00  }
0x21b: {  	_ =	swait.ge [sflag:s21], $0x1400  }
0x21c: {  	[sflag:s21] =	ssyncset.done $0x0  }
0x21d: {  	s6 =	simm.s32 $0x0;
	[sflag:s21] =	ssyncadd.s32 $0xFFFFEC00  }
.LBB2_36:
0x21e: {  	s7 =	sshll.u32 s6, $0x4;
	v1 =	vlaneseq.u32  }
0x21f: {  	v0 =	vmov s7;
	v2 =	vmul.u32 $0x40, v1  }
0x220: {  	v0 =	vshll.u32 v0, $0x6  }
0x221: {  	v0 =	vor.u32 v2, v0  }
0x222: {  	v3 =	vadd.s32 $0x1, v1;
	v2 =	vor.u32 v0, v1  }
0x223: {  	v3 =	vand.u32 $0x3F, v3  }
0x224: {  	v4 =	vadd.s32 $0x2, v1;
	v3 =	vor.u32 v0, v3  }
0x225: {  	v4 =	vand.u32 $0x3F, v4  }
0x226: {  	v5 =	vadd.s32 $0x3, v1;
	v4 =	vor.u32 v0, v4  }
0x227: {  	v5 =	vand.u32 $0x3F, v5;
	v7 =	vld.idx.msk [tilespmem:v2+s26+$0x0], $0xffff  }
0x228: {  	v8 =	vor.u32 v0, v5;
	v9 =	vld.idx.msk [tilespmem:v2+s29+$0x0], $0xffff;
	v2 =	vadd.s32 $0x4, v1  }
0x229: {  	v10 =	vld.idx.msk [tilespmem:v3+s26+$0x0], $0xffff;
	v2 =	vand.u32 $0x3F, v2  }
0x22a: {  	v11 =	vld.idx.msk [tilespmem:v3+s29+$0x0], $0xffff;
	v3 =	vadd.s32 $0x5, v1;
	v13 =	vor.u32 v0, v2  }
0x22b: {  	v6 =	vld.idx.msk [tilespmem:v4+s29+$0x0], $0xffff;
	v3 =	vand.u32 $0x3F, v3  }
0x22c: {  	v2 =	vld.idx.msk [tilespmem:v4+s26+$0x0], $0xffff;
	v5 =	vor.u32 v0, v3;
	v4 =	vadd.s32 $0x6, v1  }
0x22d: {  	v3 =	vld.idx.msk [tilespmem:v8+s26+$0x0], $0xffff;
	v4 =	vand.u32 $0x3F, v4  }
0x22e: {  	v12 =	vadd.s32 $0x7, v1;
	v8 =	vld.idx.msk [tilespmem:v8+s29+$0x0], $0xffff;
	v9 =	vmul.bf16 v9, v7;
	v7 =	vor.u32 v0, v4  }
0x22f: {  	v14 =	vimm.bf16 $0.0e+00;
	v15 =	vand.u32 $0x3F, v12;
	v4 =	vld.idx.msk [tilespmem:v13+s26+$0x0], $0xffff  }
0x230: {  	v1 =	vadd.s32 $0x8, v1;
	v12 =	vmul.bf16 v11, v10;
	v11 =	vor.u32 v0, v15;
	v10 =	vld.idx.msk [tilespmem:v13+s29+$0x0], $0xffff  }
0x231: {  	s8 =	simm.s32 $0x0;
	v1 =	vand.u32 $0x3F, v1;
	v13 =	vadd.bf16 v9, v14;
	v9 =	vld.idx.msk [tilespmem:v5+s26+$0x0], $0xffff  }
.LBB2_37:
0x232: {  	v14 =	vor.u32 v0, v1;
	v15 =	vadd.s32 $0x1, v1;
	s8 =	sadd.s32 $0x8, s8;
	v2 =	vmul.bf16 v6, v2;
	v5 =	vld.idx.msk [tilespmem:v5+s29+$0x0], $0xffff  }
0x233: {  	v6 =	vand.u32 $0x3F, v15;
	v15 =	vadd.s32 $0x2, v1;
	p0 =	slt.u32 s8, $0x38;
	v12 =	vadd.bf16 v12, v13;
	v13 =	vld.idx.msk [tilespmem:v7+s26+$0x0], $0xffff  }
0x234: {  	v3 =	vmul.bf16 v8, v3;
	v6 =	vor.u32 v0, v6;
	v7 =	vld.idx.msk [tilespmem:v7+s29+$0x0], $0xffff  }
0x235: {  	v8 =	vand.u32 $0x3F, v15;
	v2 =	vadd.bf16 v2, v12;
	v12 =	vld.idx.msk [tilespmem:v11+s26+$0x0], $0xffff  }
0x236: {  	v15 =	vadd.s32 $0x3, v1;
	v8 =	vor.u32 v0, v8;
	v4 =	vmul.bf16 v10, v4;
	v10 =	vld.idx.msk [tilespmem:v11+s29+$0x0], $0xffff  }
0x237: {  	v15 =	vand.u32 $0x3F, v15;
	v11 =	vld.idx.msk [tilespmem:v14+s26+$0x0], $0xffff;
	v2 =	vadd.bf16 v3, v2  }
0x238: {  	v15 =	vor.u32 v0, v15;
	v3 =	vadd.s32 $0x4, v1;
	v5 =	vmul.bf16 v5, v9;
	v14 =	vld.idx.msk [tilespmem:v14+s29+$0x0], $0xffff  }
0x239: {  	v3 =	vand.u32 $0x3F, v3;
	v9 =	vld.idx.msk [tilespmem:v6+s26+$0x0], $0xffff;
	v4 =	vadd.bf16 v4, v2  }
0x23a: {  	v17 =	vor.u32 v0, v3;
	v3 =	vadd.s32 $0x5, v1;
	v7 =	vmul.bf16 v7, v13;
	v16 =	vld.idx.msk [tilespmem:v6+s29+$0x0], $0xffff  }
0x23b: {  	v3 =	vand.u32 $0x3F, v3;
	v2 =	vld.idx.msk [tilespmem:v8+s26+$0x0], $0xffff;
	v4 =	vadd.bf16 v5, v4  }
0x23c: {  	v5 =	vor.u32 v0, v3;
	v10 =	vmul.bf16 v10, v12;
	v6 =	vld.idx.msk [tilespmem:v8+s29+$0x0], $0xffff;
	v8 =	vadd.s32 $0x6, v1  }
.Ltmp17:
0x23d: {  	v3 =	vld.idx.msk [tilespmem:v15+s26+$0x0], $0xffff;
	v12 =	vand.u32 $0x3F, v8;
	v13 =	vadd.bf16 v7, v4;
	(pc) =	sbr.rel @p0 .LBB2_37-.Ltmp17, $4  }
0x23e: {  	v14 =	vmul.bf16 v14, v11;
	v11 =	vadd.s32 $0x7, v1;
	v8 =	vld.idx.msk [tilespmem:v15+s29+$0x0], $0xffff;
	v7 =	vor.u32 v0, v12  }
0x23f: {  	v11 =	vand.u32 $0x3F, v11;
	v4 =	vld.idx.msk [tilespmem:v17+s26+$0x0], $0xffff;
	v13 =	vadd.bf16 v10, v13  }
0x240: {  	v1 =	vadd.s32 $0x8, v1;
	v12 =	vmul.bf16 v16, v9;
	v11 =	vor.u32 v0, v11;
	v10 =	vld.idx.msk [tilespmem:v17+s29+$0x0], $0xffff  }
0x241: {  	v1 =	vand.u32 $0x3F, v1;
	v13 =	vadd.bf16 v14, v13;
	v9 =	vld.idx.msk [tilespmem:v5+s26+$0x0], $0xffff  }
0x242: {  	_ =	sdelay $0x2  }
0x243: {  	v0 =	vmul.bf16 v6, v2;
	v1 =	vadd.bf16 v12, v13  }
0x244: {  	v57 =	vld.idx.msk [tilespmem:v5+s29+$0x0], $0xffff  }
0x245: {  	v58 =	vld.idx.msk [tilespmem:v7+s26+$0x0], $0xffff;
	v3 =	vmul.bf16 v8, v3;
	v0 =	vadd.bf16 v0, v1  }
0x246: {  	v59 =	vld.idx.msk [tilespmem:v7+s29+$0x0], $0xffff  }
0x247: {  	v60 =	vld.idx.msk [tilespmem:v11+s26+$0x0], $0xffff;
	v4 =	vmul.bf16 v10, v4;
	v0 =	vadd.bf16 v3, v0  }
0x248: {  	v61 =	vld.idx.msk [tilespmem:v11+s29+$0x0], $0xffff  }
0x249: {  	v2 =	vmul.bf16 v57, v9;
	v0 =	vadd.bf16 v4, v0;
	_ =	sdelay $0x1  }
0x24a: {  	v1 =	vmul.bf16 v59, v58;
	v0 =	vadd.bf16 v2, v0;
	_ =	sdelay $0x1  }
0x24b: {  	v62 =	vmul.bf16 v61, v60;
	v0 =	vadd.bf16 v1, v0  }
0x24c: {  	s6 =	sadd.s32 $0x1, s6  }
0x24d: {  	p0 =	sne.s32 s6, $0x5;
	v0 =	vadd.bf16 v62, v0  }
.Ltmp18:
0x24e: {  	_ = 	snop;
	(pc) =	sbr.rel @p0 .LBB2_36-.Ltmp18, $3  }
0x24f: {  	v63 =	vunpack.i.u.bf16.f32 v0;
	v0 =	vunpack.i.l.bf16.f32 v0  }
0x250: {  	v0 =	vadd.f32 v0, v63;
	_ =	sdelay $0x1  }
0x251: {  	[tilespmem:s7+$0x13C90] =	vst v0  }
0x252: {  	_ =	swait.ge [sflag:s23], $0x1400  }
0x253: {  	[sflag:s23] =	ssyncset.done $0x0  }
0x254: {  	[sflag:s23] =	ssyncadd.s32 $0xFFFFEC00  }
0x255: {  	_ =	swait.ge [sflag:s23], $0x1400  }
0x256: {  	[sflag:s23] =	ssyncset.done $0x0  }
0x257: {  	s6 =	simm.s32 $0x0;
	[sflag:s23] =	ssyncadd.s32 $0xFFFFEC00  }
.LBB2_40:
0x258: {  	s7 =	sshll.u32 s6, $0x4;
	v1 =	vlaneseq.u32  }
0x259: {  	v0 =	vmov s7;
	v2 =	vmul.u32 $0x40, v1  }
0x25a: {  	v0 =	vshll.u32 v0, $0x6  }
0x25b: {  	v0 =	vor.u32 v2, v0  }
0x25c: {  	v3 =	vadd.s32 $0x1, v1;
	v2 =	vor.u32 v0, v1  }
0x25d: {  	v3 =	vand.u32 $0x3F, v3  }
0x25e: {  	v4 =	vadd.s32 $0x2, v1;
	v3 =	vor.u32 v0, v3  }
0x25f: {  	v4 =	vand.u32 $0x3F, v4  }
0x260: {  	v5 =	vadd.s32 $0x3, v1;
	v4 =	vor.u32 v0, v4  }
0x261: {  	v5 =	vand.u32 $0x3F, v5;
	v7 =	vld.idx.msk [tilespmem:v2+s30+$0x0], $0xffff  }
0x262: {  	v8 =	vor.u32 v0, v5;
	v9 =	vld.idx.msk [tilespmem:v2+s31+$0x0], $0xffff;
	v2 =	vadd.s32 $0x4, v1  }
0x263: {  	v10 =	vld.idx.msk [tilespmem:v3+s30+$0x0], $0xffff;
	v2 =	vand.u32 $0x3F, v2  }
0x264: {  	v11 =	vld.idx.msk [tilespmem:v3+s31+$0x0], $0xffff;
	v3 =	vadd.s32 $0x5, v1;
	v13 =	vor.u32 v0, v2  }
0x265: {  	v6 =	vld.idx.msk [tilespmem:v4+s31+$0x0], $0xffff;
	v3 =	vand.u32 $0x3F, v3  }
0x266: {  	v2 =	vld.idx.msk [tilespmem:v4+s30+$0x0], $0xffff;
	v5 =	vor.u32 v0, v3;
	v4 =	vadd.s32 $0x6, v1  }
0x267: {  	v3 =	vld.idx.msk [tilespmem:v8+s30+$0x0], $0xffff;
	v4 =	vand.u32 $0x3F, v4  }
0x268: {  	v12 =	vadd.s32 $0x7, v1;
	v8 =	vld.idx.msk [tilespmem:v8+s31+$0x0], $0xffff;
	v9 =	vmul.bf16 v9, v7;
	v7 =	vor.u32 v0, v4  }
0x269: {  	v14 =	vimm.bf16 $0.0e+00;
	v15 =	vand.u32 $0x3F, v12;
	v4 =	vld.idx.msk [tilespmem:v13+s30+$0x0], $0xffff  }
0x26a: {  	v1 =	vadd.s32 $0x8, v1;
	v12 =	vmul.bf16 v11, v10;
	v11 =	vor.u32 v0, v15;
	v10 =	vld.idx.msk [tilespmem:v13+s31+$0x0], $0xffff  }
0x26b: {  	s8 =	simm.s32 $0x0;
	v1 =	vand.u32 $0x3F, v1;
	v13 =	vadd.bf16 v9, v14;
	v9 =	vld.idx.msk [tilespmem:v5+s30+$0x0], $0xffff  }
.LBB2_41:
0x26c: {  	v14 =	vor.u32 v0, v1;
	v15 =	vadd.s32 $0x1, v1;
	s8 =	sadd.s32 $0x8, s8;
	v2 =	vmul.bf16 v6, v2;
	v5 =	vld.idx.msk [tilespmem:v5+s31+$0x0], $0xffff  }
0x26d: {  	v6 =	vand.u32 $0x3F, v15;
	v15 =	vadd.s32 $0x2, v1;
	p0 =	slt.u32 s8, $0x38;
	v12 =	vadd.bf16 v12, v13;
	v13 =	vld.idx.msk [tilespmem:v7+s30+$0x0], $0xffff  }
0x26e: {  	v3 =	vmul.bf16 v8, v3;
	v6 =	vor.u32 v0, v6;
	v7 =	vld.idx.msk [tilespmem:v7+s31+$0x0], $0xffff  }
0x26f: {  	v8 =	vand.u32 $0x3F, v15;
	v2 =	vadd.bf16 v2, v12;
	v12 =	vld.idx.msk [tilespmem:v11+s30+$0x0], $0xffff  }
0x270: {  	v15 =	vadd.s32 $0x3, v1;
	v8 =	vor.u32 v0, v8;
	v4 =	vmul.bf16 v10, v4;
	v10 =	vld.idx.msk [tilespmem:v11+s31+$0x0], $0xffff  }
0x271: {  	v15 =	vand.u32 $0x3F, v15;
	v11 =	vld.idx.msk [tilespmem:v14+s30+$0x0], $0xffff;
	v2 =	vadd.bf16 v3, v2  }
0x272: {  	v15 =	vor.u32 v0, v15;
	v3 =	vadd.s32 $0x4, v1;
	v5 =	vmul.bf16 v5, v9;
	v14 =	vld.idx.msk [tilespmem:v14+s31+$0x0], $0xffff  }
0x273: {  	v3 =	vand.u32 $0x3F, v3;
	v9 =	vld.idx.msk [tilespmem:v6+s30+$0x0], $0xffff;
	v4 =	vadd.bf16 v4, v2  }
0x274: {  	v17 =	vor.u32 v0, v3;
	v3 =	vadd.s32 $0x5, v1;
	v7 =	vmul.bf16 v7, v13;
	v16 =	vld.idx.msk [tilespmem:v6+s31+$0x0], $0xffff  }
0x275: {  	v3 =	vand.u32 $0x3F, v3;
	v2 =	vld.idx.msk [tilespmem:v8+s30+$0x0], $0xffff;
	v4 =	vadd.bf16 v5, v4  }
0x276: {  	v5 =	vor.u32 v0, v3;
	v10 =	vmul.bf16 v10, v12;
	v6 =	vld.idx.msk [tilespmem:v8+s31+$0x0], $0xffff;
	v8 =	vadd.s32 $0x6, v1  }
.Ltmp19:
0x277: {  	v3 =	vld.idx.msk [tilespmem:v15+s30+$0x0], $0xffff;
	v12 =	vand.u32 $0x3F, v8;
	v13 =	vadd.bf16 v7, v4;
	(pc) =	sbr.rel @p0 .LBB2_41-.Ltmp19, $4  }
0x278: {  	v14 =	vmul.bf16 v14, v11;
	v11 =	vadd.s32 $0x7, v1;
	v8 =	vld.idx.msk [tilespmem:v15+s31+$0x0], $0xffff;
	v7 =	vor.u32 v0, v12  }
0x279: {  	v11 =	vand.u32 $0x3F, v11;
	v4 =	vld.idx.msk [tilespmem:v17+s30+$0x0], $0xffff;
	v13 =	vadd.bf16 v10, v13  }
0x27a: {  	v1 =	vadd.s32 $0x8, v1;
	v12 =	vmul.bf16 v16, v9;
	v11 =	vor.u32 v0, v11;
	v10 =	vld.idx.msk [tilespmem:v17+s31+$0x0], $0xffff  }
0x27b: {  	v1 =	vand.u32 $0x3F, v1;
	v13 =	vadd.bf16 v14, v13;
	v9 =	vld.idx.msk [tilespmem:v5+s30+$0x0], $0xffff  }
0x27c: {  	_ =	sdelay $0x2  }
0x27d: {  	v0 =	vmul.bf16 v6, v2;
	v1 =	vadd.bf16 v12, v13  }
0x27e: {  	v57 =	vld.idx.msk [tilespmem:v5+s31+$0x0], $0xffff  }
0x27f: {  	v58 =	vld.idx.msk [tilespmem:v7+s30+$0x0], $0xffff;
	v3 =	vmul.bf16 v8, v3;
	v0 =	vadd.bf16 v0, v1  }
0x280: {  	v59 =	vld.idx.msk [tilespmem:v7+s31+$0x0], $0xffff  }
0x281: {  	v60 =	vld.idx.msk [tilespmem:v11+s30+$0x0], $0xffff;
	v4 =	vmul.bf16 v10, v4;
	v0 =	vadd.bf16 v3, v0  }
0x282: {  	v61 =	vld.idx.msk [tilespmem:v11+s31+$0x0], $0xffff  }
0x283: {  	v2 =	vmul.bf16 v57, v9;
	v0 =	vadd.bf16 v4, v0;
	_ =	sdelay $0x1  }
0x284: {  	v1 =	vmul.bf16 v59, v58;
	v0 =	vadd.bf16 v2, v0;
	_ =	sdelay $0x1  }
0x285: {  	v62 =	vmul.bf16 v61, v60;
	v0 =	vadd.bf16 v1, v0  }
0x286: {  	s6 =	sadd.s32 $0x1, s6  }
0x287: {  	p0 =	sne.s32 s6, $0x5;
	v0 =	vadd.bf16 v62, v0  }
.Ltmp20:
0x288: {  	_ = 	snop;
	(pc) =	sbr.rel @p0 .LBB2_40-.Ltmp20, $3  }
0x289: {  	v63 =	vunpack.i.u.bf16.f32 v0;
	v0 =	vunpack.i.l.bf16.f32 v0  }
0x28a: {  	v0 =	vadd.f32 v0, v63;
	_ =	sdelay $0x1  }
0x28b: {  	[tilespmem:s7+$0x13CE0] =	vst v0  }
0x28c: {  	s25 =	simm.s32 $0x0;
	s6 =	rddreg [dreg:$0x4];
	s7 =	simm.s32 $0x11620  }
0x28d: {  	[hbm4b:s6+s25] =	stream.linear.scatter [tilespmem:s7], [sflag:$0x6], $0x2710, $0x38;
	[tilespmem:$0x13D30] =	vst v63  }
0x28e: {  	_ =	swait.ge [sflag:s13], $0x2710  }
0x28f: {  	[sflag:s13] =	ssyncset.done $0x0  }
0x290: {  	s10 =	rddreg [dreg:$0x5];
	[sflag:s13] =	ssyncadd.s32 $0xFFFFD8F0  }
0x291: {  	[tilespmem:s25], [sflag:$0x6] =	stream.linear.gather [hbm4b:s10+s25], $0x2710, $0x38;
	[tilespmem:$0x13D30] =	vst v63  }
0x292: {  	_ =	swait.ge [sflag:s13], $0x2710  }
0x293: {  	[sflag:s13] =	ssyncset.done $0x0  }
0x294: {  	s11 =	rddreg [dreg:$0x6];
	[sflag:s13] =	ssyncadd.s32 $0xFFFFD8F0  }
0x295: {  	[tilespmem:s14], [sflag:$0x6] =	stream.linear.gather [hbm4b:s11+s25], $0x2710, $0x38;
	[tilespmem:$0x13D30] =	vst v63  }
0x296: {  	_ =	swait.ge [sflag:s13], $0x2710  }
0x297: {  	[sflag:s13] =	ssyncset.done $0x0  }
0x298: {  	[sflag:s13] =	ssyncadd.s32 $0xFFFFD8F0  }
0x299: {  	[tilespmem:s16], [sflag:$0x1] =	stream.indirect.gather [hbm4b:s4+s15], $0x40, s25, s15, $0xb8;
	[tilespmem:$0x13D30] =	vst v63  }
0x29a: {  	_ = 	snop  }
0x29b: {  	[tilespmem:s17], [sflag:$0x1] =	stream.indirect.gather [hbm4b:s5+s15], $0x40, s14, s15, $0xb8;
	[tilespmem:$0x13D30] =	vst v63  }
0x29c: {  	_ = 	snop  }
0x29d: {  	[tilespmem:s18], [sflag:$0x2] =	stream.indirect.gather [hbm4b:s4+s15], $0x40, s15, s15, $0xb8;
	[tilespmem:$0x13D30] =	vst v63  }
0x29e: {  	s7 =	simm.s32 $0x2760  }
0x29f: {  	[tilespmem:s20], [sflag:$0x2] =	stream.indirect.gather [hbm4b:s5+s15], $0x40, s7, s15, $0xb8;
	[tilespmem:$0x13D30] =	vst v63  }
0x2a0: {  	s8 =	simm.s32 $0xA0  }
0x2a1: {  	[tilespmem:s22], [sflag:$0x3] =	stream.indirect.gather [hbm4b:s4+s15], $0x40, s8, s15, $0xb8;
	[tilespmem:$0x13D30] =	vst v63  }
0x2a2: {  	s9 =	simm.s32 $0x27B0  }
0x2a3: {  	[tilespmem:s24], [sflag:$0x3] =	stream.indirect.gather [hbm4b:s5+s15], $0x40, s9, s15, $0xb8;
	[tilespmem:$0x13D30] =	vst v63  }
0x2a4: {  	s10 =	simm.s32 $0xF0  }
0x2a5: {  	[tilespmem:s26], [sflag:$0x4] =	stream.indirect.gather [hbm4b:s4+s15], $0x40, s10, s15, $0xb8;
	[tilespmem:$0x13D30] =	vst v63  }
0x2a6: {  	s11 =	simm.s32 $0x2800  }
0x2a7: {  	[tilespmem:s29], [sflag:$0x4] =	stream.indirect.gather [hbm4b:s5+s15], $0x40, s11, s15, $0xb8;
	[tilespmem:$0x13D30] =	vst v63  }
.LBB2_44:
0x2a8: {  	s7 =	smul.u32 $0x190, s25;
	_ =	sdelay $0x1  }
0x2a9: {  	s6 =	sadd.s32 $0x140, s7  }
0x2aa: {  	[tilespmem:s30], [sflag:$0x5] =	stream.indirect.gather [hbm4b:s4+s15], $0x40, s6, s15, $0xb8;
	[tilespmem:$0x13D30] =	vst v63  }
0x2ab: {  	s8 =	sadd.s32 $0x2850, s7  }
0x2ac: {  	[tilespmem:s31], [sflag:$0x5] =	stream.indirect.gather [hbm4b:s5+s15], $0x40, s8, s15, $0xb8;
	[tilespmem:$0x13D30] =	vst v63  }
0x2ad: {  	_ =	swait.ge [sflag:s1], $0x1400  }
0x2ae: {  	s11 =	smul.u32 $0x640, s25;
	[sflag:s1] =	ssyncset.done $0x0  }
0x2af: {  	[sflag:s1] =	ssyncadd.s32 $0xFFFFEC00  }
0x2b0: {  	s8 =	sshra.s32 s11, $0x2;
	_ =	swait.ge [sflag:s1], $0x1400  }
0x2b1: {  	s9 =	sadd.s32 $0x11620, s8;
	[sflag:s1] =	ssyncset.done $0x0  }
0x2b2: {  	v0 =	vmov s9;
	s9 =	simm.s32 $0x0;
	[sflag:s1] =	ssyncadd.s32 $0xFFFFEC00  }
.LBB2_45:
0x2b3: {  	s10 =	sshll.u32 s9, $0x4;
	v2 =	vlaneseq.u32  }
0x2b4: {  	v1 =	vmov s10;
	v3 =	vmul.u32 $0x40, v2  }
0x2b5: {  	v1 =	vshll.u32 v1, $0x6  }
0x2b6: {  	v1 =	vor.u32 v3, v1  }
0x2b7: {  	v4 =	vadd.s32 $0x1, v2;
	v3 =	vor.u32 v1, v2  }
0x2b8: {  	v4 =	vand.u32 $0x3F, v4  }
0x2b9: {  	v5 =	vadd.s32 $0x2, v2;
	v4 =	vor.u32 v1, v4  }
0x2ba: {  	v5 =	vand.u32 $0x3F, v5  }
0x2bb: {  	v6 =	vadd.s32 $0x3, v2;
	v5 =	vor.u32 v1, v5  }
0x2bc: {  	v6 =	vand.u32 $0x3F, v6;
	v8 =	vld.idx.msk [tilespmem:v3+s16+$0x0], $0xffff  }
0x2bd: {  	v9 =	vor.u32 v1, v6;
	v10 =	vld.idx.msk [tilespmem:v3+s17+$0x0], $0xffff;
	v3 =	vadd.s32 $0x4, v2  }
0x2be: {  	v11 =	vld.idx.msk [tilespmem:v4+s16+$0x0], $0xffff;
	v3 =	vand.u32 $0x3F, v3  }
0x2bf: {  	v12 =	vld.idx.msk [tilespmem:v4+s17+$0x0], $0xffff;
	v4 =	vadd.s32 $0x5, v2;
	v14 =	vor.u32 v1, v3  }
0x2c0: {  	v7 =	vld.idx.msk [tilespmem:v5+s17+$0x0], $0xffff;
	v4 =	vand.u32 $0x3F, v4  }
0x2c1: {  	v3 =	vld.idx.msk [tilespmem:v5+s16+$0x0], $0xffff;
	v6 =	vor.u32 v1, v4;
	v5 =	vadd.s32 $0x6, v2  }
0x2c2: {  	v4 =	vld.idx.msk [tilespmem:v9+s16+$0x0], $0xffff;
	v5 =	vand.u32 $0x3F, v5  }
0x2c3: {  	v13 =	vadd.s32 $0x7, v2;
	v9 =	vld.idx.msk [tilespmem:v9+s17+$0x0], $0xffff;
	v10 =	vmul.bf16 v10, v8;
	v8 =	vor.u32 v1, v5  }
0x2c4: {  	v15 =	vimm.bf16 $0.0e+00;
	v16 =	vand.u32 $0x3F, v13;
	v5 =	vld.idx.msk [tilespmem:v14+s16+$0x0], $0xffff  }
0x2c5: {  	v2 =	vadd.s32 $0x8, v2;
	v13 =	vmul.bf16 v12, v11;
	v12 =	vor.u32 v1, v16;
	v11 =	vld.idx.msk [tilespmem:v14+s17+$0x0], $0xffff  }
0x2c6: {  	s11 =	simm.s32 $0x0;
	v2 =	vand.u32 $0x3F, v2;
	v14 =	vadd.bf16 v10, v15;
	v10 =	vld.idx.msk [tilespmem:v6+s16+$0x0], $0xffff  }
.LBB2_46:
0x2c7: {  	v15 =	vor.u32 v1, v2;
	v16 =	vadd.s32 $0x1, v2;
	s11 =	sadd.s32 $0x8, s11;
	v3 =	vmul.bf16 v7, v3;
	v6 =	vld.idx.msk [tilespmem:v6+s17+$0x0], $0xffff  }
0x2c8: {  	v7 =	vand.u32 $0x3F, v16;
	v16 =	vadd.s32 $0x2, v2;
	p0 =	slt.u32 s11, $0x38;
	v13 =	vadd.bf16 v13, v14;
	v14 =	vld.idx.msk [tilespmem:v8+s16+$0x0], $0xffff  }
0x2c9: {  	v4 =	vmul.bf16 v9, v4;
	v7 =	vor.u32 v1, v7;
	v8 =	vld.idx.msk [tilespmem:v8+s17+$0x0], $0xffff  }
0x2ca: {  	v9 =	vand.u32 $0x3F, v16;
	v3 =	vadd.bf16 v3, v13;
	v13 =	vld.idx.msk [tilespmem:v12+s16+$0x0], $0xffff  }
0x2cb: {  	v16 =	vadd.s32 $0x3, v2;
	v9 =	vor.u32 v1, v9;
	v5 =	vmul.bf16 v11, v5;
	v11 =	vld.idx.msk [tilespmem:v12+s17+$0x0], $0xffff  }
0x2cc: {  	v16 =	vand.u32 $0x3F, v16;
	v12 =	vld.idx.msk [tilespmem:v15+s16+$0x0], $0xffff;
	v3 =	vadd.bf16 v4, v3  }
0x2cd: {  	v16 =	vor.u32 v1, v16;
	v4 =	vadd.s32 $0x4, v2;
	v6 =	vmul.bf16 v6, v10;
	v15 =	vld.idx.msk [tilespmem:v15+s17+$0x0], $0xffff  }
0x2ce: {  	v4 =	vand.u32 $0x3F, v4;
	v10 =	vld.idx.msk [tilespmem:v7+s16+$0x0], $0xffff;
	v5 =	vadd.bf16 v5, v3  }
0x2cf: {  	v18 =	vor.u32 v1, v4;
	v4 =	vadd.s32 $0x5, v2;
	v8 =	vmul.bf16 v8, v14;
	v17 =	vld.idx.msk [tilespmem:v7+s17+$0x0], $0xffff  }
0x2d0: {  	v4 =	vand.u32 $0x3F, v4;
	v3 =	vld.idx.msk [tilespmem:v9+s16+$0x0], $0xffff;
	v5 =	vadd.bf16 v6, v5  }
0x2d1: {  	v6 =	vor.u32 v1, v4;
	v11 =	vmul.bf16 v11, v13;
	v7 =	vld.idx.msk [tilespmem:v9+s17+$0x0], $0xffff;
	v9 =	vadd.s32 $0x6, v2  }
.Ltmp21:
0x2d2: {  	v4 =	vld.idx.msk [tilespmem:v16+s16+$0x0], $0xffff;
	v13 =	vand.u32 $0x3F, v9;
	v14 =	vadd.bf16 v8, v5;
	(pc) =	sbr.rel @p0 .LBB2_46-.Ltmp21, $4  }
0x2d3: {  	v15 =	vmul.bf16 v15, v12;
	v12 =	vadd.s32 $0x7, v2;
	v9 =	vld.idx.msk [tilespmem:v16+s17+$0x0], $0xffff;
	v8 =	vor.u32 v1, v13  }
0x2d4: {  	v12 =	vand.u32 $0x3F, v12;
	v5 =	vld.idx.msk [tilespmem:v18+s16+$0x0], $0xffff;
	v14 =	vadd.bf16 v11, v14  }
0x2d5: {  	v2 =	vadd.s32 $0x8, v2;
	v13 =	vmul.bf16 v17, v10;
	v12 =	vor.u32 v1, v12;
	v11 =	vld.idx.msk [tilespmem:v18+s17+$0x0], $0xffff  }
0x2d6: {  	v2 =	vand.u32 $0x3F, v2;
	v14 =	vadd.bf16 v15, v14;
	v10 =	vld.idx.msk [tilespmem:v6+s16+$0x0], $0xffff  }
0x2d7: {  	_ =	sdelay $0x2  }
0x2d8: {  	v1 =	vmul.bf16 v7, v3;
	v2 =	vadd.bf16 v13, v14  }
0x2d9: {  	v3 =	vld.idx.msk [tilespmem:v6+s17+$0x0], $0xffff  }
0x2da: {  	v61 =	vld.idx.msk [tilespmem:v8+s16+$0x0], $0xffff;
	v4 =	vmul.bf16 v9, v4;
	v1 =	vadd.bf16 v1, v2  }
0x2db: {  	v2 =	vld.idx.msk [tilespmem:v8+s17+$0x0], $0xffff  }
0x2dc: {  	v62 =	vld.idx.msk [tilespmem:v12+s16+$0x0], $0xffff;
	v5 =	vmul.bf16 v11, v5;
	v1 =	vadd.bf16 v4, v1  }
0x2dd: {  	v63 =	vld.idx.msk [tilespmem:v12+s17+$0x0], $0xffff  }
0x2de: {  	v3 =	vmul.bf16 v3, v10;
	v1 =	vadd.bf16 v5, v1;
	_ =	sdelay $0x1  }
0x2df: {  	v2 =	vmul.bf16 v2, v61;
	v1 =	vadd.bf16 v3, v1;
	_ =	sdelay $0x1  }
0x2e0: {  	v3 =	vmul.bf16 v63, v62;
	v1 =	vadd.bf16 v2, v1  }
0x2e1: {  	s9 =	sadd.s32 $0x1, s9  }
0x2e2: {  	p0 =	sne.s32 s9, $0x5;
	v1 =	vadd.bf16 v3, v1  }
.Ltmp22:
0x2e3: {  	_ = 	snop;
	(pc) =	sbr.rel @p0 .LBB2_45-.Ltmp22, $3  }
0x2e4: {  	v2 =	vunpack.i.u.bf16.f32 v1;
	v1 =	vunpack.i.l.bf16.f32 v1  }
0x2e5: {  	v1 =	vadd.f32 v1, v2;
	_ =	sdelay $0x1  }
0x2e6: {  	[tilespmem:v0+s10+$0x0 ss:$0x1] =	vst.idx.msk $0xffff, v1  }
0x2e7: {  	s9 =	sadd.s32 $0x190, s7  }
0x2e8: {  	[tilespmem:s16], [sflag:$0x1] =	stream.indirect.gather [hbm4b:s4+s15], $0x40, s9, s15, $0xb8;
	[tilespmem:$0x13D30] =	vst v63  }
0x2e9: {  	s11 =	sadd.s32 $0x28A0, s7  }
0x2ea: {  	[tilespmem:s17], [sflag:$0x1] =	stream.indirect.gather [hbm4b:s5+s15], $0x40, s11, s15, $0xb8;
	[tilespmem:$0x13D30] =	vst v63  }
0x2eb: {  	_ =	swait.ge [sflag:s0], $0x1400  }
0x2ec: {  	[sflag:s0] =	ssyncset.done $0x0  }
0x2ed: {  	[sflag:s0] =	ssyncadd.s32 $0xFFFFEC00  }
0x2ee: {  	_ =	swait.ge [sflag:s0], $0x1400  }
0x2ef: {  	s10 =	sadd.s32 $0x11670, s8;
	[sflag:s0] =	ssyncset.done $0x0  }
0x2f0: {  	s9 =	simm.s32 $0x0;
	v0 =	vmov s10;
	[sflag:s0] =	ssyncadd.s32 $0xFFFFEC00  }
.LBB2_49:
0x2f1: {  	s10 =	sshll.u32 s9, $0x4;
	v2 =	vlaneseq.u32  }
0x2f2: {  	v1 =	vmov s10;
	v3 =	vmul.u32 $0x40, v2  }
0x2f3: {  	v1 =	vshll.u32 v1, $0x6  }
0x2f4: {  	v1 =	vor.u32 v3, v1  }
0x2f5: {  	v4 =	vadd.s32 $0x1, v2;
	v3 =	vor.u32 v1, v2  }
0x2f6: {  	v4 =	vand.u32 $0x3F, v4  }
0x2f7: {  	v5 =	vadd.s32 $0x2, v2;
	v4 =	vor.u32 v1, v4  }
0x2f8: {  	v5 =	vand.u32 $0x3F, v5  }
0x2f9: {  	v6 =	vadd.s32 $0x3, v2;
	v5 =	vor.u32 v1, v5  }
0x2fa: {  	v6 =	vand.u32 $0x3F, v6;
	v8 =	vld.idx.msk [tilespmem:v3+s18+$0x0], $0xffff  }
0x2fb: {  	v9 =	vor.u32 v1, v6;
	v10 =	vld.idx.msk [tilespmem:v3+s20+$0x0], $0xffff;
	v3 =	vadd.s32 $0x4, v2  }
0x2fc: {  	v11 =	vld.idx.msk [tilespmem:v4+s18+$0x0], $0xffff;
	v3 =	vand.u32 $0x3F, v3  }
0x2fd: {  	v12 =	vld.idx.msk [tilespmem:v4+s20+$0x0], $0xffff;
	v4 =	vadd.s32 $0x5, v2;
	v14 =	vor.u32 v1, v3  }
0x2fe: {  	v7 =	vld.idx.msk [tilespmem:v5+s20+$0x0], $0xffff;
	v4 =	vand.u32 $0x3F, v4  }
0x2ff: {  	v3 =	vld.idx.msk [tilespmem:v5+s18+$0x0], $0xffff;
	v6 =	vor.u32 v1, v4;
	v5 =	vadd.s32 $0x6, v2  }
0x300: {  	v4 =	vld.idx.msk [tilespmem:v9+s18+$0x0], $0xffff;
	v5 =	vand.u32 $0x3F, v5  }
0x301: {  	v13 =	vadd.s32 $0x7, v2;
	v9 =	vld.idx.msk [tilespmem:v9+s20+$0x0], $0xffff;
	v10 =	vmul.bf16 v10, v8;
	v8 =	vor.u32 v1, v5  }
0x302: {  	v15 =	vimm.bf16 $0.0e+00;
	v16 =	vand.u32 $0x3F, v13;
	v5 =	vld.idx.msk [tilespmem:v14+s18+$0x0], $0xffff  }
0x303: {  	v2 =	vadd.s32 $0x8, v2;
	v13 =	vmul.bf16 v12, v11;
	v12 =	vor.u32 v1, v16;
	v11 =	vld.idx.msk [tilespmem:v14+s20+$0x0], $0xffff  }
0x304: {  	s11 =	simm.s32 $0x0;
	v2 =	vand.u32 $0x3F, v2;
	v14 =	vadd.bf16 v10, v15;
	v10 =	vld.idx.msk [tilespmem:v6+s18+$0x0], $0xffff  }
.LBB2_50:
0x305: {  	v15 =	vor.u32 v1, v2;
	v16 =	vadd.s32 $0x1, v2;
	s11 =	sadd.s32 $0x8, s11;
	v3 =	vmul.bf16 v7, v3;
	v6 =	vld.idx.msk [tilespmem:v6+s20+$0x0], $0xffff  }
0x306: {  	v7 =	vand.u32 $0x3F, v16;
	v16 =	vadd.s32 $0x2, v2;
	p0 =	slt.u32 s11, $0x38;
	v13 =	vadd.bf16 v13, v14;
	v14 =	vld.idx.msk [tilespmem:v8+s18+$0x0], $0xffff  }
0x307: {  	v4 =	vmul.bf16 v9, v4;
	v7 =	vor.u32 v1, v7;
	v8 =	vld.idx.msk [tilespmem:v8+s20+$0x0], $0xffff  }
0x308: {  	v9 =	vand.u32 $0x3F, v16;
	v3 =	vadd.bf16 v3, v13;
	v13 =	vld.idx.msk [tilespmem:v12+s18+$0x0], $0xffff  }
0x309: {  	v16 =	vadd.s32 $0x3, v2;
	v9 =	vor.u32 v1, v9;
	v5 =	vmul.bf16 v11, v5;
	v11 =	vld.idx.msk [tilespmem:v12+s20+$0x0], $0xffff  }
0x30a: {  	v16 =	vand.u32 $0x3F, v16;
	v12 =	vld.idx.msk [tilespmem:v15+s18+$0x0], $0xffff;
	v3 =	vadd.bf16 v4, v3  }
0x30b: {  	v16 =	vor.u32 v1, v16;
	v4 =	vadd.s32 $0x4, v2;
	v6 =	vmul.bf16 v6, v10;
	v15 =	vld.idx.msk [tilespmem:v15+s20+$0x0], $0xffff  }
0x30c: {  	v4 =	vand.u32 $0x3F, v4;
	v10 =	vld.idx.msk [tilespmem:v7+s18+$0x0], $0xffff;
	v5 =	vadd.bf16 v5, v3  }
0x30d: {  	v18 =	vor.u32 v1, v4;
	v4 =	vadd.s32 $0x5, v2;
	v8 =	vmul.bf16 v8, v14;
	v17 =	vld.idx.msk [tilespmem:v7+s20+$0x0], $0xffff  }
0x30e: {  	v4 =	vand.u32 $0x3F, v4;
	v3 =	vld.idx.msk [tilespmem:v9+s18+$0x0], $0xffff;
	v5 =	vadd.bf16 v6, v5  }
0x30f: {  	v6 =	vor.u32 v1, v4;
	v11 =	vmul.bf16 v11, v13;
	v7 =	vld.idx.msk [tilespmem:v9+s20+$0x0], $0xffff;
	v9 =	vadd.s32 $0x6, v2  }
.Ltmp23:
0x310: {  	v4 =	vld.idx.msk [tilespmem:v16+s18+$0x0], $0xffff;
	v13 =	vand.u32 $0x3F, v9;
	v14 =	vadd.bf16 v8, v5;
	(pc) =	sbr.rel @p0 .LBB2_50-.Ltmp23, $4  }
0x311: {  	v15 =	vmul.bf16 v15, v12;
	v12 =	vadd.s32 $0x7, v2;
	v9 =	vld.idx.msk [tilespmem:v16+s20+$0x0], $0xffff;
	v8 =	vor.u32 v1, v13  }
0x312: {  	v12 =	vand.u32 $0x3F, v12;
	v5 =	vld.idx.msk [tilespmem:v18+s18+$0x0], $0xffff;
	v14 =	vadd.bf16 v11, v14  }
0x313: {  	v2 =	vadd.s32 $0x8, v2;
	v13 =	vmul.bf16 v17, v10;
	v12 =	vor.u32 v1, v12;
	v11 =	vld.idx.msk [tilespmem:v18+s20+$0x0], $0xffff  }
0x314: {  	v2 =	vand.u32 $0x3F, v2;
	v14 =	vadd.bf16 v15, v14;
	v10 =	vld.idx.msk [tilespmem:v6+s18+$0x0], $0xffff  }
0x315: {  	_ =	sdelay $0x2  }
0x316: {  	v1 =	vmul.bf16 v7, v3;
	v2 =	vadd.bf16 v13, v14  }
0x317: {  	v3 =	vld.idx.msk [tilespmem:v6+s20+$0x0], $0xffff  }
0x318: {  	v61 =	vld.idx.msk [tilespmem:v8+s18+$0x0], $0xffff;
	v4 =	vmul.bf16 v9, v4;
	v1 =	vadd.bf16 v1, v2  }
0x319: {  	v2 =	vld.idx.msk [tilespmem:v8+s20+$0x0], $0xffff  }
0x31a: {  	v62 =	vld.idx.msk [tilespmem:v12+s18+$0x0], $0xffff;
	v5 =	vmul.bf16 v11, v5;
	v1 =	vadd.bf16 v4, v1  }
0x31b: {  	v63 =	vld.idx.msk [tilespmem:v12+s20+$0x0], $0xffff  }
0x31c: {  	v3 =	vmul.bf16 v3, v10;
	v1 =	vadd.bf16 v5, v1;
	_ =	sdelay $0x1  }
0x31d: {  	v2 =	vmul.bf16 v2, v61;
	v1 =	vadd.bf16 v3, v1;
	_ =	sdelay $0x1  }
0x31e: {  	v3 =	vmul.bf16 v63, v62;
	v1 =	vadd.bf16 v2, v1  }
0x31f: {  	s9 =	sadd.s32 $0x1, s9  }
0x320: {  	p0 =	sne.s32 s9, $0x5;
	v1 =	vadd.bf16 v3, v1  }
.Ltmp24:
0x321: {  	_ = 	snop;
	(pc) =	sbr.rel @p0 .LBB2_49-.Ltmp24, $3  }
0x322: {  	v2 =	vunpack.i.u.bf16.f32 v1;
	v1 =	vunpack.i.l.bf16.f32 v1  }
0x323: {  	v1 =	vadd.f32 v1, v2;
	_ =	sdelay $0x1  }
0x324: {  	[tilespmem:v0+s10+$0x0 ss:$0x1] =	vst.idx.msk $0xffff, v1  }
0x325: {  	s9 =	sadd.s32 $0x1E0, s7  }
0x326: {  	[tilespmem:s18], [sflag:$0x2] =	stream.indirect.gather [hbm4b:s4+s15], $0x40, s9, s15, $0xb8;
	[tilespmem:$0x13D30] =	vst v63  }
0x327: {  	s11 =	sadd.s32 $0x28F0, s7  }
0x328: {  	[tilespmem:s20], [sflag:$0x2] =	stream.indirect.gather [hbm4b:s5+s15], $0x40, s11, s15, $0xb8;
	[tilespmem:$0x13D30] =	vst v63  }
0x329: {  	_ =	swait.ge [sflag:s19], $0x1400  }
0x32a: {  	[sflag:s19] =	ssyncset.done $0x0  }
0x32b: {  	[sflag:s19] =	ssyncadd.s32 $0xFFFFEC00  }
0x32c: {  	_ =	swait.ge [sflag:s19], $0x1400  }
0x32d: {  	s10 =	sadd.s32 $0x116C0, s8;
	[sflag:s19] =	ssyncset.done $0x0  }
0x32e: {  	s9 =	simm.s32 $0x0;
	v0 =	vmov s10;
	[sflag:s19] =	ssyncadd.s32 $0xFFFFEC00  }
.LBB2_53:
0x32f: {  	s10 =	sshll.u32 s9, $0x4;
	v2 =	vlaneseq.u32  }
0x330: {  	v1 =	vmov s10;
	v3 =	vmul.u32 $0x40, v2  }
0x331: {  	v1 =	vshll.u32 v1, $0x6  }
0x332: {  	v1 =	vor.u32 v3, v1  }
0x333: {  	v4 =	vadd.s32 $0x1, v2;
	v3 =	vor.u32 v1, v2  }
0x334: {  	v4 =	vand.u32 $0x3F, v4  }
0x335: {  	v5 =	vadd.s32 $0x2, v2;
	v4 =	vor.u32 v1, v4  }
0x336: {  	v5 =	vand.u32 $0x3F, v5  }
0x337: {  	v6 =	vadd.s32 $0x3, v2;
	v5 =	vor.u32 v1, v5  }
0x338: {  	v6 =	vand.u32 $0x3F, v6;
	v8 =	vld.idx.msk [tilespmem:v3+s22+$0x0], $0xffff  }
0x339: {  	v9 =	vor.u32 v1, v6;
	v10 =	vld.idx.msk [tilespmem:v3+s24+$0x0], $0xffff;
	v3 =	vadd.s32 $0x4, v2  }
0x33a: {  	v11 =	vld.idx.msk [tilespmem:v4+s22+$0x0], $0xffff;
	v3 =	vand.u32 $0x3F, v3  }
0x33b: {  	v12 =	vld.idx.msk [tilespmem:v4+s24+$0x0], $0xffff;
	v4 =	vadd.s32 $0x5, v2;
	v14 =	vor.u32 v1, v3  }
0x33c: {  	v7 =	vld.idx.msk [tilespmem:v5+s24+$0x0], $0xffff;
	v4 =	vand.u32 $0x3F, v4  }
0x33d: {  	v3 =	vld.idx.msk [tilespmem:v5+s22+$0x0], $0xffff;
	v6 =	vor.u32 v1, v4;
	v5 =	vadd.s32 $0x6, v2  }
0x33e: {  	v4 =	vld.idx.msk [tilespmem:v9+s22+$0x0], $0xffff;
	v5 =	vand.u32 $0x3F, v5  }
0x33f: {  	v13 =	vadd.s32 $0x7, v2;
	v9 =	vld.idx.msk [tilespmem:v9+s24+$0x0], $0xffff;
	v10 =	vmul.bf16 v10, v8;
	v8 =	vor.u32 v1, v5  }
0x340: {  	v15 =	vimm.bf16 $0.0e+00;
	v16 =	vand.u32 $0x3F, v13;
	v5 =	vld.idx.msk [tilespmem:v14+s22+$0x0], $0xffff  }
0x341: {  	v2 =	vadd.s32 $0x8, v2;
	v13 =	vmul.bf16 v12, v11;
	v12 =	vor.u32 v1, v16;
	v11 =	vld.idx.msk [tilespmem:v14+s24+$0x0], $0xffff  }
0x342: {  	s11 =	simm.s32 $0x0;
	v2 =	vand.u32 $0x3F, v2;
	v14 =	vadd.bf16 v10, v15;
	v10 =	vld.idx.msk [tilespmem:v6+s22+$0x0], $0xffff  }
.LBB2_54:
0x343: {  	v15 =	vor.u32 v1, v2;
	v16 =	vadd.s32 $0x1, v2;
	s11 =	sadd.s32 $0x8, s11;
	v3 =	vmul.bf16 v7, v3;
	v6 =	vld.idx.msk [tilespmem:v6+s24+$0x0], $0xffff  }
0x344: {  	v7 =	vand.u32 $0x3F, v16;
	v16 =	vadd.s32 $0x2, v2;
	p0 =	slt.u32 s11, $0x38;
	v13 =	vadd.bf16 v13, v14;
	v14 =	vld.idx.msk [tilespmem:v8+s22+$0x0], $0xffff  }
0x345: {  	v4 =	vmul.bf16 v9, v4;
	v7 =	vor.u32 v1, v7;
	v8 =	vld.idx.msk [tilespmem:v8+s24+$0x0], $0xffff  }
0x346: {  	v9 =	vand.u32 $0x3F, v16;
	v3 =	vadd.bf16 v3, v13;
	v13 =	vld.idx.msk [tilespmem:v12+s22+$0x0], $0xffff  }
0x347: {  	v16 =	vadd.s32 $0x3, v2;
	v9 =	vor.u32 v1, v9;
	v5 =	vmul.bf16 v11, v5;
	v11 =	vld.idx.msk [tilespmem:v12+s24+$0x0], $0xffff  }
0x348: {  	v16 =	vand.u32 $0x3F, v16;
	v12 =	vld.idx.msk [tilespmem:v15+s22+$0x0], $0xffff;
	v3 =	vadd.bf16 v4, v3  }
0x349: {  	v16 =	vor.u32 v1, v16;
	v4 =	vadd.s32 $0x4, v2;
	v6 =	vmul.bf16 v6, v10;
	v15 =	vld.idx.msk [tilespmem:v15+s24+$0x0], $0xffff  }
0x34a: {  	v4 =	vand.u32 $0x3F, v4;
	v10 =	vld.idx.msk [tilespmem:v7+s22+$0x0], $0xffff;
	v5 =	vadd.bf16 v5, v3  }
0x34b: {  	v18 =	vor.u32 v1, v4;
	v4 =	vadd.s32 $0x5, v2;
	v8 =	vmul.bf16 v8, v14;
	v17 =	vld.idx.msk [tilespmem:v7+s24+$0x0], $0xffff  }
0x34c: {  	v4 =	vand.u32 $0x3F, v4;
	v3 =	vld.idx.msk [tilespmem:v9+s22+$0x0], $0xffff;
	v5 =	vadd.bf16 v6, v5  }
0x34d: {  	v6 =	vor.u32 v1, v4;
	v11 =	vmul.bf16 v11, v13;
	v7 =	vld.idx.msk [tilespmem:v9+s24+$0x0], $0xffff;
	v9 =	vadd.s32 $0x6, v2  }
.Ltmp25:
0x34e: {  	v4 =	vld.idx.msk [tilespmem:v16+s22+$0x0], $0xffff;
	v13 =	vand.u32 $0x3F, v9;
	v14 =	vadd.bf16 v8, v5;
	(pc) =	sbr.rel @p0 .LBB2_54-.Ltmp25, $4  }
0x34f: {  	v15 =	vmul.bf16 v15, v12;
	v12 =	vadd.s32 $0x7, v2;
	v9 =	vld.idx.msk [tilespmem:v16+s24+$0x0], $0xffff;
	v8 =	vor.u32 v1, v13  }
0x350: {  	v12 =	vand.u32 $0x3F, v12;
	v5 =	vld.idx.msk [tilespmem:v18+s22+$0x0], $0xffff;
	v14 =	vadd.bf16 v11, v14  }
0x351: {  	v2 =	vadd.s32 $0x8, v2;
	v13 =	vmul.bf16 v17, v10;
	v12 =	vor.u32 v1, v12;
	v11 =	vld.idx.msk [tilespmem:v18+s24+$0x0], $0xffff  }
0x352: {  	v2 =	vand.u32 $0x3F, v2;
	v14 =	vadd.bf16 v15, v14;
	v10 =	vld.idx.msk [tilespmem:v6+s22+$0x0], $0xffff  }
0x353: {  	_ =	sdelay $0x2  }
0x354: {  	v1 =	vmul.bf16 v7, v3;
	v2 =	vadd.bf16 v13, v14  }
0x355: {  	v3 =	vld.idx.msk [tilespmem:v6+s24+$0x0], $0xffff  }
0x356: {  	v61 =	vld.idx.msk [tilespmem:v8+s22+$0x0], $0xffff;
	v4 =	vmul.bf16 v9, v4;
	v1 =	vadd.bf16 v1, v2  }
0x357: {  	v2 =	vld.idx.msk [tilespmem:v8+s24+$0x0], $0xffff  }
0x358: {  	v62 =	vld.idx.msk [tilespmem:v12+s22+$0x0], $0xffff;
	v5 =	vmul.bf16 v11, v5;
	v1 =	vadd.bf16 v4, v1  }
0x359: {  	v63 =	vld.idx.msk [tilespmem:v12+s24+$0x0], $0xffff  }
0x35a: {  	v3 =	vmul.bf16 v3, v10;
	v1 =	vadd.bf16 v5, v1;
	_ =	sdelay $0x1  }
0x35b: {  	v2 =	vmul.bf16 v2, v61;
	v1 =	vadd.bf16 v3, v1;
	_ =	sdelay $0x1  }
0x35c: {  	v3 =	vmul.bf16 v63, v62;
	v1 =	vadd.bf16 v2, v1  }
0x35d: {  	s9 =	sadd.s32 $0x1, s9  }
0x35e: {  	p0 =	sne.s32 s9, $0x5;
	v1 =	vadd.bf16 v3, v1  }
.Ltmp26:
0x35f: {  	_ = 	snop;
	(pc) =	sbr.rel @p0 .LBB2_53-.Ltmp26, $3  }
0x360: {  	v2 =	vunpack.i.u.bf16.f32 v1;
	v1 =	vunpack.i.l.bf16.f32 v1  }
0x361: {  	v1 =	vadd.f32 v1, v2;
	_ =	sdelay $0x1  }
0x362: {  	[tilespmem:v0+s10+$0x0 ss:$0x1] =	vst.idx.msk $0xffff, v1  }
0x363: {  	s9 =	sadd.s32 $0x230, s7  }
0x364: {  	[tilespmem:s22], [sflag:$0x3] =	stream.indirect.gather [hbm4b:s4+s15], $0x40, s9, s15, $0xb8;
	[tilespmem:$0x13D30] =	vst v63  }
0x365: {  	s10 =	sadd.s32 $0x2940, s7  }
0x366: {  	[tilespmem:s24], [sflag:$0x3] =	stream.indirect.gather [hbm4b:s5+s15], $0x40, s10, s15, $0xb8;
	[tilespmem:$0x13D30] =	vst v63  }
0x367: {  	_ =	swait.ge [sflag:s21], $0x1400  }
0x368: {  	[sflag:s21] =	ssyncset.done $0x0  }
0x369: {  	[sflag:s21] =	ssyncadd.s32 $0xFFFFEC00  }
0x36a: {  	_ =	swait.ge [sflag:s21], $0x1400  }
0x36b: {  	s11 =	sadd.s32 $0x11710, s8;
	[sflag:s21] =	ssyncset.done $0x0  }
0x36c: {  	s8 =	simm.s32 $0x0;
	v0 =	vmov s11;
	[sflag:s21] =	ssyncadd.s32 $0xFFFFEC00  }
.LBB2_57:
0x36d: {  	s9 =	sshll.u32 s8, $0x4;
	v2 =	vlaneseq.u32  }
0x36e: {  	v1 =	vmov s9;
	v3 =	vmul.u32 $0x40, v2  }
0x36f: {  	v1 =	vshll.u32 v1, $0x6  }
0x370: {  	v1 =	vor.u32 v3, v1  }
0x371: {  	v4 =	vadd.s32 $0x1, v2;
	v3 =	vor.u32 v1, v2  }
0x372: {  	v4 =	vand.u32 $0x3F, v4  }
0x373: {  	v5 =	vadd.s32 $0x2, v2;
	v4 =	vor.u32 v1, v4  }
0x374: {  	v5 =	vand.u32 $0x3F, v5  }
0x375: {  	v6 =	vadd.s32 $0x3, v2;
	v5 =	vor.u32 v1, v5  }
0x376: {  	v6 =	vand.u32 $0x3F, v6;
	v8 =	vld.idx.msk [tilespmem:v3+s26+$0x0], $0xffff  }
0x377: {  	v9 =	vor.u32 v1, v6;
	v10 =	vld.idx.msk [tilespmem:v3+s29+$0x0], $0xffff;
	v3 =	vadd.s32 $0x4, v2  }
0x378: {  	v11 =	vld.idx.msk [tilespmem:v4+s26+$0x0], $0xffff;
	v3 =	vand.u32 $0x3F, v3  }
0x379: {  	v12 =	vld.idx.msk [tilespmem:v4+s29+$0x0], $0xffff;
	v4 =	vadd.s32 $0x5, v2;
	v14 =	vor.u32 v1, v3  }
0x37a: {  	v7 =	vld.idx.msk [tilespmem:v5+s29+$0x0], $0xffff;
	v4 =	vand.u32 $0x3F, v4  }
0x37b: {  	v3 =	vld.idx.msk [tilespmem:v5+s26+$0x0], $0xffff;
	v6 =	vor.u32 v1, v4;
	v5 =	vadd.s32 $0x6, v2  }
0x37c: {  	v4 =	vld.idx.msk [tilespmem:v9+s26+$0x0], $0xffff;
	v5 =	vand.u32 $0x3F, v5  }
0x37d: {  	v13 =	vadd.s32 $0x7, v2;
	v9 =	vld.idx.msk [tilespmem:v9+s29+$0x0], $0xffff;
	v10 =	vmul.bf16 v10, v8;
	v8 =	vor.u32 v1, v5  }
0x37e: {  	v15 =	vimm.bf16 $0.0e+00;
	v16 =	vand.u32 $0x3F, v13;
	v5 =	vld.idx.msk [tilespmem:v14+s26+$0x0], $0xffff  }
0x37f: {  	v2 =	vadd.s32 $0x8, v2;
	v13 =	vmul.bf16 v12, v11;
	v12 =	vor.u32 v1, v16;
	v11 =	vld.idx.msk [tilespmem:v14+s29+$0x0], $0xffff  }
0x380: {  	s10 =	simm.s32 $0x0;
	v2 =	vand.u32 $0x3F, v2;
	v14 =	vadd.bf16 v10, v15;
	v10 =	vld.idx.msk [tilespmem:v6+s26+$0x0], $0xffff  }
.LBB2_58:
0x381: {  	v15 =	vor.u32 v1, v2;
	v16 =	vadd.s32 $0x1, v2;
	s10 =	sadd.s32 $0x8, s10;
	v3 =	vmul.bf16 v7, v3;
	v6 =	vld.idx.msk [tilespmem:v6+s29+$0x0], $0xffff  }
0x382: {  	v7 =	vand.u32 $0x3F, v16;
	v16 =	vadd.s32 $0x2, v2;
	p0 =	slt.u32 s10, $0x38;
	v13 =	vadd.bf16 v13, v14;
	v14 =	vld.idx.msk [tilespmem:v8+s26+$0x0], $0xffff  }
0x383: {  	v4 =	vmul.bf16 v9, v4;
	v7 =	vor.u32 v1, v7;
	v8 =	vld.idx.msk [tilespmem:v8+s29+$0x0], $0xffff  }
0x384: {  	v9 =	vand.u32 $0x3F, v16;
	v3 =	vadd.bf16 v3, v13;
	v13 =	vld.idx.msk [tilespmem:v12+s26+$0x0], $0xffff  }
0x385: {  	v16 =	vadd.s32 $0x3, v2;
	v9 =	vor.u32 v1, v9;
	v5 =	vmul.bf16 v11, v5;
	v11 =	vld.idx.msk [tilespmem:v12+s29+$0x0], $0xffff  }
0x386: {  	v16 =	vand.u32 $0x3F, v16;
	v12 =	vld.idx.msk [tilespmem:v15+s26+$0x0], $0xffff;
	v3 =	vadd.bf16 v4, v3  }
0x387: {  	v16 =	vor.u32 v1, v16;
	v4 =	vadd.s32 $0x4, v2;
	v6 =	vmul.bf16 v6, v10;
	v15 =	vld.idx.msk [tilespmem:v15+s29+$0x0], $0xffff  }
0x388: {  	v4 =	vand.u32 $0x3F, v4;
	v10 =	vld.idx.msk [tilespmem:v7+s26+$0x0], $0xffff;
	v5 =	vadd.bf16 v5, v3  }
0x389: {  	v18 =	vor.u32 v1, v4;
	v4 =	vadd.s32 $0x5, v2;
	v8 =	vmul.bf16 v8, v14;
	v17 =	vld.idx.msk [tilespmem:v7+s29+$0x0], $0xffff  }
0x38a: {  	v4 =	vand.u32 $0x3F, v4;
	v3 =	vld.idx.msk [tilespmem:v9+s26+$0x0], $0xffff;
	v5 =	vadd.bf16 v6, v5  }
0x38b: {  	v6 =	vor.u32 v1, v4;
	v11 =	vmul.bf16 v11, v13;
	v7 =	vld.idx.msk [tilespmem:v9+s29+$0x0], $0xffff;
	v9 =	vadd.s32 $0x6, v2  }
.Ltmp27:
0x38c: {  	v4 =	vld.idx.msk [tilespmem:v16+s26+$0x0], $0xffff;
	v13 =	vand.u32 $0x3F, v9;
	v14 =	vadd.bf16 v8, v5;
	(pc) =	sbr.rel @p0 .LBB2_58-.Ltmp27, $4  }
0x38d: {  	v15 =	vmul.bf16 v15, v12;
	v12 =	vadd.s32 $0x7, v2;
	v9 =	vld.idx.msk [tilespmem:v16+s29+$0x0], $0xffff;
	v8 =	vor.u32 v1, v13  }
0x38e: {  	v12 =	vand.u32 $0x3F, v12;
	v5 =	vld.idx.msk [tilespmem:v18+s26+$0x0], $0xffff;
	v14 =	vadd.bf16 v11, v14  }
0x38f: {  	v2 =	vadd.s32 $0x8, v2;
	v13 =	vmul.bf16 v17, v10;
	v12 =	vor.u32 v1, v12;
	v11 =	vld.idx.msk [tilespmem:v18+s29+$0x0], $0xffff  }
0x390: {  	v2 =	vand.u32 $0x3F, v2;
	v14 =	vadd.bf16 v15, v14;
	v10 =	vld.idx.msk [tilespmem:v6+s26+$0x0], $0xffff  }
0x391: {  	_ =	sdelay $0x2  }
0x392: {  	v1 =	vmul.bf16 v7, v3;
	v2 =	vadd.bf16 v13, v14  }
0x393: {  	v3 =	vld.idx.msk [tilespmem:v6+s29+$0x0], $0xffff  }
0x394: {  	v61 =	vld.idx.msk [tilespmem:v8+s26+$0x0], $0xffff;
	v4 =	vmul.bf16 v9, v4;
	v1 =	vadd.bf16 v1, v2  }
0x395: {  	v2 =	vld.idx.msk [tilespmem:v8+s29+$0x0], $0xffff  }
0x396: {  	v62 =	vld.idx.msk [tilespmem:v12+s26+$0x0], $0xffff;
	v5 =	vmul.bf16 v11, v5;
	v1 =	vadd.bf16 v4, v1  }
0x397: {  	v63 =	vld.idx.msk [tilespmem:v12+s29+$0x0], $0xffff  }
0x398: {  	v3 =	vmul.bf16 v3, v10;
	v1 =	vadd.bf16 v5, v1;
	_ =	sdelay $0x1  }
0x399: {  	v2 =	vmul.bf16 v2, v61;
	v1 =	vadd.bf16 v3, v1;
	_ =	sdelay $0x1  }
0x39a: {  	v3 =	vmul.bf16 v63, v62;
	v1 =	vadd.bf16 v2, v1  }
0x39b: {  	s8 =	sadd.s32 $0x1, s8  }
0x39c: {  	p0 =	sne.s32 s8, $0x5;
	v1 =	vadd.bf16 v3, v1  }
.Ltmp28:
0x39d: {  	_ = 	snop;
	(pc) =	sbr.rel @p0 .LBB2_57-.Ltmp28, $3  }
0x39e: {  	v2 =	vunpack.i.u.bf16.f32 v1;
	v1 =	vunpack.i.l.bf16.f32 v1  }
0x39f: {  	v1 =	vadd.f32 v1, v2;
	_ =	sdelay $0x1  }
0x3a0: {  	[tilespmem:v0+s9+$0x0 ss:$0x1] =	vst.idx.msk $0xffff, v1  }
0x3a1: {  	s8 =	sadd.s32 $0x280, s7  }
0x3a2: {  	[tilespmem:s26], [sflag:$0x4] =	stream.indirect.gather [hbm4b:s4+s15], $0x40, s8, s15, $0xb8;
	[tilespmem:$0x13D30] =	vst v63  }
0x3a3: {  	s10 =	sadd.s32 $0x2990, s7  }
0x3a4: {  	[tilespmem:s29], [sflag:$0x4] =	stream.indirect.gather [hbm4b:s5+s15], $0x40, s10, s15, $0xb8;
	[tilespmem:$0x13D30] =	vst v63  }
0x3a5: {  	_ =	swait.ge [sflag:s23], $0x1400  }
0x3a6: {  	[sflag:s23] =	ssyncset.done $0x0  }
0x3a7: {  	[sflag:s23] =	ssyncadd.s32 $0xFFFFEC00  }
0x3a8: {  	_ =	swait.ge [sflag:s23], $0x1400  }
0x3a9: {  	s11 =	sadd.s32 $0x11620, s6;
	[sflag:s23] =	ssyncset.done $0x0  }
0x3aa: {  	s6 =	simm.s32 $0x0;
	v0 =	vmov s11;
	[sflag:s23] =	ssyncadd.s32 $0xFFFFEC00  }
.LBB2_61:
0x3ab: {  	s7 =	sshll.u32 s6, $0x4;
	v2 =	vlaneseq.u32  }
0x3ac: {  	v1 =	vmov s7;
	v3 =	vmul.u32 $0x40, v2  }
0x3ad: {  	v1 =	vshll.u32 v1, $0x6  }
0x3ae: {  	v1 =	vor.u32 v3, v1  }
0x3af: {  	v4 =	vadd.s32 $0x1, v2;
	v3 =	vor.u32 v1, v2  }
0x3b0: {  	v4 =	vand.u32 $0x3F, v4  }
0x3b1: {  	v5 =	vadd.s32 $0x2, v2;
	v4 =	vor.u32 v1, v4  }
0x3b2: {  	v5 =	vand.u32 $0x3F, v5  }
0x3b3: {  	v6 =	vadd.s32 $0x3, v2;
	v5 =	vor.u32 v1, v5  }
0x3b4: {  	v6 =	vand.u32 $0x3F, v6;
	v8 =	vld.idx.msk [tilespmem:v3+s30+$0x0], $0xffff  }
0x3b5: {  	v9 =	vor.u32 v1, v6;
	v10 =	vld.idx.msk [tilespmem:v3+s31+$0x0], $0xffff;
	v3 =	vadd.s32 $0x4, v2  }
0x3b6: {  	v11 =	vld.idx.msk [tilespmem:v4+s30+$0x0], $0xffff;
	v3 =	vand.u32 $0x3F, v3  }
0x3b7: {  	v12 =	vld.idx.msk [tilespmem:v4+s31+$0x0], $0xffff;
	v4 =	vadd.s32 $0x5, v2;
	v14 =	vor.u32 v1, v3  }
0x3b8: {  	v7 =	vld.idx.msk [tilespmem:v5+s31+$0x0], $0xffff;
	v4 =	vand.u32 $0x3F, v4  }
0x3b9: {  	v3 =	vld.idx.msk [tilespmem:v5+s30+$0x0], $0xffff;
	v6 =	vor.u32 v1, v4;
	v5 =	vadd.s32 $0x6, v2  }
0x3ba: {  	v4 =	vld.idx.msk [tilespmem:v9+s30+$0x0], $0xffff;
	v5 =	vand.u32 $0x3F, v5  }
0x3bb: {  	v13 =	vadd.s32 $0x7, v2;
	v9 =	vld.idx.msk [tilespmem:v9+s31+$0x0], $0xffff;
	v10 =	vmul.bf16 v10, v8;
	v8 =	vor.u32 v1, v5  }
0x3bc: {  	v15 =	vimm.bf16 $0.0e+00;
	v16 =	vand.u32 $0x3F, v13;
	v5 =	vld.idx.msk [tilespmem:v14+s30+$0x0], $0xffff  }
0x3bd: {  	v2 =	vadd.s32 $0x8, v2;
	v13 =	vmul.bf16 v12, v11;
	v12 =	vor.u32 v1, v16;
	v11 =	vld.idx.msk [tilespmem:v14+s31+$0x0], $0xffff  }
0x3be: {  	s8 =	simm.s32 $0x0;
	v2 =	vand.u32 $0x3F, v2;
	v14 =	vadd.bf16 v10, v15;
	v10 =	vld.idx.msk [tilespmem:v6+s30+$0x0], $0xffff  }
.LBB2_62:
0x3bf: {  	v15 =	vor.u32 v1, v2;
	v16 =	vadd.s32 $0x1, v2;
	s8 =	sadd.s32 $0x8, s8;
	v3 =	vmul.bf16 v7, v3;
	v6 =	vld.idx.msk [tilespmem:v6+s31+$0x0], $0xffff  }
0x3c0: {  	v7 =	vand.u32 $0x3F, v16;
	v16 =	vadd.s32 $0x2, v2;
	p0 =	slt.u32 s8, $0x38;
	v13 =	vadd.bf16 v13, v14;
	v14 =	vld.idx.msk [tilespmem:v8+s30+$0x0], $0xffff  }
0x3c1: {  	v4 =	vmul.bf16 v9, v4;
	v7 =	vor.u32 v1, v7;
	v8 =	vld.idx.msk [tilespmem:v8+s31+$0x0], $0xffff  }
0x3c2: {  	v9 =	vand.u32 $0x3F, v16;
	v3 =	vadd.bf16 v3, v13;
	v13 =	vld.idx.msk [tilespmem:v12+s30+$0x0], $0xffff  }
0x3c3: {  	v16 =	vadd.s32 $0x3, v2;
	v9 =	vor.u32 v1, v9;
	v5 =	vmul.bf16 v11, v5;
	v11 =	vld.idx.msk [tilespmem:v12+s31+$0x0], $0xffff  }
0x3c4: {  	v16 =	vand.u32 $0x3F, v16;
	v12 =	vld.idx.msk [tilespmem:v15+s30+$0x0], $0xffff;
	v3 =	vadd.bf16 v4, v3  }
0x3c5: {  	v16 =	vor.u32 v1, v16;
	v4 =	vadd.s32 $0x4, v2;
	v6 =	vmul.bf16 v6, v10;
	v15 =	vld.idx.msk [tilespmem:v15+s31+$0x0], $0xffff  }
0x3c6: {  	v4 =	vand.u32 $0x3F, v4;
	v10 =	vld.idx.msk [tilespmem:v7+s30+$0x0], $0xffff;
	v5 =	vadd.bf16 v5, v3  }
0x3c7: {  	v18 =	vor.u32 v1, v4;
	v4 =	vadd.s32 $0x5, v2;
	v8 =	vmul.bf16 v8, v14;
	v17 =	vld.idx.msk [tilespmem:v7+s31+$0x0], $0xffff  }
0x3c8: {  	v4 =	vand.u32 $0x3F, v4;
	v3 =	vld.idx.msk [tilespmem:v9+s30+$0x0], $0xffff;
	v5 =	vadd.bf16 v6, v5  }
0x3c9: {  	v6 =	vor.u32 v1, v4;
	v11 =	vmul.bf16 v11, v13;
	v7 =	vld.idx.msk [tilespmem:v9+s31+$0x0], $0xffff;
	v9 =	vadd.s32 $0x6, v2  }
.Ltmp29:
0x3ca: {  	v4 =	vld.idx.msk [tilespmem:v16+s30+$0x0], $0xffff;
	v13 =	vand.u32 $0x3F, v9;
	v14 =	vadd.bf16 v8, v5;
	(pc) =	sbr.rel @p0 .LBB2_62-.Ltmp29, $4  }
0x3cb: {  	v15 =	vmul.bf16 v15, v12;
	v12 =	vadd.s32 $0x7, v2;
	v9 =	vld.idx.msk [tilespmem:v16+s31+$0x0], $0xffff;
	v8 =	vor.u32 v1, v13  }
0x3cc: {  	v12 =	vand.u32 $0x3F, v12;
	v5 =	vld.idx.msk [tilespmem:v18+s30+$0x0], $0xffff;
	v14 =	vadd.bf16 v11, v14  }
0x3cd: {  	v2 =	vadd.s32 $0x8, v2;
	v13 =	vmul.bf16 v17, v10;
	v12 =	vor.u32 v1, v12;
	v11 =	vld.idx.msk [tilespmem:v18+s31+$0x0], $0xffff  }
0x3ce: {  	v2 =	vand.u32 $0x3F, v2;
	v14 =	vadd.bf16 v15, v14;
	v10 =	vld.idx.msk [tilespmem:v6+s30+$0x0], $0xffff  }
0x3cf: {  	_ =	sdelay $0x2  }
0x3d0: {  	v1 =	vmul.bf16 v7, v3;
	v2 =	vadd.bf16 v13, v14  }
0x3d1: {  	v3 =	vld.idx.msk [tilespmem:v6+s31+$0x0], $0xffff  }
0x3d2: {  	v61 =	vld.idx.msk [tilespmem:v8+s30+$0x0], $0xffff;
	v4 =	vmul.bf16 v9, v4;
	v1 =	vadd.bf16 v1, v2  }
0x3d3: {  	v2 =	vld.idx.msk [tilespmem:v8+s31+$0x0], $0xffff  }
0x3d4: {  	v62 =	vld.idx.msk [tilespmem:v12+s30+$0x0], $0xffff;
	v5 =	vmul.bf16 v11, v5;
	v1 =	vadd.bf16 v4, v1  }
0x3d5: {  	v63 =	vld.idx.msk [tilespmem:v12+s31+$0x0], $0xffff  }
0x3d6: {  	v3 =	vmul.bf16 v3, v10;
	v1 =	vadd.bf16 v5, v1;
	_ =	sdelay $0x1  }
0x3d7: {  	v2 =	vmul.bf16 v2, v61;
	v1 =	vadd.bf16 v3, v1;
	_ =	sdelay $0x1  }
0x3d8: {  	v3 =	vmul.bf16 v63, v62;
	v1 =	vadd.bf16 v2, v1  }
0x3d9: {  	s6 =	sadd.s32 $0x1, s6  }
0x3da: {  	p0 =	sne.s32 s6, $0x5;
	v1 =	vadd.bf16 v3, v1  }
.Ltmp30:
0x3db: {  	_ = 	snop;
	(pc) =	sbr.rel @p0 .LBB2_61-.Ltmp30, $3  }
0x3dc: {  	v2 =	vunpack.i.u.bf16.f32 v1;
	v1 =	vunpack.i.l.bf16.f32 v1  }
0x3dd: {  	v1 =	vadd.f32 v1, v2;
	_ =	sdelay $0x1  }
0x3de: {  	[tilespmem:v0+s7+$0x0 ss:$0x1] =	vst.idx.msk $0xffff, v1  }
0x3df: {  	s25 =	sadd.s32 $0x1, s25  }
0x3e0: {  	p0 =	sne.s32 s25, $0x18  }
.Ltmp31:
0x3e1: {  	_ = 	snop;
	(pc) =	sbr.rel @p0 .LBB2_44-.Ltmp31, $1  }
0x3e2: {  	_ =	sdelay $0x3  }
0x3e3: {  	s6 =	simm.s32 $0x26C0  }
0x3e4: {  	[tilespmem:s30], [sflag:$0x5] =	stream.indirect.gather [hbm4b:s4+s15], $0x40, s6, s15, $0xb8;
	[tilespmem:$0x13D30] =	vst v63  }
0x3e5: {  	s25 =	simm.s32 $0x4DD0  }
0x3e6: {  	[tilespmem:s31], [sflag:$0x5] =	stream.indirect.gather [hbm4b:s5+s15], $0x40, s25, s15, $0xb8;
	[tilespmem:$0x13D30] =	vst v63  }
0x3e7: {  	_ =	swait.ge [sflag:s1], $0x1400  }
0x3e8: {  	[sflag:s1] =	ssyncset.done $0x0  }
0x3e9: {  	[sflag:s1] =	ssyncadd.s32 $0xFFFFEC00  }
0x3ea: {  	_ =	swait.ge [sflag:s1], $0x1400  }
0x3eb: {  	[sflag:s1] =	ssyncset.done $0x0  }
0x3ec: {  	s6 =	simm.s32 $0x0;
	[sflag:s1] =	ssyncadd.s32 $0xFFFFEC00  }
.LBB2_66:
0x3ed: {  	s7 =	sshll.u32 s6, $0x4;
	v1 =	vlaneseq.u32  }
0x3ee: {  	v0 =	vmov s7;
	v2 =	vmul.u32 $0x40, v1  }
0x3ef: {  	v0 =	vshll.u32 v0, $0x6  }
0x3f0: {  	v0 =	vor.u32 v2, v0  }
0x3f1: {  	v3 =	vadd.s32 $0x1, v1;
	v2 =	vor.u32 v0, v1  }
0x3f2: {  	v3 =	vand.u32 $0x3F, v3  }
0x3f3: {  	v4 =	vadd.s32 $0x2, v1;
	v3 =	vor.u32 v0, v3  }
0x3f4: {  	v4 =	vand.u32 $0x3F, v4  }
0x3f5: {  	v5 =	vadd.s32 $0x3, v1;
	v4 =	vor.u32 v0, v4  }
0x3f6: {  	v5 =	vand.u32 $0x3F, v5;
	v7 =	vld.idx.msk [tilespmem:v2+s16+$0x0], $0xffff  }
0x3f7: {  	v8 =	vor.u32 v0, v5;
	v9 =	vld.idx.msk [tilespmem:v2+s17+$0x0], $0xffff;
	v2 =	vadd.s32 $0x4, v1  }
0x3f8: {  	v10 =	vld.idx.msk [tilespmem:v3+s16+$0x0], $0xffff;
	v2 =	vand.u32 $0x3F, v2  }
0x3f9: {  	v11 =	vld.idx.msk [tilespmem:v3+s17+$0x0], $0xffff;
	v3 =	vadd.s32 $0x5, v1;
	v13 =	vor.u32 v0, v2  }
0x3fa: {  	v6 =	vld.idx.msk [tilespmem:v4+s17+$0x0], $0xffff;
	v3 =	vand.u32 $0x3F, v3  }
0x3fb: {  	v2 =	vld.idx.msk [tilespmem:v4+s16+$0x0], $0xffff;
	v5 =	vor.u32 v0, v3;
	v4 =	vadd.s32 $0x6, v1  }
0x3fc: {  	v3 =	vld.idx.msk [tilespmem:v8+s16+$0x0], $0xffff;
	v4 =	vand.u32 $0x3F, v4  }
0x3fd: {  	v12 =	vadd.s32 $0x7, v1;
	v8 =	vld.idx.msk [tilespmem:v8+s17+$0x0], $0xffff;
	v9 =	vmul.bf16 v9, v7;
	v7 =	vor.u32 v0, v4  }
0x3fe: {  	v14 =	vimm.bf16 $0.0e+00;
	v15 =	vand.u32 $0x3F, v12;
	v4 =	vld.idx.msk [tilespmem:v13+s16+$0x0], $0xffff  }
0x3ff: {  	v1 =	vadd.s32 $0x8, v1;
	v12 =	vmul.bf16 v11, v10;
	v11 =	vor.u32 v0, v15;
	v10 =	vld.idx.msk [tilespmem:v13+s17+$0x0], $0xffff  }
0x400: {  	s8 =	simm.s32 $0x0;
	v1 =	vand.u32 $0x3F, v1;
	v13 =	vadd.bf16 v9, v14;
	v9 =	vld.idx.msk [tilespmem:v5+s16+$0x0], $0xffff  }
.LBB2_67:
0x401: {  	v14 =	vor.u32 v0, v1;
	v15 =	vadd.s32 $0x1, v1;
	s8 =	sadd.s32 $0x8, s8;
	v2 =	vmul.bf16 v6, v2;
	v5 =	vld.idx.msk [tilespmem:v5+s17+$0x0], $0xffff  }
0x402: {  	v6 =	vand.u32 $0x3F, v15;
	v15 =	vadd.s32 $0x2, v1;
	p0 =	slt.u32 s8, $0x38;
	v12 =	vadd.bf16 v12, v13;
	v13 =	vld.idx.msk [tilespmem:v7+s16+$0x0], $0xffff  }
0x403: {  	v3 =	vmul.bf16 v8, v3;
	v6 =	vor.u32 v0, v6;
	v7 =	vld.idx.msk [tilespmem:v7+s17+$0x0], $0xffff  }
0x404: {  	v8 =	vand.u32 $0x3F, v15;
	v2 =	vadd.bf16 v2, v12;
	v12 =	vld.idx.msk [tilespmem:v11+s16+$0x0], $0xffff  }
0x405: {  	v15 =	vadd.s32 $0x3, v1;
	v8 =	vor.u32 v0, v8;
	v4 =	vmul.bf16 v10, v4;
	v10 =	vld.idx.msk [tilespmem:v11+s17+$0x0], $0xffff  }
0x406: {  	v15 =	vand.u32 $0x3F, v15;
	v11 =	vld.idx.msk [tilespmem:v14+s16+$0x0], $0xffff;
	v2 =	vadd.bf16 v3, v2  }
0x407: {  	v15 =	vor.u32 v0, v15;
	v3 =	vadd.s32 $0x4, v1;
	v5 =	vmul.bf16 v5, v9;
	v14 =	vld.idx.msk [tilespmem:v14+s17+$0x0], $0xffff  }
0x408: {  	v3 =	vand.u32 $0x3F, v3;
	v9 =	vld.idx.msk [tilespmem:v6+s16+$0x0], $0xffff;
	v4 =	vadd.bf16 v4, v2  }
0x409: {  	v17 =	vor.u32 v0, v3;
	v3 =	vadd.s32 $0x5, v1;
	v7 =	vmul.bf16 v7, v13;
	v16 =	vld.idx.msk [tilespmem:v6+s17+$0x0], $0xffff  }
0x40a: {  	v3 =	vand.u32 $0x3F, v3;
	v2 =	vld.idx.msk [tilespmem:v8+s16+$0x0], $0xffff;
	v4 =	vadd.bf16 v5, v4  }
0x40b: {  	v5 =	vor.u32 v0, v3;
	v10 =	vmul.bf16 v10, v12;
	v6 =	vld.idx.msk [tilespmem:v8+s17+$0x0], $0xffff;
	v8 =	vadd.s32 $0x6, v1  }
.Ltmp32:
0x40c: {  	v3 =	vld.idx.msk [tilespmem:v15+s16+$0x0], $0xffff;
	v12 =	vand.u32 $0x3F, v8;
	v13 =	vadd.bf16 v7, v4;
	(pc) =	sbr.rel @p0 .LBB2_67-.Ltmp32, $4  }
0x40d: {  	v14 =	vmul.bf16 v14, v11;
	v11 =	vadd.s32 $0x7, v1;
	v8 =	vld.idx.msk [tilespmem:v15+s17+$0x0], $0xffff;
	v7 =	vor.u32 v0, v12  }
0x40e: {  	v11 =	vand.u32 $0x3F, v11;
	v4 =	vld.idx.msk [tilespmem:v17+s16+$0x0], $0xffff;
	v13 =	vadd.bf16 v10, v13  }
0x40f: {  	v1 =	vadd.s32 $0x8, v1;
	v12 =	vmul.bf16 v16, v9;
	v11 =	vor.u32 v0, v11;
	v10 =	vld.idx.msk [tilespmem:v17+s17+$0x0], $0xffff  }
0x410: {  	v1 =	vand.u32 $0x3F, v1;
	v13 =	vadd.bf16 v14, v13;
	v9 =	vld.idx.msk [tilespmem:v5+s16+$0x0], $0xffff  }
0x411: {  	_ =	sdelay $0x2  }
0x412: {  	v0 =	vmul.bf16 v6, v2;
	v1 =	vadd.bf16 v12, v13  }
0x413: {  	v57 =	vld.idx.msk [tilespmem:v5+s17+$0x0], $0xffff  }
0x414: {  	v58 =	vld.idx.msk [tilespmem:v7+s16+$0x0], $0xffff;
	v3 =	vmul.bf16 v8, v3;
	v0 =	vadd.bf16 v0, v1  }
0x415: {  	v59 =	vld.idx.msk [tilespmem:v7+s17+$0x0], $0xffff  }
0x416: {  	v60 =	vld.idx.msk [tilespmem:v11+s16+$0x0], $0xffff;
	v4 =	vmul.bf16 v10, v4;
	v0 =	vadd.bf16 v3, v0  }
0x417: {  	v61 =	vld.idx.msk [tilespmem:v11+s17+$0x0], $0xffff  }
0x418: {  	v2 =	vmul.bf16 v57, v9;
	v0 =	vadd.bf16 v4, v0;
	_ =	sdelay $0x1  }
0x419: {  	v1 =	vmul.bf16 v59, v58;
	v0 =	vadd.bf16 v2, v0;
	_ =	sdelay $0x1  }
0x41a: {  	v62 =	vmul.bf16 v61, v60;
	v0 =	vadd.bf16 v1, v0  }
0x41b: {  	s6 =	sadd.s32 $0x1, s6  }
0x41c: {  	p0 =	sne.s32 s6, $0x5;
	v0 =	vadd.bf16 v62, v0  }
.Ltmp33:
0x41d: {  	_ = 	snop;
	(pc) =	sbr.rel @p0 .LBB2_66-.Ltmp33, $3  }
0x41e: {  	v63 =	vunpack.i.u.bf16.f32 v0;
	v0 =	vunpack.i.l.bf16.f32 v0  }
0x41f: {  	v0 =	vadd.f32 v0, v63;
	_ =	sdelay $0x1  }
0x420: {  	[tilespmem:s7+$0x13BA0] =	vst v0  }
0x421: {  	_ =	swait.ge [sflag:s0], $0x1400  }
0x422: {  	[sflag:s0] =	ssyncset.done $0x0  }
0x423: {  	[sflag:s0] =	ssyncadd.s32 $0xFFFFEC00  }
0x424: {  	_ =	swait.ge [sflag:s0], $0x1400  }
0x425: {  	[sflag:s0] =	ssyncset.done $0x0  }
0x426: {  	s6 =	simm.s32 $0x0;
	[sflag:s0] =	ssyncadd.s32 $0xFFFFEC00  }
.LBB2_70:
0x427: {  	s7 =	sshll.u32 s6, $0x4;
	v1 =	vlaneseq.u32  }
0x428: {  	v0 =	vmov s7;
	v2 =	vmul.u32 $0x40, v1  }
0x429: {  	v0 =	vshll.u32 v0, $0x6  }
0x42a: {  	v0 =	vor.u32 v2, v0  }
0x42b: {  	v3 =	vadd.s32 $0x1, v1;
	v2 =	vor.u32 v0, v1  }
0x42c: {  	v3 =	vand.u32 $0x3F, v3  }
0x42d: {  	v4 =	vadd.s32 $0x2, v1;
	v3 =	vor.u32 v0, v3  }
0x42e: {  	v4 =	vand.u32 $0x3F, v4  }
0x42f: {  	v5 =	vadd.s32 $0x3, v1;
	v4 =	vor.u32 v0, v4  }
0x430: {  	v5 =	vand.u32 $0x3F, v5;
	v7 =	vld.idx.msk [tilespmem:v2+s18+$0x0], $0xffff  }
0x431: {  	v8 =	vor.u32 v0, v5;
	v9 =	vld.idx.msk [tilespmem:v2+s20+$0x0], $0xffff;
	v2 =	vadd.s32 $0x4, v1  }
0x432: {  	v10 =	vld.idx.msk [tilespmem:v3+s18+$0x0], $0xffff;
	v2 =	vand.u32 $0x3F, v2  }
0x433: {  	v11 =	vld.idx.msk [tilespmem:v3+s20+$0x0], $0xffff;
	v3 =	vadd.s32 $0x5, v1;
	v13 =	vor.u32 v0, v2  }
0x434: {  	v6 =	vld.idx.msk [tilespmem:v4+s20+$0x0], $0xffff;
	v3 =	vand.u32 $0x3F, v3  }
0x435: {  	v2 =	vld.idx.msk [tilespmem:v4+s18+$0x0], $0xffff;
	v5 =	vor.u32 v0, v3;
	v4 =	vadd.s32 $0x6, v1  }
0x436: {  	v3 =	vld.idx.msk [tilespmem:v8+s18+$0x0], $0xffff;
	v4 =	vand.u32 $0x3F, v4  }
0x437: {  	v12 =	vadd.s32 $0x7, v1;
	v8 =	vld.idx.msk [tilespmem:v8+s20+$0x0], $0xffff;
	v9 =	vmul.bf16 v9, v7;
	v7 =	vor.u32 v0, v4  }
0x438: {  	v14 =	vimm.bf16 $0.0e+00;
	v15 =	vand.u32 $0x3F, v12;
	v4 =	vld.idx.msk [tilespmem:v13+s18+$0x0], $0xffff  }
0x439: {  	v1 =	vadd.s32 $0x8, v1;
	v12 =	vmul.bf16 v11, v10;
	v11 =	vor.u32 v0, v15;
	v10 =	vld.idx.msk [tilespmem:v13+s20+$0x0], $0xffff  }
0x43a: {  	s8 =	simm.s32 $0x0;
	v1 =	vand.u32 $0x3F, v1;
	v13 =	vadd.bf16 v9, v14;
	v9 =	vld.idx.msk [tilespmem:v5+s18+$0x0], $0xffff  }
.LBB2_71:
0x43b: {  	v14 =	vor.u32 v0, v1;
	v15 =	vadd.s32 $0x1, v1;
	s8 =	sadd.s32 $0x8, s8;
	v2 =	vmul.bf16 v6, v2;
	v5 =	vld.idx.msk [tilespmem:v5+s20+$0x0], $0xffff  }
0x43c: {  	v6 =	vand.u32 $0x3F, v15;
	v15 =	vadd.s32 $0x2, v1;
	p0 =	slt.u32 s8, $0x38;
	v12 =	vadd.bf16 v12, v13;
	v13 =	vld.idx.msk [tilespmem:v7+s18+$0x0], $0xffff  }
0x43d: {  	v3 =	vmul.bf16 v8, v3;
	v6 =	vor.u32 v0, v6;
	v7 =	vld.idx.msk [tilespmem:v7+s20+$0x0], $0xffff  }
0x43e: {  	v8 =	vand.u32 $0x3F, v15;
	v2 =	vadd.bf16 v2, v12;
	v12 =	vld.idx.msk [tilespmem:v11+s18+$0x0], $0xffff  }
0x43f: {  	v15 =	vadd.s32 $0x3, v1;
	v8 =	vor.u32 v0, v8;
	v4 =	vmul.bf16 v10, v4;
	v10 =	vld.idx.msk [tilespmem:v11+s20+$0x0], $0xffff  }
0x440: {  	v15 =	vand.u32 $0x3F, v15;
	v11 =	vld.idx.msk [tilespmem:v14+s18+$0x0], $0xffff;
	v2 =	vadd.bf16 v3, v2  }
0x441: {  	v15 =	vor.u32 v0, v15;
	v3 =	vadd.s32 $0x4, v1;
	v5 =	vmul.bf16 v5, v9;
	v14 =	vld.idx.msk [tilespmem:v14+s20+$0x0], $0xffff  }
0x442: {  	v3 =	vand.u32 $0x3F, v3;
	v9 =	vld.idx.msk [tilespmem:v6+s18+$0x0], $0xffff;
	v4 =	vadd.bf16 v4, v2  }
0x443: {  	v17 =	vor.u32 v0, v3;
	v3 =	vadd.s32 $0x5, v1;
	v7 =	vmul.bf16 v7, v13;
	v16 =	vld.idx.msk [tilespmem:v6+s20+$0x0], $0xffff  }
0x444: {  	v3 =	vand.u32 $0x3F, v3;
	v2 =	vld.idx.msk [tilespmem:v8+s18+$0x0], $0xffff;
	v4 =	vadd.bf16 v5, v4  }
0x445: {  	v5 =	vor.u32 v0, v3;
	v10 =	vmul.bf16 v10, v12;
	v6 =	vld.idx.msk [tilespmem:v8+s20+$0x0], $0xffff;
	v8 =	vadd.s32 $0x6, v1  }
.Ltmp34:
0x446: {  	v3 =	vld.idx.msk [tilespmem:v15+s18+$0x0], $0xffff;
	v12 =	vand.u32 $0x3F, v8;
	v13 =	vadd.bf16 v7, v4;
	(pc) =	sbr.rel @p0 .LBB2_71-.Ltmp34, $4  }
0x447: {  	v14 =	vmul.bf16 v14, v11;
	v11 =	vadd.s32 $0x7, v1;
	v8 =	vld.idx.msk [tilespmem:v15+s20+$0x0], $0xffff;
	v7 =	vor.u32 v0, v12  }
0x448: {  	v11 =	vand.u32 $0x3F, v11;
	v4 =	vld.idx.msk [tilespmem:v17+s18+$0x0], $0xffff;
	v13 =	vadd.bf16 v10, v13  }
0x449: {  	v1 =	vadd.s32 $0x8, v1;
	v12 =	vmul.bf16 v16, v9;
	v11 =	vor.u32 v0, v11;
	v10 =	vld.idx.msk [tilespmem:v17+s20+$0x0], $0xffff  }
0x44a: {  	v1 =	vand.u32 $0x3F, v1;
	v13 =	vadd.bf16 v14, v13;
	v9 =	vld.idx.msk [tilespmem:v5+s18+$0x0], $0xffff  }
0x44b: {  	_ =	sdelay $0x2  }
0x44c: {  	v0 =	vmul.bf16 v6, v2;
	v1 =	vadd.bf16 v12, v13  }
0x44d: {  	v57 =	vld.idx.msk [tilespmem:v5+s20+$0x0], $0xffff  }
0x44e: {  	v58 =	vld.idx.msk [tilespmem:v7+s18+$0x0], $0xffff;
	v3 =	vmul.bf16 v8, v3;
	v0 =	vadd.bf16 v0, v1  }
0x44f: {  	v59 =	vld.idx.msk [tilespmem:v7+s20+$0x0], $0xffff  }
0x450: {  	v60 =	vld.idx.msk [tilespmem:v11+s18+$0x0], $0xffff;
	v4 =	vmul.bf16 v10, v4;
	v0 =	vadd.bf16 v3, v0  }
0x451: {  	v61 =	vld.idx.msk [tilespmem:v11+s20+$0x0], $0xffff  }
0x452: {  	v2 =	vmul.bf16 v57, v9;
	v0 =	vadd.bf16 v4, v0;
	_ =	sdelay $0x1  }
0x453: {  	v1 =	vmul.bf16 v59, v58;
	v0 =	vadd.bf16 v2, v0;
	_ =	sdelay $0x1  }
0x454: {  	v62 =	vmul.bf16 v61, v60;
	v0 =	vadd.bf16 v1, v0  }
0x455: {  	s6 =	sadd.s32 $0x1, s6  }
0x456: {  	p0 =	sne.s32 s6, $0x5;
	v0 =	vadd.bf16 v62, v0  }
.Ltmp35:
0x457: {  	_ = 	snop;
	(pc) =	sbr.rel @p0 .LBB2_70-.Ltmp35, $3  }
0x458: {  	v63 =	vunpack.i.u.bf16.f32 v0;
	v0 =	vunpack.i.l.bf16.f32 v0  }
0x459: {  	v0 =	vadd.f32 v0, v63;
	_ =	sdelay $0x1  }
0x45a: {  	[tilespmem:s7+$0x13BF0] =	vst v0  }
0x45b: {  	_ =	swait.ge [sflag:s19], $0x1400  }
0x45c: {  	[sflag:s19] =	ssyncset.done $0x0  }
0x45d: {  	[sflag:s19] =	ssyncadd.s32 $0xFFFFEC00  }
0x45e: {  	_ =	swait.ge [sflag:s19], $0x1400  }
0x45f: {  	[sflag:s19] =	ssyncset.done $0x0  }
0x460: {  	s6 =	simm.s32 $0x0;
	[sflag:s19] =	ssyncadd.s32 $0xFFFFEC00  }
.LBB2_74:
0x461: {  	s7 =	sshll.u32 s6, $0x4;
	v1 =	vlaneseq.u32  }
0x462: {  	v0 =	vmov s7;
	v2 =	vmul.u32 $0x40, v1  }
0x463: {  	v0 =	vshll.u32 v0, $0x6  }
0x464: {  	v0 =	vor.u32 v2, v0  }
0x465: {  	v3 =	vadd.s32 $0x1, v1;
	v2 =	vor.u32 v0, v1  }
0x466: {  	v3 =	vand.u32 $0x3F, v3  }
0x467: {  	v4 =	vadd.s32 $0x2, v1;
	v3 =	vor.u32 v0, v3  }
0x468: {  	v4 =	vand.u32 $0x3F, v4  }
0x469: {  	v5 =	vadd.s32 $0x3, v1;
	v4 =	vor.u32 v0, v4  }
0x46a: {  	v5 =	vand.u32 $0x3F, v5;
	v7 =	vld.idx.msk [tilespmem:v2+s22+$0x0], $0xffff  }
0x46b: {  	v8 =	vor.u32 v0, v5;
	v9 =	vld.idx.msk [tilespmem:v2+s24+$0x0], $0xffff;
	v2 =	vadd.s32 $0x4, v1  }
0x46c: {  	v10 =	vld.idx.msk [tilespmem:v3+s22+$0x0], $0xffff;
	v2 =	vand.u32 $0x3F, v2  }
0x46d: {  	v11 =	vld.idx.msk [tilespmem:v3+s24+$0x0], $0xffff;
	v3 =	vadd.s32 $0x5, v1;
	v13 =	vor.u32 v0, v2  }
0x46e: {  	v6 =	vld.idx.msk [tilespmem:v4+s24+$0x0], $0xffff;
	v3 =	vand.u32 $0x3F, v3  }
0x46f: {  	v2 =	vld.idx.msk [tilespmem:v4+s22+$0x0], $0xffff;
	v5 =	vor.u32 v0, v3;
	v4 =	vadd.s32 $0x6, v1  }
0x470: {  	v3 =	vld.idx.msk [tilespmem:v8+s22+$0x0], $0xffff;
	v4 =	vand.u32 $0x3F, v4  }
0x471: {  	v12 =	vadd.s32 $0x7, v1;
	v8 =	vld.idx.msk [tilespmem:v8+s24+$0x0], $0xffff;
	v9 =	vmul.bf16 v9, v7;
	v7 =	vor.u32 v0, v4  }
0x472: {  	v14 =	vimm.bf16 $0.0e+00;
	v15 =	vand.u32 $0x3F, v12;
	v4 =	vld.idx.msk [tilespmem:v13+s22+$0x0], $0xffff  }
0x473: {  	v1 =	vadd.s32 $0x8, v1;
	v12 =	vmul.bf16 v11, v10;
	v11 =	vor.u32 v0, v15;
	v10 =	vld.idx.msk [tilespmem:v13+s24+$0x0], $0xffff  }
0x474: {  	s8 =	simm.s32 $0x0;
	v1 =	vand.u32 $0x3F, v1;
	v13 =	vadd.bf16 v9, v14;
	v9 =	vld.idx.msk [tilespmem:v5+s22+$0x0], $0xffff  }
.LBB2_75:
0x475: {  	v14 =	vor.u32 v0, v1;
	v15 =	vadd.s32 $0x1, v1;
	s8 =	sadd.s32 $0x8, s8;
	v2 =	vmul.bf16 v6, v2;
	v5 =	vld.idx.msk [tilespmem:v5+s24+$0x0], $0xffff  }
0x476: {  	v6 =	vand.u32 $0x3F, v15;
	v15 =	vadd.s32 $0x2, v1;
	p0 =	slt.u32 s8, $0x38;
	v12 =	vadd.bf16 v12, v13;
	v13 =	vld.idx.msk [tilespmem:v7+s22+$0x0], $0xffff  }
0x477: {  	v3 =	vmul.bf16 v8, v3;
	v6 =	vor.u32 v0, v6;
	v7 =	vld.idx.msk [tilespmem:v7+s24+$0x0], $0xffff  }
0x478: {  	v8 =	vand.u32 $0x3F, v15;
	v2 =	vadd.bf16 v2, v12;
	v12 =	vld.idx.msk [tilespmem:v11+s22+$0x0], $0xffff  }
0x479: {  	v15 =	vadd.s32 $0x3, v1;
	v8 =	vor.u32 v0, v8;
	v4 =	vmul.bf16 v10, v4;
	v10 =	vld.idx.msk [tilespmem:v11+s24+$0x0], $0xffff  }
0x47a: {  	v15 =	vand.u32 $0x3F, v15;
	v11 =	vld.idx.msk [tilespmem:v14+s22+$0x0], $0xffff;
	v2 =	vadd.bf16 v3, v2  }
0x47b: {  	v15 =	vor.u32 v0, v15;
	v3 =	vadd.s32 $0x4, v1;
	v5 =	vmul.bf16 v5, v9;
	v14 =	vld.idx.msk [tilespmem:v14+s24+$0x0], $0xffff  }
0x47c: {  	v3 =	vand.u32 $0x3F, v3;
	v9 =	vld.idx.msk [tilespmem:v6+s22+$0x0], $0xffff;
	v4 =	vadd.bf16 v4, v2  }
0x47d: {  	v17 =	vor.u32 v0, v3;
	v3 =	vadd.s32 $0x5, v1;
	v7 =	vmul.bf16 v7, v13;
	v16 =	vld.idx.msk [tilespmem:v6+s24+$0x0], $0xffff  }
0x47e: {  	v3 =	vand.u32 $0x3F, v3;
	v2 =	vld.idx.msk [tilespmem:v8+s22+$0x0], $0xffff;
	v4 =	vadd.bf16 v5, v4  }
0x47f: {  	v5 =	vor.u32 v0, v3;
	v10 =	vmul.bf16 v10, v12;
	v6 =	vld.idx.msk [tilespmem:v8+s24+$0x0], $0xffff;
	v8 =	vadd.s32 $0x6, v1  }
.Ltmp36:
0x480: {  	v3 =	vld.idx.msk [tilespmem:v15+s22+$0x0], $0xffff;
	v12 =	vand.u32 $0x3F, v8;
	v13 =	vadd.bf16 v7, v4;
	(pc) =	sbr.rel @p0 .LBB2_75-.Ltmp36, $4  }
0x481: {  	v14 =	vmul.bf16 v14, v11;
	v11 =	vadd.s32 $0x7, v1;
	v8 =	vld.idx.msk [tilespmem:v15+s24+$0x0], $0xffff;
	v7 =	vor.u32 v0, v12  }
0x482: {  	v11 =	vand.u32 $0x3F, v11;
	v4 =	vld.idx.msk [tilespmem:v17+s22+$0x0], $0xffff;
	v13 =	vadd.bf16 v10, v13  }
0x483: {  	v1 =	vadd.s32 $0x8, v1;
	v12 =	vmul.bf16 v16, v9;
	v11 =	vor.u32 v0, v11;
	v10 =	vld.idx.msk [tilespmem:v17+s24+$0x0], $0xffff  }
0x484: {  	v1 =	vand.u32 $0x3F, v1;
	v13 =	vadd.bf16 v14, v13;
	v9 =	vld.idx.msk [tilespmem:v5+s22+$0x0], $0xffff  }
0x485: {  	_ =	sdelay $0x2  }
0x486: {  	v0 =	vmul.bf16 v6, v2;
	v1 =	vadd.bf16 v12, v13  }
0x487: {  	v57 =	vld.idx.msk [tilespmem:v5+s24+$0x0], $0xffff  }
0x488: {  	v58 =	vld.idx.msk [tilespmem:v7+s22+$0x0], $0xffff;
	v3 =	vmul.bf16 v8, v3;
	v0 =	vadd.bf16 v0, v1  }
0x489: {  	v59 =	vld.idx.msk [tilespmem:v7+s24+$0x0], $0xffff  }
0x48a: {  	v60 =	vld.idx.msk [tilespmem:v11+s22+$0x0], $0xffff;
	v4 =	vmul.bf16 v10, v4;
	v0 =	vadd.bf16 v3, v0  }
0x48b: {  	v61 =	vld.idx.msk [tilespmem:v11+s24+$0x0], $0xffff  }
0x48c: {  	v2 =	vmul.bf16 v57, v9;
	v0 =	vadd.bf16 v4, v0;
	_ =	sdelay $0x1  }
0x48d: {  	v1 =	vmul.bf16 v59, v58;
	v0 =	vadd.bf16 v2, v0;
	_ =	sdelay $0x1  }
0x48e: {  	v62 =	vmul.bf16 v61, v60;
	v0 =	vadd.bf16 v1, v0  }
0x48f: {  	s6 =	sadd.s32 $0x1, s6  }
0x490: {  	p0 =	sne.s32 s6, $0x5;
	v0 =	vadd.bf16 v62, v0  }
.Ltmp37:
0x491: {  	_ = 	snop;
	(pc) =	sbr.rel @p0 .LBB2_74-.Ltmp37, $3  }
0x492: {  	v63 =	vunpack.i.u.bf16.f32 v0;
	v0 =	vunpack.i.l.bf16.f32 v0  }
0x493: {  	v0 =	vadd.f32 v0, v63;
	_ =	sdelay $0x1  }
0x494: {  	[tilespmem:s7+$0x13C40] =	vst v0  }
0x495: {  	_ =	swait.ge [sflag:s21], $0x1400  }
0x496: {  	[sflag:s21] =	ssyncset.done $0x0  }
0x497: {  	[sflag:s21] =	ssyncadd.s32 $0xFFFFEC00  }
0x498: {  	_ =	swait.ge [sflag:s21], $0x1400  }
0x499: {  	[sflag:s21] =	ssyncset.done $0x0  }
0x49a: {  	s6 =	simm.s32 $0x0;
	[sflag:s21] =	ssyncadd.s32 $0xFFFFEC00  }
.LBB2_78:
0x49b: {  	s7 =	sshll.u32 s6, $0x4;
	v1 =	vlaneseq.u32  }
0x49c: {  	v0 =	vmov s7;
	v2 =	vmul.u32 $0x40, v1  }
0x49d: {  	v0 =	vshll.u32 v0, $0x6  }
0x49e: {  	v0 =	vor.u32 v2, v0  }
0x49f: {  	v3 =	vadd.s32 $0x1, v1;
	v2 =	vor.u32 v0, v1  }
0x4a0: {  	v3 =	vand.u32 $0x3F, v3  }
0x4a1: {  	v4 =	vadd.s32 $0x2, v1;
	v3 =	vor.u32 v0, v3  }
0x4a2: {  	v4 =	vand.u32 $0x3F, v4  }
0x4a3: {  	v5 =	vadd.s32 $0x3, v1;
	v4 =	vor.u32 v0, v4  }
0x4a4: {  	v5 =	vand.u32 $0x3F, v5;
	v7 =	vld.idx.msk [tilespmem:v2+s26+$0x0], $0xffff  }
0x4a5: {  	v8 =	vor.u32 v0, v5;
	v9 =	vld.idx.msk [tilespmem:v2+s29+$0x0], $0xffff;
	v2 =	vadd.s32 $0x4, v1  }
0x4a6: {  	v10 =	vld.idx.msk [tilespmem:v3+s26+$0x0], $0xffff;
	v2 =	vand.u32 $0x3F, v2  }
0x4a7: {  	v11 =	vld.idx.msk [tilespmem:v3+s29+$0x0], $0xffff;
	v3 =	vadd.s32 $0x5, v1;
	v13 =	vor.u32 v0, v2  }
0x4a8: {  	v6 =	vld.idx.msk [tilespmem:v4+s29+$0x0], $0xffff;
	v3 =	vand.u32 $0x3F, v3  }
0x4a9: {  	v2 =	vld.idx.msk [tilespmem:v4+s26+$0x0], $0xffff;
	v5 =	vor.u32 v0, v3;
	v4 =	vadd.s32 $0x6, v1  }
0x4aa: {  	v3 =	vld.idx.msk [tilespmem:v8+s26+$0x0], $0xffff;
	v4 =	vand.u32 $0x3F, v4  }
0x4ab: {  	v12 =	vadd.s32 $0x7, v1;
	v8 =	vld.idx.msk [tilespmem:v8+s29+$0x0], $0xffff;
	v9 =	vmul.bf16 v9, v7;
	v7 =	vor.u32 v0, v4  }
0x4ac: {  	v14 =	vimm.bf16 $0.0e+00;
	v15 =	vand.u32 $0x3F, v12;
	v4 =	vld.idx.msk [tilespmem:v13+s26+$0x0], $0xffff  }
0x4ad: {  	v1 =	vadd.s32 $0x8, v1;
	v12 =	vmul.bf16 v11, v10;
	v11 =	vor.u32 v0, v15;
	v10 =	vld.idx.msk [tilespmem:v13+s29+$0x0], $0xffff  }
0x4ae: {  	s8 =	simm.s32 $0x0;
	v1 =	vand.u32 $0x3F, v1;
	v13 =	vadd.bf16 v9, v14;
	v9 =	vld.idx.msk [tilespmem:v5+s26+$0x0], $0xffff  }
.LBB2_79:
0x4af: {  	v14 =	vor.u32 v0, v1;
	v15 =	vadd.s32 $0x1, v1;
	s8 =	sadd.s32 $0x8, s8;
	v2 =	vmul.bf16 v6, v2;
	v5 =	vld.idx.msk [tilespmem:v5+s29+$0x0], $0xffff  }
0x4b0: {  	v6 =	vand.u32 $0x3F, v15;
	v15 =	vadd.s32 $0x2, v1;
	p0 =	slt.u32 s8, $0x38;
	v12 =	vadd.bf16 v12, v13;
	v13 =	vld.idx.msk [tilespmem:v7+s26+$0x0], $0xffff  }
0x4b1: {  	v3 =	vmul.bf16 v8, v3;
	v6 =	vor.u32 v0, v6;
	v7 =	vld.idx.msk [tilespmem:v7+s29+$0x0], $0xffff  }
0x4b2: {  	v8 =	vand.u32 $0x3F, v15;
	v2 =	vadd.bf16 v2, v12;
	v12 =	vld.idx.msk [tilespmem:v11+s26+$0x0], $0xffff  }
0x4b3: {  	v15 =	vadd.s32 $0x3, v1;
	v8 =	vor.u32 v0, v8;
	v4 =	vmul.bf16 v10, v4;
	v10 =	vld.idx.msk [tilespmem:v11+s29+$0x0], $0xffff  }
0x4b4: {  	v15 =	vand.u32 $0x3F, v15;
	v11 =	vld.idx.msk [tilespmem:v14+s26+$0x0], $0xffff;
	v2 =	vadd.bf16 v3, v2  }
0x4b5: {  	v15 =	vor.u32 v0, v15;
	v3 =	vadd.s32 $0x4, v1;
	v5 =	vmul.bf16 v5, v9;
	v14 =	vld.idx.msk [tilespmem:v14+s29+$0x0], $0xffff  }
0x4b6: {  	v3 =	vand.u32 $0x3F, v3;
	v9 =	vld.idx.msk [tilespmem:v6+s26+$0x0], $0xffff;
	v4 =	vadd.bf16 v4, v2  }
0x4b7: {  	v17 =	vor.u32 v0, v3;
	v3 =	vadd.s32 $0x5, v1;
	v7 =	vmul.bf16 v7, v13;
	v16 =	vld.idx.msk [tilespmem:v6+s29+$0x0], $0xffff  }
0x4b8: {  	v3 =	vand.u32 $0x3F, v3;
	v2 =	vld.idx.msk [tilespmem:v8+s26+$0x0], $0xffff;
	v4 =	vadd.bf16 v5, v4  }
0x4b9: {  	v5 =	vor.u32 v0, v3;
	v10 =	vmul.bf16 v10, v12;
	v6 =	vld.idx.msk [tilespmem:v8+s29+$0x0], $0xffff;
	v8 =	vadd.s32 $0x6, v1  }
.Ltmp38:
0x4ba: {  	v3 =	vld.idx.msk [tilespmem:v15+s26+$0x0], $0xffff;
	v12 =	vand.u32 $0x3F, v8;
	v13 =	vadd.bf16 v7, v4;
	(pc) =	sbr.rel @p0 .LBB2_79-.Ltmp38, $4  }
0x4bb: {  	v14 =	vmul.bf16 v14, v11;
	v11 =	vadd.s32 $0x7, v1;
	v8 =	vld.idx.msk [tilespmem:v15+s29+$0x0], $0xffff;
	v7 =	vor.u32 v0, v12  }
0x4bc: {  	v11 =	vand.u32 $0x3F, v11;
	v4 =	vld.idx.msk [tilespmem:v17+s26+$0x0], $0xffff;
	v13 =	vadd.bf16 v10, v13  }
0x4bd: {  	v1 =	vadd.s32 $0x8, v1;
	v12 =	vmul.bf16 v16, v9;
	v11 =	vor.u32 v0, v11;
	v10 =	vld.idx.msk [tilespmem:v17+s29+$0x0], $0xffff  }
0x4be: {  	v1 =	vand.u32 $0x3F, v1;
	v13 =	vadd.bf16 v14, v13;
	v9 =	vld.idx.msk [tilespmem:v5+s26+$0x0], $0xffff  }
0x4bf: {  	_ =	sdelay $0x2  }
0x4c0: {  	v0 =	vmul.bf16 v6, v2;
	v1 =	vadd.bf16 v12, v13  }
0x4c1: {  	v57 =	vld.idx.msk [tilespmem:v5+s29+$0x0], $0xffff  }
0x4c2: {  	v58 =	vld.idx.msk [tilespmem:v7+s26+$0x0], $0xffff;
	v3 =	vmul.bf16 v8, v3;
	v0 =	vadd.bf16 v0, v1  }
0x4c3: {  	v59 =	vld.idx.msk [tilespmem:v7+s29+$0x0], $0xffff  }
0x4c4: {  	v60 =	vld.idx.msk [tilespmem:v11+s26+$0x0], $0xffff;
	v4 =	vmul.bf16 v10, v4;
	v0 =	vadd.bf16 v3, v0  }
0x4c5: {  	v61 =	vld.idx.msk [tilespmem:v11+s29+$0x0], $0xffff  }
0x4c6: {  	v2 =	vmul.bf16 v57, v9;
	v0 =	vadd.bf16 v4, v0;
	_ =	sdelay $0x1  }
0x4c7: {  	v1 =	vmul.bf16 v59, v58;
	v0 =	vadd.bf16 v2, v0;
	_ =	sdelay $0x1  }
0x4c8: {  	v62 =	vmul.bf16 v61, v60;
	v0 =	vadd.bf16 v1, v0  }
0x4c9: {  	s6 =	sadd.s32 $0x1, s6  }
0x4ca: {  	p0 =	sne.s32 s6, $0x5;
	v0 =	vadd.bf16 v62, v0  }
.Ltmp39:
0x4cb: {  	_ = 	snop;
	(pc) =	sbr.rel @p0 .LBB2_78-.Ltmp39, $3  }
0x4cc: {  	v63 =	vunpack.i.u.bf16.f32 v0;
	v0 =	vunpack.i.l.bf16.f32 v0  }
0x4cd: {  	v0 =	vadd.f32 v0, v63;
	_ =	sdelay $0x1  }
0x4ce: {  	[tilespmem:s7+$0x13C90] =	vst v0  }
0x4cf: {  	_ =	swait.ge [sflag:s23], $0x1400  }
0x4d0: {  	[sflag:s23] =	ssyncset.done $0x0  }
0x4d1: {  	[sflag:s23] =	ssyncadd.s32 $0xFFFFEC00  }
0x4d2: {  	_ =	swait.ge [sflag:s23], $0x1400  }
0x4d3: {  	[sflag:s23] =	ssyncset.done $0x0  }
0x4d4: {  	s6 =	simm.s32 $0x0;
	[sflag:s23] =	ssyncadd.s32 $0xFFFFEC00  }
.LBB2_82:
0x4d5: {  	s7 =	sshll.u32 s6, $0x4;
	v1 =	vlaneseq.u32  }
0x4d6: {  	v0 =	vmov s7;
	v2 =	vmul.u32 $0x40, v1  }
0x4d7: {  	v0 =	vshll.u32 v0, $0x6  }
0x4d8: {  	v0 =	vor.u32 v2, v0  }
0x4d9: {  	v3 =	vadd.s32 $0x1, v1;
	v2 =	vor.u32 v0, v1  }
0x4da: {  	v3 =	vand.u32 $0x3F, v3  }
0x4db: {  	v4 =	vadd.s32 $0x2, v1;
	v3 =	vor.u32 v0, v3  }
0x4dc: {  	v4 =	vand.u32 $0x3F, v4  }
0x4dd: {  	v5 =	vadd.s32 $0x3, v1;
	v4 =	vor.u32 v0, v4  }
0x4de: {  	v5 =	vand.u32 $0x3F, v5;
	v7 =	vld.idx.msk [tilespmem:v2+s30+$0x0], $0xffff  }
0x4df: {  	v8 =	vor.u32 v0, v5;
	v9 =	vld.idx.msk [tilespmem:v2+s31+$0x0], $0xffff;
	v2 =	vadd.s32 $0x4, v1  }
0x4e0: {  	v10 =	vld.idx.msk [tilespmem:v3+s30+$0x0], $0xffff;
	v2 =	vand.u32 $0x3F, v2  }
0x4e1: {  	v11 =	vld.idx.msk [tilespmem:v3+s31+$0x0], $0xffff;
	v3 =	vadd.s32 $0x5, v1;
	v13 =	vor.u32 v0, v2  }
0x4e2: {  	v6 =	vld.idx.msk [tilespmem:v4+s31+$0x0], $0xffff;
	v3 =	vand.u32 $0x3F, v3  }
0x4e3: {  	v2 =	vld.idx.msk [tilespmem:v4+s30+$0x0], $0xffff;
	v5 =	vor.u32 v0, v3;
	v4 =	vadd.s32 $0x6, v1  }
0x4e4: {  	v3 =	vld.idx.msk [tilespmem:v8+s30+$0x0], $0xffff;
	v4 =	vand.u32 $0x3F, v4  }
0x4e5: {  	v12 =	vadd.s32 $0x7, v1;
	v8 =	vld.idx.msk [tilespmem:v8+s31+$0x0], $0xffff;
	v9 =	vmul.bf16 v9, v7;
	v7 =	vor.u32 v0, v4  }
0x4e6: {  	v14 =	vimm.bf16 $0.0e+00;
	v15 =	vand.u32 $0x3F, v12;
	v4 =	vld.idx.msk [tilespmem:v13+s30+$0x0], $0xffff  }
0x4e7: {  	v1 =	vadd.s32 $0x8, v1;
	v12 =	vmul.bf16 v11, v10;
	v11 =	vor.u32 v0, v15;
	v10 =	vld.idx.msk [tilespmem:v13+s31+$0x0], $0xffff  }
0x4e8: {  	s8 =	simm.s32 $0x0;
	v1 =	vand.u32 $0x3F, v1;
	v13 =	vadd.bf16 v9, v14;
	v9 =	vld.idx.msk [tilespmem:v5+s30+$0x0], $0xffff  }
.LBB2_83:
0x4e9: {  	v14 =	vor.u32 v0, v1;
	v15 =	vadd.s32 $0x1, v1;
	s8 =	sadd.s32 $0x8, s8;
	v2 =	vmul.bf16 v6, v2;
	v5 =	vld.idx.msk [tilespmem:v5+s31+$0x0], $0xffff  }
0x4ea: {  	v6 =	vand.u32 $0x3F, v15;
	v15 =	vadd.s32 $0x2, v1;
	p0 =	slt.u32 s8, $0x38;
	v12 =	vadd.bf16 v12, v13;
	v13 =	vld.idx.msk [tilespmem:v7+s30+$0x0], $0xffff  }
0x4eb: {  	v3 =	vmul.bf16 v8, v3;
	v6 =	vor.u32 v0, v6;
	v7 =	vld.idx.msk [tilespmem:v7+s31+$0x0], $0xffff  }
0x4ec: {  	v8 =	vand.u32 $0x3F, v15;
	v2 =	vadd.bf16 v2, v12;
	v12 =	vld.idx.msk [tilespmem:v11+s30+$0x0], $0xffff  }
0x4ed: {  	v15 =	vadd.s32 $0x3, v1;
	v8 =	vor.u32 v0, v8;
	v4 =	vmul.bf16 v10, v4;
	v10 =	vld.idx.msk [tilespmem:v11+s31+$0x0], $0xffff  }
0x4ee: {  	v15 =	vand.u32 $0x3F, v15;
	v11 =	vld.idx.msk [tilespmem:v14+s30+$0x0], $0xffff;
	v2 =	vadd.bf16 v3, v2  }
0x4ef: {  	v15 =	vor.u32 v0, v15;
	v3 =	vadd.s32 $0x4, v1;
	v5 =	vmul.bf16 v5, v9;
	v14 =	vld.idx.msk [tilespmem:v14+s31+$0x0], $0xffff  }
0x4f0: {  	v3 =	vand.u32 $0x3F, v3;
	v9 =	vld.idx.msk [tilespmem:v6+s30+$0x0], $0xffff;
	v4 =	vadd.bf16 v4, v2  }
0x4f1: {  	v17 =	vor.u32 v0, v3;
	v3 =	vadd.s32 $0x5, v1;
	v7 =	vmul.bf16 v7, v13;
	v16 =	vld.idx.msk [tilespmem:v6+s31+$0x0], $0xffff  }
0x4f2: {  	v3 =	vand.u32 $0x3F, v3;
	v2 =	vld.idx.msk [tilespmem:v8+s30+$0x0], $0xffff;
	v4 =	vadd.bf16 v5, v4  }
0x4f3: {  	v5 =	vor.u32 v0, v3;
	v10 =	vmul.bf16 v10, v12;
	v6 =	vld.idx.msk [tilespmem:v8+s31+$0x0], $0xffff;
	v8 =	vadd.s32 $0x6, v1  }
.Ltmp40:
0x4f4: {  	v3 =	vld.idx.msk [tilespmem:v15+s30+$0x0], $0xffff;
	v12 =	vand.u32 $0x3F, v8;
	v13 =	vadd.bf16 v7, v4;
	(pc) =	sbr.rel @p0 .LBB2_83-.Ltmp40, $4  }
0x4f5: {  	v14 =	vmul.bf16 v14, v11;
	v11 =	vadd.s32 $0x7, v1;
	v8 =	vld.idx.msk [tilespmem:v15+s31+$0x0], $0xffff;
	v7 =	vor.u32 v0, v12  }
0x4f6: {  	v11 =	vand.u32 $0x3F, v11;
	v4 =	vld.idx.msk [tilespmem:v17+s30+$0x0], $0xffff;
	v13 =	vadd.bf16 v10, v13  }
0x4f7: {  	v1 =	vadd.s32 $0x8, v1;
	v12 =	vmul.bf16 v16, v9;
	v11 =	vor.u32 v0, v11;
	v10 =	vld.idx.msk [tilespmem:v17+s31+$0x0], $0xffff  }
0x4f8: {  	v1 =	vand.u32 $0x3F, v1;
	v13 =	vadd.bf16 v14, v13;
	v9 =	vld.idx.msk [tilespmem:v5+s30+$0x0], $0xffff  }
0x4f9: {  	_ =	sdelay $0x2  }
0x4fa: {  	v0 =	vmul.bf16 v6, v2;
	v1 =	vadd.bf16 v12, v13  }
0x4fb: {  	v57 =	vld.idx.msk [tilespmem:v5+s31+$0x0], $0xffff  }
0x4fc: {  	v58 =	vld.idx.msk [tilespmem:v7+s30+$0x0], $0xffff;
	v3 =	vmul.bf16 v8, v3;
	v0 =	vadd.bf16 v0, v1  }
0x4fd: {  	v59 =	vld.idx.msk [tilespmem:v7+s31+$0x0], $0xffff  }
0x4fe: {  	v60 =	vld.idx.msk [tilespmem:v11+s30+$0x0], $0xffff;
	v4 =	vmul.bf16 v10, v4;
	v0 =	vadd.bf16 v3, v0  }
0x4ff: {  	v61 =	vld.idx.msk [tilespmem:v11+s31+$0x0], $0xffff  }
0x500: {  	v2 =	vmul.bf16 v57, v9;
	v0 =	vadd.bf16 v4, v0;
	_ =	sdelay $0x1  }
0x501: {  	v1 =	vmul.bf16 v59, v58;
	v0 =	vadd.bf16 v2, v0;
	_ =	sdelay $0x1  }
0x502: {  	v62 =	vmul.bf16 v61, v60;
	v0 =	vadd.bf16 v1, v0  }
0x503: {  	s6 =	sadd.s32 $0x1, s6  }
0x504: {  	p0 =	sne.s32 s6, $0x5;
	v0 =	vadd.bf16 v62, v0  }
.Ltmp41:
0x505: {  	_ = 	snop;
	(pc) =	sbr.rel @p0 .LBB2_82-.Ltmp41, $3  }
0x506: {  	v63 =	vunpack.i.u.bf16.f32 v0;
	v0 =	vunpack.i.l.bf16.f32 v0  }
0x507: {  	v0 =	vadd.f32 v0, v63;
	_ =	sdelay $0x1  }
0x508: {  	[tilespmem:s7+$0x13CE0] =	vst v0  }
0x509: {  	s28 =	sadd.s32 $0x1, s28  }
0x50a: {  	p0 =	sne.s32 s28, s12  }
.Ltmp42:
0x50b: {  	s6 =	rddreg [dreg:$0x7];
	s7 =	simm.s32 $0x11620;
	(pc) =	sbr.rel @p0 .LBB2_1-.Ltmp42, $4  }
0x50c: {  	[hbm4b:s6+s2] =	stream.linear.scatter [tilespmem:s7], [sflag:$0x6], $0x2710, $0x38;
	[tilespmem:$0x13D30] =	vst v63  }
0x50d: {  	_ =	swait.ge [sflag:s13], $0x2710  }
0x50e: {  	[sflag:s13] =	ssyncset.done $0x0  }
0x50f: {  	[sflag:s13] =	ssyncadd.s32 $0xFFFFD8F0  }
0x510: {  	_ =	sfence.sel $0x180000  }
0x511: {  	[bflag:$0x0] =	sbarrier.arrive $0xFFFF  }
0x512: {  	_ =	strace $0x90000047  }
0x513: {  	s0 =	stileid.u32;
	[bflag:$0x2] =	sbarrier.arrive $0xFFFF  }
0x514: {  	p0 =	sne.s32 s0, $0x0;
	s0 =	rddreg [dreg:$0x1]  }
0x515: {  	s0 =	sadd.s32 @!p0 $0x100000, s0  }
0x516: {  	[sflag:s0] =	ssyncadd.tile.s32 @!p0 $0x1;
	_ =	shalt  }
.Lfunc_end2:
_tile_overlayer_lowered:
.L_overlay_start_2:
0x517: {  	(tag) =	ssettag $0x2  }
0x518: {  	s0 =	rddreg [dreg:$0x0];
	s2 =	stileid.u32  }
0x519: {  	s1 =	rddreg [dreg:$0x1];
	p0 =	sne.s32 s2, $0x0  }
0x51a: {  	s3 =	rddreg [dreg:$0x2];
	[bflag:$0x3] =	sbarrier.arrive $0xFFFF;
	s2 =	simm.s32 @!p0 $0x1C06  }
0x51b: {  	[timem:s3], [sflag:s2] =	dma.local @!p0 [hbm:s0], s1  }
0x51c: {  	s0 =	simm.s32 @!p0 $0x6  }
0x51d: {  	_ =	swait.ge @!p0 [sflag:s0], s1  }
0x51e: {  	s1 =	ssub.s32 @!p0 $0x0, s1;
	[sflag:s0] =	ssyncset.done @!p0 $0x0  }
0x51f: {  	[sflag:s0] =	ssyncadd.s32 @!p0 s1  }
0x520: {  	[bflag:$0x3] =	sbarrier.arrive $0xFFFF  }
0x521: {  	_ =	shalt  }

</sc_bundles>
